<compile_context>
chip_gen: v7x
topology: tpu7x:2x2x1
jax: 0.10.2.dev20260603
libtpu: 0.0.44.dev20260713+nightly
codegen_flags: <defaults>
</compile_context>

<pallas_src>
import functools

import jax
import jax.numpy as jnp
from jax import lax
from jax.experimental import pallas as pl
from jax.experimental.pallas import tpu as pltpu
from jax.experimental.pallas import tpu_sc as plsc

_PC = pl.pallas_call

_NBA = 1000
_NBC = 400
_NBF = 512
_EPS = 1e-5


def _expand_packed(t, s):
    nb = t.shape[0]
    d = jnp.dot(t, s, preferred_element_type=jnp.float32)
    return jnp.broadcast_to(d[:, None, :], (nb, 2, 128)).reshape(2 * nb, 128)



def _proj1_body(xt_ref, post_ref, w1t_ref, wpt_ref, p_ref):
    f32 = jnp.float32
    p_ref[...] = (jnp.dot(xt_ref[...], w1t_ref[...],
                          preferred_element_type=f32)
                  + jnp.dot(post_ref[...], wpt_ref[...],
                            preferred_element_type=f32))


def _proj2_body(xt_ref, wcc_ref, wot_ref, bc_ref, cc_ref, co_ref):
    xt = xt_ref[...]
    f32 = jnp.float32
    cc_ref[...] = (jnp.dot(xt, wcc_ref[...], preferred_element_type=f32)
                   + bc_ref[0:1, :32])
    co_ref[...] = (jnp.dot(xt, wot_ref[...], preferred_element_type=f32)
                   + bc_ref[1:2, :])


def _proj1_call(xt, post, w1t, wpt):
    m, c = xt.shape
    grid = (m // _NBA,)
    blk = lambda i: (i, 0)
    cst = lambda i: (0, 0)
    f32 = jnp.float32
    return _PC(
        _proj1_body,
        grid=grid,
        in_specs=[
            pl.BlockSpec((_NBA, c), blk),
            pl.BlockSpec((_NBA, 8), blk),
            pl.BlockSpec((c, 16), cst),
            pl.BlockSpec((8, 16), cst),
        ],
        out_specs=pl.BlockSpec((_NBA, 16), blk),
        out_shape=jax.ShapeDtypeStruct((m, 16), f32),
    )(xt, post, w1t, wpt)


def _proj2_call(xt, wcc, wot, bc):
    m, c = xt.shape
    dim = wot.shape[1]
    grid = (m // _NBA,)
    blk = lambda i: (i, 0)
    cst = lambda i: (0, 0)
    f32 = jnp.float32
    return _PC(
        _proj2_body,
        grid=grid,
        in_specs=[
            pl.BlockSpec((_NBA, c), blk),
            pl.BlockSpec((c, 32), cst),
            pl.BlockSpec((c, dim), cst),
            pl.BlockSpec((8, dim), cst),
        ],
        out_specs=[
            pl.BlockSpec((_NBA, 32), blk),
            pl.BlockSpec((_NBA, dim), blk),
        ],
        out_shape=[
            jax.ShapeDtypeStruct((m, 32), f32),
            jax.ShapeDtypeStruct((m, dim), f32),
        ],
    )(xt, wcc, wot, bc)



def _sc_gather(table, idx_flat, b_first):
    e_total = idx_flat.shape[0]
    k_nb = 16
    info = plsc.get_sparse_core_info()
    nc, ns = info.num_cores, info.num_subcores
    nw = nc * ns
    ew = e_total // nw
    nodes_w = ew // k_nb
    ch = 80
    nch = ew // ch
    mesh = plsc.VectorSubcoreMesh(core_axis_name="c", subcore_axis_name="s")

    @functools.partial(
        pl.kernel,
        out_type=(
            jax.ShapeDtypeStruct((e_total // 8, 128), jnp.float32),
            jax.ShapeDtypeStruct((2 * nw, 16), jnp.float32),
        ),
        mesh=mesh,
        scratch_types=[
            pltpu.VMEM((ew,), jnp.int32),
            pltpu.VMEM((nodes_w, 16), jnp.float32),
            pltpu.VMEM((16,), jnp.float32),
            pltpu.VMEM((ch, 16), jnp.float32),
            pltpu.VMEM((ch, 16), jnp.float32),
            pltpu.VMEM((ch // 8, 128), jnp.float32),
            pltpu.VMEM((2, 16), jnp.float32),
            pltpu.SemaphoreType.DMA,
            pltpu.SemaphoreType.DMA,
        ],
        compiler_params=pltpu.CompilerParams(use_tc_tiling_on_sc=False),
    )
    def k(table_hbm, idx_hbm, bf_hbm, out_hbm, st_hbm, idx_v, cv, bf_v,
          r0, r1, pk, acc, s0, s1):
        wid = lax.axis_index("s") * nc + lax.axis_index("c")
        base = wid * ew
        obase = base // 8
        nbase = base // k_nb
        pltpu.sync_copy(idx_hbm.at[pl.ds(base, ew)], idx_v)
        pltpu.sync_copy(table_hbm.at[pl.ds(nbase, nodes_w)], cv)
        pltpu.sync_copy(bf_hbm, bf_v)
        bf = bf_v[...]
        zero = bf - bf
        acc[0, :] = zero
        acc[1, :] = zero
        pltpu.async_copy(table_hbm.at[idx_v.at[pl.ds(0, ch)]], r0, s0)

        def body(j, carry):
            nxt = j + 1

            @pl.when(nxt < nch)
            def _():
                sl = idx_v.at[pl.ds(nxt * ch, ch)]

                @pl.when(nxt % 2 == 0)
                def _():
                    pltpu.async_copy(table_hbm.at[sl], r0, s0)

                @pl.when(nxt % 2 == 1)
                def _():
                    pltpu.async_copy(table_hbm.at[sl], r1, s1)

            dst = out_hbm.at[pl.ds(obase + j * (ch // 8), ch // 8)]
            nd0 = j * (ch // k_nb)

            def drain(rbuf, sem):
                pltpu.make_async_copy(
                    table_hbm.at[idx_v.at[pl.ds(j * ch, ch)]], rbuf, sem
                ).wait()
                sm = zero
                sq = zero
                for r in range(ch // 8):
                    ctr = bf - cv[nd0 + (8 * r) // k_nb, :]
                    for c in range(8):
                        v = rbuf[8 * r + c, :] + ctr
                        pk[r, pl.ds(16 * c, 16)] = v
                        sm = sm + v
                        sq = sq + v * v
                acc[0, :] += sm
                acc[1, :] += sq
                pltpu.sync_copy(pk, dst)

            @pl.when(j % 2 == 0)
            def _():
                drain(r0, s0)

            @pl.when(j % 2 == 1)
            def _():
                drain(r1, s1)

            return carry

        lax.fori_loop(0, nch, body, 0)
        pltpu.sync_copy(acc, st_hbm.at[pl.ds(2 * wid, 2)])

    return k(table, idx_flat, b_first)



def _bdot(y, w_ref):
    return jnp.dot(y.astype(jnp.bfloat16), w_ref[...].astype(jnp.bfloat16),
                   preferred_element_type=jnp.float32)


def _acc_stats(o_ref, y):
    @pl.when(pl.program_id(0) == 0)
    def _():
        o_ref[...] = jnp.zeros_like(o_ref)

    o_ref[0:1, :] += jnp.sum(y, axis=0, keepdims=True)
    o_ref[1:2, :] += jnp.sum(y * y, axis=0, keepdims=True)


def _stats2_body(g_ref, cc_ref, bd2_ref, s_ref, c_ref, o_ref):
    s = s_ref[...]
    y1 = jnp.maximum(c_ref[1:2, :] * g_ref[...] + c_ref[2:3, :], 0.0)
    y2p = _bdot(y1, bd2_ref) + _expand_packed(cc_ref[...][:, :16], s)
    _acc_stats(o_ref, y2p)


def _stats3_body(g_ref, cc_ref, bd2_ref, bd3a_ref, bd3b_ref,
                 s_ref, c_ref, o_ref):
    s = s_ref[...]
    cc = cc_ref[...]
    y1 = jnp.maximum(c_ref[1:2, :] * g_ref[...] + c_ref[2:3, :], 0.0)
    y2p = _bdot(y1, bd2_ref) + _expand_packed(cc[:, :16], s)
    y2 = jnp.maximum(c_ref[3:4, :] * y2p + c_ref[4:5, :], 0.0)
    y3p = (_bdot(y2, bd3a_ref) + _bdot(y1, bd3b_ref)
           + _expand_packed(cc[:, 16:32], s))
    _acc_stats(o_ref, y3p)


def _final_body(g_ref, cc_ref, co_ref, bd2_ref, bd3a_ref,
                bd3b_ref, wo_ref, s_ref, c_ref, o_ref):
    nb = cc_ref.shape[1]
    s = s_ref[...]
    c = c_ref
    cc = cc_ref[0]
    y1 = jnp.maximum(c[1:2, :] * g_ref[0] + c[2:3, :], 0.0)
    y2p = _bdot(y1, bd2_ref) + _expand_packed(cc[:, :16], s)
    y2 = jnp.maximum(c[3:4, :] * y2p + c[4:5, :], 0.0)
    y3p = (_bdot(y2, bd3a_ref) + _bdot(y1, bd3b_ref)
           + _expand_packed(cc[:, 16:32], s))
    y3 = jnp.maximum(c[5:6, :] * y3p + c[6:7, :], 0.0)
    dim = wo_ref.shape[1]
    wo_bf = wo_ref[...].astype(jnp.bfloat16)
    m = None
    for a in range(8):
        sl = slice(16 * a, 16 * (a + 1))
        ua = jnp.concatenate([y3[:, sl], y2[:, sl], y1[:, sl]], axis=1)
        oa = jnp.dot(ua.astype(jnp.bfloat16), wo_bf,
                     preferred_element_type=jnp.float32)
        m = oa if m is None else jnp.maximum(m, oa)
    m3 = m.reshape(nb, 2, dim)
    m = jnp.maximum(m3[:, 0, :], m3[:, 1, :]) + co_ref[0]
    o_ref[...] = m.T[None]


def _edge_pass(body, ins, n_nodes):
    r_total = 2 * n_nodes
    rblk = 2 * _NBC
    grid = (n_nodes // _NBC,)
    blk = lambda i: (i, 0)
    cst = lambda i: (0, 0)
    f32 = jnp.float32
    in_specs = []
    for a in ins:
        if a.shape[0] == r_total:
            in_specs.append(pl.BlockSpec((rblk, 128), blk))
        elif a.shape[0] == n_nodes:
            in_specs.append(pl.BlockSpec((_NBC, a.shape[1]), blk))
        else:
            in_specs.append(pl.BlockSpec(a.shape, cst))
    out_spec = pl.BlockSpec((8, 128), cst)
    out_shape = jax.ShapeDtypeStruct((8, 128), f32)
    return _PC(body, grid=grid, in_specs=in_specs, out_specs=out_spec,
               out_shape=out_shape)(*ins)


def _final_pass(gp, cc, coT, weights, B, N, dim):
    f32 = jnp.float32
    gp3 = gp.reshape(B, 2 * N, 128)
    cc3 = cc.reshape(B, N, 32)
    coT3 = coT.reshape(B, N, dim)
    npb = (N + _NBF - 1) // _NBF
    grid = (B, npb)
    be = lambda b, j: (b, j, 0)
    cst = lambda b, j: (0, 0)
    in_specs = [
        pl.BlockSpec((1, 2 * _NBF, 128), be),
        pl.BlockSpec((1, _NBF, 32), be),
        pl.BlockSpec((1, _NBF, dim), be),
    ] + [pl.BlockSpec(w.shape, cst) for w in weights]
    out_spec = pl.BlockSpec((1, dim, _NBF), lambda b, j: (b, 0, j))
    out_shape = jax.ShapeDtypeStruct((B, dim, N), f32)
    return _PC(_final_body, grid=grid, in_specs=in_specs, out_specs=out_spec,
               out_shape=out_shape)(gp3, cc3, coT3, *weights)


def _finalize(sums, cnt, gamma, beta):
    mean = sums[0].reshape(8, 16).sum(axis=0) / cnt
    var = sums[1].reshape(8, 16).sum(axis=0) / cnt - mean * mean
    a = gamma * lax.rsqrt(var + _EPS)
    c = beta - mean * a
    return a, c


def kernel(x, pos, knn_idx,
           W_first, b_first, gamma_first, beta_first,
           W_mid0, b_mid0, gamma_mid0, beta_mid0,
           W_last, b_last, gamma_last, beta_last,
           W_out, b_out):
    f32 = jnp.float32
    B, C, N = x.shape
    K = knn_idx.shape[-1]
    DIM = W_out.shape[0]
    M = B * N
    cnt = float(B * N * K)

    xt = x.transpose(0, 2, 1).reshape(M, C)
    post = jnp.pad(pos.transpose(0, 2, 1), ((0, 0), (0, 0), (0, 5)))
    post = post.reshape(M, 8)
    idx_flat = (knn_idx + (jnp.arange(B, dtype=jnp.int32) * N)[:, None, None])
    idx_flat = idx_flat.reshape(M * K)

    eye8 = jnp.eye(8, dtype=f32)
    w1t = W_first[:, 3:].T
    wpt = jnp.pad(W_first[:, :3].T, ((0, 5), (0, 0)))
    wcc = jnp.concatenate([W_mid0[:, 16:].T, W_last[:, 32:].T], axis=1)
    wot_full = W_out[:, 48:].T
    bc = jnp.zeros((8, DIM), f32)
    bc = bc.at[0, :16].set(b_mid0).at[0, 16:32].set(b_last).at[1, :].set(b_out)

    bd2 = jnp.kron(eye8, W_mid0[:, :16].T)
    bd3a = jnp.kron(eye8, W_last[:, :16].T)
    bd3b = jnp.kron(eye8, W_last[:, 16:32].T)
    wo = W_out[:, :48].T

    pT = _proj1_call(xt, post, w1t, wpt)

    gp, st = _sc_gather(pT, idx_flat, b_first)

    cc, coT = _proj2_call(xt, wcc, wot_full, bc)

    def consts(rows):
        c = jnp.zeros((8, 128), f32)
        for i, r in enumerate(rows):
            c = c.at[i, :].set(jnp.tile(r, 8))
        return c

    sel = jnp.tile(jnp.eye(16, dtype=f32), (1, 8))

    s1 = st.reshape(-1, 2, 16).sum(axis=0)
    m1 = s1[0] / cnt
    v1 = s1[1] / cnt - m1 * m1
    a1 = gamma_first * lax.rsqrt(v1 + _EPS)
    c1 = beta_first - m1 * a1

    s2 = _edge_pass(_stats2_body,
                    [gp, cc, bd2, sel, consts([b_first, a1, c1])], M)
    a2, c2 = _finalize(s2, cnt, gamma_mid0, beta_mid0)

    s3 = _edge_pass(_stats3_body,
                    [gp, cc, bd2, bd3a, bd3b, sel,
                     consts([b_first, a1, c1, a2, c2])], M)
    a3, c3 = _finalize(s3, cnt, gamma_last, beta_last)

    y = _final_pass(gp, cc, coT,
                    [bd2, bd3a, bd3b, wo, sel,
                     consts([b_first, a1, c1, a2, c2, a3, c3])],
                    B, N, DIM)
    return (y, knn_idx)

# --- scband reference (transcript-rebuilt; emitter-appended) ---
"""Pipeline reference for scband-graph-conv2-69818988363960 (READ-ONLY COPY).

The authoritative reference and input builder live on the scoring server;
editing this copy changes nothing except your own understanding.
"""

import jax, jax.numpy as jnp
import numpy as np

B, C, N, K = 2, 128, 10000, 16
G = 16           # growth_rate
NFC = 3          # num_fc_layers
DIM = C + NFC * G  # 176


def _knn_group(x, idx):
    # x: (B, C, N), idx: (B, N, K) -> (B, C, N, K)
    return jax.vmap(lambda xb, ib: xb[:, ib])(x, idx)


def _conv1d(x, W, b, gamma=None, beta=None, with_bn=True, with_relu=True):
    # 1x1 Conv1D == per-position linear; x: (B, Cin, L)
    y = jnp.einsum('oi,bil->bol', W, x) + b[None, :, None]
    if with_bn:
        mean = jnp.mean(y, axis=(0, 2), keepdims=True)
        var = jnp.var(y, axis=(0, 2), keepdims=True)
        y = (y - mean) / jnp.sqrt(var + 1e-5)
        y = y * gamma[None, :, None] + beta[None, :, None]
    if with_relu:
        y = jax.nn.relu(y)
    return y


def setup_inputs(seed: int = 0):
    key = jax.random.key(seed)
    ks = jax.random.split(key, 8)
    x = jax.random.normal(ks[0], (B, C, N), dtype=jnp.float32)
    pos = jax.random.normal(ks[1], (B, 3, N), dtype=jnp.float32)
    knn_idx = jax.random.randint(ks[2], (B, N, K), 0, N, dtype=jnp.int32)

    in_first = C + 3                      # relative_feat_only=True -> in_channels + 3
    in_mid0 = C + 1 * G
    in_last = C + (NFC - 1) * G

    W_first = jax.random.normal(ks[3], (G, in_first), dtype=jnp.float32) / np.sqrt(in_first)
    b_first = jnp.zeros((G,), dtype=jnp.float32)
    gamma_first = jnp.ones((G,), dtype=jnp.float32)
    beta_first = jnp.zeros((G,), dtype=jnp.float32)

    W_mid0 = jax.random.normal(ks[4], (G, in_mid0), dtype=jnp.float32) / np.sqrt(in_mid0)
    b_mid0 = jnp.zeros((G,), dtype=jnp.float32)
    gamma_mid0 = jnp.ones((G,), dtype=jnp.float32)
    beta_mid0 = jnp.zeros((G,), dtype=jnp.float32)

    W_last = jax.random.normal(ks[5], (G, in_last), dtype=jnp.float32) / np.sqrt(in_last)
    b_last = jnp.zeros((G,), dtype=jnp.float32)
    gamma_last = jnp.ones((G,), dtype=jnp.float32)
    beta_last = jnp.zeros((G,), dtype=jnp.float32)

    W_out = jax.random.normal(ks[6], (DIM, DIM), dtype=jnp.float32) / np.sqrt(DIM)
    b_out = jnp.zeros((DIM,), dtype=jnp.float32)

    return {
        'x': x, 'pos': pos, 'knn_idx': knn_idx,
        'W_first': W_first, 'b_first': b_first, 'gamma_first': gamma_first, 'beta_first': beta_first,
        'W_mid0': W_mid0, 'b_mid0': b_mid0, 'gamma_mid0': gamma_mid0, 'beta_mid0': beta_mid0,
        'W_last': W_last, 'b_last': b_last, 'gamma_last': gamma_last, 'beta_last': beta_last,
        'W_out': W_out, 'b_out': b_out,
    }


def reference(x, pos, knn_idx,
              W_first, b_first, gamma_first, beta_first,
              W_mid0, b_mid0, gamma_mid0, beta_mid0,
              W_last, b_last, gamma_last, beta_last,
              W_out, b_out):
    # get_edge_feature (relative_feat_only=True)
    knn_feat = _knn_group(x, knn_idx)            # (B, C, N, K)
    x_tiled = x[:, :, :, None]                   # (B, C, N, 1)
    knn_pos = _knn_group(pos, knn_idx)           # (B, 3, N, K)
    pos_tiled = pos[:, :, :, None]               # (B, 3, N, 1)
    edge_feat = jnp.concatenate([knn_pos - pos_tiled, knn_feat - x_tiled], axis=1)  # (B, C+3, N, K)

    edge_feat = edge_feat.reshape(B, C + 3, N * K)
    x_rep = jnp.broadcast_to(x[:, :, :, None], (B, C, N, K)).reshape(B, C, N * K)

    y = jnp.concatenate([_conv1d(edge_feat, W_first, b_first, gamma_first, beta_first), x_rep], axis=1)
    y = jnp.concatenate([_conv1d(y, W_mid0, b_mid0, gamma_mid0, beta_mid0), y], axis=1)
    y = jnp.concatenate([_conv1d(y, W_last, b_last, gamma_last, beta_last), y], axis=1)
    y = _conv1d(y, W_out, b_out, with_bn=False, with_relu=False)

    y = y.reshape(B, DIM, N, K)
    y = jnp.max(y, axis=-1)                      # Aggregator('max')
    return (y, knn_idx)

if __name__ == "__main__":
    import jax
    _d = setup_inputs()
    print(jax.jit(kernel)(*tuple(_d.values())))

</pallas_src>

<mosaic_0001>
#map = affine_map<(d0, d1) -> (0, 0)>
#map1 = affine_map<(d0, d1) -> (0)>
module attributes {stable_mosaic.version = 14 : i64} {
  func.func @k(%arg0: i32, %arg1: i32, %arg2: memref<20000x16xf32, #tpu.memory_space<hbm>>, %arg3: memref<320000xi32, #tpu.memory_space<hbm>>, %arg4: memref<16xf32, #tpu.memory_space<hbm>>, %arg5: memref<40000x128xf32, #tpu.memory_space<hbm>>, %arg6: memref<64x16xf32, #tpu.memory_space<hbm>>, %arg7: memref<10000xi32, #tpu.memory_space<vmem>>, %arg8: memref<625x16xf32, #tpu.memory_space<vmem>>, %arg9: memref<16xf32, #tpu.memory_space<vmem>>, %arg10: memref<80x16xf32, #tpu.memory_space<vmem>>, %arg11: memref<80x16xf32, #tpu.memory_space<vmem>>, %arg12: memref<10x128xf32, #tpu.memory_space<vmem>>, %arg13: memref<2x16xf32, #tpu.memory_space<vmem>>, %arg14: memref<!tpu.dma_semaphore, #tpu.memory_space<semaphore_mem>>, %arg15: memref<!tpu.dma_semaphore, #tpu.memory_space<semaphore_mem>>) attributes {dimension_semantics = [#tpu.dimension_semantics<core_parallel>, #tpu.dimension_semantics<subcore_parallel>], iteration_bounds = array<i64: 2, 16>, scalar_prefetch = 0 : i64, scratch_operands = 9 : i64, tpu.core_type = #tpu.core_type<sc_vector_subcore>, window_params = [{transform_indices = #map}, {transform_indices = #map1}, {transform_indices = #map1}, {transform_indices = #map}, {transform_indices = #map}]} {
    %mul3A = arith.constant 2 : i32
    %mul3A_0 = arith.muli %arg1, %mul3A : i32
    %add3A = arith.addi %mul3A_0, %arg0 : i32
    %mul3A_1 = arith.constant 10000 : i32
    %mul3A_2 = arith.muli %add3A, %mul3A_1 : i32
    %jit3A = arith.constant 8 : i32
    %div3A = arith.divsi %mul3A_2, %jit3A : i32
    %sign3A = arith.constant 0 : i32
    %sign3A_3 = arith.cmpi sgt, %mul3A_2, %sign3A : i32
    %sign3A_4 = arith.extui %sign3A_3 : i1 to i32
    %sign3A_5 = arith.constant 0 : i32
    %sign3A_6 = arith.cmpi slt, %mul3A_2, %sign3A_5 : i32
    %sign3A_7 = arith.extui %sign3A_6 : i1 to i32
    %sign3A_8 = arith.subi %sign3A_4, %sign3A_7 : i32
    %sign3A_9 = arith.constant 0 : i32
    %sign3A_10 = arith.cmpi sgt, %jit3A, %sign3A_9 : i32
    %sign3A_11 = arith.extui %sign3A_10 : i1 to i32
    %sign3A_12 = arith.constant 0 : i32
    %sign3A_13 = arith.cmpi slt, %jit3A, %sign3A_12 : i32
    %sign3A_14 = arith.extui %sign3A_13 : i1 to i32
    %sign3A_15 = arith.subi %sign3A_11, %sign3A_14 : i32
    %ne3A = arith.cmpi ne, %sign3A_8, %sign3A_15 : i32
    %rem3A = arith.remsi %mul3A_2, %jit3A : i32
    %ne3A_16 = arith.constant 0 : i32
    %ne3A_17 = arith.cmpi ne, %rem3A, %ne3A_16 : i32
    %and3A = arith.andi %ne3A, %ne3A_17 : i1
    %sub3A = arith.constant 1 : i32
    %sub3A_18 = arith.subi %div3A, %sub3A : i32
    %select_n3A = arith.select %and3A, %sub3A_18, %div3A : i32
    %jit3A_19 = arith.constant 16 : i32
    %div3A_20 = arith.divsi %mul3A_2, %jit3A_19 : i32
    %sign3A_21 = arith.constant 0 : i32
    %sign3A_22 = arith.cmpi sgt, %mul3A_2, %sign3A_21 : i32
    %sign3A_23 = arith.extui %sign3A_22 : i1 to i32
    %sign3A_24 = arith.constant 0 : i32
    %sign3A_25 = arith.cmpi slt, %mul3A_2, %sign3A_24 : i32
    %sign3A_26 = arith.extui %sign3A_25 : i1 to i32
    %sign3A_27 = arith.subi %sign3A_23, %sign3A_26 : i32
    %sign3A_28 = arith.constant 0 : i32
    %sign3A_29 = arith.cmpi sgt, %jit3A_19, %sign3A_28 : i32
    %sign3A_30 = arith.extui %sign3A_29 : i1 to i32
    %sign3A_31 = arith.constant 0 : i32
    %sign3A_32 = arith.cmpi slt, %jit3A_19, %sign3A_31 : i32
    %sign3A_33 = arith.extui %sign3A_32 : i1 to i32
    %sign3A_34 = arith.subi %sign3A_30, %sign3A_33 : i32
    %ne3A_35 = arith.cmpi ne, %sign3A_27, %sign3A_34 : i32
    %rem3A_36 = arith.remsi %mul3A_2, %jit3A_19 : i32
    %ne3A_37 = arith.constant 0 : i32
    %ne3A_38 = arith.cmpi ne, %rem3A_36, %ne3A_37 : i32
    %and3A_39 = arith.andi %ne3A_35, %ne3A_38 : i1
    %sub3A_40 = arith.constant 1 : i32
    %sub3A_41 = arith.subi %div3A_20, %sub3A_40 : i32
    %select_n3A_42 = arith.select %and3A_39, %sub3A_41, %div3A_20 : i32
    "tpu.region"() ({
      %run_scoped3A = tpu.sem_alloc : memref<!tpu.dma_semaphore, #tpu.memory_space<semaphore_mem>>
      %dma_start3A_68 = tpu.memref_slice %arg3[%mul3A_2] : memref<320000xi32, #tpu.memory_space<hbm>> -> memref<10000xi32, #tpu.memory_space<hbm>>
      %dma_start3A_69 = tpu.memref_slice %arg3[%mul3A_2] : memref<320000xi32, #tpu.memory_space<hbm>> -> memref<10000xi32, #tpu.memory_space<hbm>>
      tpu.enqueue_dma source(%dma_start3A_69 : memref<10000xi32, #tpu.memory_space<hbm>>) target(%arg7 : memref<10000xi32, #tpu.memory_space<vmem>>) target_semaphore(%run_scoped3A : memref<!tpu.dma_semaphore, #tpu.memory_space<semaphore_mem>>)
      %dma_wait3A = tpu.memref_slice %arg3[%mul3A_2] : memref<320000xi32, #tpu.memory_space<hbm>> -> memref<10000xi32, #tpu.memory_space<hbm>>
      %dma_wait3A_70 = tpu.memref_slice %arg3[%mul3A_2] : memref<320000xi32, #tpu.memory_space<hbm>> -> memref<10000xi32, #tpu.memory_space<hbm>>
      tpu.wait_dma2 semaphore(%run_scoped3A : memref<!tpu.dma_semaphore, #tpu.memory_space<semaphore_mem>>) src(%dma_wait3A_70 : memref<10000xi32, #tpu.memory_space<hbm>>) dst(%arg7 : memref<10000xi32, #tpu.memory_space<vmem>>)
      tpu.yield
    }) : () -> ()
    "tpu.region"() ({
      %run_scoped3A = tpu.sem_alloc : memref<!tpu.dma_semaphore, #tpu.memory_space<semaphore_mem>>
      %dma_start3A_68 = arith.constant 0 : i32
      %dma_start3A_69 = tpu.memref_slice %arg2[%select_n3A_42, %dma_start3A_68] : memref<20000x16xf32, #tpu.memory_space<hbm>> -> memref<625x16xf32, #tpu.memory_space<hbm>>
      %dma_start3A_70 = arith.constant 0 : i32
      %dma_start3A_71 = tpu.memref_slice %arg2[%select_n3A_42, %dma_start3A_70] : memref<20000x16xf32, #tpu.memory_space<hbm>> -> memref<625x16xf32, #tpu.memory_space<hbm>>
      tpu.enqueue_dma source(%dma_start3A_71 : memref<625x16xf32, #tpu.memory_space<hbm>>) target(%arg8 : memref<625x16xf32, #tpu.memory_space<vmem>>) target_semaphore(%run_scoped3A : memref<!tpu.dma_semaphore, #tpu.memory_space<semaphore_mem>>)
      %dma_wait3A = arith.constant 0 : i32
      %dma_wait3A_72 = tpu.memref_slice %arg2[%select_n3A_42, %dma_wait3A] : memref<20000x16xf32, #tpu.memory_space<hbm>> -> memref<625x16xf32, #tpu.memory_space<hbm>>
      %dma_wait3A_73 = arith.constant 0 : i32
      %dma_wait3A_74 = tpu.memref_slice %arg2[%select_n3A_42, %dma_wait3A_73] : memref<20000x16xf32, #tpu.memory_space<hbm>> -> memref<625x16xf32, #tpu.memory_space<hbm>>
      tpu.wait_dma2 semaphore(%run_scoped3A : memref<!tpu.dma_semaphore, #tpu.memory_space<semaphore_mem>>) src(%dma_wait3A_74 : memref<625x16xf32, #tpu.memory_space<hbm>>) dst(%arg8 : memref<625x16xf32, #tpu.memory_space<vmem>>)
      tpu.yield
    }) : () -> ()
    "tpu.region"() ({
      %run_scoped3A = tpu.sem_alloc : memref<!tpu.dma_semaphore, #tpu.memory_space<semaphore_mem>>
      tpu.enqueue_dma source(%arg4 : memref<16xf32, #tpu.memory_space<hbm>>) target(%arg9 : memref<16xf32, #tpu.memory_space<vmem>>) target_semaphore(%run_scoped3A : memref<!tpu.dma_semaphore, #tpu.memory_space<semaphore_mem>>)
      tpu.wait_dma2 semaphore(%run_scoped3A : memref<!tpu.dma_semaphore, #tpu.memory_space<semaphore_mem>>) src(%arg4 : memref<16xf32, #tpu.memory_space<hbm>>) dst(%arg9 : memref<16xf32, #tpu.memory_space<vmem>>)
      tpu.yield
    }) : () -> ()
    %get3A = arith.constant 0 : index
    %get3A_43 = tpu.vector_load %arg9[%get3A] {strides = array<i32>} : memref<16xf32, #tpu.memory_space<vmem>>, vector<16xf32>,
    %get3A_44 = vector.shape_cast %get3A_43 : vector<16xf32> to vector<16xf32>
    %sub3A_45 = arith.subf %get3A_44, %get3A_44 : vector<16xf32>
    %swap3A = arith.constant 0 : i32
    %swap3A_46 = arith.index_cast %swap3A : i32 to index
    %swap3A_47 = arith.constant 0 : index
    %swap3A_48 = tpu.vector_load %arg13[%swap3A_46, %swap3A_47] {strides = array<i32>} : memref<2x16xf32, #tpu.memory_space<vmem>>, vector<1x16xf32>,
    %swap3A_49 = vector.shape_cast %swap3A_48 : vector<1x16xf32> to vector<16xf32>
    %swap3A_50 = vector.shape_cast %sub3A_45 : vector<16xf32> to vector<1x16xf32>
    tpu.vector_store %arg13[%swap3A_46, %swap3A_47], %swap3A_50 {strides = array<i32>} : memref<2x16xf32, #tpu.memory_space<vmem>>, vector<1x16xf32>,
    %swap3A_51 = arith.constant 1 : i32
    %swap3A_52 = arith.index_cast %swap3A_51 : i32 to index
    %swap3A_53 = arith.constant 0 : index
    %swap3A_54 = tpu.vector_load %arg13[%swap3A_52, %swap3A_53] {strides = array<i32>} : memref<2x16xf32, #tpu.memory_space<vmem>>, vector<1x16xf32>,
    %swap3A_55 = vector.shape_cast %swap3A_54 : vector<1x16xf32> to vector<16xf32>
    %swap3A_56 = vector.shape_cast %sub3A_45 : vector<16xf32> to vector<1x16xf32>
    tpu.vector_store %arg13[%swap3A_52, %swap3A_53], %swap3A_56 {strides = array<i32>} : memref<2x16xf32, #tpu.memory_space<vmem>>, vector<1x16xf32>,
    %dma_start3A = arith.constant 0 : i32
    %dma_start3A_57 = tpu.memref_slice %arg7[%dma_start3A] : memref<10000xi32, #tpu.memory_space<vmem>> -> memref<80xi32, #tpu.memory_space<vmem>>
    %dma_start3A_58 = arith.constant 0 : i32
    %dma_start3A_59 = arith.constant 0 : i32
    %dma_start3A_60 = tpu.memref_slice %arg2[%dma_start3A_58, %dma_start3A_59] : memref<20000x16xf32, #tpu.memory_space<hbm>> -> memref<20000x16xf32, #tpu.memory_space<hbm>>
    tpu.enqueue_indirect_dma source(%dma_start3A_60 : memref<20000x16xf32, #tpu.memory_space<hbm>>) target(%arg10 : memref<80x16xf32, #tpu.memory_space<vmem>>) offsets(%dma_start3A_57 : memref<80xi32, #tpu.memory_space<vmem>>) semaphore(%arg14 : memref<!tpu.dma_semaphore, #tpu.memory_space<semaphore_mem>>)
    %scan3A = arith.constant 0 : i32
    %scan3A_61 = arith.constant 0 : i32
    %scan3A_62 = arith.constant 125 : i32
    %scan3A_63 = arith.addi %scan3A_61, %scan3A_62 : i32
    %scan3A_64 = arith.constant 1 : i32
    scf.for %scan3A_68 = %scan3A_61 to %scan3A_63 step %scan3A_64  : i32 {
      %add3A_69 = arith.constant 1 : i32
      %add3A_70 = arith.addi %scan3A_68, %add3A_69 : i32
      %lt3A = arith.constant 125 : i32
      %lt3A_71 = arith.cmpi slt, %add3A_70, %lt3A : i32
      %convert_element_type3A = arith.extui %lt3A_71 : i1 to i32
      %cond3A = arith.constant 0 : i32
      %cond3A_72 = arith.cmpi ne, %convert_element_type3A, %cond3A : i32
      scf.if %cond3A_72 {
        %mul3A_119 = arith.constant 80 : i32
        %mul3A_120 = arith.muli %add3A_70, %mul3A_119 : i32
        %jit3A_121 = arith.constant 2 : i32
        %eq3A_122 = arith.constant 0 : i32
        %eq3A_123 = arith.cmpi eq, %jit3A_121, %eq3A_122 : i32
        %jit3A_124 = arith.constant 1 : i32
        %select_n3A_125 = arith.select %eq3A_123, %jit3A_124, %jit3A_121 : i32
        %rem3A_126 = arith.remsi %add3A_70, %select_n3A_125 : i32
        %ne3A_127 = arith.constant 0 : i32
        %ne3A_128 = arith.cmpi ne, %rem3A_126, %ne3A_127 : i32
        %lt3A_129 = arith.constant 0 : i32
        %lt3A_130 = arith.cmpi slt, %rem3A_126, %lt3A_129 : i32
        %lt3A_131 = arith.constant 0 : i32
        %lt3A_132 = arith.cmpi slt, %select_n3A_125, %lt3A_131 : i32
        %ne3A_133 = arith.xori %lt3A_130, %lt3A_132 : i1
        %and3A_134 = arith.andi %ne3A_133, %ne3A_128 : i1
        %add3A_135 = arith.addi %rem3A_126, %select_n3A_125 : i32
        %select_n3A_136 = arith.select %and3A_134, %add3A_135, %rem3A_126 : i32
        %eq3A_137 = arith.constant 0 : i32
        %eq3A_138 = arith.cmpi eq, %select_n3A_136, %eq3A_137 : i32
        %convert_element_type3A_139 = arith.extui %eq3A_138 : i1 to i32
        %cond3A_140 = arith.constant 0 : i32
        %cond3A_141 = arith.cmpi ne, %convert_element_type3A_139, %cond3A_140 : i32
        scf.if %cond3A_141 {
          %dma_start3A_163 = tpu.memref_slice %arg7[%mul3A_120] : memref<10000xi32, #tpu.memory_space<vmem>> -> memref<80xi32, #tpu.memory_space<vmem>>
          %dma_start3A_164 = arith.constant 0 : i32
          %dma_start3A_165 = arith.constant 0 : i32
          %dma_start3A_166 = tpu.memref_slice %arg2[%dma_start3A_164, %dma_start3A_165] : memref<20000x16xf32, #tpu.memory_space<hbm>> -> memref<20000x16xf32, #tpu.memory_space<hbm>>
          tpu.enqueue_indirect_dma source(%dma_start3A_166 : memref<20000x16xf32, #tpu.memory_space<hbm>>) target(%arg10 : memref<80x16xf32, #tpu.memory_space<vmem>>) offsets(%dma_start3A_163 : memref<80xi32, #tpu.memory_space<vmem>>) semaphore(%arg14 : memref<!tpu.dma_semaphore, #tpu.memory_space<semaphore_mem>>)
        } else {
        }
        %jit3A_142 = arith.constant 2 : i32
        %eq3A_143 = arith.constant 0 : i32
        %eq3A_144 = arith.cmpi eq, %jit3A_142, %eq3A_143 : i32
        %jit3A_145 = arith.constant 1 : i32
        %select_n3A_146 = arith.select %eq3A_144, %jit3A_145, %jit3A_142 : i32
        %rem3A_147 = arith.remsi %add3A_70, %select_n3A_146 : i32
        %ne3A_148 = arith.constant 0 : i32
        %ne3A_149 = arith.cmpi ne, %rem3A_147, %ne3A_148 : i32
        %lt3A_150 = arith.constant 0 : i32
        %lt3A_151 = arith.cmpi slt, %rem3A_147, %lt3A_150 : i32
        %lt3A_152 = arith.constant 0 : i32
        %lt3A_153 = arith.cmpi slt, %select_n3A_146, %lt3A_152 : i32
        %ne3A_154 = arith.xori %lt3A_151, %lt3A_153 : i1
        %and3A_155 = arith.andi %ne3A_154, %ne3A_149 : i1
        %add3A_156 = arith.addi %rem3A_147, %select_n3A_146 : i32
        %select_n3A_157 = arith.select %and3A_155, %add3A_156, %rem3A_147 : i32
        %eq3A_158 = arith.constant 1 : i32
        %eq3A_159 = arith.cmpi eq, %select_n3A_157, %eq3A_158 : i32
        %convert_element_type3A_160 = arith.extui %eq3A_159 : i1 to i32
        %cond3A_161 = arith.constant 0 : i32
        %cond3A_162 = arith.cmpi ne, %convert_element_type3A_160, %cond3A_161 : i32
        scf.if %cond3A_162 {
          %dma_start3A_163 = tpu.memref_slice %arg7[%mul3A_120] : memref<10000xi32, #tpu.memory_space<vmem>> -> memref<80xi32, #tpu.memory_space<vmem>>
          %dma_start3A_164 = arith.constant 0 : i32
          %dma_start3A_165 = arith.constant 0 : i32
          %dma_start3A_166 = tpu.memref_slice %arg2[%dma_start3A_164, %dma_start3A_165] : memref<20000x16xf32, #tpu.memory_space<hbm>> -> memref<20000x16xf32, #tpu.memory_space<hbm>>
          tpu.enqueue_indirect_dma source(%dma_start3A_166 : memref<20000x16xf32, #tpu.memory_space<hbm>>) target(%arg11 : memref<80x16xf32, #tpu.memory_space<vmem>>) offsets(%dma_start3A_163 : memref<80xi32, #tpu.memory_space<vmem>>) semaphore(%arg15 : memref<!tpu.dma_semaphore, #tpu.memory_space<semaphore_mem>>)
        } else {
        }
      } else {
      }
      %mul3A_73 = arith.constant 10 : i32
      %mul3A_74 = arith.muli %scan3A_68, %mul3A_73 : i32
      %add3A_75 = arith.addi %select_n3A, %mul3A_74 : i32
      %mul3A_76 = arith.constant 5 : i32
      %mul3A_77 = arith.muli %scan3A_68, %mul3A_76 : i32
      %jit3A_78 = arith.constant 2 : i32
      %eq3A = arith.constant 0 : i32
      %eq3A_79 = arith.cmpi eq, %jit3A_78, %eq3A : i32
      %jit3A_80 = arith.constant 1 : i32
      %select_n3A_81 = arith.select %eq3A_79, %jit3A_80, %jit3A_78 : i32
      %rem3A_82 = arith.remsi %scan3A_68, %select_n3A_81 : i32
      %ne3A_83 = arith.constant 0 : i32
      %ne3A_84 = arith.cmpi ne, %rem3A_82, %ne3A_83 : i32
      %lt3A_85 = arith.constant 0 : i32
      %lt3A_86 = arith.cmpi slt, %rem3A_82, %lt3A_85 : i32
      %lt3A_87 = arith.constant 0 : i32
      %lt3A_88 = arith.cmpi slt, %select_n3A_81, %lt3A_87 : i32
      %ne3A_89 = arith.xori %lt3A_86, %lt3A_88 : i1
      %and3A_90 = arith.andi %ne3A_89, %ne3A_84 : i1
      %add3A_91 = arith.addi %rem3A_82, %select_n3A_81 : i32
      %select_n3A_92 = arith.select %and3A_90, %add3A_91, %rem3A_82 : i32
      %eq3A_93 = arith.constant 0 : i32
      %eq3A_94 = arith.cmpi eq, %select_n3A_92, %eq3A_93 : i32
      %convert_element_type3A_95 = arith.extui %eq3A_94 : i1 to i32
      %cond3A_96 = arith.constant 0 : i32
      %cond3A_97 = arith.cmpi ne, %convert_element_type3A_95, %cond3A_96 : i32
      scf.if %cond3A_97 {
        %mul3A_119 = arith.constant 80 : i32
        %mul3A_120 = arith.muli %scan3A_68, %mul3A_119 : i32
        %dma_wait3A = tpu.memref_slice %arg7[%mul3A_120] : memref<10000xi32, #tpu.memory_space<vmem>> -> memref<80xi32, #tpu.memory_space<vmem>>
        %dma_wait3A_121 = arith.constant 0 : i32
        %dma_wait3A_122 = arith.constant 0 : i32
        %dma_wait3A_123 = tpu.memref_slice %arg2[%dma_wait3A_121, %dma_wait3A_122] : memref<20000x16xf32, #tpu.memory_space<hbm>> -> memref<20000x16xf32, #tpu.memory_space<hbm>>
        tpu.wait_indirect_dma semaphore(%arg14 : memref<!tpu.dma_semaphore, #tpu.memory_space<semaphore_mem>>) src(%dma_wait3A_123 : memref<20000x16xf32, #tpu.memory_space<hbm>>) dst(%arg10 : memref<80x16xf32, #tpu.memory_space<vmem>>)
        %add3A_124 = arith.constant 0 : i32
        %add3A_125 = arith.addi %mul3A_77, %add3A_124 : i32
        %get3A_126 = arith.index_cast %add3A_125 : i32 to index
        %get3A_127 = arith.constant 0 : index
        %get3A_128 = tpu.vector_load %arg8[%get3A_126, %get3A_127] {strides = array<i32>} : memref<625x16xf32, #tpu.memory_space<vmem>>, vector<1x16xf32>,
        %get3A_129 = vector.shape_cast %get3A_128 : vector<1x16xf32> to vector<16xf32>
        %sub3A_130 = arith.subf %get3A_44, %get3A_129 : vector<16xf32>
        %get3A_131 = arith.constant 0 : i32
        %get3A_132 = arith.index_cast %get3A_131 : i32 to index
        %get3A_133 = arith.constant 0 : index
        %get3A_134 = tpu.vector_load %arg10[%get3A_132, %get3A_133] {strides = array<i32>} : memref<80x16xf32, #tpu.memory_space<vmem>>, vector<1x16xf32>,
        %get3A_135 = vector.shape_cast %get3A_134 : vector<1x16xf32> to vector<16xf32>
        %add3A_136 = arith.addf %get3A_135, %sub3A_130 : vector<16xf32>
        %swap3A_137 = arith.constant 0 : i32
        %swap3A_138 = arith.index_cast %swap3A_137 : i32 to index
        %swap3A_139 = arith.constant 0 : index
        %swap3A_140 = tpu.vector_load %arg12[%swap3A_138, %swap3A_139] {strides = array<i32>} : memref<10x128xf32, #tpu.memory_space<vmem>>, vector<1x16xf32>,
        %swap3A_141 = vector.shape_cast %swap3A_140 : vector<1x16xf32> to vector<16xf32>
        %swap3A_142 = vector.shape_cast %add3A_136 : vector<16xf32> to vector<1x16xf32>
        tpu.vector_store %arg12[%swap3A_138, %swap3A_139], %swap3A_142 {strides = array<i32>} : memref<10x128xf32, #tpu.memory_space<vmem>>, vector<1x16xf32>,
        %add3A_143 = arith.addf %sub3A_45, %add3A_136 : vector<16xf32>
        %mul3A_144 = arith.mulf %add3A_136, %add3A_136 : vector<16xf32>
        %add3A_145 = arith.addf %sub3A_45, %mul3A_144 : vector<16xf32>
        %get3A_146 = arith.constant 1 : i32
        %get3A_147 = arith.index_cast %get3A_146 : i32 to index
        %get3A_148 = arith.constant 0 : index
        %get3A_149 = tpu.vector_load %arg10[%get3A_147, %get3A_148] {strides = array<i32>} : memref<80x16xf32, #tpu.memory_space<vmem>>, vector<1x16xf32>,
        %get3A_150 = vector.shape_cast %get3A_149 : vector<1x16xf32> to vector<16xf32>
        %add3A_151 = arith.addf %get3A_150, %sub3A_130 : vector<16xf32>
        %swap3A_152 = arith.constant 0 : i32
        %swap3A_153 = arith.index_cast %swap3A_152 : i32 to index
        %swap3A_154 = arith.constant 16 : index
        %swap3A_155 = tpu.vector_load %arg12[%swap3A_153, %swap3A_154] {strides = array<i32>} : memref<10x128xf32, #tpu.memory_space<vmem>>, vector<1x16xf32>,
        %swap3A_156 = vector.shape_cast %swap3A_155 : vector<1x16xf32> to vector<16xf32>
        %swap3A_157 = vector.shape_cast %add3A_151 : vector<16xf32> to vector<1x16xf32>
        tpu.vector_store %arg12[%swap3A_153, %swap3A_154], %swap3A_157 {strides = array<i32>} : memref<10x128xf32, #tpu.memory_space<vmem>>, vector<1x16xf32>,
        %add3A_158 = arith.addf %add3A_143, %add3A_151 : vector<16xf32>
        %mul3A_159 = arith.mulf %add3A_151, %add3A_151 : vector<16xf32>
        %add3A_160 = arith.addf %add3A_145, %mul3A_159 : vector<16xf32>
        %get3A_161 = arith.constant 2 : i32
        %get3A_162 = arith.index_cast %get3A_161 : i32 to index
        %get3A_163 = arith.constant 0 : index
        %get3A_164 = tpu.vector_load %arg10[%get3A_162, %get3A_163] {strides = array<i32>} : memref<80x16xf32, #tpu.memory_space<vmem>>, vector<1x16xf32>,
        %get3A_165 = vector.shape_cast %get3A_164 : vector<1x16xf32> to vector<16xf32>
        %add3A_166 = arith.addf %get3A_165, %sub3A_130 : vector<16xf32>
        %swap3A_167 = arith.constant 0 : i32
        %swap3A_168 = arith.index_cast %swap3A_167 : i32 to index
        %swap3A_169 = arith.constant 32 : index
        %swap3A_170 = tpu.vector_load %arg12[%swap3A_168, %swap3A_169] {strides = array<i32>} : memref<10x128xf32, #tpu.memory_space<vmem>>, vector<1x16xf32>,
        %swap3A_171 = vector.shape_cast %swap3A_170 : vector<1x16xf32> to vector<16xf32>
        %swap3A_172 = vector.shape_cast %add3A_166 : vector<16xf32> to vector<1x16xf32>
        tpu.vector_store %arg12[%swap3A_168, %swap3A_169], %swap3A_172 {strides = array<i32>} : memref<10x128xf32, #tpu.memory_space<vmem>>, vector<1x16xf32>,
        %add3A_173 = arith.addf %add3A_158, %add3A_166 : vector<16xf32>
        %mul3A_174 = arith.mulf %add3A_166, %add3A_166 : vector<16xf32>
        %add3A_175 = arith.addf %add3A_160, %mul3A_174 : vector<16xf32>
        %get3A_176 = arith.constant 3 : i32
        %get3A_177 = arith.index_cast %get3A_176 : i32 to index
        %get3A_178 = arith.constant 0 : index
        %get3A_179 = tpu.vector_load %arg10[%get3A_177, %get3A_178] {strides = array<i32>} : memref<80x16xf32, #tpu.memory_space<vmem>>, vector<1x16xf32>,
        %get3A_180 = vector.shape_cast %get3A_179 : vector<1x16xf32> to vector<16xf32>
        %add3A_181 = arith.addf %get3A_180, %sub3A_130 : vector<16xf32>
        %swap3A_182 = arith.constant 0 : i32
        %swap3A_183 = arith.index_cast %swap3A_182 : i32 to index
        %swap3A_184 = arith.constant 48 : index
        %swap3A_185 = tpu.vector_load %arg12[%swap3A_183, %swap3A_184] {strides = array<i32>} : memref<10x128xf32, #tpu.memory_space<vmem>>, vector<1x16xf32>,
        %swap3A_186 = vector.shape_cast %swap3A_185 : vector<1x16xf32> to vector<16xf32>
        %swap3A_187 = vector.shape_cast %add3A_181 : vector<16xf32> to vector<1x16xf32>
        tpu.vector_store %arg12[%swap3A_183, %swap3A_184], %swap3A_187 {strides = array<i32>} : memref<10x128xf32, #tpu.memory_space<vmem>>, vector<1x16xf32>,
        %add3A_188 = arith.addf %add3A_173, %add3A_181 : vector<16xf32>
        %mul3A_189 = arith.mulf %add3A_181, %add3A_181 : vector<16xf32>
        %add3A_190 = arith.addf %add3A_175, %mul3A_189 : vector<16xf32>
        %get3A_191 = arith.constant 4 : i32
        %get3A_192 = arith.index_cast %get3A_191 : i32 to index
        %get3A_193 = arith.constant 0 : index
        %get3A_194 = tpu.vector_load %arg10[%get3A_192, %get3A_193] {strides = array<i32>} : memref<80x16xf32, #tpu.memory_space<vmem>>, vector<1x16xf32>,
        %get3A_195 = vector.shape_cast %get3A_194 : vector<1x16xf32> to vector<16xf32>
        %add3A_196 = arith.addf %get3A_195, %sub3A_130 : vector<16xf32>
        %swap3A_197 = arith.constant 0 : i32
        %swap3A_198 = arith.index_cast %swap3A_197 : i32 to index
        %swap3A_199 = arith.constant 64 : index
        %swap3A_200 = tpu.vector_load %arg12[%swap3A_198, %swap3A_199] {strides = array<i32>} : memref<10x128xf32, #tpu.memory_space<vmem>>, vector<1x16xf32>,
        %swap3A_201 = vector.shape_cast %swap3A_200 : vector<1x16xf32> to vector<16xf32>
        %swap3A_202 = vector.shape_cast %add3A_196 : vector<16xf32> to vector<1x16xf32>
        tpu.vector_store %arg12[%swap3A_198, %swap3A_199], %swap3A_202 {strides = array<i32>} : memref<10x128xf32, #tpu.memory_space<vmem>>, vector<1x16xf32>,
        %add3A_203 = arith.addf %add3A_188, %add3A_196 : vector<16xf32>
        %mul3A_204 = arith.mulf %add3A_196, %add3A_196 : vector<16xf32>
        %add3A_205 = arith.addf %add3A_190, %mul3A_204 : vector<16xf32>
        %get3A_206 = arith.constant 5 : i32
        %get3A_207 = arith.index_cast %get3A_206 : i32 to index
        %get3A_208 = arith.constant 0 : index
        %get3A_209 = tpu.vector_load %arg10[%get3A_207, %get3A_208] {strides = array<i32>} : memref<80x16xf32, #tpu.memory_space<vmem>>, vector<1x16xf32>,
        %get3A_210 = vector.shape_cast %get3A_209 : vector<1x16xf32> to vector<16xf32>
        %add3A_211 = arith.addf %get3A_210, %sub3A_130 : vector<16xf32>
        %swap3A_212 = arith.constant 0 : i32
        %swap3A_213 = arith.index_cast %swap3A_212 : i32 to index
        %swap3A_214 = arith.constant 80 : index
        %swap3A_215 = tpu.vector_load %arg12[%swap3A_213, %swap3A_214] {strides = array<i32>} : memref<10x128xf32, #tpu.memory_space<vmem>>, vector<1x16xf32>,
        %swap3A_216 = vector.shape_cast %swap3A_215 : vector<1x16xf32> to vector<16xf32>
        %swap3A_217 = vector.shape_cast %add3A_211 : vector<16xf32> to vector<1x16xf32>
        tpu.vector_store %arg12[%swap3A_213, %swap3A_214], %swap3A_217 {strides = array<i32>} : memref<10x128xf32, #tpu.memory_space<vmem>>, vector<1x16xf32>,
        %add3A_218 = arith.addf %add3A_203, %add3A_211 : vector<16xf32>
        %mul3A_219 = arith.mulf %add3A_211, %add3A_211 : vector<16xf32>
        %add3A_220 = arith.addf %add3A_205, %mul3A_219 : vector<16xf32>
        %get3A_221 = arith.constant 6 : i32
        %get3A_222 = arith.index_cast %get3A_221 : i32 to index
        %get3A_223 = arith.constant 0 : index
        %get3A_224 = tpu.vector_load %arg10[%get3A_222, %get3A_223] {strides = array<i32>} : memref<80x16xf32, #tpu.memory_space<vmem>>, vector<1x16xf32>,
        %get3A_225 = vector.shape_cast %get3A_224 : vector<1x16xf32> to vector<16xf32>
        %add3A_226 = arith.addf %get3A_225, %sub3A_130 : vector<16xf32>
        %swap3A_227 = arith.constant 0 : i32
        %swap3A_228 = arith.index_cast %swap3A_227 : i32 to index
        %swap3A_229 = arith.constant 96 : index
        %swap3A_230 = tpu.vector_load %arg12[%swap3A_228, %swap3A_229] {strides = array<i32>} : memref<10x128xf32, #tpu.memory_space<vmem>>, vector<1x16xf32>,
        %swap3A_231 = vector.shape_cast %swap3A_230 : vector<1x16xf32> to vector<16xf32>
        %swap3A_232 = vector.shape_cast %add3A_226 : vector<16xf32> to vector<1x16xf32>
        tpu.vector_store %arg12[%swap3A_228, %swap3A_229], %swap3A_232 {strides = array<i32>} : memref<10x128xf32, #tpu.memory_space<vmem>>, vector<1x16xf32>,
        %add3A_233 = arith.addf %add3A_218, %add3A_226 : vector<16xf32>
        %mul3A_234 = arith.mulf %add3A_226, %add3A_226 : vector<16xf32>
        %add3A_235 = arith.addf %add3A_220, %mul3A_234 : vector<16xf32>
        %get3A_236 = arith.constant 7 : i32
        %get3A_237 = arith.index_cast %get3A_236 : i32 to index
        %get3A_238 = arith.constant 0 : index
        %get3A_239 = tpu.vector_load %arg10[%get3A_237, %get3A_238] {strides = array<i32>} : memref<80x16xf32, #tpu.memory_space<vmem>>, vector<1x16xf32>,
        %get3A_240 = vector.shape_cast %get3A_239 : vector<1x16xf32> to vector<16xf32>
        %add3A_241 = arith.addf %get3A_240, %sub3A_130 : vector<16xf32>
        %swap3A_242 = arith.constant 0 : i32
        %swap3A_243 = arith.index_cast %swap3A_242 : i32 to index
        %swap3A_244 = arith.constant 112 : index
        %swap3A_245 = tpu.vector_load %arg12[%swap3A_243, %swap3A_244] {strides = array<i32>} : memref<10x128xf32, #tpu.memory_space<vmem>>, vector<1x16xf32>,
        %swap3A_246 = vector.shape_cast %swap3A_245 : vector<1x16xf32> to vector<16xf32>
        %swap3A_247 = vector.shape_cast %add3A_241 : vector<16xf32> to vector<1x16xf32>
        tpu.vector_store %arg12[%swap3A_243, %swap3A_244], %swap3A_247 {strides = array<i32>} : memref<10x128xf32, #tpu.memory_space<vmem>>, vector<1x16xf32>,
        %add3A_248 = arith.addf %add3A_233, %add3A_241 : vector<16xf32>
        %mul3A_249 = arith.mulf %add3A_241, %add3A_241 : vector<16xf32>
        %add3A_250 = arith.addf %add3A_235, %mul3A_249 : vector<16xf32>
        %add3A_251 = arith.constant 0 : i32
        %add3A_252 = arith.addi %mul3A_77, %add3A_251 : i32
        %get3A_253 = arith.index_cast %add3A_252 : i32 to index
        %get3A_254 = arith.constant 0 : index
        %get3A_255 = tpu.vector_load %arg8[%get3A_253, %get3A_254] {strides = array<i32>} : memref<625x16xf32, #tpu.memory_space<vmem>>, vector<1x16xf32>,
        %get3A_256 = vector.shape_cast %get3A_255 : vector<1x16xf32> to vector<16xf32>
        %sub3A_257 = arith.subf %get3A_44, %get3A_256 : vector<16xf32>
        %get3A_258 = arith.constant 8 : i32
        %get3A_259 = arith.index_cast %get3A_258 : i32 to index
        %get3A_260 = arith.constant 0 : index
        %get3A_261 = tpu.vector_load %arg10[%get3A_259, %get3A_260] {strides = array<i32>} : memref<80x16xf32, #tpu.memory_space<vmem>>, vector<1x16xf32>,
        %get3A_262 = vector.shape_cast %get3A_261 : vector<1x16xf32> to vector<16xf32>
        %add3A_263 = arith.addf %get3A_262, %sub3A_257 : vector<16xf32>
        %swap3A_264 = arith.constant 1 : i32
        %swap3A_265 = arith.index_cast %swap3A_264 : i32 to index
        %swap3A_266 = arith.constant 0 : index
        %swap3A_267 = tpu.vector_load %arg12[%swap3A_265, %swap3A_266] {strides = array<i32>} : memref<10x128xf32, #tpu.memory_space<vmem>>, vector<1x16xf32>,
        %swap3A_268 = vector.shape_cast %swap3A_267 : vector<1x16xf32> to vector<16xf32>
        %swap3A_269 = vector.shape_cast %add3A_263 : vector<16xf32> to vector<1x16xf32>
        tpu.vector_store %arg12[%swap3A_265, %swap3A_266], %swap3A_269 {strides = array<i32>} : memref<10x128xf32, #tpu.memory_space<vmem>>, vector<1x16xf32>,
        %add3A_270 = arith.addf %add3A_248, %add3A_263 : vector<16xf32>
        %mul3A_271 = arith.mulf %add3A_263, %add3A_263 : vector<16xf32>
        %add3A_272 = arith.addf %add3A_250, %mul3A_271 : vector<16xf32>
        %get3A_273 = arith.constant 9 : i32
        %get3A_274 = arith.index_cast %get3A_273 : i32 to index
        %get3A_275 = arith.constant 0 : index
        %get3A_276 = tpu.vector_load %arg10[%get3A_274, %get3A_275] {strides = array<i32>} : memref<80x16xf32, #tpu.memory_space<vmem>>, vector<1x16xf32>,
        %get3A_277 = vector.shape_cast %get3A_276 : vector<1x16xf32> to vector<16xf32>
        %add3A_278 = arith.addf %get3A_277, %sub3A_257 : vector<16xf32>
        %swap3A_279 = arith.constant 1 : i32
        %swap3A_280 = arith.index_cast %swap3A_279 : i32 to index
        %swap3A_281 = arith.constant 16 : index
        %swap3A_282 = tpu.vector_load %arg12[%swap3A_280, %swap3A_281] {strides = array<i32>} : memref<10x128xf32, #tpu.memory_space<vmem>>, vector<1x16xf32>,
        %swap3A_283 = vector.shape_cast %swap3A_282 : vector<1x16xf32> to vector<16xf32>
        %swap3A_284 = vector.shape_cast %add3A_278 : vector<16xf32> to vector<1x16xf32>
        tpu.vector_store %arg12[%swap3A_280, %swap3A_281], %swap3A_284 {strides = array<i32>} : memref<10x128xf32, #tpu.memory_space<vmem>>, vector<1x16xf32>,
        %add3A_285 = arith.addf %add3A_270, %add3A_278 : vector<16xf32>
        %mul3A_286 = arith.mulf %add3A_278, %add3A_278 : vector<16xf32>
        %add3A_287 = arith.addf %add3A_272, %mul3A_286 : vector<16xf32>
        %get3A_288 = arith.constant 10 : i32
        %get3A_289 = arith.index_cast %get3A_288 : i32 to index
        %get3A_290 = arith.constant 0 : index
        %get3A_291 = tpu.vector_load %arg10[%get3A_289, %get3A_290] {strides = array<i32>} : memref<80x16xf32, #tpu.memory_space<vmem>>, vector<1x16xf32>,
        %get3A_292 = vector.shape_cast %get3A_291 : vector<1x16xf32> to vector<16xf32>
        %add3A_293 = arith.addf %get3A_292, %sub3A_257 : vector<16xf32>
        %swap3A_294 = arith.constant 1 : i32
        %swap3A_295 = arith.index_cast %swap3A_294 : i32 to index
        %swap3A_296 = arith.constant 32 : index
        %swap3A_297 = tpu.vector_load %arg12[%swap3A_295, %swap3A_296] {strides = array<i32>} : memref<10x128xf32, #tpu.memory_space<vmem>>, vector<1x16xf32>,
        %swap3A_298 = vector.shape_cast %swap3A_297 : vector<1x16xf32> to vector<16xf32>
        %swap3A_299 = vector.shape_cast %add3A_293 : vector<16xf32> to vector<1x16xf32>
        tpu.vector_store %arg12[%swap3A_295, %swap3A_296], %swap3A_299 {strides = array<i32>} : memref<10x128xf32, #tpu.memory_space<vmem>>, vector<1x16xf32>,
        %add3A_300 = arith.addf %add3A_285, %add3A_293 : vector<16xf32>
        %mul3A_301 = arith.mulf %add3A_293, %add3A_293 : vector<16xf32>
        %add3A_302 = arith.addf %add3A_287, %mul3A_301 : vector<16xf32>
        %get3A_303 = arith.constant 11 : i32
        %get3A_304 = arith.index_cast %get3A_303 : i32 to index
        %get3A_305 = arith.constant 0 : index
        %get3A_306 = tpu.vector_load %arg10[%get3A_304, %get3A_305] {strides = array<i32>} : memref<80x16xf32, #tpu.memory_space<vmem>>, vector<1x16xf32>,
        %get3A_307 = vector.shape_cast %get3A_306 : vector<1x16xf32> to vector<16xf32>
        %add3A_308 = arith.addf %get3A_307, %sub3A_257 : vector<16xf32>
        %swap3A_309 = arith.constant 1 : i32
        %swap3A_310 = arith.index_cast %swap3A_309 : i32 to index
        %swap3A_311 = arith.constant 48 : index
        %swap3A_312 = tpu.vector_load %arg12[%swap3A_310, %swap3A_311] {strides = array<i32>} : memref<10x128xf32, #tpu.memory_space<vmem>>, vector<1x16xf32>,
        %swap3A_313 = vector.shape_cast %swap3A_312 : vector<1x16xf32> to vector<16xf32>
        %swap3A_314 = vector.shape_cast %add3A_308 : vector<16xf32> to vector<1x16xf32>
        tpu.vector_store %arg12[%swap3A_310, %swap3A_311], %swap3A_314 {strides = array<i32>} : memref<10x128xf32, #tpu.memory_space<vmem>>, vector<1x16xf32>,
        %add3A_315 = arith.addf %add3A_300, %add3A_308 : vector<16xf32>
        %mul3A_316 = arith.mulf %add3A_308, %add3A_308 : vector<16xf32>
        %add3A_317 = arith.addf %add3A_302, %mul3A_316 : vector<16xf32>
        %get3A_318 = arith.constant 12 : i32
        %get3A_319 = arith.index_cast %get3A_318 : i32 to index
        %get3A_320 = arith.constant 0 : index
        %get3A_321 = tpu.vector_load %arg10[%get3A_319, %get3A_320] {strides = array<i32>} : memref<80x16xf32, #tpu.memory_space<vmem>>, vector<1x16xf32>,
        %get3A_322 = vector.shape_cast %get3A_321 : vector<1x16xf32> to vector<16xf32>
        %add3A_323 = arith.addf %get3A_322, %sub3A_257 : vector<16xf32>
        %swap3A_324 = arith.constant 1 : i32
        %swap3A_325 = arith.index_cast %swap3A_324 : i32 to index
        %swap3A_326 = arith.constant 64 : index
        %swap3A_327 = tpu.vector_load %arg12[%swap3A_325, %swap3A_326] {strides = array<i32>} : memref<10x128xf32, #tpu.memory_space<vmem>>, vector<1x16xf32>,
        %swap3A_328 = vector.shape_cast %swap3A_327 : vector<1x16xf32> to vector<16xf32>
        %swap3A_329 = vector.shape_cast %add3A_323 : vector<16xf32> to vector<1x16xf32>
        tpu.vector_store %arg12[%swap3A_325, %swap3A_326], %swap3A_329 {strides = array<i32>} : memref<10x128xf32, #tpu.memory_space<vmem>>, vector<1x16xf32>,
        %add3A_330 = arith.addf %add3A_315, %add3A_323 : vector<16xf32>
        %mul3A_331 = arith.mulf %add3A_323, %add3A_323 : vector<16xf32>
        %add3A_332 = arith.addf %add3A_317, %mul3A_331 : vector<16xf32>
        %get3A_333 = arith.constant 13 : i32
        %get3A_334 = arith.index_cast %get3A_333 : i32 to index
        %get3A_335 = arith.constant 0 : index
        %get3A_336 = tpu.vector_load %arg10[%get3A_334, %get3A_335] {strides = array<i32>} : memref<80x16xf32, #tpu.memory_space<vmem>>, vector<1x16xf32>,
        %get3A_337 = vector.shape_cast %get3A_336 : vector<1x16xf32> to vector<16xf32>
        %add3A_338 = arith.addf %get3A_337, %sub3A_257 : vector<16xf32>
        %swap3A_339 = arith.constant 1 : i32
        %swap3A_340 = arith.index_cast %swap3A_339 : i32 to index
        %swap3A_341 = arith.constant 80 : index
        %swap3A_342 = tpu.vector_load %arg12[%swap3A_340, %swap3A_341] {strides = array<i32>} : memref<10x128xf32, #tpu.memory_space<vmem>>, vector<1x16xf32>,
        %swap3A_343 = vector.shape_cast %swap3A_342 : vector<1x16xf32> to vector<16xf32>
        %swap3A_344 = vector.shape_cast %add3A_338 : vector<16xf32> to vector<1x16xf32>
        tpu.vector_store %arg12[%swap3A_340, %swap3A_341], %swap3A_344 {strides = array<i32>} : memref<10x128xf32, #tpu.memory_space<vmem>>, vector<1x16xf32>,
        %add3A_345 = arith.addf %add3A_330, %add3A_338 : vector<16xf32>
        %mul3A_346 = arith.mulf %add3A_338, %add3A_338 : vector<16xf32>
        %add3A_347 = arith.addf %add3A_332, %mul3A_346 : vector<16xf32>
        %get3A_348 = arith.constant 14 : i32
        %get3A_349 = arith.index_cast %get3A_348 : i32 to index
        %get3A_350 = arith.constant 0 : index
        %get3A_351 = tpu.vector_load %arg10[%get3A_349, %get3A_350] {strides = array<i32>} : memref<80x16xf32, #tpu.memory_space<vmem>>, vector<1x16xf32>,
        %get3A_352 = vector.shape_cast %get3A_351 : vector<1x16xf32> to vector<16xf32>
        %add3A_353 = arith.addf %get3A_352, %sub3A_257 : vector<16xf32>
        %swap3A_354 = arith.constant 1 : i32
        %swap3A_355 = arith.index_cast %swap3A_354 : i32 to index
        %swap3A_356 = arith.constant 96 : index
        %swap3A_357 = tpu.vector_load %arg12[%swap3A_355, %swap3A_356] {strides = array<i32>} : memref<10x128xf32, #tpu.memory_space<vmem>>, vector<1x16xf32>,
        %swap3A_358 = vector.shape_cast %swap3A_357 : vector<1x16xf32> to vector<16xf32>
        %swap3A_359 = vector.shape_cast %add3A_353 : vector<16xf32> to vector<1x16xf32>
        tpu.vector_store %arg12[%swap3A_355, %swap3A_356], %swap3A_359 {strides = array<i32>} : memref<10x128xf32, #tpu.memory_space<vmem>>, vector<1x16xf32>,
        %add3A_360 = arith.addf %add3A_345, %add3A_353 : vector<16xf32>
        %mul3A_361 = arith.mulf %add3A_353, %add3A_353 : vector<16xf32>
        %add3A_362 = arith.addf %add3A_347, %mul3A_361 : vector<16xf32>
        %get3A_363 = arith.constant 15 : i32
        %get3A_364 = arith.index_cast %get3A_363 : i32 to index
        %get3A_365 = arith.constant 0 : index
        %get3A_366 = tpu.vector_load %arg10[%get3A_364, %get3A_365] {strides = array<i32>} : memref<80x16xf32, #tpu.memory_space<vmem>>, vector<1x16xf32>,
        %get3A_367 = vector.shape_cast %get3A_366 : vector<1x16xf32> to vector<16xf32>
        %add3A_368 = arith.addf %get3A_367, %sub3A_257 : vector<16xf32>
        %swap3A_369 = arith.constant 1 : i32
        %swap3A_370 = arith.index_cast %swap3A_369 : i32 to index
        %swap3A_371 = arith.constant 112 : index
        %swap3A_372 = tpu.vector_load %arg12[%swap3A_370, %swap3A_371] {strides = array<i32>} : memref<10x128xf32, #tpu.memory_space<vmem>>, vector<1x16xf32>,
        %swap3A_373 = vector.shape_cast %swap3A_372 : vector<1x16xf32> to vector<16xf32>
        %swap3A_374 = vector.shape_cast %add3A_368 : vector<16xf32> to vector<1x16xf32>
        tpu.vector_store %arg12[%swap3A_370, %swap3A_371], %swap3A_374 {strides = array<i32>} : memref<10x128xf32, #tpu.memory_space<vmem>>, vector<1x16xf32>,
        %add3A_375 = arith.addf %add3A_360, %add3A_368 : vector<16xf32>
        %mul3A_376 = arith.mulf %add3A_368, %add3A_368 : vector<16xf32>
        %add3A_377 = arith.addf %add3A_362, %mul3A_376 : vector<16xf32>
        %add3A_378 = arith.constant 1 : i32
        %add3A_379 = arith.addi %mul3A_77, %add3A_378 : i32
        %get3A_380 = arith.index_cast %add3A_379 : i32 to index
        %get3A_381 = arith.constant 0 : index
        %get3A_382 = tpu.vector_load %arg8[%get3A_380, %get3A_381] {strides = array<i32>} : memref<625x16xf32, #tpu.memory_space<vmem>>, vector<1x16xf32>,
        %get3A_383 = vector.shape_cast %get3A_382 : vector<1x16xf32> to vector<16xf32>
        %sub3A_384 = arith.subf %get3A_44, %get3A_383 : vector<16xf32>
        %get3A_385 = arith.constant 16 : i32
        %get3A_386 = arith.index_cast %get3A_385 : i32 to index
        %get3A_387 = arith.constant 0 : index
        %get3A_388 = tpu.vector_load %arg10[%get3A_386, %get3A_387] {strides = array<i32>} : memref<80x16xf32, #tpu.memory_space<vmem>>, vector<1x16xf32>,
        %get3A_389 = vector.shape_cast %get3A_388 : vector<1x16xf32> to vector<16xf32>
        %add3A_390 = arith.addf %get3A_389, %sub3A_384 : vector<16xf32>
        %swap3A_391 = arith.constant 2 : i32
        %swap3A_392 = arith.index_cast %swap3A_391 : i32 to index
        %swap3A_393 = arith.constant 0 : index
        %swap3A_394 = tpu.vector_load %arg12[%swap3A_392, %swap3A_393] {strides = array<i32>} : memref<10x128xf32, #tpu.memory_space<vmem>>, vector<1x16xf32>,
        %swap3A_395 = vector.shape_cast %swap3A_394 : vector<1x16xf32> to vector<16xf32>
        %swap3A_396 = vector.shape_cast %add3A_390 : vector<16xf32> to vector<1x16xf32>
        tpu.vector_store %arg12[%swap3A_392, %swap3A_393], %swap3A_396 {strides = array<i32>} : memref<10x128xf32, #tpu.memory_space<vmem>>, vector<1x16xf32>,
        %add3A_397 = arith.addf %add3A_375, %add3A_390 : vector<16xf32>
        %mul3A_398 = arith.mulf %add3A_390, %add3A_390 : vector<16xf32>
        %add3A_399 = arith.addf %add3A_377, %mul3A_398 : vector<16xf32>
        %get3A_400 = arith.constant 17 : i32
        %get3A_401 = arith.index_cast %get3A_400 : i32 to index
        %get3A_402 = arith.constant 0 : index
        %get3A_403 = tpu.vector_load %arg10[%get3A_401, %get3A_402] {strides = array<i32>} : memref<80x16xf32, #tpu.memory_space<vmem>>, vector<1x16xf32>,
        %get3A_404 = vector.shape_cast %get3A_403 : vector<1x16xf32> to vector<16xf32>
        %add3A_405 = arith.addf %get3A_404, %sub3A_384 : vector<16xf32>
        %swap3A_406 = arith.constant 2 : i32
        %swap3A_407 = arith.index_cast %swap3A_406 : i32 to index
        %swap3A_408 = arith.constant 16 : index
        %swap3A_409 = tpu.vector_load %arg12[%swap3A_407, %swap3A_408] {strides = array<i32>} : memref<10x128xf32, #tpu.memory_space<vmem>>, vector<1x16xf32>,
        %swap3A_410 = vector.shape_cast %swap3A_409 : vector<1x16xf32> to vector<16xf32>
        %swap3A_411 = vector.shape_cast %add3A_405 : vector<16xf32> to vector<1x16xf32>
        tpu.vector_store %arg12[%swap3A_407, %swap3A_408], %swap3A_411 {strides = array<i32>} : memref<10x128xf32, #tpu.memory_space<vmem>>, vector<1x16xf32>,
        %add3A_412 = arith.addf %add3A_397, %add3A_405 : vector<16xf32>
        %mul3A_413 = arith.mulf %add3A_405, %add3A_405 : vector<16xf32>
        %add3A_414 = arith.addf %add3A_399, %mul3A_413 : vector<16xf32>
        %get3A_415 = arith.constant 18 : i32
        %get3A_416 = arith.index_cast %get3A_415 : i32 to index
        %get3A_417 = arith.constant 0 : index
        %get3A_418 = tpu.vector_load %arg10[%get3A_416, %get3A_417] {strides = array<i32>} : memref<80x16xf32, #tpu.memory_space<vmem>>, vector<1x16xf32>,
        %get3A_419 = vector.shape_cast %get3A_418 : vector<1x16xf32> to vector<16xf32>
        %add3A_420 = arith.addf %get3A_419, %sub3A_384 : vector<16xf32>
        %swap3A_421 = arith.constant 2 : i32
        %swap3A_422 = arith.index_cast %swap3A_421 : i32 to index
        %swap3A_423 = arith.constant 32 : index
        %swap3A_424 = tpu.vector_load %arg12[%swap3A_422, %swap3A_423] {strides = array<i32>} : memref<10x128xf32, #tpu.memory_space<vmem>>, vector<1x16xf32>,
        %swap3A_425 = vector.shape_cast %swap3A_424 : vector<1x16xf32> to vector<16xf32>
        %swap3A_426 = vector.shape_cast %add3A_420 : vector<16xf32> to vector<1x16xf32>
        tpu.vector_store %arg12[%swap3A_422, %swap3A_423], %swap3A_426 {strides = array<i32>} : memref<10x128xf32, #tpu.memory_space<vmem>>, vector<1x16xf32>,
        %add3A_427 = arith.addf %add3A_412, %add3A_420 : vector<16xf32>
        %mul3A_428 = arith.mulf %add3A_420, %add3A_420 : vector<16xf32>
        %add3A_429 = arith.addf %add3A_414, %mul3A_428 : vector<16xf32>
        %get3A_430 = arith.constant 19 : i32
        %get3A_431 = arith.index_cast %get3A_430 : i32 to index
        %get3A_432 = arith.constant 0 : index
        %get3A_433 = tpu.vector_load %arg10[%get3A_431, %get3A_432] {strides = array<i32>} : memref<80x16xf32, #tpu.memory_space<vmem>>, vector<1x16xf32>,
        %get3A_434 = vector.shape_cast %get3A_433 : vector<1x16xf32> to vector<16xf32>
        %add3A_435 = arith.addf %get3A_434, %sub3A_384 : vector<16xf32>
        %swap3A_436 = arith.constant 2 : i32
        %swap3A_437 = arith.index_cast %swap3A_436 : i32 to index
        %swap3A_438 = arith.constant 48 : index
        %swap3A_439 = tpu.vector_load %arg12[%swap3A_437, %swap3A_438] {strides = array<i32>} : memref<10x128xf32, #tpu.memory_space<vmem>>, vector<1x16xf32>,
        %swap3A_440 = vector.shape_cast %swap3A_439 : vector<1x16xf32> to vector<16xf32>
        %swap3A_441 = vector.shape_cast %add3A_435 : vector<16xf32> to vector<1x16xf32>
        tpu.vector_store %arg12[%swap3A_437, %swap3A_438], %swap3A_441 {strides = array<i32>} : memref<10x128xf32, #tpu.memory_space<vmem>>, vector<1x16xf32>,
        %add3A_442 = arith.addf %add3A_427, %add3A_435 : vector<16xf32>
        %mul3A_443 = arith.mulf %add3A_435, %add3A_435 : vector<16xf32>
        %add3A_444 = arith.addf %add3A_429, %mul3A_443 : vector<16xf32>
        %get3A_445 = arith.constant 20 : i32
        %get3A_446 = arith.index_cast %get3A_445 : i32 to index
        %get3A_447 = arith.constant 0 : index
        %get3A_448 = tpu.vector_load %arg10[%get3A_446, %get3A_447] {strides = array<i32>} : memref<80x16xf32, #tpu.memory_space<vmem>>, vector<1x16xf32>,
        %get3A_449 = vector.shape_cast %get3A_448 : vector<1x16xf32> to vector<16xf32>
        %add3A_450 = arith.addf %get3A_449, %sub3A_384 : vector<16xf32>
        %swap3A_451 = arith.constant 2 : i32
        %swap3A_452 = arith.index_cast %swap3A_451 : i32 to index
        %swap3A_453 = arith.constant 64 : index
        %swap3A_454 = tpu.vector_load %arg12[%swap3A_452, %swap3A_453] {strides = array<i32>} : memref<10x128xf32, #tpu.memory_space<vmem>>, vector<1x16xf32>,
        %swap3A_455 = vector.shape_cast %swap3A_454 : vector<1x16xf32> to vector<16xf32>
        %swap3A_456 = vector.shape_cast %add3A_450 : vector<16xf32> to vector<1x16xf32>
        tpu.vector_store %arg12[%swap3A_452, %swap3A_453], %swap3A_456 {strides = array<i32>} : memref<10x128xf32, #tpu.memory_space<vmem>>, vector<1x16xf32>,
        %add3A_457 = arith.addf %add3A_442, %add3A_450 : vector<16xf32>
        %mul3A_458 = arith.mulf %add3A_450, %add3A_450 : vector<16xf32>
        %add3A_459 = arith.addf %add3A_444, %mul3A_458 : vector<16xf32>
        %get3A_460 = arith.constant 21 : i32
        %get3A_461 = arith.index_cast %get3A_460 : i32 to index
        %get3A_462 = arith.constant 0 : index
        %get3A_463 = tpu.vector_load %arg10[%get3A_461, %get3A_462] {strides = array<i32>} : memref<80x16xf32, #tpu.memory_space<vmem>>, vector<1x16xf32>,
        %get3A_464 = vector.shape_cast %get3A_463 : vector<1x16xf32> to vector<16xf32>
        %add3A_465 = arith.addf %get3A_464, %sub3A_384 : vector<16xf32>
        %swap3A_466 = arith.constant 2 : i32
        %swap3A_467 = arith.index_cast %swap3A_466 : i32 to index
        %swap3A_468 = arith.constant 80 : index
        %swap3A_469 = tpu.vector_load %arg12[%swap3A_467, %swap3A_468] {strides = array<i32>} : memref<10x128xf32, #tpu.memory_space<vmem>>, vector<1x16xf32>,
        %swap3A_470 = vector.shape_cast %swap3A_469 : vector<1x16xf32> to vector<16xf32>
        %swap3A_471 = vector.shape_cast %add3A_465 : vector<16xf32> to vector<1x16xf32>
        tpu.vector_store %arg12[%swap3A_467, %swap3A_468], %swap3A_471 {strides = array<i32>} : memref<10x128xf32, #tpu.memory_space<vmem>>, vector<1x16xf32>,
        %add3A_472 = arith.addf %add3A_457, %add3A_465 : vector<16xf32>
        %mul3A_473 = arith.mulf %add3A_465, %add3A_465 : vector<16xf32>
        %add3A_474 = arith.addf %add3A_459, %mul3A_473 : vector<16xf32>
        %get3A_475 = arith.constant 22 : i32
        %get3A_476 = arith.index_cast %get3A_475 : i32 to index
        %get3A_477 = arith.constant 0 : index
        %get3A_478 = tpu.vector_load %arg10[%get3A_476, %get3A_477] {strides = array<i32>} : memref<80x16xf32, #tpu.memory_space<vmem>>, vector<1x16xf32>,
        %get3A_479 = vector.shape_cast %get3A_478 : vector<1x16xf32> to vector<16xf32>
        %add3A_480 = arith.addf %get3A_479, %sub3A_384 : vector<16xf32>
        %swap3A_481 = arith.constant 2 : i32
        %swap3A_482 = arith.index_cast %swap3A_481 : i32 to index
        %swap3A_483 = arith.constant 96 : index
        %swap3A_484 = tpu.vector_load %arg12[%swap3A_482, %swap3A_483] {strides = array<i32>} : memref<10x128xf32, #tpu.memory_space<vmem>>, vector<1x16xf32>,
        %swap3A_485 = vector.shape_cast %swap3A_484 : vector<1x16xf32> to vector<16xf32>
        %swap3A_486 = vector.shape_cast %add3A_480 : vector<16xf32> to vector<1x16xf32>
        tpu.vector_store %arg12[%swap3A_482, %swap3A_483], %swap3A_486 {strides = array<i32>} : memref<10x128xf32, #tpu.memory_space<vmem>>, vector<1x16xf32>,
        %add3A_487 = arith.addf %add3A_472, %add3A_480 : vector<16xf32>
        %mul3A_488 = arith.mulf %add3A_480, %add3A_480 : vector<16xf32>
        %add3A_489 = arith.addf %add3A_474, %mul3A_488 : vector<16xf32>
        %get3A_490 = arith.constant 23 : i32
        %get3A_491 = arith.index_cast %get3A_490 : i32 to index
        %get3A_492 = arith.constant 0 : index
        %get3A_493 = tpu.vector_load %arg10[%get3A_491, %get3A_492] {strides = array<i32>} : memref<80x16xf32, #tpu.memory_space<vmem>>, vector<1x16xf32>,
        %get3A_494 = vector.shape_cast %get3A_493 : vector<1x16xf32> to vector<16xf32>
        %add3A_495 = arith.addf %get3A_494, %sub3A_384 : vector<16xf32>
        %swap3A_496 = arith.constant 2 : i32
        %swap3A_497 = arith.index_cast %swap3A_496 : i32 to index
        %swap3A_498 = arith.constant 112 : index
        %swap3A_499 = tpu.vector_load %arg12[%swap3A_497, %swap3A_498] {strides = array<i32>} : memref<10x128xf32, #tpu.memory_space<vmem>>, vector<1x16xf32>,
        %swap3A_500 = vector.shape_cast %swap3A_499 : vector<1x16xf32> to vector<16xf32>
        %swap3A_501 = vector.shape_cast %add3A_495 : vector<16xf32> to vector<1x16xf32>
        tpu.vector_store %arg12[%swap3A_497, %swap3A_498], %swap3A_501 {strides = array<i32>} : memref<10x128xf32, #tpu.memory_space<vmem>>, vector<1x16xf32>,
        %add3A_502 = arith.addf %add3A_487, %add3A_495 : vector<16xf32>
        %mul3A_503 = arith.mulf %add3A_495, %add3A_495 : vector<16xf32>
        %add3A_504 = arith.addf %add3A_489, %mul3A_503 : vector<16xf32>
        %add3A_505 = arith.constant 1 : i32
        %add3A_506 = arith.addi %mul3A_77, %add3A_505 : i32
        %get3A_507 = arith.index_cast %add3A_506 : i32 to index
        %get3A_508 = arith.constant 0 : index
        %get3A_509 = tpu.vector_load %arg8[%get3A_507, %get3A_508] {strides = array<i32>} : memref<625x16xf32, #tpu.memory_space<vmem>>, vector<1x16xf32>,
        %get3A_510 = vector.shape_cast %get3A_509 : vector<1x16xf32> to vector<16xf32>
        %sub3A_511 = arith.subf %get3A_44, %get3A_510 : vector<16xf32>
        %get3A_512 = arith.constant 24 : i32
        %get3A_513 = arith.index_cast %get3A_512 : i32 to index
        %get3A_514 = arith.constant 0 : index
        %get3A_515 = tpu.vector_load %arg10[%get3A_513, %get3A_514] {strides = array<i32>} : memref<80x16xf32, #tpu.memory_space<vmem>>, vector<1x16xf32>,
        %get3A_516 = vector.shape_cast %get3A_515 : vector<1x16xf32> to vector<16xf32>
        %add3A_517 = arith.addf %get3A_516, %sub3A_511 : vector<16xf32>
        %swap3A_518 = arith.constant 3 : i32
        %swap3A_519 = arith.index_cast %swap3A_518 : i32 to index
        %swap3A_520 = arith.constant 0 : index
        %swap3A_521 = tpu.vector_load %arg12[%swap3A_519, %swap3A_520] {strides = array<i32>} : memref<10x128xf32, #tpu.memory_space<vmem>>, vector<1x16xf32>,
        %swap3A_522 = vector.shape_cast %swap3A_521 : vector<1x16xf32> to vector<16xf32>
        %swap3A_523 = vector.shape_cast %add3A_517 : vector<16xf32> to vector<1x16xf32>
        tpu.vector_store %arg12[%swap3A_519, %swap3A_520], %swap3A_523 {strides = array<i32>} : memref<10x128xf32, #tpu.memory_space<vmem>>, vector<1x16xf32>,
        %add3A_524 = arith.addf %add3A_502, %add3A_517 : vector<16xf32>
        %mul3A_525 = arith.mulf %add3A_517, %add3A_517 : vector<16xf32>
        %add3A_526 = arith.addf %add3A_504, %mul3A_525 : vector<16xf32>
        %get3A_527 = arith.constant 25 : i32
        %get3A_528 = arith.index_cast %get3A_527 : i32 to index
        %get3A_529 = arith.constant 0 : index
        %get3A_530 = tpu.vector_load %arg10[%get3A_528, %get3A_529] {strides = array<i32>} : memref<80x16xf32, #tpu.memory_space<vmem>>, vector<1x16xf32>,
        %get3A_531 = vector.shape_cast %get3A_530 : vector<1x16xf32> to vector<16xf32>
        %add3A_532 = arith.addf %get3A_531, %sub3A_511 : vector<16xf32>
        %swap3A_533 = arith.constant 3 : i32
        %swap3A_534 = arith.index_cast %swap3A_533 : i32 to index
        %swap3A_535 = arith.constant 16 : index
        %swap3A_536 = tpu.vector_load %arg12[%swap3A_534, %swap3A_535] {strides = array<i32>} : memref<10x128xf32, #tpu.memory_space<vmem>>, vector<1x16xf32>,
        %swap3A_537 = vector.shape_cast %swap3A_536 : vector<1x16xf32> to vector<16xf32>
        %swap3A_538 = vector.shape_cast %add3A_532 : vector<16xf32> to vector<1x16xf32>
        tpu.vector_store %arg12[%swap3A_534, %swap3A_535], %swap3A_538 {strides = array<i32>} : memref<10x128xf32, #tpu.memory_space<vmem>>, vector<1x16xf32>,
        %add3A_539 = arith.addf %add3A_524, %add3A_532 : vector<16xf32>
        %mul3A_540 = arith.mulf %add3A_532, %add3A_532 : vector<16xf32>
        %add3A_541 = arith.addf %add3A_526, %mul3A_540 : vector<16xf32>
        %get3A_542 = arith.constant 26 : i32
        %get3A_543 = arith.index_cast %get3A_542 : i32 to index
        %get3A_544 = arith.constant 0 : index
        %get3A_545 = tpu.vector_load %arg10[%get3A_543, %get3A_544] {strides = array<i32>} : memref<80x16xf32, #tpu.memory_space<vmem>>, vector<1x16xf32>,
        %get3A_546 = vector.shape_cast %get3A_545 : vector<1x16xf32> to vector<16xf32>
        %add3A_547 = arith.addf %get3A_546, %sub3A_511 : vector<16xf32>
        %swap3A_548 = arith.constant 3 : i32
        %swap3A_549 = arith.index_cast %swap3A_548 : i32 to index
        %swap3A_550 = arith.constant 32 : index
        %swap3A_551 = tpu.vector_load %arg12[%swap3A_549, %swap3A_550] {strides = array<i32>} : memref<10x128xf32, #tpu.memory_space<vmem>>, vector<1x16xf32>,
        %swap3A_552 = vector.shape_cast %swap3A_551 : vector<1x16xf32> to vector<16xf32>
        %swap3A_553 = vector.shape_cast %add3A_547 : vector<16xf32> to vector<1x16xf32>
        tpu.vector_store %arg12[%swap3A_549, %swap3A_550], %swap3A_553 {strides = array<i32>} : memref<10x128xf32, #tpu.memory_space<vmem>>, vector<1x16xf32>,
        %add3A_554 = arith.addf %add3A_539, %add3A_547 : vector<16xf32>
        %mul3A_555 = arith.mulf %add3A_547, %add3A_547 : vector<16xf32>
        %add3A_556 = arith.addf %add3A_541, %mul3A_555 : vector<16xf32>
        %get3A_557 = arith.constant 27 : i32
        %get3A_558 = arith.index_cast %get3A_557 : i32 to index
        %get3A_559 = arith.constant 0 : index
        %get3A_560 = tpu.vector_load %arg10[%get3A_558, %get3A_559] {strides = array<i32>} : memref<80x16xf32, #tpu.memory_space<vmem>>, vector<1x16xf32>,
        %get3A_561 = vector.shape_cast %get3A_560 : vector<1x16xf32> to vector<16xf32>
        %add3A_562 = arith.addf %get3A_561, %sub3A_511 : vector<16xf32>
        %swap3A_563 = arith.constant 3 : i32
        %swap3A_564 = arith.index_cast %swap3A_563 : i32 to index
        %swap3A_565 = arith.constant 48 : index
        %swap3A_566 = tpu.vector_load %arg12[%swap3A_564, %swap3A_565] {strides = array<i32>} : memref<10x128xf32, #tpu.memory_space<vmem>>, vector<1x16xf32>,
        %swap3A_567 = vector.shape_cast %swap3A_566 : vector<1x16xf32> to vector<16xf32>
        %swap3A_568 = vector.shape_cast %add3A_562 : vector<16xf32> to vector<1x16xf32>
        tpu.vector_store %arg12[%swap3A_564, %swap3A_565], %swap3A_568 {strides = array<i32>} : memref<10x128xf32, #tpu.memory_space<vmem>>, vector<1x16xf32>,
        %add3A_569 = arith.addf %add3A_554, %add3A_562 : vector<16xf32>
        %mul3A_570 = arith.mulf %add3A_562, %add3A_562 : vector<16xf32>
        %add3A_571 = arith.addf %add3A_556, %mul3A_570 : vector<16xf32>
        %get3A_572 = arith.constant 28 : i32
        %get3A_573 = arith.index_cast %get3A_572 : i32 to index
        %get3A_574 = arith.constant 0 : index
        %get3A_575 = tpu.vector_load %arg10[%get3A_573, %get3A_574] {strides = array<i32>} : memref<80x16xf32, #tpu.memory_space<vmem>>, vector<1x16xf32>,
        %get3A_576 = vector.shape_cast %get3A_575 : vector<1x16xf32> to vector<16xf32>
        %add3A_577 = arith.addf %get3A_576, %sub3A_511 : vector<16xf32>
        %swap3A_578 = arith.constant 3 : i32
        %swap3A_579 = arith.index_cast %swap3A_578 : i32 to index
        %swap3A_580 = arith.constant 64 : index
        %swap3A_581 = tpu.vector_load %arg12[%swap3A_579, %swap3A_580] {strides = array<i32>} : memref<10x128xf32, #tpu.memory_space<vmem>>, vector<1x16xf32>,
        %swap3A_582 = vector.shape_cast %swap3A_581 : vector<1x16xf32> to vector<16xf32>
        %swap3A_583 = vector.shape_cast %add3A_577 : vector<16xf32> to vector<1x16xf32>
        tpu.vector_store %arg12[%swap3A_579, %swap3A_580], %swap3A_583 {strides = array<i32>} : memref<10x128xf32, #tpu.memory_space<vmem>>, vector<1x16xf32>,
        %add3A_584 = arith.addf %add3A_569, %add3A_577 : vector<16xf32>
        %mul3A_585 = arith.mulf %add3A_577, %add3A_577 : vector<16xf32>
        %add3A_586 = arith.addf %add3A_571, %mul3A_585 : vector<16xf32>
        %get3A_587 = arith.constant 29 : i32
        %get3A_588 = arith.index_cast %get3A_587 : i32 to index
        %get3A_589 = arith.constant 0 : index
        %get3A_590 = tpu.vector_load %arg10[%get3A_588, %get3A_589] {strides = array<i32>} : memref<80x16xf32, #tpu.memory_space<vmem>>, vector<1x16xf32>,
        %get3A_591 = vector.shape_cast %get3A_590 : vector<1x16xf32> to vector<16xf32>
        %add3A_592 = arith.addf %get3A_591, %sub3A_511 : vector<16xf32>
        %swap3A_593 = arith.constant 3 : i32
        %swap3A_594 = arith.index_cast %swap3A_593 : i32 to index
        %swap3A_595 = arith.constant 80 : index
        %swap3A_596 = tpu.vector_load %arg12[%swap3A_594, %swap3A_595] {strides = array<i32>} : memref<10x128xf32, #tpu.memory_space<vmem>>, vector<1x16xf32>,
        %swap3A_597 = vector.shape_cast %swap3A_596 : vector<1x16xf32> to vector<16xf32>
        %swap3A_598 = vector.shape_cast %add3A_592 : vector<16xf32> to vector<1x16xf32>
        tpu.vector_store %arg12[%swap3A_594, %swap3A_595], %swap3A_598 {strides = array<i32>} : memref<10x128xf32, #tpu.memory_space<vmem>>, vector<1x16xf32>,
        %add3A_599 = arith.addf %add3A_584, %add3A_592 : vector<16xf32>
        %mul3A_600 = arith.mulf %add3A_592, %add3A_592 : vector<16xf32>
        %add3A_601 = arith.addf %add3A_586, %mul3A_600 : vector<16xf32>
        %get3A_602 = arith.constant 30 : i32
        %get3A_603 = arith.index_cast %get3A_602 : i32 to index
        %get3A_604 = arith.constant 0 : index
        %get3A_605 = tpu.vector_load %arg10[%get3A_603, %get3A_604] {strides = array<i32>} : memref<80x16xf32, #tpu.memory_space<vmem>>, vector<1x16xf32>,
        %get3A_606 = vector.shape_cast %get3A_605 : vector<1x16xf32> to vector<16xf32>
        %add3A_607 = arith.addf %get3A_606, %sub3A_511 : vector<16xf32>
        %swap3A_608 = arith.constant 3 : i32
        %swap3A_609 = arith.index_cast %swap3A_608 : i32 to index
        %swap3A_610 = arith.constant 96 : index
        %swap3A_611 = tpu.vector_load %arg12[%swap3A_609, %swap3A_610] {strides = array<i32>} : memref<10x128xf32, #tpu.memory_space<vmem>>, vector<1x16xf32>,
        %swap3A_612 = vector.shape_cast %swap3A_611 : vector<1x16xf32> to vector<16xf32>
        %swap3A_613 = vector.shape_cast %add3A_607 : vector<16xf32> to vector<1x16xf32>
        tpu.vector_store %arg12[%swap3A_609, %swap3A_610], %swap3A_613 {strides = array<i32>} : memref<10x128xf32, #tpu.memory_space<vmem>>, vector<1x16xf32>,
        %add3A_614 = arith.addf %add3A_599, %add3A_607 : vector<16xf32>
        %mul3A_615 = arith.mulf %add3A_607, %add3A_607 : vector<16xf32>
        %add3A_616 = arith.addf %add3A_601, %mul3A_615 : vector<16xf32>
        %get3A_617 = arith.constant 31 : i32
        %get3A_618 = arith.index_cast %get3A_617 : i32 to index
        %get3A_619 = arith.constant 0 : index
        %get3A_620 = tpu.vector_load %arg10[%get3A_618, %get3A_619] {strides = array<i32>} : memref<80x16xf32, #tpu.memory_space<vmem>>, vector<1x16xf32>,
        %get3A_621 = vector.shape_cast %get3A_620 : vector<1x16xf32> to vector<16xf32>
        %add3A_622 = arith.addf %get3A_621, %sub3A_511 : vector<16xf32>
        %swap3A_623 = arith.constant 3 : i32
        %swap3A_624 = arith.index_cast %swap3A_623 : i32 to index
        %swap3A_625 = arith.constant 112 : index
        %swap3A_626 = tpu.vector_load %arg12[%swap3A_624, %swap3A_625] {strides = array<i32>} : memref<10x128xf32, #tpu.memory_space<vmem>>, vector<1x16xf32>,
        %swap3A_627 = vector.shape_cast %swap3A_626 : vector<1x16xf32> to vector<16xf32>
        %swap3A_628 = vector.shape_cast %add3A_622 : vector<16xf32> to vector<1x16xf32>
        tpu.vector_store %arg12[%swap3A_624, %swap3A_625], %swap3A_628 {strides = array<i32>} : memref<10x128xf32, #tpu.memory_space<vmem>>, vector<1x16xf32>,
        %add3A_629 = arith.addf %add3A_614, %add3A_622 : vector<16xf32>
        %mul3A_630 = arith.mulf %add3A_622, %add3A_622 : vector<16xf32>
        %add3A_631 = arith.addf %add3A_616, %mul3A_630 : vector<16xf32>
        %add3A_632 = arith.constant 2 : i32
        %add3A_633 = arith.addi %mul3A_77, %add3A_632 : i32
        %get3A_634 = arith.index_cast %add3A_633 : i32 to index
        %get3A_635 = arith.constant 0 : index
        %get3A_636 = tpu.vector_load %arg8[%get3A_634, %get3A_635] {strides = array<i32>} : memref<625x16xf32, #tpu.memory_space<vmem>>, vector<1x16xf32>,
        %get3A_637 = vector.shape_cast %get3A_636 : vector<1x16xf32> to vector<16xf32>
        %sub3A_638 = arith.subf %get3A_44, %get3A_637 : vector<16xf32>
        %get3A_639 = arith.constant 32 : i32
        %get3A_640 = arith.index_cast %get3A_639 : i32 to index
        %get3A_641 = arith.constant 0 : index
        %get3A_642 = tpu.vector_load %arg10[%get3A_640, %get3A_641] {strides = array<i32>} : memref<80x16xf32, #tpu.memory_space<vmem>>, vector<1x16xf32>,
        %get3A_643 = vector.shape_cast %get3A_642 : vector<1x16xf32> to vector<16xf32>
        %add3A_644 = arith.addf %get3A_643, %sub3A_638 : vector<16xf32>
        %swap3A_645 = arith.constant 4 : i32
        %swap3A_646 = arith.index_cast %swap3A_645 : i32 to index
        %swap3A_647 = arith.constant 0 : index
        %swap3A_648 = tpu.vector_load %arg12[%swap3A_646, %swap3A_647] {strides = array<i32>} : memref<10x128xf32, #tpu.memory_space<vmem>>, vector<1x16xf32>,
        %swap3A_649 = vector.shape_cast %swap3A_648 : vector<1x16xf32> to vector<16xf32>
        %swap3A_650 = vector.shape_cast %add3A_644 : vector<16xf32> to vector<1x16xf32>
        tpu.vector_store %arg12[%swap3A_646, %swap3A_647], %swap3A_650 {strides = array<i32>} : memref<10x128xf32, #tpu.memory_space<vmem>>, vector<1x16xf32>,
        %add3A_651 = arith.addf %add3A_629, %add3A_644 : vector<16xf32>
        %mul3A_652 = arith.mulf %add3A_644, %add3A_644 : vector<16xf32>
        %add3A_653 = arith.addf %add3A_631, %mul3A_652 : vector<16xf32>
        %get3A_654 = arith.constant 33 : i32
        %get3A_655 = arith.index_cast %get3A_654 : i32 to index
        %get3A_656 = arith.constant 0 : index
        %get3A_657 = tpu.vector_load %arg10[%get3A_655, %get3A_656] {strides = array<i32>} : memref<80x16xf32, #tpu.memory_space<vmem>>, vector<1x16xf32>,
        %get3A_658 = vector.shape_cast %get3A_657 : vector<1x16xf32> to vector<16xf32>
        %add3A_659 = arith.addf %get3A_658, %sub3A_638 : vector<16xf32>
        %swap3A_660 = arith.constant 4 : i32
        %swap3A_661 = arith.index_cast %swap3A_660 : i32 to index
        %swap3A_662 = arith.constant 16 : index
        %swap3A_663 = tpu.vector_load %arg12[%swap3A_661, %swap3A_662] {strides = array<i32>} : memref<10x128xf32, #tpu.memory_space<vmem>>, vector<1x16xf32>,
        %swap3A_664 = vector.shape_cast %swap3A_663 : vector<1x16xf32> to vector<16xf32>
        %swap3A_665 = vector.shape_cast %add3A_659 : vector<16xf32> to vector<1x16xf32>
        tpu.vector_store %arg12[%swap3A_661, %swap3A_662], %swap3A_665 {strides = array<i32>} : memref<10x128xf32, #tpu.memory_space<vmem>>, vector<1x16xf32>,
        %add3A_666 = arith.addf %add3A_651, %add3A_659 : vector<16xf32>
        %mul3A_667 = arith.mulf %add3A_659, %add3A_659 : vector<16xf32>
        %add3A_668 = arith.addf %add3A_653, %mul3A_667 : vector<16xf32>
        %get3A_669 = arith.constant 34 : i32
        %get3A_670 = arith.index_cast %get3A_669 : i32 to index
        %get3A_671 = arith.constant 0 : index
        %get3A_672 = tpu.vector_load %arg10[%get3A_670, %get3A_671] {strides = array<i32>} : memref<80x16xf32, #tpu.memory_space<vmem>>, vector<1x16xf32>,
        %get3A_673 = vector.shape_cast %get3A_672 : vector<1x16xf32> to vector<16xf32>
        %add3A_674 = arith.addf %get3A_673, %sub3A_638 : vector<16xf32>
        %swap3A_675 = arith.constant 4 : i32
        %swap3A_676 = arith.index_cast %swap3A_675 : i32 to index
        %swap3A_677 = arith.constant 32 : index
        %swap3A_678 = tpu.vector_load %arg12[%swap3A_676, %swap3A_677] {strides = array<i32>} : memref<10x128xf32, #tpu.memory_space<vmem>>, vector<1x16xf32>,
        %swap3A_679 = vector.shape_cast %swap3A_678 : vector<1x16xf32> to vector<16xf32>
        %swap3A_680 = vector.shape_cast %add3A_674 : vector<16xf32> to vector<1x16xf32>
        tpu.vector_store %arg12[%swap3A_676, %swap3A_677], %swap3A_680 {strides = array<i32>} : memref<10x128xf32, #tpu.memory_space<vmem>>, vector<1x16xf32>,
        %add3A_681 = arith.addf %add3A_666, %add3A_674 : vector<16xf32>
        %mul3A_682 = arith.mulf %add3A_674, %add3A_674 : vector<16xf32>
        %add3A_683 = arith.addf %add3A_668, %mul3A_682 : vector<16xf32>
        %get3A_684 = arith.constant 35 : i32
        %get3A_685 = arith.index_cast %get3A_684 : i32 to index
        %get3A_686 = arith.constant 0 : index
        %get3A_687 = tpu.vector_load %arg10[%get3A_685, %get3A_686] {strides = array<i32>} : memref<80x16xf32, #tpu.memory_space<vmem>>, vector<1x16xf32>,
        %get3A_688 = vector.shape_cast %get3A_687 : vector<1x16xf32> to vector<16xf32>
        %add3A_689 = arith.addf %get3A_688, %sub3A_638 : vector<16xf32>
        %swap3A_690 = arith.constant 4 : i32
        %swap3A_691 = arith.index_cast %swap3A_690 : i32 to index
        %swap3A_692 = arith.constant 48 : index
        %swap3A_693 = tpu.vector_load %arg12[%swap3A_691, %swap3A_692] {strides = array<i32>} : memref<10x128xf32, #tpu.memory_space<vmem>>, vector<1x16xf32>,
        %swap3A_694 = vector.shape_cast %swap3A_693 : vector<1x16xf32> to vector<16xf32>
        %swap3A_695 = vector.shape_cast %add3A_689 : vector<16xf32> to vector<1x16xf32>
        tpu.vector_store %arg12[%swap3A_691, %swap3A_692], %swap3A_695 {strides = array<i32>} : memref<10x128xf32, #tpu.memory_space<vmem>>, vector<1x16xf32>,
        %add3A_696 = arith.addf %add3A_681, %add3A_689 : vector<16xf32>
        %mul3A_697 = arith.mulf %add3A_689, %add3A_689 : vector<16xf32>
        %add3A_698 = arith.addf %add3A_683, %mul3A_697 : vector<16xf32>
        %get3A_699 = arith.constant 36 : i32
        %get3A_700 = arith.index_cast %get3A_699 : i32 to index
        %get3A_701 = arith.constant 0 : index
        %get3A_702 = tpu.vector_load %arg10[%get3A_700, %get3A_701] {strides = array<i32>} : memref<80x16xf32, #tpu.memory_space<vmem>>, vector<1x16xf32>,
        %get3A_703 = vector.shape_cast %get3A_702 : vector<1x16xf32> to vector<16xf32>
        %add3A_704 = arith.addf %get3A_703, %sub3A_638 : vector<16xf32>
        %swap3A_705 = arith.constant 4 : i32
        %swap3A_706 = arith.index_cast %swap3A_705 : i32 to index
        %swap3A_707 = arith.constant 64 : index
        %swap3A_708 = tpu.vector_load %arg12[%swap3A_706, %swap3A_707] {strides = array<i32>} : memref<10x128xf32, #tpu.memory_space<vmem>>, vector<1x16xf32>,
        %swap3A_709 = vector.shape_cast %swap3A_708 : vector<1x16xf32> to vector<16xf32>
        %swap3A_710 = vector.shape_cast %add3A_704 : vector<16xf32> to vector<1x16xf32>
        tpu.vector_store %arg12[%swap3A_706, %swap3A_707], %swap3A_710 {strides = array<i32>} : memref<10x128xf32, #tpu.memory_space<vmem>>, vector<1x16xf32>,
        %add3A_711 = arith.addf %add3A_696, %add3A_704 : vector<16xf32>
        %mul3A_712 = arith.mulf %add3A_704, %add3A_704 : vector<16xf32>
        %add3A_713 = arith.addf %add3A_698, %mul3A_712 : vector<16xf32>
        %get3A_714 = arith.constant 37 : i32
        %get3A_715 = arith.index_cast %get3A_714 : i32 to index
        %get3A_716 = arith.constant 0 : index
        %get3A_717 = tpu.vector_load %arg10[%get3A_715, %get3A_716] {strides = array<i32>} : memref<80x16xf32, #tpu.memory_space<vmem>>, vector<1x16xf32>,
        %get3A_718 = vector.shape_cast %get3A_717 : vector<1x16xf32> to vector<16xf32>
        %add3A_719 = arith.addf %get3A_718, %sub3A_638 : vector<16xf32>
        %swap3A_720 = arith.constant 4 : i32
        %swap3A_721 = arith.index_cast %swap3A_720 : i32 to index
        %swap3A_722 = arith.constant 80 : index
        %swap3A_723 = tpu.vector_load %arg12[%swap3A_721, %swap3A_722] {strides = array<i32>} : memref<10x128xf32, #tpu.memory_space<vmem>>, vector<1x16xf32>,
        %swap3A_724 = vector.shape_cast %swap3A_723 : vector<1x16xf32> to vector<16xf32>
        %swap3A_725 = vector.shape_cast %add3A_719 : vector<16xf32> to vector<1x16xf32>
        tpu.vector_store %arg12[%swap3A_721, %swap3A_722], %swap3A_725 {strides = array<i32>} : memref<10x128xf32, #tpu.memory_space<vmem>>, vector<1x16xf32>,
        %add3A_726 = arith.addf %add3A_711, %add3A_719 : vector<16xf32>
        %mul3A_727 = arith.mulf %add3A_719, %add3A_719 : vector<16xf32>
        %add3A_728 = arith.addf %add3A_713, %mul3A_727 : vector<16xf32>
        %get3A_729 = arith.constant 38 : i32
        %get3A_730 = arith.index_cast %get3A_729 : i32 to index
        %get3A_731 = arith.constant 0 : index
        %get3A_732 = tpu.vector_load %arg10[%get3A_730, %get3A_731] {strides = array<i32>} : memref<80x16xf32, #tpu.memory_space<vmem>>, vector<1x16xf32>,
        %get3A_733 = vector.shape_cast %get3A_732 : vector<1x16xf32> to vector<16xf32>
        %add3A_734 = arith.addf %get3A_733, %sub3A_638 : vector<16xf32>
        %swap3A_735 = arith.constant 4 : i32
        %swap3A_736 = arith.index_cast %swap3A_735 : i32 to index
        %swap3A_737 = arith.constant 96 : index
        %swap3A_738 = tpu.vector_load %arg12[%swap3A_736, %swap3A_737] {strides = array<i32>} : memref<10x128xf32, #tpu.memory_space<vmem>>, vector<1x16xf32>,
        %swap3A_739 = vector.shape_cast %swap3A_738 : vector<1x16xf32> to vector<16xf32>
        %swap3A_740 = vector.shape_cast %add3A_734 : vector<16xf32> to vector<1x16xf32>
        tpu.vector_store %arg12[%swap3A_736, %swap3A_737], %swap3A_740 {strides = array<i32>} : memref<10x128xf32, #tpu.memory_space<vmem>>, vector<1x16xf32>,
        %add3A_741 = arith.addf %add3A_726, %add3A_734 : vector<16xf32>
        %mul3A_742 = arith.mulf %add3A_734, %add3A_734 : vector<16xf32>
        %add3A_743 = arith.addf %add3A_728, %mul3A_742 : vector<16xf32>
        %get3A_744 = arith.constant 39 : i32
        %get3A_745 = arith.index_cast %get3A_744 : i32 to index
        %get3A_746 = arith.constant 0 : index
        %get3A_747 = tpu.vector_load %arg10[%get3A_745, %get3A_746] {strides = array<i32>} : memref<80x16xf32, #tpu.memory_space<vmem>>, vector<1x16xf32>,
        %get3A_748 = vector.shape_cast %get3A_747 : vector<1x16xf32> to vector<16xf32>
        %add3A_749 = arith.addf %get3A_748, %sub3A_638 : vector<16xf32>
        %swap3A_750 = arith.constant 4 : i32
        %swap3A_751 = arith.index_cast %swap3A_750 : i32 to index
        %swap3A_752 = arith.constant 112 : index
        %swap3A_753 = tpu.vector_load %arg12[%swap3A_751, %swap3A_752] {strides = array<i32>} : memref<10x128xf32, #tpu.memory_space<vmem>>, vector<1x16xf32>,
        %swap3A_754 = vector.shape_cast %swap3A_753 : vector<1x16xf32> to vector<16xf32>
        %swap3A_755 = vector.shape_cast %add3A_749 : vector<16xf32> to vector<1x16xf32>
        tpu.vector_store %arg12[%swap3A_751, %swap3A_752], %swap3A_755 {strides = array<i32>} : memref<10x128xf32, #tpu.memory_space<vmem>>, vector<1x16xf32>,
        %add3A_756 = arith.addf %add3A_741, %add3A_749 : vector<16xf32>
        %mul3A_757 = arith.mulf %add3A_749, %add3A_749 : vector<16xf32>
        %add3A_758 = arith.addf %add3A_743, %mul3A_757 : vector<16xf32>
        %add3A_759 = arith.constant 2 : i32
        %add3A_760 = arith.addi %mul3A_77, %add3A_759 : i32
        %get3A_761 = arith.index_cast %add3A_760 : i32 to index
        %get3A_762 = arith.constant 0 : index
        %get3A_763 = tpu.vector_load %arg8[%get3A_761, %get3A_762] {strides = array<i32>} : memref<625x16xf32, #tpu.memory_space<vmem>>, vector<1x16xf32>,
        %get3A_764 = vector.shape_cast %get3A_763 : vector<1x16xf32> to vector<16xf32>
        %sub3A_765 = arith.subf %get3A_44, %get3A_764 : vector<16xf32>
        %get3A_766 = arith.constant 40 : i32
        %get3A_767 = arith.index_cast %get3A_766 : i32 to index
        %get3A_768 = arith.constant 0 : index
        %get3A_769 = tpu.vector_load %arg10[%get3A_767, %get3A_768] {strides = array<i32>} : memref<80x16xf32, #tpu.memory_space<vmem>>, vector<1x16xf32>,
        %get3A_770 = vector.shape_cast %get3A_769 : vector<1x16xf32> to vector<16xf32>
        %add3A_771 = arith.addf %get3A_770, %sub3A_765 : vector<16xf32>
        %swap3A_772 = arith.constant 5 : i32
        %swap3A_773 = arith.index_cast %swap3A_772 : i32 to index
        %swap3A_774 = arith.constant 0 : index
        %swap3A_775 = tpu.vector_load %arg12[%swap3A_773, %swap3A_774] {strides = array<i32>} : memref<10x128xf32, #tpu.memory_space<vmem>>, vector<1x16xf32>,
        %swap3A_776 = vector.shape_cast %swap3A_775 : vector<1x16xf32> to vector<16xf32>
        %swap3A_777 = vector.shape_cast %add3A_771 : vector<16xf32> to vector<1x16xf32>
        tpu.vector_store %arg12[%swap3A_773, %swap3A_774], %swap3A_777 {strides = array<i32>} : memref<10x128xf32, #tpu.memory_space<vmem>>, vector<1x16xf32>,
        %add3A_778 = arith.addf %add3A_756, %add3A_771 : vector<16xf32>
        %mul3A_779 = arith.mulf %add3A_771, %add3A_771 : vector<16xf32>
        %add3A_780 = arith.addf %add3A_758, %mul3A_779 : vector<16xf32>
        %get3A_781 = arith.constant 41 : i32
        %get3A_782 = arith.index_cast %get3A_781 : i32 to index
        %get3A_783 = arith.constant 0 : index
        %get3A_784 = tpu.vector_load %arg10[%get3A_782, %get3A_783] {strides = array<i32>} : memref<80x16xf32, #tpu.memory_space<vmem>>, vector<1x16xf32>,
        %get3A_785 = vector.shape_cast %get3A_784 : vector<1x16xf32> to vector<16xf32>
        %add3A_786 = arith.addf %get3A_785, %sub3A_765 : vector<16xf32>
        %swap3A_787 = arith.constant 5 : i32
        %swap3A_788 = arith.index_cast %swap3A_787 : i32 to index
        %swap3A_789 = arith.constant 16 : index
        %swap3A_790 = tpu.vector_load %arg12[%swap3A_788, %swap3A_789] {strides = array<i32>} : memref<10x128xf32, #tpu.memory_space<vmem>>, vector<1x16xf32>,
        %swap3A_791 = vector.shape_cast %swap3A_790 : vector<1x16xf32> to vector<16xf32>
        %swap3A_792 = vector.shape_cast %add3A_786 : vector<16xf32> to vector<1x16xf32>
        tpu.vector_store %arg12[%swap3A_788, %swap3A_789], %swap3A_792 {strides = array<i32>} : memref<10x128xf32, #tpu.memory_space<vmem>>, vector<1x16xf32>,
        %add3A_793 = arith.addf %add3A_778, %add3A_786 : vector<16xf32>
        %mul3A_794 = arith.mulf %add3A_786, %add3A_786 : vector<16xf32>
        %add3A_795 = arith.addf %add3A_780, %mul3A_794 : vector<16xf32>
        %get3A_796 = arith.constant 42 : i32
        %get3A_797 = arith.index_cast %get3A_796 : i32 to index
        %get3A_798 = arith.constant 0 : index
        %get3A_799 = tpu.vector_load %arg10[%get3A_797, %get3A_798] {strides = array<i32>} : memref<80x16xf32, #tpu.memory_space<vmem>>, vector<1x16xf32>,
        %get3A_800 = vector.shape_cast %get3A_799 : vector<1x16xf32> to vector<16xf32>
        %add3A_801 = arith.addf %get3A_800, %sub3A_765 : vector<16xf32>
        %swap3A_802 = arith.constant 5 : i32
        %swap3A_803 = arith.index_cast %swap3A_802 : i32 to index
        %swap3A_804 = arith.constant 32 : index
        %swap3A_805 = tpu.vector_load %arg12[%swap3A_803, %swap3A_804] {strides = array<i32>} : memref<10x128xf32, #tpu.memory_space<vmem>>, vector<1x16xf32>,
        %swap3A_806 = vector.shape_cast %swap3A_805 : vector<1x16xf32> to vector<16xf32>
        %swap3A_807 = vector.shape_cast %add3A_801 : vector<16xf32> to vector<1x16xf32>
        tpu.vector_store %arg12[%swap3A_803, %swap3A_804], %swap3A_807 {strides = array<i32>} : memref<10x128xf32, #tpu.memory_space<vmem>>, vector<1x16xf32>,
        %add3A_808 = arith.addf %add3A_793, %add3A_801 : vector<16xf32>
        %mul3A_809 = arith.mulf %add3A_801, %add3A_801 : vector<16xf32>
        %add3A_810 = arith.addf %add3A_795, %mul3A_809 : vector<16xf32>
        %get3A_811 = arith.constant 43 : i32
        %get3A_812 = arith.index_cast %get3A_811 : i32 to index
        %get3A_813 = arith.constant 0 : index
        %get3A_814 = tpu.vector_load %arg10[%get3A_812, %get3A_813] {strides = array<i32>} : memref<80x16xf32, #tpu.memory_space<vmem>>, vector<1x16xf32>,
        %get3A_815 = vector.shape_cast %get3A_814 : vector<1x16xf32> to vector<16xf32>
        %add3A_816 = arith.addf %get3A_815, %sub3A_765 : vector<16xf32>
        %swap3A_817 = arith.constant 5 : i32
        %swap3A_818 = arith.index_cast %swap3A_817 : i32 to index
        %swap3A_819 = arith.constant 48 : index
        %swap3A_820 = tpu.vector_load %arg12[%swap3A_818, %swap3A_819] {strides = array<i32>} : memref<10x128xf32, #tpu.memory_space<vmem>>, vector<1x16xf32>,
        %swap3A_821 = vector.shape_cast %swap3A_820 : vector<1x16xf32> to vector<16xf32>
        %swap3A_822 = vector.shape_cast %add3A_816 : vector<16xf32> to vector<1x16xf32>
        tpu.vector_store %arg12[%swap3A_818, %swap3A_819], %swap3A_822 {strides = array<i32>} : memref<10x128xf32, #tpu.memory_space<vmem>>, vector<1x16xf32>,
        %add3A_823 = arith.addf %add3A_808, %add3A_816 : vector<16xf32>
        %mul3A_824 = arith.mulf %add3A_816, %add3A_816 : vector<16xf32>
        %add3A_825 = arith.addf %add3A_810, %mul3A_824 : vector<16xf32>
        %get3A_826 = arith.constant 44 : i32
        %get3A_827 = arith.index_cast %get3A_826 : i32 to index
        %get3A_828 = arith.constant 0 : index
        %get3A_829 = tpu.vector_load %arg10[%get3A_827, %get3A_828] {strides = array<i32>} : memref<80x16xf32, #tpu.memory_space<vmem>>, vector<1x16xf32>,
        %get3A_830 = vector.shape_cast %get3A_829 : vector<1x16xf32> to vector<16xf32>
        %add3A_831 = arith.addf %get3A_830, %sub3A_765 : vector<16xf32>
        %swap3A_832 = arith.constant 5 : i32
        %swap3A_833 = arith.index_cast %swap3A_832 : i32 to index
        %swap3A_834 = arith.constant 64 : index
        %swap3A_835 = tpu.vector_load %arg12[%swap3A_833, %swap3A_834] {strides = array<i32>} : memref<10x128xf32, #tpu.memory_space<vmem>>, vector<1x16xf32>,
        %swap3A_836 = vector.shape_cast %swap3A_835 : vector<1x16xf32> to vector<16xf32>
        %swap3A_837 = vector.shape_cast %add3A_831 : vector<16xf32> to vector<1x16xf32>
        tpu.vector_store %arg12[%swap3A_833, %swap3A_834], %swap3A_837 {strides = array<i32>} : memref<10x128xf32, #tpu.memory_space<vmem>>, vector<1x16xf32>,
        %add3A_838 = arith.addf %add3A_823, %add3A_831 : vector<16xf32>
        %mul3A_839 = arith.mulf %add3A_831, %add3A_831 : vector<16xf32>
        %add3A_840 = arith.addf %add3A_825, %mul3A_839 : vector<16xf32>
        %get3A_841 = arith.constant 45 : i32
        %get3A_842 = arith.index_cast %get3A_841 : i32 to index
        %get3A_843 = arith.constant 0 : index
        %get3A_844 = tpu.vector_load %arg10[%get3A_842, %get3A_843] {strides = array<i32>} : memref<80x16xf32, #tpu.memory_space<vmem>>, vector<1x16xf32>,
        %get3A_845 = vector.shape_cast %get3A_844 : vector<1x16xf32> to vector<16xf32>
        %add3A_846 = arith.addf %get3A_845, %sub3A_765 : vector<16xf32>
        %swap3A_847 = arith.constant 5 : i32
        %swap3A_848 = arith.index_cast %swap3A_847 : i32 to index
        %swap3A_849 = arith.constant 80 : index
        %swap3A_850 = tpu.vector_load %arg12[%swap3A_848, %swap3A_849] {strides = array<i32>} : memref<10x128xf32, #tpu.memory_space<vmem>>, vector<1x16xf32>,
        %swap3A_851 = vector.shape_cast %swap3A_850 : vector<1x16xf32> to vector<16xf32>
        %swap3A_852 = vector.shape_cast %add3A_846 : vector<16xf32> to vector<1x16xf32>
        tpu.vector_store %arg12[%swap3A_848, %swap3A_849], %swap3A_852 {strides = array<i32>} : memref<10x128xf32, #tpu.memory_space<vmem>>, vector<1x16xf32>,
        %add3A_853 = arith.addf %add3A_838, %add3A_846 : vector<16xf32>
        %mul3A_854 = arith.mulf %add3A_846, %add3A_846 : vector<16xf32>
        %add3A_855 = arith.addf %add3A_840, %mul3A_854 : vector<16xf32>
        %get3A_856 = arith.constant 46 : i32
        %get3A_857 = arith.index_cast %get3A_856 : i32 to index
        %get3A_858 = arith.constant 0 : index
        %get3A_859 = tpu.vector_load %arg10[%get3A_857, %get3A_858] {strides = array<i32>} : memref<80x16xf32, #tpu.memory_space<vmem>>, vector<1x16xf32>,
        %get3A_860 = vector.shape_cast %get3A_859 : vector<1x16xf32> to vector<16xf32>
        %add3A_861 = arith.addf %get3A_860, %sub3A_765 : vector<16xf32>
        %swap3A_862 = arith.constant 5 : i32
        %swap3A_863 = arith.index_cast %swap3A_862 : i32 to index
        %swap3A_864 = arith.constant 96 : index
        %swap3A_865 = tpu.vector_load %arg12[%swap3A_863, %swap3A_864] {strides = array<i32>} : memref<10x128xf32, #tpu.memory_space<vmem>>, vector<1x16xf32>,
        %swap3A_866 = vector.shape_cast %swap3A_865 : vector<1x16xf32> to vector<16xf32>
        %swap3A_867 = vector.shape_cast %add3A_861 : vector<16xf32> to vector<1x16xf32>
        tpu.vector_store %arg12[%swap3A_863, %swap3A_864], %swap3A_867 {strides = array<i32>} : memref<10x128xf32, #tpu.memory_space<vmem>>, vector<1x16xf32>,
        %add3A_868 = arith.addf %add3A_853, %add3A_861 : vector<16xf32>
        %mul3A_869 = arith.mulf %add3A_861, %add3A_861 : vector<16xf32>
        %add3A_870 = arith.addf %add3A_855, %mul3A_869 : vector<16xf32>
        %get3A_871 = arith.constant 47 : i32
        %get3A_872 = arith.index_cast %get3A_871 : i32 to index
        %get3A_873 = arith.constant 0 : index
        %get3A_874 = tpu.vector_load %arg10[%get3A_872, %get3A_873] {strides = array<i32>} : memref<80x16xf32, #tpu.memory_space<vmem>>, vector<1x16xf32>,
        %get3A_875 = vector.shape_cast %get3A_874 : vector<1x16xf32> to vector<16xf32>
        %add3A_876 = arith.addf %get3A_875, %sub3A_765 : vector<16xf32>
        %swap3A_877 = arith.constant 5 : i32
        %swap3A_878 = arith.index_cast %swap3A_877 : i32 to index
        %swap3A_879 = arith.constant 112 : index
        %swap3A_880 = tpu.vector_load %arg12[%swap3A_878, %swap3A_879] {strides = array<i32>} : memref<10x128xf32, #tpu.memory_space<vmem>>, vector<1x16xf32>,
        %swap3A_881 = vector.shape_cast %swap3A_880 : vector<1x16xf32> to vector<16xf32>
        %swap3A_882 = vector.shape_cast %add3A_876 : vector<16xf32> to vector<1x16xf32>
        tpu.vector_store %arg12[%swap3A_878, %swap3A_879], %swap3A_882 {strides = array<i32>} : memref<10x128xf32, #tpu.memory_space<vmem>>, vector<1x16xf32>,
        %add3A_883 = arith.addf %add3A_868, %add3A_876 : vector<16xf32>
        %mul3A_884 = arith.mulf %add3A_876, %add3A_876 : vector<16xf32>
        %add3A_885 = arith.addf %add3A_870, %mul3A_884 : vector<16xf32>
        %add3A_886 = arith.constant 3 : i32
        %add3A_887 = arith.addi %mul3A_77, %add3A_886 : i32
        %get3A_888 = arith.index_cast %add3A_887 : i32 to index
        %get3A_889 = arith.constant 0 : index
        %get3A_890 = tpu.vector_load %arg8[%get3A_888, %get3A_889] {strides = array<i32>} : memref<625x16xf32, #tpu.memory_space<vmem>>, vector<1x16xf32>,
        %get3A_891 = vector.shape_cast %get3A_890 : vector<1x16xf32> to vector<16xf32>
        %sub3A_892 = arith.subf %get3A_44, %get3A_891 : vector<16xf32>
        %get3A_893 = arith.constant 48 : i32
        %get3A_894 = arith.index_cast %get3A_893 : i32 to index
        %get3A_895 = arith.constant 0 : index
        %get3A_896 = tpu.vector_load %arg10[%get3A_894, %get3A_895] {strides = array<i32>} : memref<80x16xf32, #tpu.memory_space<vmem>>, vector<1x16xf32>,
        %get3A_897 = vector.shape_cast %get3A_896 : vector<1x16xf32> to vector<16xf32>
        %add3A_898 = arith.addf %get3A_897, %sub3A_892 : vector<16xf32>
        %swap3A_899 = arith.constant 6 : i32
        %swap3A_900 = arith.index_cast %swap3A_899 : i32 to index
        %swap3A_901 = arith.constant 0 : index
        %swap3A_902 = tpu.vector_load %arg12[%swap3A_900, %swap3A_901] {strides = array<i32>} : memref<10x128xf32, #tpu.memory_space<vmem>>, vector<1x16xf32>,
        %swap3A_903 = vector.shape_cast %swap3A_902 : vector<1x16xf32> to vector<16xf32>
        %swap3A_904 = vector.shape_cast %add3A_898 : vector<16xf32> to vector<1x16xf32>
        tpu.vector_store %arg12[%swap3A_900, %swap3A_901], %swap3A_904 {strides = array<i32>} : memref<10x128xf32, #tpu.memory_space<vmem>>, vector<1x16xf32>,
        %add3A_905 = arith.addf %add3A_883, %add3A_898 : vector<16xf32>
        %mul3A_906 = arith.mulf %add3A_898, %add3A_898 : vector<16xf32>
        %add3A_907 = arith.addf %add3A_885, %mul3A_906 : vector<16xf32>
        %get3A_908 = arith.constant 49 : i32
        %get3A_909 = arith.index_cast %get3A_908 : i32 to index
        %get3A_910 = arith.constant 0 : index
        %get3A_911 = tpu.vector_load %arg10[%get3A_909, %get3A_910] {strides = array<i32>} : memref<80x16xf32, #tpu.memory_space<vmem>>, vector<1x16xf32>,
        %get3A_912 = vector.shape_cast %get3A_911 : vector<1x16xf32> to vector<16xf32>
        %add3A_913 = arith.addf %get3A_912, %sub3A_892 : vector<16xf32>
        %swap3A_914 = arith.constant 6 : i32
        %swap3A_915 = arith.index_cast %swap3A_914 : i32 to index
        %swap3A_916 = arith.constant 16 : index
        %swap3A_917 = tpu.vector_load %arg12[%swap3A_915, %swap3A_916] {strides = array<i32>} : memref<10x128xf32, #tpu.memory_space<vmem>>, vector<1x16xf32>,
        %swap3A_918 = vector.shape_cast %swap3A_917 : vector<1x16xf32> to vector<16xf32>
        %swap3A_919 = vector.shape_cast %add3A_913 : vector<16xf32> to vector<1x16xf32>
        tpu.vector_store %arg12[%swap3A_915, %swap3A_916], %swap3A_919 {strides = array<i32>} : memref<10x128xf32, #tpu.memory_space<vmem>>, vector<1x16xf32>,
        %add3A_920 = arith.addf %add3A_905, %add3A_913 : vector<16xf32>
        %mul3A_921 = arith.mulf %add3A_913, %add3A_913 : vector<16xf32>
        %add3A_922 = arith.addf %add3A_907, %mul3A_921 : vector<16xf32>
        %get3A_923 = arith.constant 50 : i32
        %get3A_924 = arith.index_cast %get3A_923 : i32 to index
        %get3A_925 = arith.constant 0 : index
        %get3A_926 = tpu.vector_load %arg10[%get3A_924, %get3A_925] {strides = array<i32>} : memref<80x16xf32, #tpu.memory_space<vmem>>, vector<1x16xf32>,
        %get3A_927 = vector.shape_cast %get3A_926 : vector<1x16xf32> to vector<16xf32>
        %add3A_928 = arith.addf %get3A_927, %sub3A_892 : vector<16xf32>
        %swap3A_929 = arith.constant 6 : i32
        %swap3A_930 = arith.index_cast %swap3A_929 : i32 to index
        %swap3A_931 = arith.constant 32 : index
        %swap3A_932 = tpu.vector_load %arg12[%swap3A_930, %swap3A_931] {strides = array<i32>} : memref<10x128xf32, #tpu.memory_space<vmem>>, vector<1x16xf32>,
        %swap3A_933 = vector.shape_cast %swap3A_932 : vector<1x16xf32> to vector<16xf32>
        %swap3A_934 = vector.shape_cast %add3A_928 : vector<16xf32> to vector<1x16xf32>
        tpu.vector_store %arg12[%swap3A_930, %swap3A_931], %swap3A_934 {strides = array<i32>} : memref<10x128xf32, #tpu.memory_space<vmem>>, vector<1x16xf32>,
        %add3A_935 = arith.addf %add3A_920, %add3A_928 : vector<16xf32>
        %mul3A_936 = arith.mulf %add3A_928, %add3A_928 : vector<16xf32>
        %add3A_937 = arith.addf %add3A_922, %mul3A_936 : vector<16xf32>
        %get3A_938 = arith.constant 51 : i32
        %get3A_939 = arith.index_cast %get3A_938 : i32 to index
        %get3A_940 = arith.constant 0 : index
        %get3A_941 = tpu.vector_load %arg10[%get3A_939, %get3A_940] {strides = array<i32>} : memref<80x16xf32, #tpu.memory_space<vmem>>, vector<1x16xf32>,
        %get3A_942 = vector.shape_cast %get3A_941 : vector<1x16xf32> to vector<16xf32>
        %add3A_943 = arith.addf %get3A_942, %sub3A_892 : vector<16xf32>
        %swap3A_944 = arith.constant 6 : i32
        %swap3A_945 = arith.index_cast %swap3A_944 : i32 to index
        %swap3A_946 = arith.constant 48 : index
        %swap3A_947 = tpu.vector_load %arg12[%swap3A_945, %swap3A_946] {strides = array<i32>} : memref<10x128xf32, #tpu.memory_space<vmem>>, vector<1x16xf32>,
        %swap3A_948 = vector.shape_cast %swap3A_947 : vector<1x16xf32> to vector<16xf32>
        %swap3A_949 = vector.shape_cast %add3A_943 : vector<16xf32> to vector<1x16xf32>
        tpu.vector_store %arg12[%swap3A_945, %swap3A_946], %swap3A_949 {strides = array<i32>} : memref<10x128xf32, #tpu.memory_space<vmem>>, vector<1x16xf32>,
        %add3A_950 = arith.addf %add3A_935, %add3A_943 : vector<16xf32>
        %mul3A_951 = arith.mulf %add3A_943, %add3A_943 : vector<16xf32>
        %add3A_952 = arith.addf %add3A_937, %mul3A_951 : vector<16xf32>
        %get3A_953 = arith.constant 52 : i32
        %get3A_954 = arith.index_cast %get3A_953 : i32 to index
        %get3A_955 = arith.constant 0 : index
        %get3A_956 = tpu.vector_load %arg10[%get3A_954, %get3A_955] {strides = array<i32>} : memref<80x16xf32, #tpu.memory_space<vmem>>, vector<1x16xf32>,
        %get3A_957 = vector.shape_cast %get3A_956 : vector<1x16xf32> to vector<16xf32>
        %add3A_958 = arith.addf %get3A_957, %sub3A_892 : vector<16xf32>
        %swap3A_959 = arith.constant 6 : i32
        %swap3A_960 = arith.index_cast %swap3A_959 : i32 to index
        %swap3A_961 = arith.constant 64 : index
        %swap3A_962 = tpu.vector_load %arg12[%swap3A_960, %swap3A_961] {strides = array<i32>} : memref<10x128xf32, #tpu.memory_space<vmem>>, vector<1x16xf32>,
        %swap3A_963 = vector.shape_cast %swap3A_962 : vector<1x16xf32> to vector<16xf32>
        %swap3A_964 = vector.shape_cast %add3A_958 : vector<16xf32> to vector<1x16xf32>
        tpu.vector_store %arg12[%swap3A_960, %swap3A_961], %swap3A_964 {strides = array<i32>} : memref<10x128xf32, #tpu.memory_space<vmem>>, vector<1x16xf32>,
        %add3A_965 = arith.addf %add3A_950, %add3A_958 : vector<16xf32>
        %mul3A_966 = arith.mulf %add3A_958, %add3A_958 : vector<16xf32>
        %add3A_967 = arith.addf %add3A_952, %mul3A_966 : vector<16xf32>
        %get3A_968 = arith.constant 53 : i32
        %get3A_969 = arith.index_cast %get3A_968 : i32 to index
        %get3A_970 = arith.constant 0 : index
        %get3A_971 = tpu.vector_load %arg10[%get3A_969, %get3A_970] {strides = array<i32>} : memref<80x16xf32, #tpu.memory_space<vmem>>, vector<1x16xf32>,
        %get3A_972 = vector.shape_cast %get3A_971 : vector<1x16xf32> to vector<16xf32>
        %add3A_973 = arith.addf %get3A_972, %sub3A_892 : vector<16xf32>
        %swap3A_974 = arith.constant 6 : i32
        %swap3A_975 = arith.index_cast %swap3A_974 : i32 to index
        %swap3A_976 = arith.constant 80 : index
        %swap3A_977 = tpu.vector_load %arg12[%swap3A_975, %swap3A_976] {strides = array<i32>} : memref<10x128xf32, #tpu.memory_space<vmem>>, vector<1x16xf32>,
        %swap3A_978 = vector.shape_cast %swap3A_977 : vector<1x16xf32> to vector<16xf32>
        %swap3A_979 = vector.shape_cast %add3A_973 : vector<16xf32> to vector<1x16xf32>
        tpu.vector_store %arg12[%swap3A_975, %swap3A_976], %swap3A_979 {strides = array<i32>} : memref<10x128xf32, #tpu.memory_space<vmem>>, vector<1x16xf32>,
        %add3A_980 = arith.addf %add3A_965, %add3A_973 : vector<16xf32>
        %mul3A_981 = arith.mulf %add3A_973, %add3A_973 : vector<16xf32>
        %add3A_982 = arith.addf %add3A_967, %mul3A_981 : vector<16xf32>
        %get3A_983 = arith.constant 54 : i32
        %get3A_984 = arith.index_cast %get3A_983 : i32 to index
        %get3A_985 = arith.constant 0 : index
        %get3A_986 = tpu.vector_load %arg10[%get3A_984, %get3A_985] {strides = array<i32>} : memref<80x16xf32, #tpu.memory_space<vmem>>, vector<1x16xf32>,
        %get3A_987 = vector.shape_cast %get3A_986 : vector<1x16xf32> to vector<16xf32>
        %add3A_988 = arith.addf %get3A_987, %sub3A_892 : vector<16xf32>
        %swap3A_989 = arith.constant 6 : i32
        %swap3A_990 = arith.index_cast %swap3A_989 : i32 to index
        %swap3A_991 = arith.constant 96 : index
        %swap3A_992 = tpu.vector_load %arg12[%swap3A_990, %swap3A_991] {strides = array<i32>} : memref<10x128xf32, #tpu.memory_space<vmem>>, vector<1x16xf32>,
        %swap3A_993 = vector.shape_cast %swap3A_992 : vector<1x16xf32> to vector<16xf32>
        %swap3A_994 = vector.shape_cast %add3A_988 : vector<16xf32> to vector<1x16xf32>
        tpu.vector_store %arg12[%swap3A_990, %swap3A_991], %swap3A_994 {strides = array<i32>} : memref<10x128xf32, #tpu.memory_space<vmem>>, vector<1x16xf32>,
        %add3A_995 = arith.addf %add3A_980, %add3A_988 : vector<16xf32>
        %mul3A_996 = arith.mulf %add3A_988, %add3A_988 : vector<16xf32>
        %add3A_997 = arith.addf %add3A_982, %mul3A_996 : vector<16xf32>
        %get3A_998 = arith.constant 55 : i32
        %get3A_999 = arith.index_cast %get3A_998 : i32 to index
        %get3A_1000 = arith.constant 0 : index
        %get3A_1001 = tpu.vector_load %arg10[%get3A_999, %get3A_1000] {strides = array<i32>} : memref<80x16xf32, #tpu.memory_space<vmem>>, vector<1x16xf32>,
        %get3A_1002 = vector.shape_cast %get3A_1001 : vector<1x16xf32> to vector<16xf32>
        %add3A_1003 = arith.addf %get3A_1002, %sub3A_892 : vector<16xf32>
        %swap3A_1004 = arith.constant 6 : i32
        %swap3A_1005 = arith.index_cast %swap3A_1004 : i32 to index
        %swap3A_1006 = arith.constant 112 : index
        %swap3A_1007 = tpu.vector_load %arg12[%swap3A_1005, %swap3A_1006] {strides = array<i32>} : memref<10x128xf32, #tpu.memory_space<vmem>>, vector<1x16xf32>,
        %swap3A_1008 = vector.shape_cast %swap3A_1007 : vector<1x16xf32> to vector<16xf32>
        %swap3A_1009 = vector.shape_cast %add3A_1003 : vector<16xf32> to vector<1x16xf32>
        tpu.vector_store %arg12[%swap3A_1005, %swap3A_1006], %swap3A_1009 {strides = array<i32>} : memref<10x128xf32, #tpu.memory_space<vmem>>, vector<1x16xf32>,
        %add3A_1010 = arith.addf %add3A_995, %add3A_1003 : vector<16xf32>
        %mul3A_1011 = arith.mulf %add3A_1003, %add3A_1003 : vector<16xf32>
        %add3A_1012 = arith.addf %add3A_997, %mul3A_1011 : vector<16xf32>
        %add3A_1013 = arith.constant 3 : i32
        %add3A_1014 = arith.addi %mul3A_77, %add3A_1013 : i32
        %get3A_1015 = arith.index_cast %add3A_1014 : i32 to index
        %get3A_1016 = arith.constant 0 : index
        %get3A_1017 = tpu.vector_load %arg8[%get3A_1015, %get3A_1016] {strides = array<i32>} : memref<625x16xf32, #tpu.memory_space<vmem>>, vector<1x16xf32>,
        %get3A_1018 = vector.shape_cast %get3A_1017 : vector<1x16xf32> to vector<16xf32>
        %sub3A_1019 = arith.subf %get3A_44, %get3A_1018 : vector<16xf32>
        %get3A_1020 = arith.constant 56 : i32
        %get3A_1021 = arith.index_cast %get3A_1020 : i32 to index
        %get3A_1022 = arith.constant 0 : index
        %get3A_1023 = tpu.vector_load %arg10[%get3A_1021, %get3A_1022] {strides = array<i32>} : memref<80x16xf32, #tpu.memory_space<vmem>>, vector<1x16xf32>,
        %get3A_1024 = vector.shape_cast %get3A_1023 : vector<1x16xf32> to vector<16xf32>
        %add3A_1025 = arith.addf %get3A_1024, %sub3A_1019 : vector<16xf32>
        %swap3A_1026 = arith.constant 7 : i32
        %swap3A_1027 = arith.index_cast %swap3A_1026 : i32 to index
        %swap3A_1028 = arith.constant 0 : index
        %swap3A_1029 = tpu.vector_load %arg12[%swap3A_1027, %swap3A_1028] {strides = array<i32>} : memref<10x128xf32, #tpu.memory_space<vmem>>, vector<1x16xf32>,
        %swap3A_1030 = vector.shape_cast %swap3A_1029 : vector<1x16xf32> to vector<16xf32>
        %swap3A_1031 = vector.shape_cast %add3A_1025 : vector<16xf32> to vector<1x16xf32>
        tpu.vector_store %arg12[%swap3A_1027, %swap3A_1028], %swap3A_1031 {strides = array<i32>} : memref<10x128xf32, #tpu.memory_space<vmem>>, vector<1x16xf32>,
        %add3A_1032 = arith.addf %add3A_1010, %add3A_1025 : vector<16xf32>
        %mul3A_1033 = arith.mulf %add3A_1025, %add3A_1025 : vector<16xf32>
        %add3A_1034 = arith.addf %add3A_1012, %mul3A_1033 : vector<16xf32>
        %get3A_1035 = arith.constant 57 : i32
        %get3A_1036 = arith.index_cast %get3A_1035 : i32 to index
        %get3A_1037 = arith.constant 0 : index
        %get3A_1038 = tpu.vector_load %arg10[%get3A_1036, %get3A_1037] {strides = array<i32>} : memref<80x16xf32, #tpu.memory_space<vmem>>, vector<1x16xf32>,
        %get3A_1039 = vector.shape_cast %get3A_1038 : vector<1x16xf32> to vector<16xf32>
        %add3A_1040 = arith.addf %get3A_1039, %sub3A_1019 : vector<16xf32>
        %swap3A_1041 = arith.constant 7 : i32
        %swap3A_1042 = arith.index_cast %swap3A_1041 : i32 to index
        %swap3A_1043 = arith.constant 16 : index
        %swap3A_1044 = tpu.vector_load %arg12[%swap3A_1042, %swap3A_1043] {strides = array<i32>} : memref<10x128xf32, #tpu.memory_space<vmem>>, vector<1x16xf32>,
        %swap3A_1045 = vector.shape_cast %swap3A_1044 : vector<1x16xf32> to vector<16xf32>
        %swap3A_1046 = vector.shape_cast %add3A_1040 : vector<16xf32> to vector<1x16xf32>
        tpu.vector_store %arg12[%swap3A_1042, %swap3A_1043], %swap3A_1046 {strides = array<i32>} : memref<10x128xf32, #tpu.memory_space<vmem>>, vector<1x16xf32>,
        %add3A_1047 = arith.addf %add3A_1032, %add3A_1040 : vector<16xf32>
        %mul3A_1048 = arith.mulf %add3A_1040, %add3A_1040 : vector<16xf32>
        %add3A_1049 = arith.addf %add3A_1034, %mul3A_1048 : vector<16xf32>
        %get3A_1050 = arith.constant 58 : i32
        %get3A_1051 = arith.index_cast %get3A_1050 : i32 to index
        %get3A_1052 = arith.constant 0 : index
        %get3A_1053 = tpu.vector_load %arg10[%get3A_1051, %get3A_1052] {strides = array<i32>} : memref<80x16xf32, #tpu.memory_space<vmem>>, vector<1x16xf32>,
        %get3A_1054 = vector.shape_cast %get3A_1053 : vector<1x16xf32> to vector<16xf32>
        %add3A_1055 = arith.addf %get3A_1054, %sub3A_1019 : vector<16xf32>
        %swap3A_1056 = arith.constant 7 : i32
        %swap3A_1057 = arith.index_cast %swap3A_1056 : i32 to index
        %swap3A_1058 = arith.constant 32 : index
        %swap3A_1059 = tpu.vector_load %arg12[%swap3A_1057, %swap3A_1058] {strides = array<i32>} : memref<10x128xf32, #tpu.memory_space<vmem>>, vector<1x16xf32>,
        %swap3A_1060 = vector.shape_cast %swap3A_1059 : vector<1x16xf32> to vector<16xf32>
        %swap3A_1061 = vector.shape_cast %add3A_1055 : vector<16xf32> to vector<1x16xf32>
        tpu.vector_store %arg12[%swap3A_1057, %swap3A_1058], %swap3A_1061 {strides = array<i32>} : memref<10x128xf32, #tpu.memory_space<vmem>>, vector<1x16xf32>,
        %add3A_1062 = arith.addf %add3A_1047, %add3A_1055 : vector<16xf32>
        %mul3A_1063 = arith.mulf %add3A_1055, %add3A_1055 : vector<16xf32>
        %add3A_1064 = arith.addf %add3A_1049, %mul3A_1063 : vector<16xf32>
        %get3A_1065 = arith.constant 59 : i32
        %get3A_1066 = arith.index_cast %get3A_1065 : i32 to index
        %get3A_1067 = arith.constant 0 : index
        %get3A_1068 = tpu.vector_load %arg10[%get3A_1066, %get3A_1067] {strides = array<i32>} : memref<80x16xf32, #tpu.memory_space<vmem>>, vector<1x16xf32>,
        %get3A_1069 = vector.shape_cast %get3A_1068 : vector<1x16xf32> to vector<16xf32>
        %add3A_1070 = arith.addf %get3A_1069, %sub3A_1019 : vector<16xf32>
        %swap3A_1071 = arith.constant 7 : i32
        %swap3A_1072 = arith.index_cast %swap3A_1071 : i32 to index
        %swap3A_1073 = arith.constant 48 : index
        %swap3A_1074 = tpu.vector_load %arg12[%swap3A_1072, %swap3A_1073] {strides = array<i32>} : memref<10x128xf32, #tpu.memory_space<vmem>>, vector<1x16xf32>,
        %swap3A_1075 = vector.shape_cast %swap3A_1074 : vector<1x16xf32> to vector<16xf32>
        %swap3A_1076 = vector.shape_cast %add3A_1070 : vector<16xf32> to vector<1x16xf32>
        tpu.vector_store %arg12[%swap3A_1072, %swap3A_1073], %swap3A_1076 {strides = array<i32>} : memref<10x128xf32, #tpu.memory_space<vmem>>, vector<1x16xf32>,
        %add3A_1077 = arith.addf %add3A_1062, %add3A_1070 : vector<16xf32>
        %mul3A_1078 = arith.mulf %add3A_1070, %add3A_1070 : vector<16xf32>
        %add3A_1079 = arith.addf %add3A_1064, %mul3A_1078 : vector<16xf32>
        %get3A_1080 = arith.constant 60 : i32
        %get3A_1081 = arith.index_cast %get3A_1080 : i32 to index
        %get3A_1082 = arith.constant 0 : index
        %get3A_1083 = tpu.vector_load %arg10[%get3A_1081, %get3A_1082] {strides = array<i32>} : memref<80x16xf32, #tpu.memory_space<vmem>>, vector<1x16xf32>,
        %get3A_1084 = vector.shape_cast %get3A_1083 : vector<1x16xf32> to vector<16xf32>
        %add3A_1085 = arith.addf %get3A_1084, %sub3A_1019 : vector<16xf32>
        %swap3A_1086 = arith.constant 7 : i32
        %swap3A_1087 = arith.index_cast %swap3A_1086 : i32 to index
        %swap3A_1088 = arith.constant 64 : index
        %swap3A_1089 = tpu.vector_load %arg12[%swap3A_1087, %swap3A_1088] {strides = array<i32>} : memref<10x128xf32, #tpu.memory_space<vmem>>, vector<1x16xf32>,
        %swap3A_1090 = vector.shape_cast %swap3A_1089 : vector<1x16xf32> to vector<16xf32>
        %swap3A_1091 = vector.shape_cast %add3A_1085 : vector<16xf32> to vector<1x16xf32>
        tpu.vector_store %arg12[%swap3A_1087, %swap3A_1088], %swap3A_1091 {strides = array<i32>} : memref<10x128xf32, #tpu.memory_space<vmem>>, vector<1x16xf32>,
        %add3A_1092 = arith.addf %add3A_1077, %add3A_1085 : vector<16xf32>
        %mul3A_1093 = arith.mulf %add3A_1085, %add3A_1085 : vector<16xf32>
        %add3A_1094 = arith.addf %add3A_1079, %mul3A_1093 : vector<16xf32>
        %get3A_1095 = arith.constant 61 : i32
        %get3A_1096 = arith.index_cast %get3A_1095 : i32 to index
        %get3A_1097 = arith.constant 0 : index
        %get3A_1098 = tpu.vector_load %arg10[%get3A_1096, %get3A_1097] {strides = array<i32>} : memref<80x16xf32, #tpu.memory_space<vmem>>, vector<1x16xf32>,
        %get3A_1099 = vector.shape_cast %get3A_1098 : vector<1x16xf32> to vector<16xf32>
        %add3A_1100 = arith.addf %get3A_1099, %sub3A_1019 : vector<16xf32>
        %swap3A_1101 = arith.constant 7 : i32
        %swap3A_1102 = arith.index_cast %swap3A_1101 : i32 to index
        %swap3A_1103 = arith.constant 80 : index
        %swap3A_1104 = tpu.vector_load %arg12[%swap3A_1102, %swap3A_1103] {strides = array<i32>} : memref<10x128xf32, #tpu.memory_space<vmem>>, vector<1x16xf32>,
        %swap3A_1105 = vector.shape_cast %swap3A_1104 : vector<1x16xf32> to vector<16xf32>
        %swap3A_1106 = vector.shape_cast %add3A_1100 : vector<16xf32> to vector<1x16xf32>
        tpu.vector_store %arg12[%swap3A_1102, %swap3A_1103], %swap3A_1106 {strides = array<i32>} : memref<10x128xf32, #tpu.memory_space<vmem>>, vector<1x16xf32>,
        %add3A_1107 = arith.addf %add3A_1092, %add3A_1100 : vector<16xf32>
        %mul3A_1108 = arith.mulf %add3A_1100, %add3A_1100 : vector<16xf32>
        %add3A_1109 = arith.addf %add3A_1094, %mul3A_1108 : vector<16xf32>
        %get3A_1110 = arith.constant 62 : i32
        %get3A_1111 = arith.index_cast %get3A_1110 : i32 to index
        %get3A_1112 = arith.constant 0 : index
        %get3A_1113 = tpu.vector_load %arg10[%get3A_1111, %get3A_1112] {strides = array<i32>} : memref<80x16xf32, #tpu.memory_space<vmem>>, vector<1x16xf32>,
        %get3A_1114 = vector.shape_cast %get3A_1113 : vector<1x16xf32> to vector<16xf32>
        %add3A_1115 = arith.addf %get3A_1114, %sub3A_1019 : vector<16xf32>
        %swap3A_1116 = arith.constant 7 : i32
        %swap3A_1117 = arith.index_cast %swap3A_1116 : i32 to index
        %swap3A_1118 = arith.constant 96 : index
        %swap3A_1119 = tpu.vector_load %arg12[%swap3A_1117, %swap3A_1118] {strides = array<i32>} : memref<10x128xf32, #tpu.memory_space<vmem>>, vector<1x16xf32>,
        %swap3A_1120 = vector.shape_cast %swap3A_1119 : vector<1x16xf32> to vector<16xf32>
        %swap3A_1121 = vector.shape_cast %add3A_1115 : vector<16xf32> to vector<1x16xf32>
        tpu.vector_store %arg12[%swap3A_1117, %swap3A_1118], %swap3A_1121 {strides = array<i32>} : memref<10x128xf32, #tpu.memory_space<vmem>>, vector<1x16xf32>,
        %add3A_1122 = arith.addf %add3A_1107, %add3A_1115 : vector<16xf32>
        %mul3A_1123 = arith.mulf %add3A_1115, %add3A_1115 : vector<16xf32>
        %add3A_1124 = arith.addf %add3A_1109, %mul3A_1123 : vector<16xf32>
        %get3A_1125 = arith.constant 63 : i32
        %get3A_1126 = arith.index_cast %get3A_1125 : i32 to index
        %get3A_1127 = arith.constant 0 : index
        %get3A_1128 = tpu.vector_load %arg10[%get3A_1126, %get3A_1127] {strides = array<i32>} : memref<80x16xf32, #tpu.memory_space<vmem>>, vector<1x16xf32>,
        %get3A_1129 = vector.shape_cast %get3A_1128 : vector<1x16xf32> to vector<16xf32>
        %add3A_1130 = arith.addf %get3A_1129, %sub3A_1019 : vector<16xf32>
        %swap3A_1131 = arith.constant 7 : i32
        %swap3A_1132 = arith.index_cast %swap3A_1131 : i32 to index
        %swap3A_1133 = arith.constant 112 : index
        %swap3A_1134 = tpu.vector_load %arg12[%swap3A_1132, %swap3A_1133] {strides = array<i32>} : memref<10x128xf32, #tpu.memory_space<vmem>>, vector<1x16xf32>,
        %swap3A_1135 = vector.shape_cast %swap3A_1134 : vector<1x16xf32> to vector<16xf32>
        %swap3A_1136 = vector.shape_cast %add3A_1130 : vector<16xf32> to vector<1x16xf32>
        tpu.vector_store %arg12[%swap3A_1132, %swap3A_1133], %swap3A_1136 {strides = array<i32>} : memref<10x128xf32, #tpu.memory_space<vmem>>, vector<1x16xf32>,
        %add3A_1137 = arith.addf %add3A_1122, %add3A_1130 : vector<16xf32>
        %mul3A_1138 = arith.mulf %add3A_1130, %add3A_1130 : vector<16xf32>
        %add3A_1139 = arith.addf %add3A_1124, %mul3A_1138 : vector<16xf32>
        %add3A_1140 = arith.constant 4 : i32
        %add3A_1141 = arith.addi %mul3A_77, %add3A_1140 : i32
        %get3A_1142 = arith.index_cast %add3A_1141 : i32 to index
        %get3A_1143 = arith.constant 0 : index
        %get3A_1144 = tpu.vector_load %arg8[%get3A_1142, %get3A_1143] {strides = array<i32>} : memref<625x16xf32, #tpu.memory_space<vmem>>, vector<1x16xf32>,
        %get3A_1145 = vector.shape_cast %get3A_1144 : vector<1x16xf32> to vector<16xf32>
        %sub3A_1146 = arith.subf %get3A_44, %get3A_1145 : vector<16xf32>
        %get3A_1147 = arith.constant 64 : i32
        %get3A_1148 = arith.index_cast %get3A_1147 : i32 to index
        %get3A_1149 = arith.constant 0 : index
        %get3A_1150 = tpu.vector_load %arg10[%get3A_1148, %get3A_1149] {strides = array<i32>} : memref<80x16xf32, #tpu.memory_space<vmem>>, vector<1x16xf32>,
        %get3A_1151 = vector.shape_cast %get3A_1150 : vector<1x16xf32> to vector<16xf32>
        %add3A_1152 = arith.addf %get3A_1151, %sub3A_1146 : vector<16xf32>
        %swap3A_1153 = arith.constant 8 : i32
        %swap3A_1154 = arith.index_cast %swap3A_1153 : i32 to index
        %swap3A_1155 = arith.constant 0 : index
        %swap3A_1156 = tpu.vector_load %arg12[%swap3A_1154, %swap3A_1155] {strides = array<i32>} : memref<10x128xf32, #tpu.memory_space<vmem>>, vector<1x16xf32>,
        %swap3A_1157 = vector.shape_cast %swap3A_1156 : vector<1x16xf32> to vector<16xf32>
        %swap3A_1158 = vector.shape_cast %add3A_1152 : vector<16xf32> to vector<1x16xf32>
        tpu.vector_store %arg12[%swap3A_1154, %swap3A_1155], %swap3A_1158 {strides = array<i32>} : memref<10x128xf32, #tpu.memory_space<vmem>>, vector<1x16xf32>,
        %add3A_1159 = arith.addf %add3A_1137, %add3A_1152 : vector<16xf32>
        %mul3A_1160 = arith.mulf %add3A_1152, %add3A_1152 : vector<16xf32>
        %add3A_1161 = arith.addf %add3A_1139, %mul3A_1160 : vector<16xf32>
        %get3A_1162 = arith.constant 65 : i32
        %get3A_1163 = arith.index_cast %get3A_1162 : i32 to index
        %get3A_1164 = arith.constant 0 : index
        %get3A_1165 = tpu.vector_load %arg10[%get3A_1163, %get3A_1164] {strides = array<i32>} : memref<80x16xf32, #tpu.memory_space<vmem>>, vector<1x16xf32>,
        %get3A_1166 = vector.shape_cast %get3A_1165 : vector<1x16xf32> to vector<16xf32>
        %add3A_1167 = arith.addf %get3A_1166, %sub3A_1146 : vector<16xf32>
        %swap3A_1168 = arith.constant 8 : i32
        %swap3A_1169 = arith.index_cast %swap3A_1168 : i32 to index
        %swap3A_1170 = arith.constant 16 : index
        %swap3A_1171 = tpu.vector_load %arg12[%swap3A_1169, %swap3A_1170] {strides = array<i32>} : memref<10x128xf32, #tpu.memory_space<vmem>>, vector<1x16xf32>,
        %swap3A_1172 = vector.shape_cast %swap3A_1171 : vector<1x16xf32> to vector<16xf32>
        %swap3A_1173 = vector.shape_cast %add3A_1167 : vector<16xf32> to vector<1x16xf32>
        tpu.vector_store %arg12[%swap3A_1169, %swap3A_1170], %swap3A_1173 {strides = array<i32>} : memref<10x128xf32, #tpu.memory_space<vmem>>, vector<1x16xf32>,
        %add3A_1174 = arith.addf %add3A_1159, %add3A_1167 : vector<16xf32>
        %mul3A_1175 = arith.mulf %add3A_1167, %add3A_1167 : vector<16xf32>
        %add3A_1176 = arith.addf %add3A_1161, %mul3A_1175 : vector<16xf32>
        %get3A_1177 = arith.constant 66 : i32
        %get3A_1178 = arith.index_cast %get3A_1177 : i32 to index
        %get3A_1179 = arith.constant 0 : index
        %get3A_1180 = tpu.vector_load %arg10[%get3A_1178, %get3A_1179] {strides = array<i32>} : memref<80x16xf32, #tpu.memory_space<vmem>>, vector<1x16xf32>,
        %get3A_1181 = vector.shape_cast %get3A_1180 : vector<1x16xf32> to vector<16xf32>
        %add3A_1182 = arith.addf %get3A_1181, %sub3A_1146 : vector<16xf32>
        %swap3A_1183 = arith.constant 8 : i32
        %swap3A_1184 = arith.index_cast %swap3A_1183 : i32 to index
        %swap3A_1185 = arith.constant 32 : index
        %swap3A_1186 = tpu.vector_load %arg12[%swap3A_1184, %swap3A_1185] {strides = array<i32>} : memref<10x128xf32, #tpu.memory_space<vmem>>, vector<1x16xf32>,
        %swap3A_1187 = vector.shape_cast %swap3A_1186 : vector<1x16xf32> to vector<16xf32>
        %swap3A_1188 = vector.shape_cast %add3A_1182 : vector<16xf32> to vector<1x16xf32>
        tpu.vector_store %arg12[%swap3A_1184, %swap3A_1185], %swap3A_1188 {strides = array<i32>} : memref<10x128xf32, #tpu.memory_space<vmem>>, vector<1x16xf32>,
        %add3A_1189 = arith.addf %add3A_1174, %add3A_1182 : vector<16xf32>
        %mul3A_1190 = arith.mulf %add3A_1182, %add3A_1182 : vector<16xf32>
        %add3A_1191 = arith.addf %add3A_1176, %mul3A_1190 : vector<16xf32>
        %get3A_1192 = arith.constant 67 : i32
        %get3A_1193 = arith.index_cast %get3A_1192 : i32 to index
        %get3A_1194 = arith.constant 0 : index
        %get3A_1195 = tpu.vector_load %arg10[%get3A_1193, %get3A_1194] {strides = array<i32>} : memref<80x16xf32, #tpu.memory_space<vmem>>, vector<1x16xf32>,
        %get3A_1196 = vector.shape_cast %get3A_1195 : vector<1x16xf32> to vector<16xf32>
        %add3A_1197 = arith.addf %get3A_1196, %sub3A_1146 : vector<16xf32>
        %swap3A_1198 = arith.constant 8 : i32
        %swap3A_1199 = arith.index_cast %swap3A_1198 : i32 to index
        %swap3A_1200 = arith.constant 48 : index
        %swap3A_1201 = tpu.vector_load %arg12[%swap3A_1199, %swap3A_1200] {strides = array<i32>} : memref<10x128xf32, #tpu.memory_space<vmem>>, vector<1x16xf32>,
        %swap3A_1202 = vector.shape_cast %swap3A_1201 : vector<1x16xf32> to vector<16xf32>
        %swap3A_1203 = vector.shape_cast %add3A_1197 : vector<16xf32> to vector<1x16xf32>
        tpu.vector_store %arg12[%swap3A_1199, %swap3A_1200], %swap3A_1203 {strides = array<i32>} : memref<10x128xf32, #tpu.memory_space<vmem>>, vector<1x16xf32>,
        %add3A_1204 = arith.addf %add3A_1189, %add3A_1197 : vector<16xf32>
        %mul3A_1205 = arith.mulf %add3A_1197, %add3A_1197 : vector<16xf32>
        %add3A_1206 = arith.addf %add3A_1191, %mul3A_1205 : vector<16xf32>
        %get3A_1207 = arith.constant 68 : i32
        %get3A_1208 = arith.index_cast %get3A_1207 : i32 to index
        %get3A_1209 = arith.constant 0 : index
        %get3A_1210 = tpu.vector_load %arg10[%get3A_1208, %get3A_1209] {strides = array<i32>} : memref<80x16xf32, #tpu.memory_space<vmem>>, vector<1x16xf32>,
        %get3A_1211 = vector.shape_cast %get3A_1210 : vector<1x16xf32> to vector<16xf32>
        %add3A_1212 = arith.addf %get3A_1211, %sub3A_1146 : vector<16xf32>
        %swap3A_1213 = arith.constant 8 : i32
        %swap3A_1214 = arith.index_cast %swap3A_1213 : i32 to index
        %swap3A_1215 = arith.constant 64 : index
        %swap3A_1216 = tpu.vector_load %arg12[%swap3A_1214, %swap3A_1215] {strides = array<i32>} : memref<10x128xf32, #tpu.memory_space<vmem>>, vector<1x16xf32>,
        %swap3A_1217 = vector.shape_cast %swap3A_1216 : vector<1x16xf32> to vector<16xf32>
        %swap3A_1218 = vector.shape_cast %add3A_1212 : vector<16xf32> to vector<1x16xf32>
        tpu.vector_store %arg12[%swap3A_1214, %swap3A_1215], %swap3A_1218 {strides = array<i32>} : memref<10x128xf32, #tpu.memory_space<vmem>>, vector<1x16xf32>,
        %add3A_1219 = arith.addf %add3A_1204, %add3A_1212 : vector<16xf32>
        %mul3A_1220 = arith.mulf %add3A_1212, %add3A_1212 : vector<16xf32>
        %add3A_1221 = arith.addf %add3A_1206, %mul3A_1220 : vector<16xf32>
        %get3A_1222 = arith.constant 69 : i32
        %get3A_1223 = arith.index_cast %get3A_1222 : i32 to index
        %get3A_1224 = arith.constant 0 : index
        %get3A_1225 = tpu.vector_load %arg10[%get3A_1223, %get3A_1224] {strides = array<i32>} : memref<80x16xf32, #tpu.memory_space<vmem>>, vector<1x16xf32>,
        %get3A_1226 = vector.shape_cast %get3A_1225 : vector<1x16xf32> to vector<16xf32>
        %add3A_1227 = arith.addf %get3A_1226, %sub3A_1146 : vector<16xf32>
        %swap3A_1228 = arith.constant 8 : i32
        %swap3A_1229 = arith.index_cast %swap3A_1228 : i32 to index
        %swap3A_1230 = arith.constant 80 : index
        %swap3A_1231 = tpu.vector_load %arg12[%swap3A_1229, %swap3A_1230] {strides = array<i32>} : memref<10x128xf32, #tpu.memory_space<vmem>>, vector<1x16xf32>,
        %swap3A_1232 = vector.shape_cast %swap3A_1231 : vector<1x16xf32> to vector<16xf32>
        %swap3A_1233 = vector.shape_cast %add3A_1227 : vector<16xf32> to vector<1x16xf32>
        tpu.vector_store %arg12[%swap3A_1229, %swap3A_1230], %swap3A_1233 {strides = array<i32>} : memref<10x128xf32, #tpu.memory_space<vmem>>, vector<1x16xf32>,
        %add3A_1234 = arith.addf %add3A_1219, %add3A_1227 : vector<16xf32>
        %mul3A_1235 = arith.mulf %add3A_1227, %add3A_1227 : vector<16xf32>
        %add3A_1236 = arith.addf %add3A_1221, %mul3A_1235 : vector<16xf32>
        %get3A_1237 = arith.constant 70 : i32
        %get3A_1238 = arith.index_cast %get3A_1237 : i32 to index
        %get3A_1239 = arith.constant 0 : index
        %get3A_1240 = tpu.vector_load %arg10[%get3A_1238, %get3A_1239] {strides = array<i32>} : memref<80x16xf32, #tpu.memory_space<vmem>>, vector<1x16xf32>,
        %get3A_1241 = vector.shape_cast %get3A_1240 : vector<1x16xf32> to vector<16xf32>
        %add3A_1242 = arith.addf %get3A_1241, %sub3A_1146 : vector<16xf32>
        %swap3A_1243 = arith.constant 8 : i32
        %swap3A_1244 = arith.index_cast %swap3A_1243 : i32 to index
        %swap3A_1245 = arith.constant 96 : index
        %swap3A_1246 = tpu.vector_load %arg12[%swap3A_1244, %swap3A_1245] {strides = array<i32>} : memref<10x128xf32, #tpu.memory_space<vmem>>, vector<1x16xf32>,
        %swap3A_1247 = vector.shape_cast %swap3A_1246 : vector<1x16xf32> to vector<16xf32>
        %swap3A_1248 = vector.shape_cast %add3A_1242 : vector<16xf32> to vector<1x16xf32>
        tpu.vector_store %arg12[%swap3A_1244, %swap3A_1245], %swap3A_1248 {strides = array<i32>} : memref<10x128xf32, #tpu.memory_space<vmem>>, vector<1x16xf32>,
        %add3A_1249 = arith.addf %add3A_1234, %add3A_1242 : vector<16xf32>
        %mul3A_1250 = arith.mulf %add3A_1242, %add3A_1242 : vector<16xf32>
        %add3A_1251 = arith.addf %add3A_1236, %mul3A_1250 : vector<16xf32>
        %get3A_1252 = arith.constant 71 : i32
        %get3A_1253 = arith.index_cast %get3A_1252 : i32 to index
        %get3A_1254 = arith.constant 0 : index
        %get3A_1255 = tpu.vector_load %arg10[%get3A_1253, %get3A_1254] {strides = array<i32>} : memref<80x16xf32, #tpu.memory_space<vmem>>, vector<1x16xf32>,
        %get3A_1256 = vector.shape_cast %get3A_1255 : vector<1x16xf32> to vector<16xf32>
        %add3A_1257 = arith.addf %get3A_1256, %sub3A_1146 : vector<16xf32>
        %swap3A_1258 = arith.constant 8 : i32
        %swap3A_1259 = arith.index_cast %swap3A_1258 : i32 to index
        %swap3A_1260 = arith.constant 112 : index
        %swap3A_1261 = tpu.vector_load %arg12[%swap3A_1259, %swap3A_1260] {strides = array<i32>} : memref<10x128xf32, #tpu.memory_space<vmem>>, vector<1x16xf32>,
        %swap3A_1262 = vector.shape_cast %swap3A_1261 : vector<1x16xf32> to vector<16xf32>
        %swap3A_1263 = vector.shape_cast %add3A_1257 : vector<16xf32> to vector<1x16xf32>
        tpu.vector_store %arg12[%swap3A_1259, %swap3A_1260], %swap3A_1263 {strides = array<i32>} : memref<10x128xf32, #tpu.memory_space<vmem>>, vector<1x16xf32>,
        %add3A_1264 = arith.addf %add3A_1249, %add3A_1257 : vector<16xf32>
        %mul3A_1265 = arith.mulf %add3A_1257, %add3A_1257 : vector<16xf32>
        %add3A_1266 = arith.addf %add3A_1251, %mul3A_1265 : vector<16xf32>
        %add3A_1267 = arith.constant 4 : i32
        %add3A_1268 = arith.addi %mul3A_77, %add3A_1267 : i32
        %get3A_1269 = arith.index_cast %add3A_1268 : i32 to index
        %get3A_1270 = arith.constant 0 : index
        %get3A_1271 = tpu.vector_load %arg8[%get3A_1269, %get3A_1270] {strides = array<i32>} : memref<625x16xf32, #tpu.memory_space<vmem>>, vector<1x16xf32>,
        %get3A_1272 = vector.shape_cast %get3A_1271 : vector<1x16xf32> to vector<16xf32>
        %sub3A_1273 = arith.subf %get3A_44, %get3A_1272 : vector<16xf32>
        %get3A_1274 = arith.constant 72 : i32
        %get3A_1275 = arith.index_cast %get3A_1274 : i32 to index
        %get3A_1276 = arith.constant 0 : index
        %get3A_1277 = tpu.vector_load %arg10[%get3A_1275, %get3A_1276] {strides = array<i32>} : memref<80x16xf32, #tpu.memory_space<vmem>>, vector<1x16xf32>,
        %get3A_1278 = vector.shape_cast %get3A_1277 : vector<1x16xf32> to vector<16xf32>
        %add3A_1279 = arith.addf %get3A_1278, %sub3A_1273 : vector<16xf32>
        %swap3A_1280 = arith.constant 9 : i32
        %swap3A_1281 = arith.index_cast %swap3A_1280 : i32 to index
        %swap3A_1282 = arith.constant 0 : index
        %swap3A_1283 = tpu.vector_load %arg12[%swap3A_1281, %swap3A_1282] {strides = array<i32>} : memref<10x128xf32, #tpu.memory_space<vmem>>, vector<1x16xf32>,
        %swap3A_1284 = vector.shape_cast %swap3A_1283 : vector<1x16xf32> to vector<16xf32>
        %swap3A_1285 = vector.shape_cast %add3A_1279 : vector<16xf32> to vector<1x16xf32>
        tpu.vector_store %arg12[%swap3A_1281, %swap3A_1282], %swap3A_1285 {strides = array<i32>} : memref<10x128xf32, #tpu.memory_space<vmem>>, vector<1x16xf32>,
        %add3A_1286 = arith.addf %add3A_1264, %add3A_1279 : vector<16xf32>
        %mul3A_1287 = arith.mulf %add3A_1279, %add3A_1279 : vector<16xf32>
        %add3A_1288 = arith.addf %add3A_1266, %mul3A_1287 : vector<16xf32>
        %get3A_1289 = arith.constant 73 : i32
        %get3A_1290 = arith.index_cast %get3A_1289 : i32 to index
        %get3A_1291 = arith.constant 0 : index
        %get3A_1292 = tpu.vector_load %arg10[%get3A_1290, %get3A_1291] {strides = array<i32>} : memref<80x16xf32, #tpu.memory_space<vmem>>, vector<1x16xf32>,
        %get3A_1293 = vector.shape_cast %get3A_1292 : vector<1x16xf32> to vector<16xf32>
        %add3A_1294 = arith.addf %get3A_1293, %sub3A_1273 : vector<16xf32>
        %swap3A_1295 = arith.constant 9 : i32
        %swap3A_1296 = arith.index_cast %swap3A_1295 : i32 to index
        %swap3A_1297 = arith.constant 16 : index
        %swap3A_1298 = tpu.vector_load %arg12[%swap3A_1296, %swap3A_1297] {strides = array<i32>} : memref<10x128xf32, #tpu.memory_space<vmem>>, vector<1x16xf32>,
        %swap3A_1299 = vector.shape_cast %swap3A_1298 : vector<1x16xf32> to vector<16xf32>
        %swap3A_1300 = vector.shape_cast %add3A_1294 : vector<16xf32> to vector<1x16xf32>
        tpu.vector_store %arg12[%swap3A_1296, %swap3A_1297], %swap3A_1300 {strides = array<i32>} : memref<10x128xf32, #tpu.memory_space<vmem>>, vector<1x16xf32>,
        %add3A_1301 = arith.addf %add3A_1286, %add3A_1294 : vector<16xf32>
        %mul3A_1302 = arith.mulf %add3A_1294, %add3A_1294 : vector<16xf32>
        %add3A_1303 = arith.addf %add3A_1288, %mul3A_1302 : vector<16xf32>
        %get3A_1304 = arith.constant 74 : i32
        %get3A_1305 = arith.index_cast %get3A_1304 : i32 to index
        %get3A_1306 = arith.constant 0 : index
        %get3A_1307 = tpu.vector_load %arg10[%get3A_1305, %get3A_1306] {strides = array<i32>} : memref<80x16xf32, #tpu.memory_space<vmem>>, vector<1x16xf32>,
        %get3A_1308 = vector.shape_cast %get3A_1307 : vector<1x16xf32> to vector<16xf32>
        %add3A_1309 = arith.addf %get3A_1308, %sub3A_1273 : vector<16xf32>
        %swap3A_1310 = arith.constant 9 : i32
        %swap3A_1311 = arith.index_cast %swap3A_1310 : i32 to index
        %swap3A_1312 = arith.constant 32 : index
        %swap3A_1313 = tpu.vector_load %arg12[%swap3A_1311, %swap3A_1312] {strides = array<i32>} : memref<10x128xf32, #tpu.memory_space<vmem>>, vector<1x16xf32>,
        %swap3A_1314 = vector.shape_cast %swap3A_1313 : vector<1x16xf32> to vector<16xf32>
        %swap3A_1315 = vector.shape_cast %add3A_1309 : vector<16xf32> to vector<1x16xf32>
        tpu.vector_store %arg12[%swap3A_1311, %swap3A_1312], %swap3A_1315 {strides = array<i32>} : memref<10x128xf32, #tpu.memory_space<vmem>>, vector<1x16xf32>,
        %add3A_1316 = arith.addf %add3A_1301, %add3A_1309 : vector<16xf32>
        %mul3A_1317 = arith.mulf %add3A_1309, %add3A_1309 : vector<16xf32>
        %add3A_1318 = arith.addf %add3A_1303, %mul3A_1317 : vector<16xf32>
        %get3A_1319 = arith.constant 75 : i32
        %get3A_1320 = arith.index_cast %get3A_1319 : i32 to index
        %get3A_1321 = arith.constant 0 : index
        %get3A_1322 = tpu.vector_load %arg10[%get3A_1320, %get3A_1321] {strides = array<i32>} : memref<80x16xf32, #tpu.memory_space<vmem>>, vector<1x16xf32>,
        %get3A_1323 = vector.shape_cast %get3A_1322 : vector<1x16xf32> to vector<16xf32>
        %add3A_1324 = arith.addf %get3A_1323, %sub3A_1273 : vector<16xf32>
        %swap3A_1325 = arith.constant 9 : i32
        %swap3A_1326 = arith.index_cast %swap3A_1325 : i32 to index
        %swap3A_1327 = arith.constant 48 : index
        %swap3A_1328 = tpu.vector_load %arg12[%swap3A_1326, %swap3A_1327] {strides = array<i32>} : memref<10x128xf32, #tpu.memory_space<vmem>>, vector<1x16xf32>,
        %swap3A_1329 = vector.shape_cast %swap3A_1328 : vector<1x16xf32> to vector<16xf32>
        %swap3A_1330 = vector.shape_cast %add3A_1324 : vector<16xf32> to vector<1x16xf32>
        tpu.vector_store %arg12[%swap3A_1326, %swap3A_1327], %swap3A_1330 {strides = array<i32>} : memref<10x128xf32, #tpu.memory_space<vmem>>, vector<1x16xf32>,
        %add3A_1331 = arith.addf %add3A_1316, %add3A_1324 : vector<16xf32>
        %mul3A_1332 = arith.mulf %add3A_1324, %add3A_1324 : vector<16xf32>
        %add3A_1333 = arith.addf %add3A_1318, %mul3A_1332 : vector<16xf32>
        %get3A_1334 = arith.constant 76 : i32
        %get3A_1335 = arith.index_cast %get3A_1334 : i32 to index
        %get3A_1336 = arith.constant 0 : index
        %get3A_1337 = tpu.vector_load %arg10[%get3A_1335, %get3A_1336] {strides = array<i32>} : memref<80x16xf32, #tpu.memory_space<vmem>>, vector<1x16xf32>,
        %get3A_1338 = vector.shape_cast %get3A_1337 : vector<1x16xf32> to vector<16xf32>
        %add3A_1339 = arith.addf %get3A_1338, %sub3A_1273 : vector<16xf32>
        %swap3A_1340 = arith.constant 9 : i32
        %swap3A_1341 = arith.index_cast %swap3A_1340 : i32 to index
        %swap3A_1342 = arith.constant 64 : index
        %swap3A_1343 = tpu.vector_load %arg12[%swap3A_1341, %swap3A_1342] {strides = array<i32>} : memref<10x128xf32, #tpu.memory_space<vmem>>, vector<1x16xf32>,
        %swap3A_1344 = vector.shape_cast %swap3A_1343 : vector<1x16xf32> to vector<16xf32>
        %swap3A_1345 = vector.shape_cast %add3A_1339 : vector<16xf32> to vector<1x16xf32>
        tpu.vector_store %arg12[%swap3A_1341, %swap3A_1342], %swap3A_1345 {strides = array<i32>} : memref<10x128xf32, #tpu.memory_space<vmem>>, vector<1x16xf32>,
        %add3A_1346 = arith.addf %add3A_1331, %add3A_1339 : vector<16xf32>
        %mul3A_1347 = arith.mulf %add3A_1339, %add3A_1339 : vector<16xf32>
        %add3A_1348 = arith.addf %add3A_1333, %mul3A_1347 : vector<16xf32>
        %get3A_1349 = arith.constant 77 : i32
        %get3A_1350 = arith.index_cast %get3A_1349 : i32 to index
        %get3A_1351 = arith.constant 0 : index
        %get3A_1352 = tpu.vector_load %arg10[%get3A_1350, %get3A_1351] {strides = array<i32>} : memref<80x16xf32, #tpu.memory_space<vmem>>, vector<1x16xf32>,
        %get3A_1353 = vector.shape_cast %get3A_1352 : vector<1x16xf32> to vector<16xf32>
        %add3A_1354 = arith.addf %get3A_1353, %sub3A_1273 : vector<16xf32>
        %swap3A_1355 = arith.constant 9 : i32
        %swap3A_1356 = arith.index_cast %swap3A_1355 : i32 to index
        %swap3A_1357 = arith.constant 80 : index
        %swap3A_1358 = tpu.vector_load %arg12[%swap3A_1356, %swap3A_1357] {strides = array<i32>} : memref<10x128xf32, #tpu.memory_space<vmem>>, vector<1x16xf32>,
        %swap3A_1359 = vector.shape_cast %swap3A_1358 : vector<1x16xf32> to vector<16xf32>
        %swap3A_1360 = vector.shape_cast %add3A_1354 : vector<16xf32> to vector<1x16xf32>
        tpu.vector_store %arg12[%swap3A_1356, %swap3A_1357], %swap3A_1360 {strides = array<i32>} : memref<10x128xf32, #tpu.memory_space<vmem>>, vector<1x16xf32>,
        %add3A_1361 = arith.addf %add3A_1346, %add3A_1354 : vector<16xf32>
        %mul3A_1362 = arith.mulf %add3A_1354, %add3A_1354 : vector<16xf32>
        %add3A_1363 = arith.addf %add3A_1348, %mul3A_1362 : vector<16xf32>
        %get3A_1364 = arith.constant 78 : i32
        %get3A_1365 = arith.index_cast %get3A_1364 : i32 to index
        %get3A_1366 = arith.constant 0 : index
        %get3A_1367 = tpu.vector_load %arg10[%get3A_1365, %get3A_1366] {strides = array<i32>} : memref<80x16xf32, #tpu.memory_space<vmem>>, vector<1x16xf32>,
        %get3A_1368 = vector.shape_cast %get3A_1367 : vector<1x16xf32> to vector<16xf32>
        %add3A_1369 = arith.addf %get3A_1368, %sub3A_1273 : vector<16xf32>
        %swap3A_1370 = arith.constant 9 : i32
        %swap3A_1371 = arith.index_cast %swap3A_1370 : i32 to index
        %swap3A_1372 = arith.constant 96 : index
        %swap3A_1373 = tpu.vector_load %arg12[%swap3A_1371, %swap3A_1372] {strides = array<i32>} : memref<10x128xf32, #tpu.memory_space<vmem>>, vector<1x16xf32>,
        %swap3A_1374 = vector.shape_cast %swap3A_1373 : vector<1x16xf32> to vector<16xf32>
        %swap3A_1375 = vector.shape_cast %add3A_1369 : vector<16xf32> to vector<1x16xf32>
        tpu.vector_store %arg12[%swap3A_1371, %swap3A_1372], %swap3A_1375 {strides = array<i32>} : memref<10x128xf32, #tpu.memory_space<vmem>>, vector<1x16xf32>,
        %add3A_1376 = arith.addf %add3A_1361, %add3A_1369 : vector<16xf32>
        %mul3A_1377 = arith.mulf %add3A_1369, %add3A_1369 : vector<16xf32>
        %add3A_1378 = arith.addf %add3A_1363, %mul3A_1377 : vector<16xf32>
        %get3A_1379 = arith.constant 79 : i32
        %get3A_1380 = arith.index_cast %get3A_1379 : i32 to index
        %get3A_1381 = arith.constant 0 : index
        %get3A_1382 = tpu.vector_load %arg10[%get3A_1380, %get3A_1381] {strides = array<i32>} : memref<80x16xf32, #tpu.memory_space<vmem>>, vector<1x16xf32>,
        %get3A_1383 = vector.shape_cast %get3A_1382 : vector<1x16xf32> to vector<16xf32>
        %add3A_1384 = arith.addf %get3A_1383, %sub3A_1273 : vector<16xf32>
        %swap3A_1385 = arith.constant 9 : i32
        %swap3A_1386 = arith.index_cast %swap3A_1385 : i32 to index
        %swap3A_1387 = arith.constant 112 : index
        %swap3A_1388 = tpu.vector_load %arg12[%swap3A_1386, %swap3A_1387] {strides = array<i32>} : memref<10x128xf32, #tpu.memory_space<vmem>>, vector<1x16xf32>,
        %swap3A_1389 = vector.shape_cast %swap3A_1388 : vector<1x16xf32> to vector<16xf32>
        %swap3A_1390 = vector.shape_cast %add3A_1384 : vector<16xf32> to vector<1x16xf32>
        tpu.vector_store %arg12[%swap3A_1386, %swap3A_1387], %swap3A_1390 {strides = array<i32>} : memref<10x128xf32, #tpu.memory_space<vmem>>, vector<1x16xf32>,
        %add3A_1391 = arith.addf %add3A_1376, %add3A_1384 : vector<16xf32>
        %mul3A_1392 = arith.mulf %add3A_1384, %add3A_1384 : vector<16xf32>
        %add3A_1393 = arith.addf %add3A_1378, %mul3A_1392 : vector<16xf32>
        %get3A_1394 = arith.constant 0 : i32
        %get3A_1395 = arith.index_cast %get3A_1394 : i32 to index
        %get3A_1396 = arith.constant 0 : index
        %get3A_1397 = tpu.vector_load %arg13[%get3A_1395, %get3A_1396] {strides = array<i32>} : memref<2x16xf32, #tpu.memory_space<vmem>>, vector<1x16xf32>,
        %get3A_1398 = vector.shape_cast %get3A_1397 : vector<1x16xf32> to vector<16xf32>
        %add3A_1399 = arith.addf %get3A_1398, %add3A_1391 : vector<16xf32>
        %swap3A_1400 = arith.constant 0 : i32
        %swap3A_1401 = arith.index_cast %swap3A_1400 : i32 to index
        %swap3A_1402 = arith.constant 0 : index
        %swap3A_1403 = tpu.vector_load %arg13[%swap3A_1401, %swap3A_1402] {strides = array<i32>} : memref<2x16xf32, #tpu.memory_space<vmem>>, vector<1x16xf32>,
        %swap3A_1404 = vector.shape_cast %swap3A_1403 : vector<1x16xf32> to vector<16xf32>
        %swap3A_1405 = vector.shape_cast %add3A_1399 : vector<16xf32> to vector<1x16xf32>
        tpu.vector_store %arg13[%swap3A_1401, %swap3A_1402], %swap3A_1405 {strides = array<i32>} : memref<2x16xf32, #tpu.memory_space<vmem>>, vector<1x16xf32>,
        %get3A_1406 = arith.constant 1 : i32
        %get3A_1407 = arith.index_cast %get3A_1406 : i32 to index
        %get3A_1408 = arith.constant 0 : index
        %get3A_1409 = tpu.vector_load %arg13[%get3A_1407, %get3A_1408] {strides = array<i32>} : memref<2x16xf32, #tpu.memory_space<vmem>>, vector<1x16xf32>,
        %get3A_1410 = vector.shape_cast %get3A_1409 : vector<1x16xf32> to vector<16xf32>
        %add3A_1411 = arith.addf %get3A_1410, %add3A_1393 : vector<16xf32>
        %swap3A_1412 = arith.constant 1 : i32
        %swap3A_1413 = arith.index_cast %swap3A_1412 : i32 to index
        %swap3A_1414 = arith.constant 0 : index
        %swap3A_1415 = tpu.vector_load %arg13[%swap3A_1413, %swap3A_1414] {strides = array<i32>} : memref<2x16xf32, #tpu.memory_space<vmem>>, vector<1x16xf32>,
        %swap3A_1416 = vector.shape_cast %swap3A_1415 : vector<1x16xf32> to vector<16xf32>
        %swap3A_1417 = vector.shape_cast %add3A_1411 : vector<16xf32> to vector<1x16xf32>
        tpu.vector_store %arg13[%swap3A_1413, %swap3A_1414], %swap3A_1417 {strides = array<i32>} : memref<2x16xf32, #tpu.memory_space<vmem>>, vector<1x16xf32>,
        "tpu.region"() ({
          %run_scoped3A = tpu.sem_alloc : memref<!tpu.dma_semaphore, #tpu.memory_space<semaphore_mem>>
          %dma_start3A_1418 = arith.constant 0 : i32
          %dma_start3A_1419 = tpu.memref_slice %arg5[%add3A_75, %dma_start3A_1418] : memref<40000x128xf32, #tpu.memory_space<hbm>> -> memref<10x128xf32, #tpu.memory_space<hbm>>
          %dma_start3A_1420 = arith.constant 0 : i32
          %dma_start3A_1421 = tpu.memref_slice %arg5[%add3A_75, %dma_start3A_1420] : memref<40000x128xf32, #tpu.memory_space<hbm>> -> memref<10x128xf32, #tpu.memory_space<hbm>>
          tpu.enqueue_dma source(%arg12 : memref<10x128xf32, #tpu.memory_space<vmem>>) target(%dma_start3A_1421 : memref<10x128xf32, #tpu.memory_space<hbm>>) target_semaphore(%run_scoped3A : memref<!tpu.dma_semaphore, #tpu.memory_space<semaphore_mem>>)
          %dma_wait3A_1422 = arith.constant 0 : i32
          %dma_wait3A_1423 = tpu.memref_slice %arg5[%add3A_75, %dma_wait3A_1422] : memref<40000x128xf32, #tpu.memory_space<hbm>> -> memref<10x128xf32, #tpu.memory_space<hbm>>
          %dma_wait3A_1424 = arith.constant 0 : i32
          %dma_wait3A_1425 = tpu.memref_slice %arg5[%add3A_75, %dma_wait3A_1424] : memref<40000x128xf32, #tpu.memory_space<hbm>> -> memref<10x128xf32, #tpu.memory_space<hbm>>
          tpu.wait_dma2 semaphore(%run_scoped3A : memref<!tpu.dma_semaphore, #tpu.memory_space<semaphore_mem>>) src(%arg12 : memref<10x128xf32, #tpu.memory_space<vmem>>) dst(%dma_wait3A_1425 : memref<10x128xf32, #tpu.memory_space<hbm>>)
          tpu.yield
        }) : () -> ()
      } else {
      }
      %jit3A_98 = arith.constant 2 : i32
      %eq3A_99 = arith.constant 0 : i32
      %eq3A_100 = arith.cmpi eq, %jit3A_98, %eq3A_99 : i32
      %jit3A_101 = arith.constant 1 : i32
      %select_n3A_102 = arith.select %eq3A_100, %jit3A_101, %jit3A_98 : i32
      %rem3A_103 = arith.remsi %scan3A_68, %select_n3A_102 : i32
      %ne3A_104 = arith.constant 0 : i32
      %ne3A_105 = arith.cmpi ne, %rem3A_103, %ne3A_104 : i32
      %lt3A_106 = arith.constant 0 : i32
      %lt3A_107 = arith.cmpi slt, %rem3A_103, %lt3A_106 : i32
      %lt3A_108 = arith.constant 0 : i32
      %lt3A_109 = arith.cmpi slt, %select_n3A_102, %lt3A_108 : i32
      %ne3A_110 = arith.xori %lt3A_107, %lt3A_109 : i1
      %and3A_111 = arith.andi %ne3A_110, %ne3A_105 : i1
      %add3A_112 = arith.addi %rem3A_103, %select_n3A_102 : i32
      %select_n3A_113 = arith.select %and3A_111, %add3A_112, %rem3A_103 : i32
      %eq3A_114 = arith.constant 1 : i32
      %eq3A_115 = arith.cmpi eq, %select_n3A_113, %eq3A_114 : i32
      %convert_element_type3A_116 = arith.extui %eq3A_115 : i1 to i32
      %cond3A_117 = arith.constant 0 : i32
      %cond3A_118 = arith.cmpi ne, %convert_element_type3A_116, %cond3A_117 : i32
      scf.if %cond3A_118 {
        %mul3A_119 = arith.constant 80 : i32
        %mul3A_120 = arith.muli %scan3A_68, %mul3A_119 : i32
        %dma_wait3A = tpu.memref_slice %arg7[%mul3A_120] : memref<10000xi32, #tpu.memory_space<vmem>> -> memref<80xi32, #tpu.memory_space<vmem>>
        %dma_wait3A_121 = arith.constant 0 : i32
        %dma_wait3A_122 = arith.constant 0 : i32
        %dma_wait3A_123 = tpu.memref_slice %arg2[%dma_wait3A_121, %dma_wait3A_122] : memref<20000x16xf32, #tpu.memory_space<hbm>> -> memref<20000x16xf32, #tpu.memory_space<hbm>>
        tpu.wait_indirect_dma semaphore(%arg15 : memref<!tpu.dma_semaphore, #tpu.memory_space<semaphore_mem>>) src(%dma_wait3A_123 : memref<20000x16xf32, #tpu.memory_space<hbm>>) dst(%arg11 : memref<80x16xf32, #tpu.memory_space<vmem>>)
        %add3A_124 = arith.constant 0 : i32
        %add3A_125 = arith.addi %mul3A_77, %add3A_124 : i32
        %get3A_126 = arith.index_cast %add3A_125 : i32 to index
        %get3A_127 = arith.constant 0 : index
        %get3A_128 = tpu.vector_load %arg8[%get3A_126, %get3A_127] {strides = array<i32>} : memref<625x16xf32, #tpu.memory_space<vmem>>, vector<1x16xf32>,
        %get3A_129 = vector.shape_cast %get3A_128 : vector<1x16xf32> to vector<16xf32>
        %sub3A_130 = arith.subf %get3A_44, %get3A_129 : vector<16xf32>
        %get3A_131 = arith.constant 0 : i32
        %get3A_132 = arith.index_cast %get3A_131 : i32 to index
        %get3A_133 = arith.constant 0 : index
        %get3A_134 = tpu.vector_load %arg11[%get3A_132, %get3A_133] {strides = array<i32>} : memref<80x16xf32, #tpu.memory_space<vmem>>, vector<1x16xf32>,
        %get3A_135 = vector.shape_cast %get3A_134 : vector<1x16xf32> to vector<16xf32>
        %add3A_136 = arith.addf %get3A_135, %sub3A_130 : vector<16xf32>
        %swap3A_137 = arith.constant 0 : i32
        %swap3A_138 = arith.index_cast %swap3A_137 : i32 to index
        %swap3A_139 = arith.constant 0 : index
        %swap3A_140 = tpu.vector_load %arg12[%swap3A_138, %swap3A_139] {strides = array<i32>} : memref<10x128xf32, #tpu.memory_space<vmem>>, vector<1x16xf32>,
        %swap3A_141 = vector.shape_cast %swap3A_140 : vector<1x16xf32> to vector<16xf32>
        %swap3A_142 = vector.shape_cast %add3A_136 : vector<16xf32> to vector<1x16xf32>
        tpu.vector_store %arg12[%swap3A_138, %swap3A_139], %swap3A_142 {strides = array<i32>} : memref<10x128xf32, #tpu.memory_space<vmem>>, vector<1x16xf32>,
        %add3A_143 = arith.addf %sub3A_45, %add3A_136 : vector<16xf32>
        %mul3A_144 = arith.mulf %add3A_136, %add3A_136 : vector<16xf32>
        %add3A_145 = arith.addf %sub3A_45, %mul3A_144 : vector<16xf32>
        %get3A_146 = arith.constant 1 : i32
        %get3A_147 = arith.index_cast %get3A_146 : i32 to index
        %get3A_148 = arith.constant 0 : index
        %get3A_149 = tpu.vector_load %arg11[%get3A_147, %get3A_148] {strides = array<i32>} : memref<80x16xf32, #tpu.memory_space<vmem>>, vector<1x16xf32>,
        %get3A_150 = vector.shape_cast %get3A_149 : vector<1x16xf32> to vector<16xf32>
        %add3A_151 = arith.addf %get3A_150, %sub3A_130 : vector<16xf32>
        %swap3A_152 = arith.constant 0 : i32
        %swap3A_153 = arith.index_cast %swap3A_152 : i32 to index
        %swap3A_154 = arith.constant 16 : index
        %swap3A_155 = tpu.vector_load %arg12[%swap3A_153, %swap3A_154] {strides = array<i32>} : memref<10x128xf32, #tpu.memory_space<vmem>>, vector<1x16xf32>,
        %swap3A_156 = vector.shape_cast %swap3A_155 : vector<1x16xf32> to vector<16xf32>
        %swap3A_157 = vector.shape_cast %add3A_151 : vector<16xf32> to vector<1x16xf32>
        tpu.vector_store %arg12[%swap3A_153, %swap3A_154], %swap3A_157 {strides = array<i32>} : memref<10x128xf32, #tpu.memory_space<vmem>>, vector<1x16xf32>,
        %add3A_158 = arith.addf %add3A_143, %add3A_151 : vector<16xf32>
        %mul3A_159 = arith.mulf %add3A_151, %add3A_151 : vector<16xf32>
        %add3A_160 = arith.addf %add3A_145, %mul3A_159 : vector<16xf32>
        %get3A_161 = arith.constant 2 : i32
        %get3A_162 = arith.index_cast %get3A_161 : i32 to index
        %get3A_163 = arith.constant 0 : index
        %get3A_164 = tpu.vector_load %arg11[%get3A_162, %get3A_163] {strides = array<i32>} : memref<80x16xf32, #tpu.memory_space<vmem>>, vector<1x16xf32>,
        %get3A_165 = vector.shape_cast %get3A_164 : vector<1x16xf32> to vector<16xf32>
        %add3A_166 = arith.addf %get3A_165, %sub3A_130 : vector<16xf32>
        %swap3A_167 = arith.constant 0 : i32
        %swap3A_168 = arith.index_cast %swap3A_167 : i32 to index
        %swap3A_169 = arith.constant 32 : index
        %swap3A_170 = tpu.vector_load %arg12[%swap3A_168, %swap3A_169] {strides = array<i32>} : memref<10x128xf32, #tpu.memory_space<vmem>>, vector<1x16xf32>,
        %swap3A_171 = vector.shape_cast %swap3A_170 : vector<1x16xf32> to vector<16xf32>
        %swap3A_172 = vector.shape_cast %add3A_166 : vector<16xf32> to vector<1x16xf32>
        tpu.vector_store %arg12[%swap3A_168, %swap3A_169], %swap3A_172 {strides = array<i32>} : memref<10x128xf32, #tpu.memory_space<vmem>>, vector<1x16xf32>,
        %add3A_173 = arith.addf %add3A_158, %add3A_166 : vector<16xf32>
        %mul3A_174 = arith.mulf %add3A_166, %add3A_166 : vector<16xf32>
        %add3A_175 = arith.addf %add3A_160, %mul3A_174 : vector<16xf32>
        %get3A_176 = arith.constant 3 : i32
        %get3A_177 = arith.index_cast %get3A_176 : i32 to index
        %get3A_178 = arith.constant 0 : index
        %get3A_179 = tpu.vector_load %arg11[%get3A_177, %get3A_178] {strides = array<i32>} : memref<80x16xf32, #tpu.memory_space<vmem>>, vector<1x16xf32>,
        %get3A_180 = vector.shape_cast %get3A_179 : vector<1x16xf32> to vector<16xf32>
        %add3A_181 = arith.addf %get3A_180, %sub3A_130 : vector<16xf32>
        %swap3A_182 = arith.constant 0 : i32
        %swap3A_183 = arith.index_cast %swap3A_182 : i32 to index
        %swap3A_184 = arith.constant 48 : index
        %swap3A_185 = tpu.vector_load %arg12[%swap3A_183, %swap3A_184] {strides = array<i32>} : memref<10x128xf32, #tpu.memory_space<vmem>>, vector<1x16xf32>,
        %swap3A_186 = vector.shape_cast %swap3A_185 : vector<1x16xf32> to vector<16xf32>
        %swap3A_187 = vector.shape_cast %add3A_181 : vector<16xf32> to vector<1x16xf32>
        tpu.vector_store %arg12[%swap3A_183, %swap3A_184], %swap3A_187 {strides = array<i32>} : memref<10x128xf32, #tpu.memory_space<vmem>>, vector<1x16xf32>,
        %add3A_188 = arith.addf %add3A_173, %add3A_181 : vector<16xf32>
        %mul3A_189 = arith.mulf %add3A_181, %add3A_181 : vector<16xf32>
        %add3A_190 = arith.addf %add3A_175, %mul3A_189 : vector<16xf32>
        %get3A_191 = arith.constant 4 : i32
        %get3A_192 = arith.index_cast %get3A_191 : i32 to index
        %get3A_193 = arith.constant 0 : index
        %get3A_194 = tpu.vector_load %arg11[%get3A_192, %get3A_193] {strides = array<i32>} : memref<80x16xf32, #tpu.memory_space<vmem>>, vector<1x16xf32>,
        %get3A_195 = vector.shape_cast %get3A_194 : vector<1x16xf32> to vector<16xf32>
        %add3A_196 = arith.addf %get3A_195, %sub3A_130 : vector<16xf32>
        %swap3A_197 = arith.constant 0 : i32
        %swap3A_198 = arith.index_cast %swap3A_197 : i32 to index
        %swap3A_199 = arith.constant 64 : index
        %swap3A_200 = tpu.vector_load %arg12[%swap3A_198, %swap3A_199] {strides = array<i32>} : memref<10x128xf32, #tpu.memory_space<vmem>>, vector<1x16xf32>,
        %swap3A_201 = vector.shape_cast %swap3A_200 : vector<1x16xf32> to vector<16xf32>
        %swap3A_202 = vector.shape_cast %add3A_196 : vector<16xf32> to vector<1x16xf32>
        tpu.vector_store %arg12[%swap3A_198, %swap3A_199], %swap3A_202 {strides = array<i32>} : memref<10x128xf32, #tpu.memory_space<vmem>>, vector<1x16xf32>,
        %add3A_203 = arith.addf %add3A_188, %add3A_196 : vector<16xf32>
        %mul3A_204 = arith.mulf %add3A_196, %add3A_196 : vector<16xf32>
        %add3A_205 = arith.addf %add3A_190, %mul3A_204 : vector<16xf32>
        %get3A_206 = arith.constant 5 : i32
        %get3A_207 = arith.index_cast %get3A_206 : i32 to index
        %get3A_208 = arith.constant 0 : index
        %get3A_209 = tpu.vector_load %arg11[%get3A_207, %get3A_208] {strides = array<i32>} : memref<80x16xf32, #tpu.memory_space<vmem>>, vector<1x16xf32>,
        %get3A_210 = vector.shape_cast %get3A_209 : vector<1x16xf32> to vector<16xf32>
        %add3A_211 = arith.addf %get3A_210, %sub3A_130 : vector<16xf32>
        %swap3A_212 = arith.constant 0 : i32
        %swap3A_213 = arith.index_cast %swap3A_212 : i32 to index
        %swap3A_214 = arith.constant 80 : index
        %swap3A_215 = tpu.vector_load %arg12[%swap3A_213, %swap3A_214] {strides = array<i32>} : memref<10x128xf32, #tpu.memory_space<vmem>>, vector<1x16xf32>,
        %swap3A_216 = vector.shape_cast %swap3A_215 : vector<1x16xf32> to vector<16xf32>
        %swap3A_217 = vector.shape_cast %add3A_211 : vector<16xf32> to vector<1x16xf32>
        tpu.vector_store %arg12[%swap3A_213, %swap3A_214], %swap3A_217 {strides = array<i32>} : memref<10x128xf32, #tpu.memory_space<vmem>>, vector<1x16xf32>,
        %add3A_218 = arith.addf %add3A_203, %add3A_211 : vector<16xf32>
        %mul3A_219 = arith.mulf %add3A_211, %add3A_211 : vector<16xf32>
        %add3A_220 = arith.addf %add3A_205, %mul3A_219 : vector<16xf32>
        %get3A_221 = arith.constant 6 : i32
        %get3A_222 = arith.index_cast %get3A_221 : i32 to index
        %get3A_223 = arith.constant 0 : index
        %get3A_224 = tpu.vector_load %arg11[%get3A_222, %get3A_223] {strides = array<i32>} : memref<80x16xf32, #tpu.memory_space<vmem>>, vector<1x16xf32>,
        %get3A_225 = vector.shape_cast %get3A_224 : vector<1x16xf32> to vector<16xf32>
        %add3A_226 = arith.addf %get3A_225, %sub3A_130 : vector<16xf32>
        %swap3A_227 = arith.constant 0 : i32
        %swap3A_228 = arith.index_cast %swap3A_227 : i32 to index
        %swap3A_229 = arith.constant 96 : index
        %swap3A_230 = tpu.vector_load %arg12[%swap3A_228, %swap3A_229] {strides = array<i32>} : memref<10x128xf32, #tpu.memory_space<vmem>>, vector<1x16xf32>,
        %swap3A_231 = vector.shape_cast %swap3A_230 : vector<1x16xf32> to vector<16xf32>
        %swap3A_232 = vector.shape_cast %add3A_226 : vector<16xf32> to vector<1x16xf32>
        tpu.vector_store %arg12[%swap3A_228, %swap3A_229], %swap3A_232 {strides = array<i32>} : memref<10x128xf32, #tpu.memory_space<vmem>>, vector<1x16xf32>,
        %add3A_233 = arith.addf %add3A_218, %add3A_226 : vector<16xf32>
        %mul3A_234 = arith.mulf %add3A_226, %add3A_226 : vector<16xf32>
        %add3A_235 = arith.addf %add3A_220, %mul3A_234 : vector<16xf32>
        %get3A_236 = arith.constant 7 : i32
        %get3A_237 = arith.index_cast %get3A_236 : i32 to index
        %get3A_238 = arith.constant 0 : index
        %get3A_239 = tpu.vector_load %arg11[%get3A_237, %get3A_238] {strides = array<i32>} : memref<80x16xf32, #tpu.memory_space<vmem>>, vector<1x16xf32>,
        %get3A_240 = vector.shape_cast %get3A_239 : vector<1x16xf32> to vector<16xf32>
        %add3A_241 = arith.addf %get3A_240, %sub3A_130 : vector<16xf32>
        %swap3A_242 = arith.constant 0 : i32
        %swap3A_243 = arith.index_cast %swap3A_242 : i32 to index
        %swap3A_244 = arith.constant 112 : index
        %swap3A_245 = tpu.vector_load %arg12[%swap3A_243, %swap3A_244] {strides = array<i32>} : memref<10x128xf32, #tpu.memory_space<vmem>>, vector<1x16xf32>,
        %swap3A_246 = vector.shape_cast %swap3A_245 : vector<1x16xf32> to vector<16xf32>
        %swap3A_247 = vector.shape_cast %add3A_241 : vector<16xf32> to vector<1x16xf32>
        tpu.vector_store %arg12[%swap3A_243, %swap3A_244], %swap3A_247 {strides = array<i32>} : memref<10x128xf32, #tpu.memory_space<vmem>>, vector<1x16xf32>,
        %add3A_248 = arith.addf %add3A_233, %add3A_241 : vector<16xf32>
        %mul3A_249 = arith.mulf %add3A_241, %add3A_241 : vector<16xf32>
        %add3A_250 = arith.addf %add3A_235, %mul3A_249 : vector<16xf32>
        %add3A_251 = arith.constant 0 : i32
        %add3A_252 = arith.addi %mul3A_77, %add3A_251 : i32
        %get3A_253 = arith.index_cast %add3A_252 : i32 to index
        %get3A_254 = arith.constant 0 : index
        %get3A_255 = tpu.vector_load %arg8[%get3A_253, %get3A_254] {strides = array<i32>} : memref<625x16xf32, #tpu.memory_space<vmem>>, vector<1x16xf32>,
        %get3A_256 = vector.shape_cast %get3A_255 : vector<1x16xf32> to vector<16xf32>
        %sub3A_257 = arith.subf %get3A_44, %get3A_256 : vector<16xf32>
        %get3A_258 = arith.constant 8 : i32
        %get3A_259 = arith.index_cast %get3A_258 : i32 to index
        %get3A_260 = arith.constant 0 : index
        %get3A_261 = tpu.vector_load %arg11[%get3A_259, %get3A_260] {strides = array<i32>} : memref<80x16xf32, #tpu.memory_space<vmem>>, vector<1x16xf32>,
        %get3A_262 = vector.shape_cast %get3A_261 : vector<1x16xf32> to vector<16xf32>
        %add3A_263 = arith.addf %get3A_262, %sub3A_257 : vector<16xf32>
        %swap3A_264 = arith.constant 1 : i32
        %swap3A_265 = arith.index_cast %swap3A_264 : i32 to index
        %swap3A_266 = arith.constant 0 : index
        %swap3A_267 = tpu.vector_load %arg12[%swap3A_265, %swap3A_266] {strides = array<i32>} : memref<10x128xf32, #tpu.memory_space<vmem>>, vector<1x16xf32>,
        %swap3A_268 = vector.shape_cast %swap3A_267 : vector<1x16xf32> to vector<16xf32>
        %swap3A_269 = vector.shape_cast %add3A_263 : vector<16xf32> to vector<1x16xf32>
        tpu.vector_store %arg12[%swap3A_265, %swap3A_266], %swap3A_269 {strides = array<i32>} : memref<10x128xf32, #tpu.memory_space<vmem>>, vector<1x16xf32>,
        %add3A_270 = arith.addf %add3A_248, %add3A_263 : vector<16xf32>
        %mul3A_271 = arith.mulf %add3A_263, %add3A_263 : vector<16xf32>
        %add3A_272 = arith.addf %add3A_250, %mul3A_271 : vector<16xf32>
        %get3A_273 = arith.constant 9 : i32
        %get3A_274 = arith.index_cast %get3A_273 : i32 to index
        %get3A_275 = arith.constant 0 : index
        %get3A_276 = tpu.vector_load %arg11[%get3A_274, %get3A_275] {strides = array<i32>} : memref<80x16xf32, #tpu.memory_space<vmem>>, vector<1x16xf32>,
        %get3A_277 = vector.shape_cast %get3A_276 : vector<1x16xf32> to vector<16xf32>
        %add3A_278 = arith.addf %get3A_277, %sub3A_257 : vector<16xf32>
        %swap3A_279 = arith.constant 1 : i32
        %swap3A_280 = arith.index_cast %swap3A_279 : i32 to index
        %swap3A_281 = arith.constant 16 : index
        %swap3A_282 = tpu.vector_load %arg12[%swap3A_280, %swap3A_281] {strides = array<i32>} : memref<10x128xf32, #tpu.memory_space<vmem>>, vector<1x16xf32>,
        %swap3A_283 = vector.shape_cast %swap3A_282 : vector<1x16xf32> to vector<16xf32>
        %swap3A_284 = vector.shape_cast %add3A_278 : vector<16xf32> to vector<1x16xf32>
        tpu.vector_store %arg12[%swap3A_280, %swap3A_281], %swap3A_284 {strides = array<i32>} : memref<10x128xf32, #tpu.memory_space<vmem>>, vector<1x16xf32>,
        %add3A_285 = arith.addf %add3A_270, %add3A_278 : vector<16xf32>
        %mul3A_286 = arith.mulf %add3A_278, %add3A_278 : vector<16xf32>
        %add3A_287 = arith.addf %add3A_272, %mul3A_286 : vector<16xf32>
        %get3A_288 = arith.constant 10 : i32
        %get3A_289 = arith.index_cast %get3A_288 : i32 to index
        %get3A_290 = arith.constant 0 : index
        %get3A_291 = tpu.vector_load %arg11[%get3A_289, %get3A_290] {strides = array<i32>} : memref<80x16xf32, #tpu.memory_space<vmem>>, vector<1x16xf32>,
        %get3A_292 = vector.shape_cast %get3A_291 : vector<1x16xf32> to vector<16xf32>
        %add3A_293 = arith.addf %get3A_292, %sub3A_257 : vector<16xf32>
        %swap3A_294 = arith.constant 1 : i32
        %swap3A_295 = arith.index_cast %swap3A_294 : i32 to index
        %swap3A_296 = arith.constant 32 : index
        %swap3A_297 = tpu.vector_load %arg12[%swap3A_295, %swap3A_296] {strides = array<i32>} : memref<10x128xf32, #tpu.memory_space<vmem>>, vector<1x16xf32>,
        %swap3A_298 = vector.shape_cast %swap3A_297 : vector<1x16xf32> to vector<16xf32>
        %swap3A_299 = vector.shape_cast %add3A_293 : vector<16xf32> to vector<1x16xf32>
        tpu.vector_store %arg12[%swap3A_295, %swap3A_296], %swap3A_299 {strides = array<i32>} : memref<10x128xf32, #tpu.memory_space<vmem>>, vector<1x16xf32>,
        %add3A_300 = arith.addf %add3A_285, %add3A_293 : vector<16xf32>
        %mul3A_301 = arith.mulf %add3A_293, %add3A_293 : vector<16xf32>
        %add3A_302 = arith.addf %add3A_287, %mul3A_301 : vector<16xf32>
        %get3A_303 = arith.constant 11 : i32
        %get3A_304 = arith.index_cast %get3A_303 : i32 to index
        %get3A_305 = arith.constant 0 : index
        %get3A_306 = tpu.vector_load %arg11[%get3A_304, %get3A_305] {strides = array<i32>} : memref<80x16xf32, #tpu.memory_space<vmem>>, vector<1x16xf32>,
        %get3A_307 = vector.shape_cast %get3A_306 : vector<1x16xf32> to vector<16xf32>
        %add3A_308 = arith.addf %get3A_307, %sub3A_257 : vector<16xf32>
        %swap3A_309 = arith.constant 1 : i32
        %swap3A_310 = arith.index_cast %swap3A_309 : i32 to index
        %swap3A_311 = arith.constant 48 : index
        %swap3A_312 = tpu.vector_load %arg12[%swap3A_310, %swap3A_311] {strides = array<i32>} : memref<10x128xf32, #tpu.memory_space<vmem>>, vector<1x16xf32>,
        %swap3A_313 = vector.shape_cast %swap3A_312 : vector<1x16xf32> to vector<16xf32>
        %swap3A_314 = vector.shape_cast %add3A_308 : vector<16xf32> to vector<1x16xf32>
        tpu.vector_store %arg12[%swap3A_310, %swap3A_311], %swap3A_314 {strides = array<i32>} : memref<10x128xf32, #tpu.memory_space<vmem>>, vector<1x16xf32>,
        %add3A_315 = arith.addf %add3A_300, %add3A_308 : vector<16xf32>
        %mul3A_316 = arith.mulf %add3A_308, %add3A_308 : vector<16xf32>
        %add3A_317 = arith.addf %add3A_302, %mul3A_316 : vector<16xf32>
        %get3A_318 = arith.constant 12 : i32
        %get3A_319 = arith.index_cast %get3A_318 : i32 to index
        %get3A_320 = arith.constant 0 : index
        %get3A_321 = tpu.vector_load %arg11[%get3A_319, %get3A_320] {strides = array<i32>} : memref<80x16xf32, #tpu.memory_space<vmem>>, vector<1x16xf32>,
        %get3A_322 = vector.shape_cast %get3A_321 : vector<1x16xf32> to vector<16xf32>
        %add3A_323 = arith.addf %get3A_322, %sub3A_257 : vector<16xf32>
        %swap3A_324 = arith.constant 1 : i32
        %swap3A_325 = arith.index_cast %swap3A_324 : i32 to index
        %swap3A_326 = arith.constant 64 : index
        %swap3A_327 = tpu.vector_load %arg12[%swap3A_325, %swap3A_326] {strides = array<i32>} : memref<10x128xf32, #tpu.memory_space<vmem>>, vector<1x16xf32>,
        %swap3A_328 = vector.shape_cast %swap3A_327 : vector<1x16xf32> to vector<16xf32>
        %swap3A_329 = vector.shape_cast %add3A_323 : vector<16xf32> to vector<1x16xf32>
        tpu.vector_store %arg12[%swap3A_325, %swap3A_326], %swap3A_329 {strides = array<i32>} : memref<10x128xf32, #tpu.memory_space<vmem>>, vector<1x16xf32>,
        %add3A_330 = arith.addf %add3A_315, %add3A_323 : vector<16xf32>
        %mul3A_331 = arith.mulf %add3A_323, %add3A_323 : vector<16xf32>
        %add3A_332 = arith.addf %add3A_317, %mul3A_331 : vector<16xf32>
        %get3A_333 = arith.constant 13 : i32
        %get3A_334 = arith.index_cast %get3A_333 : i32 to index
        %get3A_335 = arith.constant 0 : index
        %get3A_336 = tpu.vector_load %arg11[%get3A_334, %get3A_335] {strides = array<i32>} : memref<80x16xf32, #tpu.memory_space<vmem>>, vector<1x16xf32>,
        %get3A_337 = vector.shape_cast %get3A_336 : vector<1x16xf32> to vector<16xf32>
        %add3A_338 = arith.addf %get3A_337, %sub3A_257 : vector<16xf32>
        %swap3A_339 = arith.constant 1 : i32
        %swap3A_340 = arith.index_cast %swap3A_339 : i32 to index
        %swap3A_341 = arith.constant 80 : index
        %swap3A_342 = tpu.vector_load %arg12[%swap3A_340, %swap3A_341] {strides = array<i32>} : memref<10x128xf32, #tpu.memory_space<vmem>>, vector<1x16xf32>,
        %swap3A_343 = vector.shape_cast %swap3A_342 : vector<1x16xf32> to vector<16xf32>
        %swap3A_344 = vector.shape_cast %add3A_338 : vector<16xf32> to vector<1x16xf32>
        tpu.vector_store %arg12[%swap3A_340, %swap3A_341], %swap3A_344 {strides = array<i32>} : memref<10x128xf32, #tpu.memory_space<vmem>>, vector<1x16xf32>,
        %add3A_345 = arith.addf %add3A_330, %add3A_338 : vector<16xf32>
        %mul3A_346 = arith.mulf %add3A_338, %add3A_338 : vector<16xf32>
        %add3A_347 = arith.addf %add3A_332, %mul3A_346 : vector<16xf32>
        %get3A_348 = arith.constant 14 : i32
        %get3A_349 = arith.index_cast %get3A_348 : i32 to index
        %get3A_350 = arith.constant 0 : index
        %get3A_351 = tpu.vector_load %arg11[%get3A_349, %get3A_350] {strides = array<i32>} : memref<80x16xf32, #tpu.memory_space<vmem>>, vector<1x16xf32>,
        %get3A_352 = vector.shape_cast %get3A_351 : vector<1x16xf32> to vector<16xf32>
        %add3A_353 = arith.addf %get3A_352, %sub3A_257 : vector<16xf32>
        %swap3A_354 = arith.constant 1 : i32
        %swap3A_355 = arith.index_cast %swap3A_354 : i32 to index
        %swap3A_356 = arith.constant 96 : index
        %swap3A_357 = tpu.vector_load %arg12[%swap3A_355, %swap3A_356] {strides = array<i32>} : memref<10x128xf32, #tpu.memory_space<vmem>>, vector<1x16xf32>,
        %swap3A_358 = vector.shape_cast %swap3A_357 : vector<1x16xf32> to vector<16xf32>
        %swap3A_359 = vector.shape_cast %add3A_353 : vector<16xf32> to vector<1x16xf32>
        tpu.vector_store %arg12[%swap3A_355, %swap3A_356], %swap3A_359 {strides = array<i32>} : memref<10x128xf32, #tpu.memory_space<vmem>>, vector<1x16xf32>,
        %add3A_360 = arith.addf %add3A_345, %add3A_353 : vector<16xf32>
        %mul3A_361 = arith.mulf %add3A_353, %add3A_353 : vector<16xf32>
        %add3A_362 = arith.addf %add3A_347, %mul3A_361 : vector<16xf32>
        %get3A_363 = arith.constant 15 : i32
        %get3A_364 = arith.index_cast %get3A_363 : i32 to index
        %get3A_365 = arith.constant 0 : index
        %get3A_366 = tpu.vector_load %arg11[%get3A_364, %get3A_365] {strides = array<i32>} : memref<80x16xf32, #tpu.memory_space<vmem>>, vector<1x16xf32>,
        %get3A_367 = vector.shape_cast %get3A_366 : vector<1x16xf32> to vector<16xf32>
        %add3A_368 = arith.addf %get3A_367, %sub3A_257 : vector<16xf32>
        %swap3A_369 = arith.constant 1 : i32
        %swap3A_370 = arith.index_cast %swap3A_369 : i32 to index
        %swap3A_371 = arith.constant 112 : index
        %swap3A_372 = tpu.vector_load %arg12[%swap3A_370, %swap3A_371] {strides = array<i32>} : memref<10x128xf32, #tpu.memory_space<vmem>>, vector<1x16xf32>,
        %swap3A_373 = vector.shape_cast %swap3A_372 : vector<1x16xf32> to vector<16xf32>
        %swap3A_374 = vector.shape_cast %add3A_368 : vector<16xf32> to vector<1x16xf32>
        tpu.vector_store %arg12[%swap3A_370, %swap3A_371], %swap3A_374 {strides = array<i32>} : memref<10x128xf32, #tpu.memory_space<vmem>>, vector<1x16xf32>,
        %add3A_375 = arith.addf %add3A_360, %add3A_368 : vector<16xf32>
        %mul3A_376 = arith.mulf %add3A_368, %add3A_368 : vector<16xf32>
        %add3A_377 = arith.addf %add3A_362, %mul3A_376 : vector<16xf32>
        %add3A_378 = arith.constant 1 : i32
        %add3A_379 = arith.addi %mul3A_77, %add3A_378 : i32
        %get3A_380 = arith.index_cast %add3A_379 : i32 to index
        %get3A_381 = arith.constant 0 : index
        %get3A_382 = tpu.vector_load %arg8[%get3A_380, %get3A_381] {strides = array<i32>} : memref<625x16xf32, #tpu.memory_space<vmem>>, vector<1x16xf32>,
        %get3A_383 = vector.shape_cast %get3A_382 : vector<1x16xf32> to vector<16xf32>
        %sub3A_384 = arith.subf %get3A_44, %get3A_383 : vector<16xf32>
        %get3A_385 = arith.constant 16 : i32
        %get3A_386 = arith.index_cast %get3A_385 : i32 to index
        %get3A_387 = arith.constant 0 : index
        %get3A_388 = tpu.vector_load %arg11[%get3A_386, %get3A_387] {strides = array<i32>} : memref<80x16xf32, #tpu.memory_space<vmem>>, vector<1x16xf32>,
        %get3A_389 = vector.shape_cast %get3A_388 : vector<1x16xf32> to vector<16xf32>
        %add3A_390 = arith.addf %get3A_389, %sub3A_384 : vector<16xf32>
        %swap3A_391 = arith.constant 2 : i32
        %swap3A_392 = arith.index_cast %swap3A_391 : i32 to index
        %swap3A_393 = arith.constant 0 : index
        %swap3A_394 = tpu.vector_load %arg12[%swap3A_392, %swap3A_393] {strides = array<i32>} : memref<10x128xf32, #tpu.memory_space<vmem>>, vector<1x16xf32>,
        %swap3A_395 = vector.shape_cast %swap3A_394 : vector<1x16xf32> to vector<16xf32>
        %swap3A_396 = vector.shape_cast %add3A_390 : vector<16xf32> to vector<1x16xf32>
        tpu.vector_store %arg12[%swap3A_392, %swap3A_393], %swap3A_396 {strides = array<i32>} : memref<10x128xf32, #tpu.memory_space<vmem>>, vector<1x16xf32>,
        %add3A_397 = arith.addf %add3A_375, %add3A_390 : vector<16xf32>
        %mul3A_398 = arith.mulf %add3A_390, %add3A_390 : vector<16xf32>
        %add3A_399 = arith.addf %add3A_377, %mul3A_398 : vector<16xf32>
        %get3A_400 = arith.constant 17 : i32
        %get3A_401 = arith.index_cast %get3A_400 : i32 to index
        %get3A_402 = arith.constant 0 : index
        %get3A_403 = tpu.vector_load %arg11[%get3A_401, %get3A_402] {strides = array<i32>} : memref<80x16xf32, #tpu.memory_space<vmem>>, vector<1x16xf32>,
        %get3A_404 = vector.shape_cast %get3A_403 : vector<1x16xf32> to vector<16xf32>
        %add3A_405 = arith.addf %get3A_404, %sub3A_384 : vector<16xf32>
        %swap3A_406 = arith.constant 2 : i32
        %swap3A_407 = arith.index_cast %swap3A_406 : i32 to index
        %swap3A_408 = arith.constant 16 : index
        %swap3A_409 = tpu.vector_load %arg12[%swap3A_407, %swap3A_408] {strides = array<i32>} : memref<10x128xf32, #tpu.memory_space<vmem>>, vector<1x16xf32>,
        %swap3A_410 = vector.shape_cast %swap3A_409 : vector<1x16xf32> to vector<16xf32>
        %swap3A_411 = vector.shape_cast %add3A_405 : vector<16xf32> to vector<1x16xf32>
        tpu.vector_store %arg12[%swap3A_407, %swap3A_408], %swap3A_411 {strides = array<i32>} : memref<10x128xf32, #tpu.memory_space<vmem>>, vector<1x16xf32>,
        %add3A_412 = arith.addf %add3A_397, %add3A_405 : vector<16xf32>
        %mul3A_413 = arith.mulf %add3A_405, %add3A_405 : vector<16xf32>
        %add3A_414 = arith.addf %add3A_399, %mul3A_413 : vector<16xf32>
        %get3A_415 = arith.constant 18 : i32
        %get3A_416 = arith.index_cast %get3A_415 : i32 to index
        %get3A_417 = arith.constant 0 : index
        %get3A_418 = tpu.vector_load %arg11[%get3A_416, %get3A_417] {strides = array<i32>} : memref<80x16xf32, #tpu.memory_space<vmem>>, vector<1x16xf32>,
        %get3A_419 = vector.shape_cast %get3A_418 : vector<1x16xf32> to vector<16xf32>
        %add3A_420 = arith.addf %get3A_419, %sub3A_384 : vector<16xf32>
        %swap3A_421 = arith.constant 2 : i32
        %swap3A_422 = arith.index_cast %swap3A_421 : i32 to index
        %swap3A_423 = arith.constant 32 : index
        %swap3A_424 = tpu.vector_load %arg12[%swap3A_422, %swap3A_423] {strides = array<i32>} : memref<10x128xf32, #tpu.memory_space<vmem>>, vector<1x16xf32>,
        %swap3A_425 = vector.shape_cast %swap3A_424 : vector<1x16xf32> to vector<16xf32>
        %swap3A_426 = vector.shape_cast %add3A_420 : vector<16xf32> to vector<1x16xf32>
        tpu.vector_store %arg12[%swap3A_422, %swap3A_423], %swap3A_426 {strides = array<i32>} : memref<10x128xf32, #tpu.memory_space<vmem>>, vector<1x16xf32>,
        %add3A_427 = arith.addf %add3A_412, %add3A_420 : vector<16xf32>
        %mul3A_428 = arith.mulf %add3A_420, %add3A_420 : vector<16xf32>
        %add3A_429 = arith.addf %add3A_414, %mul3A_428 : vector<16xf32>
        %get3A_430 = arith.constant 19 : i32
        %get3A_431 = arith.index_cast %get3A_430 : i32 to index
        %get3A_432 = arith.constant 0 : index
        %get3A_433 = tpu.vector_load %arg11[%get3A_431, %get3A_432] {strides = array<i32>} : memref<80x16xf32, #tpu.memory_space<vmem>>, vector<1x16xf32>,
        %get3A_434 = vector.shape_cast %get3A_433 : vector<1x16xf32> to vector<16xf32>
        %add3A_435 = arith.addf %get3A_434, %sub3A_384 : vector<16xf32>
        %swap3A_436 = arith.constant 2 : i32
        %swap3A_437 = arith.index_cast %swap3A_436 : i32 to index
        %swap3A_438 = arith.constant 48 : index
        %swap3A_439 = tpu.vector_load %arg12[%swap3A_437, %swap3A_438] {strides = array<i32>} : memref<10x128xf32, #tpu.memory_space<vmem>>, vector<1x16xf32>,
        %swap3A_440 = vector.shape_cast %swap3A_439 : vector<1x16xf32> to vector<16xf32>
        %swap3A_441 = vector.shape_cast %add3A_435 : vector<16xf32> to vector<1x16xf32>
        tpu.vector_store %arg12[%swap3A_437, %swap3A_438], %swap3A_441 {strides = array<i32>} : memref<10x128xf32, #tpu.memory_space<vmem>>, vector<1x16xf32>,
        %add3A_442 = arith.addf %add3A_427, %add3A_435 : vector<16xf32>
        %mul3A_443 = arith.mulf %add3A_435, %add3A_435 : vector<16xf32>
        %add3A_444 = arith.addf %add3A_429, %mul3A_443 : vector<16xf32>
        %get3A_445 = arith.constant 20 : i32
        %get3A_446 = arith.index_cast %get3A_445 : i32 to index
        %get3A_447 = arith.constant 0 : index
        %get3A_448 = tpu.vector_load %arg11[%get3A_446, %get3A_447] {strides = array<i32>} : memref<80x16xf32, #tpu.memory_space<vmem>>, vector<1x16xf32>,
        %get3A_449 = vector.shape_cast %get3A_448 : vector<1x16xf32> to vector<16xf32>
        %add3A_450 = arith.addf %get3A_449, %sub3A_384 : vector<16xf32>
        %swap3A_451 = arith.constant 2 : i32
        %swap3A_452 = arith.index_cast %swap3A_451 : i32 to index
        %swap3A_453 = arith.constant 64 : index
        %swap3A_454 = tpu.vector_load %arg12[%swap3A_452, %swap3A_453] {strides = array<i32>} : memref<10x128xf32, #tpu.memory_space<vmem>>, vector<1x16xf32>,
        %swap3A_455 = vector.shape_cast %swap3A_454 : vector<1x16xf32> to vector<16xf32>
        %swap3A_456 = vector.shape_cast %add3A_450 : vector<16xf32> to vector<1x16xf32>
        tpu.vector_store %arg12[%swap3A_452, %swap3A_453], %swap3A_456 {strides = array<i32>} : memref<10x128xf32, #tpu.memory_space<vmem>>, vector<1x16xf32>,
        %add3A_457 = arith.addf %add3A_442, %add3A_450 : vector<16xf32>
        %mul3A_458 = arith.mulf %add3A_450, %add3A_450 : vector<16xf32>
        %add3A_459 = arith.addf %add3A_444, %mul3A_458 : vector<16xf32>
        %get3A_460 = arith.constant 21 : i32
        %get3A_461 = arith.index_cast %get3A_460 : i32 to index
        %get3A_462 = arith.constant 0 : index
        %get3A_463 = tpu.vector_load %arg11[%get3A_461, %get3A_462] {strides = array<i32>} : memref<80x16xf32, #tpu.memory_space<vmem>>, vector<1x16xf32>,
        %get3A_464 = vector.shape_cast %get3A_463 : vector<1x16xf32> to vector<16xf32>
        %add3A_465 = arith.addf %get3A_464, %sub3A_384 : vector<16xf32>
        %swap3A_466 = arith.constant 2 : i32
        %swap3A_467 = arith.index_cast %swap3A_466 : i32 to index
        %swap3A_468 = arith.constant 80 : index
        %swap3A_469 = tpu.vector_load %arg12[%swap3A_467, %swap3A_468] {strides = array<i32>} : memref<10x128xf32, #tpu.memory_space<vmem>>, vector<1x16xf32>,
        %swap3A_470 = vector.shape_cast %swap3A_469 : vector<1x16xf32> to vector<16xf32>
        %swap3A_471 = vector.shape_cast %add3A_465 : vector<16xf32> to vector<1x16xf32>
        tpu.vector_store %arg12[%swap3A_467, %swap3A_468], %swap3A_471 {strides = array<i32>} : memref<10x128xf32, #tpu.memory_space<vmem>>, vector<1x16xf32>,
        %add3A_472 = arith.addf %add3A_457, %add3A_465 : vector<16xf32>
        %mul3A_473 = arith.mulf %add3A_465, %add3A_465 : vector<16xf32>
        %add3A_474 = arith.addf %add3A_459, %mul3A_473 : vector<16xf32>
        %get3A_475 = arith.constant 22 : i32
        %get3A_476 = arith.index_cast %get3A_475 : i32 to index
        %get3A_477 = arith.constant 0 : index
        %get3A_478 = tpu.vector_load %arg11[%get3A_476, %get3A_477] {strides = array<i32>} : memref<80x16xf32, #tpu.memory_space<vmem>>, vector<1x16xf32>,
        %get3A_479 = vector.shape_cast %get3A_478 : vector<1x16xf32> to vector<16xf32>
        %add3A_480 = arith.addf %get3A_479, %sub3A_384 : vector<16xf32>
        %swap3A_481 = arith.constant 2 : i32
        %swap3A_482 = arith.index_cast %swap3A_481 : i32 to index
        %swap3A_483 = arith.constant 96 : index
        %swap3A_484 = tpu.vector_load %arg12[%swap3A_482, %swap3A_483] {strides = array<i32>} : memref<10x128xf32, #tpu.memory_space<vmem>>, vector<1x16xf32>,
        %swap3A_485 = vector.shape_cast %swap3A_484 : vector<1x16xf32> to vector<16xf32>
        %swap3A_486 = vector.shape_cast %add3A_480 : vector<16xf32> to vector<1x16xf32>
        tpu.vector_store %arg12[%swap3A_482, %swap3A_483], %swap3A_486 {strides = array<i32>} : memref<10x128xf32, #tpu.memory_space<vmem>>, vector<1x16xf32>,
        %add3A_487 = arith.addf %add3A_472, %add3A_480 : vector<16xf32>
        %mul3A_488 = arith.mulf %add3A_480, %add3A_480 : vector<16xf32>
        %add3A_489 = arith.addf %add3A_474, %mul3A_488 : vector<16xf32>
        %get3A_490 = arith.constant 23 : i32
        %get3A_491 = arith.index_cast %get3A_490 : i32 to index
        %get3A_492 = arith.constant 0 : index
        %get3A_493 = tpu.vector_load %arg11[%get3A_491, %get3A_492] {strides = array<i32>} : memref<80x16xf32, #tpu.memory_space<vmem>>, vector<1x16xf32>,
        %get3A_494 = vector.shape_cast %get3A_493 : vector<1x16xf32> to vector<16xf32>
        %add3A_495 = arith.addf %get3A_494, %sub3A_384 : vector<16xf32>
        %swap3A_496 = arith.constant 2 : i32
        %swap3A_497 = arith.index_cast %swap3A_496 : i32 to index
        %swap3A_498 = arith.constant 112 : index
        %swap3A_499 = tpu.vector_load %arg12[%swap3A_497, %swap3A_498] {strides = array<i32>} : memref<10x128xf32, #tpu.memory_space<vmem>>, vector<1x16xf32>,
        %swap3A_500 = vector.shape_cast %swap3A_499 : vector<1x16xf32> to vector<16xf32>
        %swap3A_501 = vector.shape_cast %add3A_495 : vector<16xf32> to vector<1x16xf32>
        tpu.vector_store %arg12[%swap3A_497, %swap3A_498], %swap3A_501 {strides = array<i32>} : memref<10x128xf32, #tpu.memory_space<vmem>>, vector<1x16xf32>,
        %add3A_502 = arith.addf %add3A_487, %add3A_495 : vector<16xf32>
        %mul3A_503 = arith.mulf %add3A_495, %add3A_495 : vector<16xf32>
        %add3A_504 = arith.addf %add3A_489, %mul3A_503 : vector<16xf32>
        %add3A_505 = arith.constant 1 : i32
        %add3A_506 = arith.addi %mul3A_77, %add3A_505 : i32
        %get3A_507 = arith.index_cast %add3A_506 : i32 to index
        %get3A_508 = arith.constant 0 : index
        %get3A_509 = tpu.vector_load %arg8[%get3A_507, %get3A_508] {strides = array<i32>} : memref<625x16xf32, #tpu.memory_space<vmem>>, vector<1x16xf32>,
        %get3A_510 = vector.shape_cast %get3A_509 : vector<1x16xf32> to vector<16xf32>
        %sub3A_511 = arith.subf %get3A_44, %get3A_510 : vector<16xf32>
        %get3A_512 = arith.constant 24 : i32
        %get3A_513 = arith.index_cast %get3A_512 : i32 to index
        %get3A_514 = arith.constant 0 : index
        %get3A_515 = tpu.vector_load %arg11[%get3A_513, %get3A_514] {strides = array<i32>} : memref<80x16xf32, #tpu.memory_space<vmem>>, vector<1x16xf32>,
        %get3A_516 = vector.shape_cast %get3A_515 : vector<1x16xf32> to vector<16xf32>
        %add3A_517 = arith.addf %get3A_516, %sub3A_511 : vector<16xf32>
        %swap3A_518 = arith.constant 3 : i32
        %swap3A_519 = arith.index_cast %swap3A_518 : i32 to index
        %swap3A_520 = arith.constant 0 : index
        %swap3A_521 = tpu.vector_load %arg12[%swap3A_519, %swap3A_520] {strides = array<i32>} : memref<10x128xf32, #tpu.memory_space<vmem>>, vector<1x16xf32>,
        %swap3A_522 = vector.shape_cast %swap3A_521 : vector<1x16xf32> to vector<16xf32>
        %swap3A_523 = vector.shape_cast %add3A_517 : vector<16xf32> to vector<1x16xf32>
        tpu.vector_store %arg12[%swap3A_519, %swap3A_520], %swap3A_523 {strides = array<i32>} : memref<10x128xf32, #tpu.memory_space<vmem>>, vector<1x16xf32>,
        %add3A_524 = arith.addf %add3A_502, %add3A_517 : vector<16xf32>
        %mul3A_525 = arith.mulf %add3A_517, %add3A_517 : vector<16xf32>
        %add3A_526 = arith.addf %add3A_504, %mul3A_525 : vector<16xf32>
        %get3A_527 = arith.constant 25 : i32
        %get3A_528 = arith.index_cast %get3A_527 : i32 to index
        %get3A_529 = arith.constant 0 : index
        %get3A_530 = tpu.vector_load %arg11[%get3A_528, %get3A_529] {strides = array<i32>} : memref<80x16xf32, #tpu.memory_space<vmem>>, vector<1x16xf32>,
        %get3A_531 = vector.shape_cast %get3A_530 : vector<1x16xf32> to vector<16xf32>
        %add3A_532 = arith.addf %get3A_531, %sub3A_511 : vector<16xf32>
        %swap3A_533 = arith.constant 3 : i32
        %swap3A_534 = arith.index_cast %swap3A_533 : i32 to index
        %swap3A_535 = arith.constant 16 : index
        %swap3A_536 = tpu.vector_load %arg12[%swap3A_534, %swap3A_535] {strides = array<i32>} : memref<10x128xf32, #tpu.memory_space<vmem>>, vector<1x16xf32>,
        %swap3A_537 = vector.shape_cast %swap3A_536 : vector<1x16xf32> to vector<16xf32>
        %swap3A_538 = vector.shape_cast %add3A_532 : vector<16xf32> to vector<1x16xf32>
        tpu.vector_store %arg12[%swap3A_534, %swap3A_535], %swap3A_538 {strides = array<i32>} : memref<10x128xf32, #tpu.memory_space<vmem>>, vector<1x16xf32>,
        %add3A_539 = arith.addf %add3A_524, %add3A_532 : vector<16xf32>
        %mul3A_540 = arith.mulf %add3A_532, %add3A_532 : vector<16xf32>
        %add3A_541 = arith.addf %add3A_526, %mul3A_540 : vector<16xf32>
        %get3A_542 = arith.constant 26 : i32
        %get3A_543 = arith.index_cast %get3A_542 : i32 to index
        %get3A_544 = arith.constant 0 : index
        %get3A_545 = tpu.vector_load %arg11[%get3A_543, %get3A_544] {strides = array<i32>} : memref<80x16xf32, #tpu.memory_space<vmem>>, vector<1x16xf32>,
        %get3A_546 = vector.shape_cast %get3A_545 : vector<1x16xf32> to vector<16xf32>
        %add3A_547 = arith.addf %get3A_546, %sub3A_511 : vector<16xf32>
        %swap3A_548 = arith.constant 3 : i32
        %swap3A_549 = arith.index_cast %swap3A_548 : i32 to index
        %swap3A_550 = arith.constant 32 : index
        %swap3A_551 = tpu.vector_load %arg12[%swap3A_549, %swap3A_550] {strides = array<i32>} : memref<10x128xf32, #tpu.memory_space<vmem>>, vector<1x16xf32>,
        %swap3A_552 = vector.shape_cast %swap3A_551 : vector<1x16xf32> to vector<16xf32>
        %swap3A_553 = vector.shape_cast %add3A_547 : vector<16xf32> to vector<1x16xf32>
        tpu.vector_store %arg12[%swap3A_549, %swap3A_550], %swap3A_553 {strides = array<i32>} : memref<10x128xf32, #tpu.memory_space<vmem>>, vector<1x16xf32>,
        %add3A_554 = arith.addf %add3A_539, %add3A_547 : vector<16xf32>
        %mul3A_555 = arith.mulf %add3A_547, %add3A_547 : vector<16xf32>
        %add3A_556 = arith.addf %add3A_541, %mul3A_555 : vector<16xf32>
        %get3A_557 = arith.constant 27 : i32
        %get3A_558 = arith.index_cast %get3A_557 : i32 to index
        %get3A_559 = arith.constant 0 : index
        %get3A_560 = tpu.vector_load %arg11[%get3A_558, %get3A_559] {strides = array<i32>} : memref<80x16xf32, #tpu.memory_space<vmem>>, vector<1x16xf32>,
        %get3A_561 = vector.shape_cast %get3A_560 : vector<1x16xf32> to vector<16xf32>
        %add3A_562 = arith.addf %get3A_561, %sub3A_511 : vector<16xf32>
        %swap3A_563 = arith.constant 3 : i32
        %swap3A_564 = arith.index_cast %swap3A_563 : i32 to index
        %swap3A_565 = arith.constant 48 : index
        %swap3A_566 = tpu.vector_load %arg12[%swap3A_564, %swap3A_565] {strides = array<i32>} : memref<10x128xf32, #tpu.memory_space<vmem>>, vector<1x16xf32>,
        %swap3A_567 = vector.shape_cast %swap3A_566 : vector<1x16xf32> to vector<16xf32>
        %swap3A_568 = vector.shape_cast %add3A_562 : vector<16xf32> to vector<1x16xf32>
        tpu.vector_store %arg12[%swap3A_564, %swap3A_565], %swap3A_568 {strides = array<i32>} : memref<10x128xf32, #tpu.memory_space<vmem>>, vector<1x16xf32>,
        %add3A_569 = arith.addf %add3A_554, %add3A_562 : vector<16xf32>
        %mul3A_570 = arith.mulf %add3A_562, %add3A_562 : vector<16xf32>
        %add3A_571 = arith.addf %add3A_556, %mul3A_570 : vector<16xf32>
        %get3A_572 = arith.constant 28 : i32
        %get3A_573 = arith.index_cast %get3A_572 : i32 to index
        %get3A_574 = arith.constant 0 : index
        %get3A_575 = tpu.vector_load %arg11[%get3A_573, %get3A_574] {strides = array<i32>} : memref<80x16xf32, #tpu.memory_space<vmem>>, vector<1x16xf32>,
        %get3A_576 = vector.shape_cast %get3A_575 : vector<1x16xf32> to vector<16xf32>
        %add3A_577 = arith.addf %get3A_576, %sub3A_511 : vector<16xf32>
        %swap3A_578 = arith.constant 3 : i32
        %swap3A_579 = arith.index_cast %swap3A_578 : i32 to index
        %swap3A_580 = arith.constant 64 : index
        %swap3A_581 = tpu.vector_load %arg12[%swap3A_579, %swap3A_580] {strides = array<i32>} : memref<10x128xf32, #tpu.memory_space<vmem>>, vector<1x16xf32>,
        %swap3A_582 = vector.shape_cast %swap3A_581 : vector<1x16xf32> to vector<16xf32>
        %swap3A_583 = vector.shape_cast %add3A_577 : vector<16xf32> to vector<1x16xf32>
        tpu.vector_store %arg12[%swap3A_579, %swap3A_580], %swap3A_583 {strides = array<i32>} : memref<10x128xf32, #tpu.memory_space<vmem>>, vector<1x16xf32>,
        %add3A_584 = arith.addf %add3A_569, %add3A_577 : vector<16xf32>
        %mul3A_585 = arith.mulf %add3A_577, %add3A_577 : vector<16xf32>
        %add3A_586 = arith.addf %add3A_571, %mul3A_585 : vector<16xf32>
        %get3A_587 = arith.constant 29 : i32
        %get3A_588 = arith.index_cast %get3A_587 : i32 to index
        %get3A_589 = arith.constant 0 : index
        %get3A_590 = tpu.vector_load %arg11[%get3A_588, %get3A_589] {strides = array<i32>} : memref<80x16xf32, #tpu.memory_space<vmem>>, vector<1x16xf32>,
        %get3A_591 = vector.shape_cast %get3A_590 : vector<1x16xf32> to vector<16xf32>
        %add3A_592 = arith.addf %get3A_591, %sub3A_511 : vector<16xf32>
        %swap3A_593 = arith.constant 3 : i32
        %swap3A_594 = arith.index_cast %swap3A_593 : i32 to index
        %swap3A_595 = arith.constant 80 : index
        %swap3A_596 = tpu.vector_load %arg12[%swap3A_594, %swap3A_595] {strides = array<i32>} : memref<10x128xf32, #tpu.memory_space<vmem>>, vector<1x16xf32>,
        %swap3A_597 = vector.shape_cast %swap3A_596 : vector<1x16xf32> to vector<16xf32>
        %swap3A_598 = vector.shape_cast %add3A_592 : vector<16xf32> to vector<1x16xf32>
        tpu.vector_store %arg12[%swap3A_594, %swap3A_595], %swap3A_598 {strides = array<i32>} : memref<10x128xf32, #tpu.memory_space<vmem>>, vector<1x16xf32>,
        %add3A_599 = arith.addf %add3A_584, %add3A_592 : vector<16xf32>
        %mul3A_600 = arith.mulf %add3A_592, %add3A_592 : vector<16xf32>
        %add3A_601 = arith.addf %add3A_586, %mul3A_600 : vector<16xf32>
        %get3A_602 = arith.constant 30 : i32
        %get3A_603 = arith.index_cast %get3A_602 : i32 to index
        %get3A_604 = arith.constant 0 : index
        %get3A_605 = tpu.vector_load %arg11[%get3A_603, %get3A_604] {strides = array<i32>} : memref<80x16xf32, #tpu.memory_space<vmem>>, vector<1x16xf32>,
        %get3A_606 = vector.shape_cast %get3A_605 : vector<1x16xf32> to vector<16xf32>
        %add3A_607 = arith.addf %get3A_606, %sub3A_511 : vector<16xf32>
        %swap3A_608 = arith.constant 3 : i32
        %swap3A_609 = arith.index_cast %swap3A_608 : i32 to index
        %swap3A_610 = arith.constant 96 : index
        %swap3A_611 = tpu.vector_load %arg12[%swap3A_609, %swap3A_610] {strides = array<i32>} : memref<10x128xf32, #tpu.memory_space<vmem>>, vector<1x16xf32>,
        %swap3A_612 = vector.shape_cast %swap3A_611 : vector<1x16xf32> to vector<16xf32>
        %swap3A_613 = vector.shape_cast %add3A_607 : vector<16xf32> to vector<1x16xf32>
        tpu.vector_store %arg12[%swap3A_609, %swap3A_610], %swap3A_613 {strides = array<i32>} : memref<10x128xf32, #tpu.memory_space<vmem>>, vector<1x16xf32>,
        %add3A_614 = arith.addf %add3A_599, %add3A_607 : vector<16xf32>
        %mul3A_615 = arith.mulf %add3A_607, %add3A_607 : vector<16xf32>
        %add3A_616 = arith.addf %add3A_601, %mul3A_615 : vector<16xf32>
        %get3A_617 = arith.constant 31 : i32
        %get3A_618 = arith.index_cast %get3A_617 : i32 to index
        %get3A_619 = arith.constant 0 : index
        %get3A_620 = tpu.vector_load %arg11[%get3A_618, %get3A_619] {strides = array<i32>} : memref<80x16xf32, #tpu.memory_space<vmem>>, vector<1x16xf32>,
        %get3A_621 = vector.shape_cast %get3A_620 : vector<1x16xf32> to vector<16xf32>
        %add3A_622 = arith.addf %get3A_621, %sub3A_511 : vector<16xf32>
        %swap3A_623 = arith.constant 3 : i32
        %swap3A_624 = arith.index_cast %swap3A_623 : i32 to index
        %swap3A_625 = arith.constant 112 : index
        %swap3A_626 = tpu.vector_load %arg12[%swap3A_624, %swap3A_625] {strides = array<i32>} : memref<10x128xf32, #tpu.memory_space<vmem>>, vector<1x16xf32>,
        %swap3A_627 = vector.shape_cast %swap3A_626 : vector<1x16xf32> to vector<16xf32>
        %swap3A_628 = vector.shape_cast %add3A_622 : vector<16xf32> to vector<1x16xf32>
        tpu.vector_store %arg12[%swap3A_624, %swap3A_625], %swap3A_628 {strides = array<i32>} : memref<10x128xf32, #tpu.memory_space<vmem>>, vector<1x16xf32>,
        %add3A_629 = arith.addf %add3A_614, %add3A_622 : vector<16xf32>
        %mul3A_630 = arith.mulf %add3A_622, %add3A_622 : vector<16xf32>
        %add3A_631 = arith.addf %add3A_616, %mul3A_630 : vector<16xf32>
        %add3A_632 = arith.constant 2 : i32
        %add3A_633 = arith.addi %mul3A_77, %add3A_632 : i32
        %get3A_634 = arith.index_cast %add3A_633 : i32 to index
        %get3A_635 = arith.constant 0 : index
        %get3A_636 = tpu.vector_load %arg8[%get3A_634, %get3A_635] {strides = array<i32>} : memref<625x16xf32, #tpu.memory_space<vmem>>, vector<1x16xf32>,
        %get3A_637 = vector.shape_cast %get3A_636 : vector<1x16xf32> to vector<16xf32>
        %sub3A_638 = arith.subf %get3A_44, %get3A_637 : vector<16xf32>
        %get3A_639 = arith.constant 32 : i32
        %get3A_640 = arith.index_cast %get3A_639 : i32 to index
        %get3A_641 = arith.constant 0 : index
        %get3A_642 = tpu.vector_load %arg11[%get3A_640, %get3A_641] {strides = array<i32>} : memref<80x16xf32, #tpu.memory_space<vmem>>, vector<1x16xf32>,
        %get3A_643 = vector.shape_cast %get3A_642 : vector<1x16xf32> to vector<16xf32>
        %add3A_644 = arith.addf %get3A_643, %sub3A_638 : vector<16xf32>
        %swap3A_645 = arith.constant 4 : i32
        %swap3A_646 = arith.index_cast %swap3A_645 : i32 to index
        %swap3A_647 = arith.constant 0 : index
        %swap3A_648 = tpu.vector_load %arg12[%swap3A_646, %swap3A_647] {strides = array<i32>} : memref<10x128xf32, #tpu.memory_space<vmem>>, vector<1x16xf32>,
        %swap3A_649 = vector.shape_cast %swap3A_648 : vector<1x16xf32> to vector<16xf32>
        %swap3A_650 = vector.shape_cast %add3A_644 : vector<16xf32> to vector<1x16xf32>
        tpu.vector_store %arg12[%swap3A_646, %swap3A_647], %swap3A_650 {strides = array<i32>} : memref<10x128xf32, #tpu.memory_space<vmem>>, vector<1x16xf32>,
        %add3A_651 = arith.addf %add3A_629, %add3A_644 : vector<16xf32>
        %mul3A_652 = arith.mulf %add3A_644, %add3A_644 : vector<16xf32>
        %add3A_653 = arith.addf %add3A_631, %mul3A_652 : vector<16xf32>
        %get3A_654 = arith.constant 33 : i32
        %get3A_655 = arith.index_cast %get3A_654 : i32 to index
        %get3A_656 = arith.constant 0 : index
        %get3A_657 = tpu.vector_load %arg11[%get3A_655, %get3A_656] {strides = array<i32>} : memref<80x16xf32, #tpu.memory_space<vmem>>, vector<1x16xf32>,
        %get3A_658 = vector.shape_cast %get3A_657 : vector<1x16xf32> to vector<16xf32>
        %add3A_659 = arith.addf %get3A_658, %sub3A_638 : vector<16xf32>
        %swap3A_660 = arith.constant 4 : i32
        %swap3A_661 = arith.index_cast %swap3A_660 : i32 to index
        %swap3A_662 = arith.constant 16 : index
        %swap3A_663 = tpu.vector_load %arg12[%swap3A_661, %swap3A_662] {strides = array<i32>} : memref<10x128xf32, #tpu.memory_space<vmem>>, vector<1x16xf32>,
        %swap3A_664 = vector.shape_cast %swap3A_663 : vector<1x16xf32> to vector<16xf32>
        %swap3A_665 = vector.shape_cast %add3A_659 : vector<16xf32> to vector<1x16xf32>
        tpu.vector_store %arg12[%swap3A_661, %swap3A_662], %swap3A_665 {strides = array<i32>} : memref<10x128xf32, #tpu.memory_space<vmem>>, vector<1x16xf32>,
        %add3A_666 = arith.addf %add3A_651, %add3A_659 : vector<16xf32>
        %mul3A_667 = arith.mulf %add3A_659, %add3A_659 : vector<16xf32>
        %add3A_668 = arith.addf %add3A_653, %mul3A_667 : vector<16xf32>
        %get3A_669 = arith.constant 34 : i32
        %get3A_670 = arith.index_cast %get3A_669 : i32 to index
        %get3A_671 = arith.constant 0 : index
        %get3A_672 = tpu.vector_load %arg11[%get3A_670, %get3A_671] {strides = array<i32>} : memref<80x16xf32, #tpu.memory_space<vmem>>, vector<1x16xf32>,
        %get3A_673 = vector.shape_cast %get3A_672 : vector<1x16xf32> to vector<16xf32>
        %add3A_674 = arith.addf %get3A_673, %sub3A_638 : vector<16xf32>
        %swap3A_675 = arith.constant 4 : i32
        %swap3A_676 = arith.index_cast %swap3A_675 : i32 to index
        %swap3A_677 = arith.constant 32 : index
        %swap3A_678 = tpu.vector_load %arg12[%swap3A_676, %swap3A_677] {strides = array<i32>} : memref<10x128xf32, #tpu.memory_space<vmem>>, vector<1x16xf32>,
        %swap3A_679 = vector.shape_cast %swap3A_678 : vector<1x16xf32> to vector<16xf32>
        %swap3A_680 = vector.shape_cast %add3A_674 : vector<16xf32> to vector<1x16xf32>
        tpu.vector_store %arg12[%swap3A_676, %swap3A_677], %swap3A_680 {strides = array<i32>} : memref<10x128xf32, #tpu.memory_space<vmem>>, vector<1x16xf32>,
        %add3A_681 = arith.addf %add3A_666, %add3A_674 : vector<16xf32>
        %mul3A_682 = arith.mulf %add3A_674, %add3A_674 : vector<16xf32>
        %add3A_683 = arith.addf %add3A_668, %mul3A_682 : vector<16xf32>
        %get3A_684 = arith.constant 35 : i32
        %get3A_685 = arith.index_cast %get3A_684 : i32 to index
        %get3A_686 = arith.constant 0 : index
        %get3A_687 = tpu.vector_load %arg11[%get3A_685, %get3A_686] {strides = array<i32>} : memref<80x16xf32, #tpu.memory_space<vmem>>, vector<1x16xf32>,
        %get3A_688 = vector.shape_cast %get3A_687 : vector<1x16xf32> to vector<16xf32>
        %add3A_689 = arith.addf %get3A_688, %sub3A_638 : vector<16xf32>
        %swap3A_690 = arith.constant 4 : i32
        %swap3A_691 = arith.index_cast %swap3A_690 : i32 to index
        %swap3A_692 = arith.constant 48 : index
        %swap3A_693 = tpu.vector_load %arg12[%swap3A_691, %swap3A_692] {strides = array<i32>} : memref<10x128xf32, #tpu.memory_space<vmem>>, vector<1x16xf32>,
        %swap3A_694 = vector.shape_cast %swap3A_693 : vector<1x16xf32> to vector<16xf32>
        %swap3A_695 = vector.shape_cast %add3A_689 : vector<16xf32> to vector<1x16xf32>
        tpu.vector_store %arg12[%swap3A_691, %swap3A_692], %swap3A_695 {strides = array<i32>} : memref<10x128xf32, #tpu.memory_space<vmem>>, vector<1x16xf32>,
        %add3A_696 = arith.addf %add3A_681, %add3A_689 : vector<16xf32>
        %mul3A_697 = arith.mulf %add3A_689, %add3A_689 : vector<16xf32>
        %add3A_698 = arith.addf %add3A_683, %mul3A_697 : vector<16xf32>
        %get3A_699 = arith.constant 36 : i32
        %get3A_700 = arith.index_cast %get3A_699 : i32 to index
        %get3A_701 = arith.constant 0 : index
        %get3A_702 = tpu.vector_load %arg11[%get3A_700, %get3A_701] {strides = array<i32>} : memref<80x16xf32, #tpu.memory_space<vmem>>, vector<1x16xf32>,
        %get3A_703 = vector.shape_cast %get3A_702 : vector<1x16xf32> to vector<16xf32>
        %add3A_704 = arith.addf %get3A_703, %sub3A_638 : vector<16xf32>
        %swap3A_705 = arith.constant 4 : i32
        %swap3A_706 = arith.index_cast %swap3A_705 : i32 to index
        %swap3A_707 = arith.constant 64 : index
        %swap3A_708 = tpu.vector_load %arg12[%swap3A_706, %swap3A_707] {strides = array<i32>} : memref<10x128xf32, #tpu.memory_space<vmem>>, vector<1x16xf32>,
        %swap3A_709 = vector.shape_cast %swap3A_708 : vector<1x16xf32> to vector<16xf32>
        %swap3A_710 = vector.shape_cast %add3A_704 : vector<16xf32> to vector<1x16xf32>
        tpu.vector_store %arg12[%swap3A_706, %swap3A_707], %swap3A_710 {strides = array<i32>} : memref<10x128xf32, #tpu.memory_space<vmem>>, vector<1x16xf32>,
        %add3A_711 = arith.addf %add3A_696, %add3A_704 : vector<16xf32>
        %mul3A_712 = arith.mulf %add3A_704, %add3A_704 : vector<16xf32>
        %add3A_713 = arith.addf %add3A_698, %mul3A_712 : vector<16xf32>
        %get3A_714 = arith.constant 37 : i32
        %get3A_715 = arith.index_cast %get3A_714 : i32 to index
        %get3A_716 = arith.constant 0 : index
        %get3A_717 = tpu.vector_load %arg11[%get3A_715, %get3A_716] {strides = array<i32>} : memref<80x16xf32, #tpu.memory_space<vmem>>, vector<1x16xf32>,
        %get3A_718 = vector.shape_cast %get3A_717 : vector<1x16xf32> to vector<16xf32>
        %add3A_719 = arith.addf %get3A_718, %sub3A_638 : vector<16xf32>
        %swap3A_720 = arith.constant 4 : i32
        %swap3A_721 = arith.index_cast %swap3A_720 : i32 to index
        %swap3A_722 = arith.constant 80 : index
        %swap3A_723 = tpu.vector_load %arg12[%swap3A_721, %swap3A_722] {strides = array<i32>} : memref<10x128xf32, #tpu.memory_space<vmem>>, vector<1x16xf32>,
        %swap3A_724 = vector.shape_cast %swap3A_723 : vector<1x16xf32> to vector<16xf32>
        %swap3A_725 = vector.shape_cast %add3A_719 : vector<16xf32> to vector<1x16xf32>
        tpu.vector_store %arg12[%swap3A_721, %swap3A_722], %swap3A_725 {strides = array<i32>} : memref<10x128xf32, #tpu.memory_space<vmem>>, vector<1x16xf32>,
        %add3A_726 = arith.addf %add3A_711, %add3A_719 : vector<16xf32>
        %mul3A_727 = arith.mulf %add3A_719, %add3A_719 : vector<16xf32>
        %add3A_728 = arith.addf %add3A_713, %mul3A_727 : vector<16xf32>
        %get3A_729 = arith.constant 38 : i32
        %get3A_730 = arith.index_cast %get3A_729 : i32 to index
        %get3A_731 = arith.constant 0 : index
        %get3A_732 = tpu.vector_load %arg11[%get3A_730, %get3A_731] {strides = array<i32>} : memref<80x16xf32, #tpu.memory_space<vmem>>, vector<1x16xf32>,
        %get3A_733 = vector.shape_cast %get3A_732 : vector<1x16xf32> to vector<16xf32>
        %add3A_734 = arith.addf %get3A_733, %sub3A_638 : vector<16xf32>
        %swap3A_735 = arith.constant 4 : i32
        %swap3A_736 = arith.index_cast %swap3A_735 : i32 to index
        %swap3A_737 = arith.constant 96 : index
        %swap3A_738 = tpu.vector_load %arg12[%swap3A_736, %swap3A_737] {strides = array<i32>} : memref<10x128xf32, #tpu.memory_space<vmem>>, vector<1x16xf32>,
        %swap3A_739 = vector.shape_cast %swap3A_738 : vector<1x16xf32> to vector<16xf32>
        %swap3A_740 = vector.shape_cast %add3A_734 : vector<16xf32> to vector<1x16xf32>
        tpu.vector_store %arg12[%swap3A_736, %swap3A_737], %swap3A_740 {strides = array<i32>} : memref<10x128xf32, #tpu.memory_space<vmem>>, vector<1x16xf32>,
        %add3A_741 = arith.addf %add3A_726, %add3A_734 : vector<16xf32>
        %mul3A_742 = arith.mulf %add3A_734, %add3A_734 : vector<16xf32>
        %add3A_743 = arith.addf %add3A_728, %mul3A_742 : vector<16xf32>
        %get3A_744 = arith.constant 39 : i32
        %get3A_745 = arith.index_cast %get3A_744 : i32 to index
        %get3A_746 = arith.constant 0 : index
        %get3A_747 = tpu.vector_load %arg11[%get3A_745, %get3A_746] {strides = array<i32>} : memref<80x16xf32, #tpu.memory_space<vmem>>, vector<1x16xf32>,
        %get3A_748 = vector.shape_cast %get3A_747 : vector<1x16xf32> to vector<16xf32>
        %add3A_749 = arith.addf %get3A_748, %sub3A_638 : vector<16xf32>
        %swap3A_750 = arith.constant 4 : i32
        %swap3A_751 = arith.index_cast %swap3A_750 : i32 to index
        %swap3A_752 = arith.constant 112 : index
        %swap3A_753 = tpu.vector_load %arg12[%swap3A_751, %swap3A_752] {strides = array<i32>} : memref<10x128xf32, #tpu.memory_space<vmem>>, vector<1x16xf32>,
        %swap3A_754 = vector.shape_cast %swap3A_753 : vector<1x16xf32> to vector<16xf32>
        %swap3A_755 = vector.shape_cast %add3A_749 : vector<16xf32> to vector<1x16xf32>
        tpu.vector_store %arg12[%swap3A_751, %swap3A_752], %swap3A_755 {strides = array<i32>} : memref<10x128xf32, #tpu.memory_space<vmem>>, vector<1x16xf32>,
        %add3A_756 = arith.addf %add3A_741, %add3A_749 : vector<16xf32>
        %mul3A_757 = arith.mulf %add3A_749, %add3A_749 : vector<16xf32>
        %add3A_758 = arith.addf %add3A_743, %mul3A_757 : vector<16xf32>
        %add3A_759 = arith.constant 2 : i32
        %add3A_760 = arith.addi %mul3A_77, %add3A_759 : i32
        %get3A_761 = arith.index_cast %add3A_760 : i32 to index
        %get3A_762 = arith.constant 0 : index
        %get3A_763 = tpu.vector_load %arg8[%get3A_761, %get3A_762] {strides = array<i32>} : memref<625x16xf32, #tpu.memory_space<vmem>>, vector<1x16xf32>,
        %get3A_764 = vector.shape_cast %get3A_763 : vector<1x16xf32> to vector<16xf32>
        %sub3A_765 = arith.subf %get3A_44, %get3A_764 : vector<16xf32>
        %get3A_766 = arith.constant 40 : i32
        %get3A_767 = arith.index_cast %get3A_766 : i32 to index
        %get3A_768 = arith.constant 0 : index
        %get3A_769 = tpu.vector_load %arg11[%get3A_767, %get3A_768] {strides = array<i32>} : memref<80x16xf32, #tpu.memory_space<vmem>>, vector<1x16xf32>,
        %get3A_770 = vector.shape_cast %get3A_769 : vector<1x16xf32> to vector<16xf32>
        %add3A_771 = arith.addf %get3A_770, %sub3A_765 : vector<16xf32>
        %swap3A_772 = arith.constant 5 : i32
        %swap3A_773 = arith.index_cast %swap3A_772 : i32 to index
        %swap3A_774 = arith.constant 0 : index
        %swap3A_775 = tpu.vector_load %arg12[%swap3A_773, %swap3A_774] {strides = array<i32>} : memref<10x128xf32, #tpu.memory_space<vmem>>, vector<1x16xf32>,
        %swap3A_776 = vector.shape_cast %swap3A_775 : vector<1x16xf32> to vector<16xf32>
        %swap3A_777 = vector.shape_cast %add3A_771 : vector<16xf32> to vector<1x16xf32>
        tpu.vector_store %arg12[%swap3A_773, %swap3A_774], %swap3A_777 {strides = array<i32>} : memref<10x128xf32, #tpu.memory_space<vmem>>, vector<1x16xf32>,
        %add3A_778 = arith.addf %add3A_756, %add3A_771 : vector<16xf32>
        %mul3A_779 = arith.mulf %add3A_771, %add3A_771 : vector<16xf32>
        %add3A_780 = arith.addf %add3A_758, %mul3A_779 : vector<16xf32>
        %get3A_781 = arith.constant 41 : i32
        %get3A_782 = arith.index_cast %get3A_781 : i32 to index
        %get3A_783 = arith.constant 0 : index
        %get3A_784 = tpu.vector_load %arg11[%get3A_782, %get3A_783] {strides = array<i32>} : memref<80x16xf32, #tpu.memory_space<vmem>>, vector<1x16xf32>,
        %get3A_785 = vector.shape_cast %get3A_784 : vector<1x16xf32> to vector<16xf32>
        %add3A_786 = arith.addf %get3A_785, %sub3A_765 : vector<16xf32>
        %swap3A_787 = arith.constant 5 : i32
        %swap3A_788 = arith.index_cast %swap3A_787 : i32 to index
        %swap3A_789 = arith.constant 16 : index
        %swap3A_790 = tpu.vector_load %arg12[%swap3A_788, %swap3A_789] {strides = array<i32>} : memref<10x128xf32, #tpu.memory_space<vmem>>, vector<1x16xf32>,
        %swap3A_791 = vector.shape_cast %swap3A_790 : vector<1x16xf32> to vector<16xf32>
        %swap3A_792 = vector.shape_cast %add3A_786 : vector<16xf32> to vector<1x16xf32>
        tpu.vector_store %arg12[%swap3A_788, %swap3A_789], %swap3A_792 {strides = array<i32>} : memref<10x128xf32, #tpu.memory_space<vmem>>, vector<1x16xf32>,
        %add3A_793 = arith.addf %add3A_778, %add3A_786 : vector<16xf32>
        %mul3A_794 = arith.mulf %add3A_786, %add3A_786 : vector<16xf32>
        %add3A_795 = arith.addf %add3A_780, %mul3A_794 : vector<16xf32>
        %get3A_796 = arith.constant 42 : i32
        %get3A_797 = arith.index_cast %get3A_796 : i32 to index
        %get3A_798 = arith.constant 0 : index
        %get3A_799 = tpu.vector_load %arg11[%get3A_797, %get3A_798] {strides = array<i32>} : memref<80x16xf32, #tpu.memory_space<vmem>>, vector<1x16xf32>,
        %get3A_800 = vector.shape_cast %get3A_799 : vector<1x16xf32> to vector<16xf32>
        %add3A_801 = arith.addf %get3A_800, %sub3A_765 : vector<16xf32>
        %swap3A_802 = arith.constant 5 : i32
        %swap3A_803 = arith.index_cast %swap3A_802 : i32 to index
        %swap3A_804 = arith.constant 32 : index
        %swap3A_805 = tpu.vector_load %arg12[%swap3A_803, %swap3A_804] {strides = array<i32>} : memref<10x128xf32, #tpu.memory_space<vmem>>, vector<1x16xf32>,
        %swap3A_806 = vector.shape_cast %swap3A_805 : vector<1x16xf32> to vector<16xf32>
        %swap3A_807 = vector.shape_cast %add3A_801 : vector<16xf32> to vector<1x16xf32>
        tpu.vector_store %arg12[%swap3A_803, %swap3A_804], %swap3A_807 {strides = array<i32>} : memref<10x128xf32, #tpu.memory_space<vmem>>, vector<1x16xf32>,
        %add3A_808 = arith.addf %add3A_793, %add3A_801 : vector<16xf32>
        %mul3A_809 = arith.mulf %add3A_801, %add3A_801 : vector<16xf32>
        %add3A_810 = arith.addf %add3A_795, %mul3A_809 : vector<16xf32>
        %get3A_811 = arith.constant 43 : i32
        %get3A_812 = arith.index_cast %get3A_811 : i32 to index
        %get3A_813 = arith.constant 0 : index
        %get3A_814 = tpu.vector_load %arg11[%get3A_812, %get3A_813] {strides = array<i32>} : memref<80x16xf32, #tpu.memory_space<vmem>>, vector<1x16xf32>,
        %get3A_815 = vector.shape_cast %get3A_814 : vector<1x16xf32> to vector<16xf32>
        %add3A_816 = arith.addf %get3A_815, %sub3A_765 : vector<16xf32>
        %swap3A_817 = arith.constant 5 : i32
        %swap3A_818 = arith.index_cast %swap3A_817 : i32 to index
        %swap3A_819 = arith.constant 48 : index
        %swap3A_820 = tpu.vector_load %arg12[%swap3A_818, %swap3A_819] {strides = array<i32>} : memref<10x128xf32, #tpu.memory_space<vmem>>, vector<1x16xf32>,
        %swap3A_821 = vector.shape_cast %swap3A_820 : vector<1x16xf32> to vector<16xf32>
        %swap3A_822 = vector.shape_cast %add3A_816 : vector<16xf32> to vector<1x16xf32>
        tpu.vector_store %arg12[%swap3A_818, %swap3A_819], %swap3A_822 {strides = array<i32>} : memref<10x128xf32, #tpu.memory_space<vmem>>, vector<1x16xf32>,
        %add3A_823 = arith.addf %add3A_808, %add3A_816 : vector<16xf32>
        %mul3A_824 = arith.mulf %add3A_816, %add3A_816 : vector<16xf32>
        %add3A_825 = arith.addf %add3A_810, %mul3A_824 : vector<16xf32>
        %get3A_826 = arith.constant 44 : i32
        %get3A_827 = arith.index_cast %get3A_826 : i32 to index
        %get3A_828 = arith.constant 0 : index
        %get3A_829 = tpu.vector_load %arg11[%get3A_827, %get3A_828] {strides = array<i32>} : memref<80x16xf32, #tpu.memory_space<vmem>>, vector<1x16xf32>,
        %get3A_830 = vector.shape_cast %get3A_829 : vector<1x16xf32> to vector<16xf32>
        %add3A_831 = arith.addf %get3A_830, %sub3A_765 : vector<16xf32>
        %swap3A_832 = arith.constant 5 : i32
        %swap3A_833 = arith.index_cast %swap3A_832 : i32 to index
        %swap3A_834 = arith.constant 64 : index
        %swap3A_835 = tpu.vector_load %arg12[%swap3A_833, %swap3A_834] {strides = array<i32>} : memref<10x128xf32, #tpu.memory_space<vmem>>, vector<1x16xf32>,
        %swap3A_836 = vector.shape_cast %swap3A_835 : vector<1x16xf32> to vector<16xf32>
        %swap3A_837 = vector.shape_cast %add3A_831 : vector<16xf32> to vector<1x16xf32>
        tpu.vector_store %arg12[%swap3A_833, %swap3A_834], %swap3A_837 {strides = array<i32>} : memref<10x128xf32, #tpu.memory_space<vmem>>, vector<1x16xf32>,
        %add3A_838 = arith.addf %add3A_823, %add3A_831 : vector<16xf32>
        %mul3A_839 = arith.mulf %add3A_831, %add3A_831 : vector<16xf32>
        %add3A_840 = arith.addf %add3A_825, %mul3A_839 : vector<16xf32>
        %get3A_841 = arith.constant 45 : i32
        %get3A_842 = arith.index_cast %get3A_841 : i32 to index
        %get3A_843 = arith.constant 0 : index
        %get3A_844 = tpu.vector_load %arg11[%get3A_842, %get3A_843] {strides = array<i32>} : memref<80x16xf32, #tpu.memory_space<vmem>>, vector<1x16xf32>,
        %get3A_845 = vector.shape_cast %get3A_844 : vector<1x16xf32> to vector<16xf32>
        %add3A_846 = arith.addf %get3A_845, %sub3A_765 : vector<16xf32>
        %swap3A_847 = arith.constant 5 : i32
        %swap3A_848 = arith.index_cast %swap3A_847 : i32 to index
        %swap3A_849 = arith.constant 80 : index
        %swap3A_850 = tpu.vector_load %arg12[%swap3A_848, %swap3A_849] {strides = array<i32>} : memref<10x128xf32, #tpu.memory_space<vmem>>, vector<1x16xf32>,
        %swap3A_851 = vector.shape_cast %swap3A_850 : vector<1x16xf32> to vector<16xf32>
        %swap3A_852 = vector.shape_cast %add3A_846 : vector<16xf32> to vector<1x16xf32>
        tpu.vector_store %arg12[%swap3A_848, %swap3A_849], %swap3A_852 {strides = array<i32>} : memref<10x128xf32, #tpu.memory_space<vmem>>, vector<1x16xf32>,
        %add3A_853 = arith.addf %add3A_838, %add3A_846 : vector<16xf32>
        %mul3A_854 = arith.mulf %add3A_846, %add3A_846 : vector<16xf32>
        %add3A_855 = arith.addf %add3A_840, %mul3A_854 : vector<16xf32>
        %get3A_856 = arith.constant 46 : i32
        %get3A_857 = arith.index_cast %get3A_856 : i32 to index
        %get3A_858 = arith.constant 0 : index
        %get3A_859 = tpu.vector_load %arg11[%get3A_857, %get3A_858] {strides = array<i32>} : memref<80x16xf32, #tpu.memory_space<vmem>>, vector<1x16xf32>,
        %get3A_860 = vector.shape_cast %get3A_859 : vector<1x16xf32> to vector<16xf32>
        %add3A_861 = arith.addf %get3A_860, %sub3A_765 : vector<16xf32>
        %swap3A_862 = arith.constant 5 : i32
        %swap3A_863 = arith.index_cast %swap3A_862 : i32 to index
        %swap3A_864 = arith.constant 96 : index
        %swap3A_865 = tpu.vector_load %arg12[%swap3A_863, %swap3A_864] {strides = array<i32>} : memref<10x128xf32, #tpu.memory_space<vmem>>, vector<1x16xf32>,
        %swap3A_866 = vector.shape_cast %swap3A_865 : vector<1x16xf32> to vector<16xf32>
        %swap3A_867 = vector.shape_cast %add3A_861 : vector<16xf32> to vector<1x16xf32>
        tpu.vector_store %arg12[%swap3A_863, %swap3A_864], %swap3A_867 {strides = array<i32>} : memref<10x128xf32, #tpu.memory_space<vmem>>, vector<1x16xf32>,
        %add3A_868 = arith.addf %add3A_853, %add3A_861 : vector<16xf32>
        %mul3A_869 = arith.mulf %add3A_861, %add3A_861 : vector<16xf32>
        %add3A_870 = arith.addf %add3A_855, %mul3A_869 : vector<16xf32>
        %get3A_871 = arith.constant 47 : i32
        %get3A_872 = arith.index_cast %get3A_871 : i32 to index
        %get3A_873 = arith.constant 0 : index
        %get3A_874 = tpu.vector_load %arg11[%get3A_872, %get3A_873] {strides = array<i32>} : memref<80x16xf32, #tpu.memory_space<vmem>>, vector<1x16xf32>,
        %get3A_875 = vector.shape_cast %get3A_874 : vector<1x16xf32> to vector<16xf32>
        %add3A_876 = arith.addf %get3A_875, %sub3A_765 : vector<16xf32>
        %swap3A_877 = arith.constant 5 : i32
        %swap3A_878 = arith.index_cast %swap3A_877 : i32 to index
        %swap3A_879 = arith.constant 112 : index
        %swap3A_880 = tpu.vector_load %arg12[%swap3A_878, %swap3A_879] {strides = array<i32>} : memref<10x128xf32, #tpu.memory_space<vmem>>, vector<1x16xf32>,
        %swap3A_881 = vector.shape_cast %swap3A_880 : vector<1x16xf32> to vector<16xf32>
        %swap3A_882 = vector.shape_cast %add3A_876 : vector<16xf32> to vector<1x16xf32>
        tpu.vector_store %arg12[%swap3A_878, %swap3A_879], %swap3A_882 {strides = array<i32>} : memref<10x128xf32, #tpu.memory_space<vmem>>, vector<1x16xf32>,
        %add3A_883 = arith.addf %add3A_868, %add3A_876 : vector<16xf32>
        %mul3A_884 = arith.mulf %add3A_876, %add3A_876 : vector<16xf32>
        %add3A_885 = arith.addf %add3A_870, %mul3A_884 : vector<16xf32>
        %add3A_886 = arith.constant 3 : i32
        %add3A_887 = arith.addi %mul3A_77, %add3A_886 : i32
        %get3A_888 = arith.index_cast %add3A_887 : i32 to index
        %get3A_889 = arith.constant 0 : index
        %get3A_890 = tpu.vector_load %arg8[%get3A_888, %get3A_889] {strides = array<i32>} : memref<625x16xf32, #tpu.memory_space<vmem>>, vector<1x16xf32>,
        %get3A_891 = vector.shape_cast %get3A_890 : vector<1x16xf32> to vector<16xf32>
        %sub3A_892 = arith.subf %get3A_44, %get3A_891 : vector<16xf32>
        %get3A_893 = arith.constant 48 : i32
        %get3A_894 = arith.index_cast %get3A_893 : i32 to index
        %get3A_895 = arith.constant 0 : index
        %get3A_896 = tpu.vector_load %arg11[%get3A_894, %get3A_895] {strides = array<i32>} : memref<80x16xf32, #tpu.memory_space<vmem>>, vector<1x16xf32>,
        %get3A_897 = vector.shape_cast %get3A_896 : vector<1x16xf32> to vector<16xf32>
        %add3A_898 = arith.addf %get3A_897, %sub3A_892 : vector<16xf32>
        %swap3A_899 = arith.constant 6 : i32
        %swap3A_900 = arith.index_cast %swap3A_899 : i32 to index
        %swap3A_901 = arith.constant 0 : index
        %swap3A_902 = tpu.vector_load %arg12[%swap3A_900, %swap3A_901] {strides = array<i32>} : memref<10x128xf32, #tpu.memory_space<vmem>>, vector<1x16xf32>,
        %swap3A_903 = vector.shape_cast %swap3A_902 : vector<1x16xf32> to vector<16xf32>
        %swap3A_904 = vector.shape_cast %add3A_898 : vector<16xf32> to vector<1x16xf32>
        tpu.vector_store %arg12[%swap3A_900, %swap3A_901], %swap3A_904 {strides = array<i32>} : memref<10x128xf32, #tpu.memory_space<vmem>>, vector<1x16xf32>,
        %add3A_905 = arith.addf %add3A_883, %add3A_898 : vector<16xf32>
        %mul3A_906 = arith.mulf %add3A_898, %add3A_898 : vector<16xf32>
        %add3A_907 = arith.addf %add3A_885, %mul3A_906 : vector<16xf32>
        %get3A_908 = arith.constant 49 : i32
        %get3A_909 = arith.index_cast %get3A_908 : i32 to index
        %get3A_910 = arith.constant 0 : index
        %get3A_911 = tpu.vector_load %arg11[%get3A_909, %get3A_910] {strides = array<i32>} : memref<80x16xf32, #tpu.memory_space<vmem>>, vector<1x16xf32>,
        %get3A_912 = vector.shape_cast %get3A_911 : vector<1x16xf32> to vector<16xf32>
        %add3A_913 = arith.addf %get3A_912, %sub3A_892 : vector<16xf32>
        %swap3A_914 = arith.constant 6 : i32
        %swap3A_915 = arith.index_cast %swap3A_914 : i32 to index
        %swap3A_916 = arith.constant 16 : index
        %swap3A_917 = tpu.vector_load %arg12[%swap3A_915, %swap3A_916] {strides = array<i32>} : memref<10x128xf32, #tpu.memory_space<vmem>>, vector<1x16xf32>,
        %swap3A_918 = vector.shape_cast %swap3A_917 : vector<1x16xf32> to vector<16xf32>
        %swap3A_919 = vector.shape_cast %add3A_913 : vector<16xf32> to vector<1x16xf32>
        tpu.vector_store %arg12[%swap3A_915, %swap3A_916], %swap3A_919 {strides = array<i32>} : memref<10x128xf32, #tpu.memory_space<vmem>>, vector<1x16xf32>,
        %add3A_920 = arith.addf %add3A_905, %add3A_913 : vector<16xf32>
        %mul3A_921 = arith.mulf %add3A_913, %add3A_913 : vector<16xf32>
        %add3A_922 = arith.addf %add3A_907, %mul3A_921 : vector<16xf32>
        %get3A_923 = arith.constant 50 : i32
        %get3A_924 = arith.index_cast %get3A_923 : i32 to index
        %get3A_925 = arith.constant 0 : index
        %get3A_926 = tpu.vector_load %arg11[%get3A_924, %get3A_925] {strides = array<i32>} : memref<80x16xf32, #tpu.memory_space<vmem>>, vector<1x16xf32>,
        %get3A_927 = vector.shape_cast %get3A_926 : vector<1x16xf32> to vector<16xf32>
        %add3A_928 = arith.addf %get3A_927, %sub3A_892 : vector<16xf32>
        %swap3A_929 = arith.constant 6 : i32
        %swap3A_930 = arith.index_cast %swap3A_929 : i32 to index
        %swap3A_931 = arith.constant 32 : index
        %swap3A_932 = tpu.vector_load %arg12[%swap3A_930, %swap3A_931] {strides = array<i32>} : memref<10x128xf32, #tpu.memory_space<vmem>>, vector<1x16xf32>,
        %swap3A_933 = vector.shape_cast %swap3A_932 : vector<1x16xf32> to vector<16xf32>
        %swap3A_934 = vector.shape_cast %add3A_928 : vector<16xf32> to vector<1x16xf32>
        tpu.vector_store %arg12[%swap3A_930, %swap3A_931], %swap3A_934 {strides = array<i32>} : memref<10x128xf32, #tpu.memory_space<vmem>>, vector<1x16xf32>,
        %add3A_935 = arith.addf %add3A_920, %add3A_928 : vector<16xf32>
        %mul3A_936 = arith.mulf %add3A_928, %add3A_928 : vector<16xf32>
        %add3A_937 = arith.addf %add3A_922, %mul3A_936 : vector<16xf32>
        %get3A_938 = arith.constant 51 : i32
        %get3A_939 = arith.index_cast %get3A_938 : i32 to index
        %get3A_940 = arith.constant 0 : index
        %get3A_941 = tpu.vector_load %arg11[%get3A_939, %get3A_940] {strides = array<i32>} : memref<80x16xf32, #tpu.memory_space<vmem>>, vector<1x16xf32>,
        %get3A_942 = vector.shape_cast %get3A_941 : vector<1x16xf32> to vector<16xf32>
        %add3A_943 = arith.addf %get3A_942, %sub3A_892 : vector<16xf32>
        %swap3A_944 = arith.constant 6 : i32
        %swap3A_945 = arith.index_cast %swap3A_944 : i32 to index
        %swap3A_946 = arith.constant 48 : index
        %swap3A_947 = tpu.vector_load %arg12[%swap3A_945, %swap3A_946] {strides = array<i32>} : memref<10x128xf32, #tpu.memory_space<vmem>>, vector<1x16xf32>,
        %swap3A_948 = vector.shape_cast %swap3A_947 : vector<1x16xf32> to vector<16xf32>
        %swap3A_949 = vector.shape_cast %add3A_943 : vector<16xf32> to vector<1x16xf32>
        tpu.vector_store %arg12[%swap3A_945, %swap3A_946], %swap3A_949 {strides = array<i32>} : memref<10x128xf32, #tpu.memory_space<vmem>>, vector<1x16xf32>,
        %add3A_950 = arith.addf %add3A_935, %add3A_943 : vector<16xf32>
        %mul3A_951 = arith.mulf %add3A_943, %add3A_943 : vector<16xf32>
        %add3A_952 = arith.addf %add3A_937, %mul3A_951 : vector<16xf32>
        %get3A_953 = arith.constant 52 : i32
        %get3A_954 = arith.index_cast %get3A_953 : i32 to index
        %get3A_955 = arith.constant 0 : index
        %get3A_956 = tpu.vector_load %arg11[%get3A_954, %get3A_955] {strides = array<i32>} : memref<80x16xf32, #tpu.memory_space<vmem>>, vector<1x16xf32>,
        %get3A_957 = vector.shape_cast %get3A_956 : vector<1x16xf32> to vector<16xf32>
        %add3A_958 = arith.addf %get3A_957, %sub3A_892 : vector<16xf32>
        %swap3A_959 = arith.constant 6 : i32
        %swap3A_960 = arith.index_cast %swap3A_959 : i32 to index
        %swap3A_961 = arith.constant 64 : index
        %swap3A_962 = tpu.vector_load %arg12[%swap3A_960, %swap3A_961] {strides = array<i32>} : memref<10x128xf32, #tpu.memory_space<vmem>>, vector<1x16xf32>,
        %swap3A_963 = vector.shape_cast %swap3A_962 : vector<1x16xf32> to vector<16xf32>
        %swap3A_964 = vector.shape_cast %add3A_958 : vector<16xf32> to vector<1x16xf32>
        tpu.vector_store %arg12[%swap3A_960, %swap3A_961], %swap3A_964 {strides = array<i32>} : memref<10x128xf32, #tpu.memory_space<vmem>>, vector<1x16xf32>,
        %add3A_965 = arith.addf %add3A_950, %add3A_958 : vector<16xf32>
        %mul3A_966 = arith.mulf %add3A_958, %add3A_958 : vector<16xf32>
        %add3A_967 = arith.addf %add3A_952, %mul3A_966 : vector<16xf32>
        %get3A_968 = arith.constant 53 : i32
        %get3A_969 = arith.index_cast %get3A_968 : i32 to index
        %get3A_970 = arith.constant 0 : index
        %get3A_971 = tpu.vector_load %arg11[%get3A_969, %get3A_970] {strides = array<i32>} : memref<80x16xf32, #tpu.memory_space<vmem>>, vector<1x16xf32>,
        %get3A_972 = vector.shape_cast %get3A_971 : vector<1x16xf32> to vector<16xf32>
        %add3A_973 = arith.addf %get3A_972, %sub3A_892 : vector<16xf32>
        %swap3A_974 = arith.constant 6 : i32
        %swap3A_975 = arith.index_cast %swap3A_974 : i32 to index
        %swap3A_976 = arith.constant 80 : index
        %swap3A_977 = tpu.vector_load %arg12[%swap3A_975, %swap3A_976] {strides = array<i32>} : memref<10x128xf32, #tpu.memory_space<vmem>>, vector<1x16xf32>,
        %swap3A_978 = vector.shape_cast %swap3A_977 : vector<1x16xf32> to vector<16xf32>
        %swap3A_979 = vector.shape_cast %add3A_973 : vector<16xf32> to vector<1x16xf32>
        tpu.vector_store %arg12[%swap3A_975, %swap3A_976], %swap3A_979 {strides = array<i32>} : memref<10x128xf32, #tpu.memory_space<vmem>>, vector<1x16xf32>,
        %add3A_980 = arith.addf %add3A_965, %add3A_973 : vector<16xf32>
        %mul3A_981 = arith.mulf %add3A_973, %add3A_973 : vector<16xf32>
        %add3A_982 = arith.addf %add3A_967, %mul3A_981 : vector<16xf32>
        %get3A_983 = arith.constant 54 : i32
        %get3A_984 = arith.index_cast %get3A_983 : i32 to index
        %get3A_985 = arith.constant 0 : index
        %get3A_986 = tpu.vector_load %arg11[%get3A_984, %get3A_985] {strides = array<i32>} : memref<80x16xf32, #tpu.memory_space<vmem>>, vector<1x16xf32>,
        %get3A_987 = vector.shape_cast %get3A_986 : vector<1x16xf32> to vector<16xf32>
        %add3A_988 = arith.addf %get3A_987, %sub3A_892 : vector<16xf32>
        %swap3A_989 = arith.constant 6 : i32
        %swap3A_990 = arith.index_cast %swap3A_989 : i32 to index
        %swap3A_991 = arith.constant 96 : index
        %swap3A_992 = tpu.vector_load %arg12[%swap3A_990, %swap3A_991] {strides = array<i32>} : memref<10x128xf32, #tpu.memory_space<vmem>>, vector<1x16xf32>,
        %swap3A_993 = vector.shape_cast %swap3A_992 : vector<1x16xf32> to vector<16xf32>
        %swap3A_994 = vector.shape_cast %add3A_988 : vector<16xf32> to vector<1x16xf32>
        tpu.vector_store %arg12[%swap3A_990, %swap3A_991], %swap3A_994 {strides = array<i32>} : memref<10x128xf32, #tpu.memory_space<vmem>>, vector<1x16xf32>,
        %add3A_995 = arith.addf %add3A_980, %add3A_988 : vector<16xf32>
        %mul3A_996 = arith.mulf %add3A_988, %add3A_988 : vector<16xf32>
        %add3A_997 = arith.addf %add3A_982, %mul3A_996 : vector<16xf32>
        %get3A_998 = arith.constant 55 : i32
        %get3A_999 = arith.index_cast %get3A_998 : i32 to index
        %get3A_1000 = arith.constant 0 : index
        %get3A_1001 = tpu.vector_load %arg11[%get3A_999, %get3A_1000] {strides = array<i32>} : memref<80x16xf32, #tpu.memory_space<vmem>>, vector<1x16xf32>,
        %get3A_1002 = vector.shape_cast %get3A_1001 : vector<1x16xf32> to vector<16xf32>
        %add3A_1003 = arith.addf %get3A_1002, %sub3A_892 : vector<16xf32>
        %swap3A_1004 = arith.constant 6 : i32
        %swap3A_1005 = arith.index_cast %swap3A_1004 : i32 to index
        %swap3A_1006 = arith.constant 112 : index
        %swap3A_1007 = tpu.vector_load %arg12[%swap3A_1005, %swap3A_1006] {strides = array<i32>} : memref<10x128xf32, #tpu.memory_space<vmem>>, vector<1x16xf32>,
        %swap3A_1008 = vector.shape_cast %swap3A_1007 : vector<1x16xf32> to vector<16xf32>
        %swap3A_1009 = vector.shape_cast %add3A_1003 : vector<16xf32> to vector<1x16xf32>
        tpu.vector_store %arg12[%swap3A_1005, %swap3A_1006], %swap3A_1009 {strides = array<i32>} : memref<10x128xf32, #tpu.memory_space<vmem>>, vector<1x16xf32>,
        %add3A_1010 = arith.addf %add3A_995, %add3A_1003 : vector<16xf32>
        %mul3A_1011 = arith.mulf %add3A_1003, %add3A_1003 : vector<16xf32>
        %add3A_1012 = arith.addf %add3A_997, %mul3A_1011 : vector<16xf32>
        %add3A_1013 = arith.constant 3 : i32
        %add3A_1014 = arith.addi %mul3A_77, %add3A_1013 : i32
        %get3A_1015 = arith.index_cast %add3A_1014 : i32 to index
        %get3A_1016 = arith.constant 0 : index
        %get3A_1017 = tpu.vector_load %arg8[%get3A_1015, %get3A_1016] {strides = array<i32>} : memref<625x16xf32, #tpu.memory_space<vmem>>, vector<1x16xf32>,
        %get3A_1018 = vector.shape_cast %get3A_1017 : vector<1x16xf32> to vector<16xf32>
        %sub3A_1019 = arith.subf %get3A_44, %get3A_1018 : vector<16xf32>
        %get3A_1020 = arith.constant 56 : i32
        %get3A_1021 = arith.index_cast %get3A_1020 : i32 to index
        %get3A_1022 = arith.constant 0 : index
        %get3A_1023 = tpu.vector_load %arg11[%get3A_1021, %get3A_1022] {strides = array<i32>} : memref<80x16xf32, #tpu.memory_space<vmem>>, vector<1x16xf32>,
        %get3A_1024 = vector.shape_cast %get3A_1023 : vector<1x16xf32> to vector<16xf32>
        %add3A_1025 = arith.addf %get3A_1024, %sub3A_1019 : vector<16xf32>
        %swap3A_1026 = arith.constant 7 : i32
        %swap3A_1027 = arith.index_cast %swap3A_1026 : i32 to index
        %swap3A_1028 = arith.constant 0 : index
        %swap3A_1029 = tpu.vector_load %arg12[%swap3A_1027, %swap3A_1028] {strides = array<i32>} : memref<10x128xf32, #tpu.memory_space<vmem>>, vector<1x16xf32>,
        %swap3A_1030 = vector.shape_cast %swap3A_1029 : vector<1x16xf32> to vector<16xf32>
        %swap3A_1031 = vector.shape_cast %add3A_1025 : vector<16xf32> to vector<1x16xf32>
        tpu.vector_store %arg12[%swap3A_1027, %swap3A_1028], %swap3A_1031 {strides = array<i32>} : memref<10x128xf32, #tpu.memory_space<vmem>>, vector<1x16xf32>,
        %add3A_1032 = arith.addf %add3A_1010, %add3A_1025 : vector<16xf32>
        %mul3A_1033 = arith.mulf %add3A_1025, %add3A_1025 : vector<16xf32>
        %add3A_1034 = arith.addf %add3A_1012, %mul3A_1033 : vector<16xf32>
        %get3A_1035 = arith.constant 57 : i32
        %get3A_1036 = arith.index_cast %get3A_1035 : i32 to index
        %get3A_1037 = arith.constant 0 : index
        %get3A_1038 = tpu.vector_load %arg11[%get3A_1036, %get3A_1037] {strides = array<i32>} : memref<80x16xf32, #tpu.memory_space<vmem>>, vector<1x16xf32>,
        %get3A_1039 = vector.shape_cast %get3A_1038 : vector<1x16xf32> to vector<16xf32>
        %add3A_1040 = arith.addf %get3A_1039, %sub3A_1019 : vector<16xf32>
        %swap3A_1041 = arith.constant 7 : i32
        %swap3A_1042 = arith.index_cast %swap3A_1041 : i32 to index
        %swap3A_1043 = arith.constant 16 : index
        %swap3A_1044 = tpu.vector_load %arg12[%swap3A_1042, %swap3A_1043] {strides = array<i32>} : memref<10x128xf32, #tpu.memory_space<vmem>>, vector<1x16xf32>,
        %swap3A_1045 = vector.shape_cast %swap3A_1044 : vector<1x16xf32> to vector<16xf32>
        %swap3A_1046 = vector.shape_cast %add3A_1040 : vector<16xf32> to vector<1x16xf32>
        tpu.vector_store %arg12[%swap3A_1042, %swap3A_1043], %swap3A_1046 {strides = array<i32>} : memref<10x128xf32, #tpu.memory_space<vmem>>, vector<1x16xf32>,
        %add3A_1047 = arith.addf %add3A_1032, %add3A_1040 : vector<16xf32>
        %mul3A_1048 = arith.mulf %add3A_1040, %add3A_1040 : vector<16xf32>
        %add3A_1049 = arith.addf %add3A_1034, %mul3A_1048 : vector<16xf32>
        %get3A_1050 = arith.constant 58 : i32
        %get3A_1051 = arith.index_cast %get3A_1050 : i32 to index
        %get3A_1052 = arith.constant 0 : index
        %get3A_1053 = tpu.vector_load %arg11[%get3A_1051, %get3A_1052] {strides = array<i32>} : memref<80x16xf32, #tpu.memory_space<vmem>>, vector<1x16xf32>,
        %get3A_1054 = vector.shape_cast %get3A_1053 : vector<1x16xf32> to vector<16xf32>
        %add3A_1055 = arith.addf %get3A_1054, %sub3A_1019 : vector<16xf32>
        %swap3A_1056 = arith.constant 7 : i32
        %swap3A_1057 = arith.index_cast %swap3A_1056 : i32 to index
        %swap3A_1058 = arith.constant 32 : index
        %swap3A_1059 = tpu.vector_load %arg12[%swap3A_1057, %swap3A_1058] {strides = array<i32>} : memref<10x128xf32, #tpu.memory_space<vmem>>, vector<1x16xf32>,
        %swap3A_1060 = vector.shape_cast %swap3A_1059 : vector<1x16xf32> to vector<16xf32>
        %swap3A_1061 = vector.shape_cast %add3A_1055 : vector<16xf32> to vector<1x16xf32>
        tpu.vector_store %arg12[%swap3A_1057, %swap3A_1058], %swap3A_1061 {strides = array<i32>} : memref<10x128xf32, #tpu.memory_space<vmem>>, vector<1x16xf32>,
        %add3A_1062 = arith.addf %add3A_1047, %add3A_1055 : vector<16xf32>
        %mul3A_1063 = arith.mulf %add3A_1055, %add3A_1055 : vector<16xf32>
        %add3A_1064 = arith.addf %add3A_1049, %mul3A_1063 : vector<16xf32>
        %get3A_1065 = arith.constant 59 : i32
        %get3A_1066 = arith.index_cast %get3A_1065 : i32 to index
        %get3A_1067 = arith.constant 0 : index
        %get3A_1068 = tpu.vector_load %arg11[%get3A_1066, %get3A_1067] {strides = array<i32>} : memref<80x16xf32, #tpu.memory_space<vmem>>, vector<1x16xf32>,
        %get3A_1069 = vector.shape_cast %get3A_1068 : vector<1x16xf32> to vector<16xf32>
        %add3A_1070 = arith.addf %get3A_1069, %sub3A_1019 : vector<16xf32>
        %swap3A_1071 = arith.constant 7 : i32
        %swap3A_1072 = arith.index_cast %swap3A_1071 : i32 to index
        %swap3A_1073 = arith.constant 48 : index
        %swap3A_1074 = tpu.vector_load %arg12[%swap3A_1072, %swap3A_1073] {strides = array<i32>} : memref<10x128xf32, #tpu.memory_space<vmem>>, vector<1x16xf32>,
        %swap3A_1075 = vector.shape_cast %swap3A_1074 : vector<1x16xf32> to vector<16xf32>
        %swap3A_1076 = vector.shape_cast %add3A_1070 : vector<16xf32> to vector<1x16xf32>
        tpu.vector_store %arg12[%swap3A_1072, %swap3A_1073], %swap3A_1076 {strides = array<i32>} : memref<10x128xf32, #tpu.memory_space<vmem>>, vector<1x16xf32>,
        %add3A_1077 = arith.addf %add3A_1062, %add3A_1070 : vector<16xf32>
        %mul3A_1078 = arith.mulf %add3A_1070, %add3A_1070 : vector<16xf32>
        %add3A_1079 = arith.addf %add3A_1064, %mul3A_1078 : vector<16xf32>
        %get3A_1080 = arith.constant 60 : i32
        %get3A_1081 = arith.index_cast %get3A_1080 : i32 to index
        %get3A_1082 = arith.constant 0 : index
        %get3A_1083 = tpu.vector_load %arg11[%get3A_1081, %get3A_1082] {strides = array<i32>} : memref<80x16xf32, #tpu.memory_space<vmem>>, vector<1x16xf32>,
        %get3A_1084 = vector.shape_cast %get3A_1083 : vector<1x16xf32> to vector<16xf32>
        %add3A_1085 = arith.addf %get3A_1084, %sub3A_1019 : vector<16xf32>
        %swap3A_1086 = arith.constant 7 : i32
        %swap3A_1087 = arith.index_cast %swap3A_1086 : i32 to index
        %swap3A_1088 = arith.constant 64 : index
        %swap3A_1089 = tpu.vector_load %arg12[%swap3A_1087, %swap3A_1088] {strides = array<i32>} : memref<10x128xf32, #tpu.memory_space<vmem>>, vector<1x16xf32>,
        %swap3A_1090 = vector.shape_cast %swap3A_1089 : vector<1x16xf32> to vector<16xf32>
        %swap3A_1091 = vector.shape_cast %add3A_1085 : vector<16xf32> to vector<1x16xf32>
        tpu.vector_store %arg12[%swap3A_1087, %swap3A_1088], %swap3A_1091 {strides = array<i32>} : memref<10x128xf32, #tpu.memory_space<vmem>>, vector<1x16xf32>,
        %add3A_1092 = arith.addf %add3A_1077, %add3A_1085 : vector<16xf32>
        %mul3A_1093 = arith.mulf %add3A_1085, %add3A_1085 : vector<16xf32>
        %add3A_1094 = arith.addf %add3A_1079, %mul3A_1093 : vector<16xf32>
        %get3A_1095 = arith.constant 61 : i32
        %get3A_1096 = arith.index_cast %get3A_1095 : i32 to index
        %get3A_1097 = arith.constant 0 : index
        %get3A_1098 = tpu.vector_load %arg11[%get3A_1096, %get3A_1097] {strides = array<i32>} : memref<80x16xf32, #tpu.memory_space<vmem>>, vector<1x16xf32>,
        %get3A_1099 = vector.shape_cast %get3A_1098 : vector<1x16xf32> to vector<16xf32>
        %add3A_1100 = arith.addf %get3A_1099, %sub3A_1019 : vector<16xf32>
        %swap3A_1101 = arith.constant 7 : i32
        %swap3A_1102 = arith.index_cast %swap3A_1101 : i32 to index
        %swap3A_1103 = arith.constant 80 : index
        %swap3A_1104 = tpu.vector_load %arg12[%swap3A_1102, %swap3A_1103] {strides = array<i32>} : memref<10x128xf32, #tpu.memory_space<vmem>>, vector<1x16xf32>,
        %swap3A_1105 = vector.shape_cast %swap3A_1104 : vector<1x16xf32> to vector<16xf32>
        %swap3A_1106 = vector.shape_cast %add3A_1100 : vector<16xf32> to vector<1x16xf32>
        tpu.vector_store %arg12[%swap3A_1102, %swap3A_1103], %swap3A_1106 {strides = array<i32>} : memref<10x128xf32, #tpu.memory_space<vmem>>, vector<1x16xf32>,
        %add3A_1107 = arith.addf %add3A_1092, %add3A_1100 : vector<16xf32>
        %mul3A_1108 = arith.mulf %add3A_1100, %add3A_1100 : vector<16xf32>
        %add3A_1109 = arith.addf %add3A_1094, %mul3A_1108 : vector<16xf32>
        %get3A_1110 = arith.constant 62 : i32
        %get3A_1111 = arith.index_cast %get3A_1110 : i32 to index
        %get3A_1112 = arith.constant 0 : index
        %get3A_1113 = tpu.vector_load %arg11[%get3A_1111, %get3A_1112] {strides = array<i32>} : memref<80x16xf32, #tpu.memory_space<vmem>>, vector<1x16xf32>,
        %get3A_1114 = vector.shape_cast %get3A_1113 : vector<1x16xf32> to vector<16xf32>
        %add3A_1115 = arith.addf %get3A_1114, %sub3A_1019 : vector<16xf32>
        %swap3A_1116 = arith.constant 7 : i32
        %swap3A_1117 = arith.index_cast %swap3A_1116 : i32 to index
        %swap3A_1118 = arith.constant 96 : index
        %swap3A_1119 = tpu.vector_load %arg12[%swap3A_1117, %swap3A_1118] {strides = array<i32>} : memref<10x128xf32, #tpu.memory_space<vmem>>, vector<1x16xf32>,
        %swap3A_1120 = vector.shape_cast %swap3A_1119 : vector<1x16xf32> to vector<16xf32>
        %swap3A_1121 = vector.shape_cast %add3A_1115 : vector<16xf32> to vector<1x16xf32>
        tpu.vector_store %arg12[%swap3A_1117, %swap3A_1118], %swap3A_1121 {strides = array<i32>} : memref<10x128xf32, #tpu.memory_space<vmem>>, vector<1x16xf32>,
        %add3A_1122 = arith.addf %add3A_1107, %add3A_1115 : vector<16xf32>
        %mul3A_1123 = arith.mulf %add3A_1115, %add3A_1115 : vector<16xf32>
        %add3A_1124 = arith.addf %add3A_1109, %mul3A_1123 : vector<16xf32>
        %get3A_1125 = arith.constant 63 : i32
        %get3A_1126 = arith.index_cast %get3A_1125 : i32 to index
        %get3A_1127 = arith.constant 0 : index
        %get3A_1128 = tpu.vector_load %arg11[%get3A_1126, %get3A_1127] {strides = array<i32>} : memref<80x16xf32, #tpu.memory_space<vmem>>, vector<1x16xf32>,
        %get3A_1129 = vector.shape_cast %get3A_1128 : vector<1x16xf32> to vector<16xf32>
        %add3A_1130 = arith.addf %get3A_1129, %sub3A_1019 : vector<16xf32>
        %swap3A_1131 = arith.constant 7 : i32
        %swap3A_1132 = arith.index_cast %swap3A_1131 : i32 to index
        %swap3A_1133 = arith.constant 112 : index
        %swap3A_1134 = tpu.vector_load %arg12[%swap3A_1132, %swap3A_1133] {strides = array<i32>} : memref<10x128xf32, #tpu.memory_space<vmem>>, vector<1x16xf32>,
        %swap3A_1135 = vector.shape_cast %swap3A_1134 : vector<1x16xf32> to vector<16xf32>
        %swap3A_1136 = vector.shape_cast %add3A_1130 : vector<16xf32> to vector<1x16xf32>
        tpu.vector_store %arg12[%swap3A_1132, %swap3A_1133], %swap3A_1136 {strides = array<i32>} : memref<10x128xf32, #tpu.memory_space<vmem>>, vector<1x16xf32>,
        %add3A_1137 = arith.addf %add3A_1122, %add3A_1130 : vector<16xf32>
        %mul3A_1138 = arith.mulf %add3A_1130, %add3A_1130 : vector<16xf32>
        %add3A_1139 = arith.addf %add3A_1124, %mul3A_1138 : vector<16xf32>
        %add3A_1140 = arith.constant 4 : i32
        %add3A_1141 = arith.addi %mul3A_77, %add3A_1140 : i32
        %get3A_1142 = arith.index_cast %add3A_1141 : i32 to index
        %get3A_1143 = arith.constant 0 : index
        %get3A_1144 = tpu.vector_load %arg8[%get3A_1142, %get3A_1143] {strides = array<i32>} : memref<625x16xf32, #tpu.memory_space<vmem>>, vector<1x16xf32>,
        %get3A_1145 = vector.shape_cast %get3A_1144 : vector<1x16xf32> to vector<16xf32>
        %sub3A_1146 = arith.subf %get3A_44, %get3A_1145 : vector<16xf32>
        %get3A_1147 = arith.constant 64 : i32
        %get3A_1148 = arith.index_cast %get3A_1147 : i32 to index
        %get3A_1149 = arith.constant 0 : index
        %get3A_1150 = tpu.vector_load %arg11[%get3A_1148, %get3A_1149] {strides = array<i32>} : memref<80x16xf32, #tpu.memory_space<vmem>>, vector<1x16xf32>,
        %get3A_1151 = vector.shape_cast %get3A_1150 : vector<1x16xf32> to vector<16xf32>
        %add3A_1152 = arith.addf %get3A_1151, %sub3A_1146 : vector<16xf32>
        %swap3A_1153 = arith.constant 8 : i32
        %swap3A_1154 = arith.index_cast %swap3A_1153 : i32 to index
        %swap3A_1155 = arith.constant 0 : index
        %swap3A_1156 = tpu.vector_load %arg12[%swap3A_1154, %swap3A_1155] {strides = array<i32>} : memref<10x128xf32, #tpu.memory_space<vmem>>, vector<1x16xf32>,
        %swap3A_1157 = vector.shape_cast %swap3A_1156 : vector<1x16xf32> to vector<16xf32>
        %swap3A_1158 = vector.shape_cast %add3A_1152 : vector<16xf32> to vector<1x16xf32>
        tpu.vector_store %arg12[%swap3A_1154, %swap3A_1155], %swap3A_1158 {strides = array<i32>} : memref<10x128xf32, #tpu.memory_space<vmem>>, vector<1x16xf32>,
        %add3A_1159 = arith.addf %add3A_1137, %add3A_1152 : vector<16xf32>
        %mul3A_1160 = arith.mulf %add3A_1152, %add3A_1152 : vector<16xf32>
        %add3A_1161 = arith.addf %add3A_1139, %mul3A_1160 : vector<16xf32>
        %get3A_1162 = arith.constant 65 : i32
        %get3A_1163 = arith.index_cast %get3A_1162 : i32 to index
        %get3A_1164 = arith.constant 0 : index
        %get3A_1165 = tpu.vector_load %arg11[%get3A_1163, %get3A_1164] {strides = array<i32>} : memref<80x16xf32, #tpu.memory_space<vmem>>, vector<1x16xf32>,
        %get3A_1166 = vector.shape_cast %get3A_1165 : vector<1x16xf32> to vector<16xf32>
        %add3A_1167 = arith.addf %get3A_1166, %sub3A_1146 : vector<16xf32>
        %swap3A_1168 = arith.constant 8 : i32
        %swap3A_1169 = arith.index_cast %swap3A_1168 : i32 to index
        %swap3A_1170 = arith.constant 16 : index
        %swap3A_1171 = tpu.vector_load %arg12[%swap3A_1169, %swap3A_1170] {strides = array<i32>} : memref<10x128xf32, #tpu.memory_space<vmem>>, vector<1x16xf32>,
        %swap3A_1172 = vector.shape_cast %swap3A_1171 : vector<1x16xf32> to vector<16xf32>
        %swap3A_1173 = vector.shape_cast %add3A_1167 : vector<16xf32> to vector<1x16xf32>
        tpu.vector_store %arg12[%swap3A_1169, %swap3A_1170], %swap3A_1173 {strides = array<i32>} : memref<10x128xf32, #tpu.memory_space<vmem>>, vector<1x16xf32>,
        %add3A_1174 = arith.addf %add3A_1159, %add3A_1167 : vector<16xf32>
        %mul3A_1175 = arith.mulf %add3A_1167, %add3A_1167 : vector<16xf32>
        %add3A_1176 = arith.addf %add3A_1161, %mul3A_1175 : vector<16xf32>
        %get3A_1177 = arith.constant 66 : i32
        %get3A_1178 = arith.index_cast %get3A_1177 : i32 to index
        %get3A_1179 = arith.constant 0 : index
        %get3A_1180 = tpu.vector_load %arg11[%get3A_1178, %get3A_1179] {strides = array<i32>} : memref<80x16xf32, #tpu.memory_space<vmem>>, vector<1x16xf32>,
        %get3A_1181 = vector.shape_cast %get3A_1180 : vector<1x16xf32> to vector<16xf32>
        %add3A_1182 = arith.addf %get3A_1181, %sub3A_1146 : vector<16xf32>
        %swap3A_1183 = arith.constant 8 : i32
        %swap3A_1184 = arith.index_cast %swap3A_1183 : i32 to index
        %swap3A_1185 = arith.constant 32 : index
        %swap3A_1186 = tpu.vector_load %arg12[%swap3A_1184, %swap3A_1185] {strides = array<i32>} : memref<10x128xf32, #tpu.memory_space<vmem>>, vector<1x16xf32>,
        %swap3A_1187 = vector.shape_cast %swap3A_1186 : vector<1x16xf32> to vector<16xf32>
        %swap3A_1188 = vector.shape_cast %add3A_1182 : vector<16xf32> to vector<1x16xf32>
        tpu.vector_store %arg12[%swap3A_1184, %swap3A_1185], %swap3A_1188 {strides = array<i32>} : memref<10x128xf32, #tpu.memory_space<vmem>>, vector<1x16xf32>,
        %add3A_1189 = arith.addf %add3A_1174, %add3A_1182 : vector<16xf32>
        %mul3A_1190 = arith.mulf %add3A_1182, %add3A_1182 : vector<16xf32>
        %add3A_1191 = arith.addf %add3A_1176, %mul3A_1190 : vector<16xf32>
        %get3A_1192 = arith.constant 67 : i32
        %get3A_1193 = arith.index_cast %get3A_1192 : i32 to index
        %get3A_1194 = arith.constant 0 : index
        %get3A_1195 = tpu.vector_load %arg11[%get3A_1193, %get3A_1194] {strides = array<i32>} : memref<80x16xf32, #tpu.memory_space<vmem>>, vector<1x16xf32>,
        %get3A_1196 = vector.shape_cast %get3A_1195 : vector<1x16xf32> to vector<16xf32>
        %add3A_1197 = arith.addf %get3A_1196, %sub3A_1146 : vector<16xf32>
        %swap3A_1198 = arith.constant 8 : i32
        %swap3A_1199 = arith.index_cast %swap3A_1198 : i32 to index
        %swap3A_1200 = arith.constant 48 : index
        %swap3A_1201 = tpu.vector_load %arg12[%swap3A_1199, %swap3A_1200] {strides = array<i32>} : memref<10x128xf32, #tpu.memory_space<vmem>>, vector<1x16xf32>,
        %swap3A_1202 = vector.shape_cast %swap3A_1201 : vector<1x16xf32> to vector<16xf32>
        %swap3A_1203 = vector.shape_cast %add3A_1197 : vector<16xf32> to vector<1x16xf32>
        tpu.vector_store %arg12[%swap3A_1199, %swap3A_1200], %swap3A_1203 {strides = array<i32>} : memref<10x128xf32, #tpu.memory_space<vmem>>, vector<1x16xf32>,
        %add3A_1204 = arith.addf %add3A_1189, %add3A_1197 : vector<16xf32>
        %mul3A_1205 = arith.mulf %add3A_1197, %add3A_1197 : vector<16xf32>
        %add3A_1206 = arith.addf %add3A_1191, %mul3A_1205 : vector<16xf32>
        %get3A_1207 = arith.constant 68 : i32
        %get3A_1208 = arith.index_cast %get3A_1207 : i32 to index
        %get3A_1209 = arith.constant 0 : index
        %get3A_1210 = tpu.vector_load %arg11[%get3A_1208, %get3A_1209] {strides = array<i32>} : memref<80x16xf32, #tpu.memory_space<vmem>>, vector<1x16xf32>,
        %get3A_1211 = vector.shape_cast %get3A_1210 : vector<1x16xf32> to vector<16xf32>
        %add3A_1212 = arith.addf %get3A_1211, %sub3A_1146 : vector<16xf32>
        %swap3A_1213 = arith.constant 8 : i32
        %swap3A_1214 = arith.index_cast %swap3A_1213 : i32 to index
        %swap3A_1215 = arith.constant 64 : index
        %swap3A_1216 = tpu.vector_load %arg12[%swap3A_1214, %swap3A_1215] {strides = array<i32>} : memref<10x128xf32, #tpu.memory_space<vmem>>, vector<1x16xf32>,
        %swap3A_1217 = vector.shape_cast %swap3A_1216 : vector<1x16xf32> to vector<16xf32>
        %swap3A_1218 = vector.shape_cast %add3A_1212 : vector<16xf32> to vector<1x16xf32>
        tpu.vector_store %arg12[%swap3A_1214, %swap3A_1215], %swap3A_1218 {strides = array<i32>} : memref<10x128xf32, #tpu.memory_space<vmem>>, vector<1x16xf32>,
        %add3A_1219 = arith.addf %add3A_1204, %add3A_1212 : vector<16xf32>
        %mul3A_1220 = arith.mulf %add3A_1212, %add3A_1212 : vector<16xf32>
        %add3A_1221 = arith.addf %add3A_1206, %mul3A_1220 : vector<16xf32>
        %get3A_1222 = arith.constant 69 : i32
        %get3A_1223 = arith.index_cast %get3A_1222 : i32 to index
        %get3A_1224 = arith.constant 0 : index
        %get3A_1225 = tpu.vector_load %arg11[%get3A_1223, %get3A_1224] {strides = array<i32>} : memref<80x16xf32, #tpu.memory_space<vmem>>, vector<1x16xf32>,
        %get3A_1226 = vector.shape_cast %get3A_1225 : vector<1x16xf32> to vector<16xf32>
        %add3A_1227 = arith.addf %get3A_1226, %sub3A_1146 : vector<16xf32>
        %swap3A_1228 = arith.constant 8 : i32
        %swap3A_1229 = arith.index_cast %swap3A_1228 : i32 to index
        %swap3A_1230 = arith.constant 80 : index
        %swap3A_1231 = tpu.vector_load %arg12[%swap3A_1229, %swap3A_1230] {strides = array<i32>} : memref<10x128xf32, #tpu.memory_space<vmem>>, vector<1x16xf32>,
        %swap3A_1232 = vector.shape_cast %swap3A_1231 : vector<1x16xf32> to vector<16xf32>
        %swap3A_1233 = vector.shape_cast %add3A_1227 : vector<16xf32> to vector<1x16xf32>
        tpu.vector_store %arg12[%swap3A_1229, %swap3A_1230], %swap3A_1233 {strides = array<i32>} : memref<10x128xf32, #tpu.memory_space<vmem>>, vector<1x16xf32>,
        %add3A_1234 = arith.addf %add3A_1219, %add3A_1227 : vector<16xf32>
        %mul3A_1235 = arith.mulf %add3A_1227, %add3A_1227 : vector<16xf32>
        %add3A_1236 = arith.addf %add3A_1221, %mul3A_1235 : vector<16xf32>
        %get3A_1237 = arith.constant 70 : i32
        %get3A_1238 = arith.index_cast %get3A_1237 : i32 to index
        %get3A_1239 = arith.constant 0 : index
        %get3A_1240 = tpu.vector_load %arg11[%get3A_1238, %get3A_1239] {strides = array<i32>} : memref<80x16xf32, #tpu.memory_space<vmem>>, vector<1x16xf32>,
        %get3A_1241 = vector.shape_cast %get3A_1240 : vector<1x16xf32> to vector<16xf32>
        %add3A_1242 = arith.addf %get3A_1241, %sub3A_1146 : vector<16xf32>
        %swap3A_1243 = arith.constant 8 : i32
        %swap3A_1244 = arith.index_cast %swap3A_1243 : i32 to index
        %swap3A_1245 = arith.constant 96 : index
        %swap3A_1246 = tpu.vector_load %arg12[%swap3A_1244, %swap3A_1245] {strides = array<i32>} : memref<10x128xf32, #tpu.memory_space<vmem>>, vector<1x16xf32>,
        %swap3A_1247 = vector.shape_cast %swap3A_1246 : vector<1x16xf32> to vector<16xf32>
        %swap3A_1248 = vector.shape_cast %add3A_1242 : vector<16xf32> to vector<1x16xf32>
        tpu.vector_store %arg12[%swap3A_1244, %swap3A_1245], %swap3A_1248 {strides = array<i32>} : memref<10x128xf32, #tpu.memory_space<vmem>>, vector<1x16xf32>,
        %add3A_1249 = arith.addf %add3A_1234, %add3A_1242 : vector<16xf32>
        %mul3A_1250 = arith.mulf %add3A_1242, %add3A_1242 : vector<16xf32>
        %add3A_1251 = arith.addf %add3A_1236, %mul3A_1250 : vector<16xf32>
        %get3A_1252 = arith.constant 71 : i32
        %get3A_1253 = arith.index_cast %get3A_1252 : i32 to index
        %get3A_1254 = arith.constant 0 : index
        %get3A_1255 = tpu.vector_load %arg11[%get3A_1253, %get3A_1254] {strides = array<i32>} : memref<80x16xf32, #tpu.memory_space<vmem>>, vector<1x16xf32>,
        %get3A_1256 = vector.shape_cast %get3A_1255 : vector<1x16xf32> to vector<16xf32>
        %add3A_1257 = arith.addf %get3A_1256, %sub3A_1146 : vector<16xf32>
        %swap3A_1258 = arith.constant 8 : i32
        %swap3A_1259 = arith.index_cast %swap3A_1258 : i32 to index
        %swap3A_1260 = arith.constant 112 : index
        %swap3A_1261 = tpu.vector_load %arg12[%swap3A_1259, %swap3A_1260] {strides = array<i32>} : memref<10x128xf32, #tpu.memory_space<vmem>>, vector<1x16xf32>,
        %swap3A_1262 = vector.shape_cast %swap3A_1261 : vector<1x16xf32> to vector<16xf32>
        %swap3A_1263 = vector.shape_cast %add3A_1257 : vector<16xf32> to vector<1x16xf32>
        tpu.vector_store %arg12[%swap3A_1259, %swap3A_1260], %swap3A_1263 {strides = array<i32>} : memref<10x128xf32, #tpu.memory_space<vmem>>, vector<1x16xf32>,
        %add3A_1264 = arith.addf %add3A_1249, %add3A_1257 : vector<16xf32>
        %mul3A_1265 = arith.mulf %add3A_1257, %add3A_1257 : vector<16xf32>
        %add3A_1266 = arith.addf %add3A_1251, %mul3A_1265 : vector<16xf32>
        %add3A_1267 = arith.constant 4 : i32
        %add3A_1268 = arith.addi %mul3A_77, %add3A_1267 : i32
        %get3A_1269 = arith.index_cast %add3A_1268 : i32 to index
        %get3A_1270 = arith.constant 0 : index
        %get3A_1271 = tpu.vector_load %arg8[%get3A_1269, %get3A_1270] {strides = array<i32>} : memref<625x16xf32, #tpu.memory_space<vmem>>, vector<1x16xf32>,
        %get3A_1272 = vector.shape_cast %get3A_1271 : vector<1x16xf32> to vector<16xf32>
        %sub3A_1273 = arith.subf %get3A_44, %get3A_1272 : vector<16xf32>
        %get3A_1274 = arith.constant 72 : i32
        %get3A_1275 = arith.index_cast %get3A_1274 : i32 to index
        %get3A_1276 = arith.constant 0 : index
        %get3A_1277 = tpu.vector_load %arg11[%get3A_1275, %get3A_1276] {strides = array<i32>} : memref<80x16xf32, #tpu.memory_space<vmem>>, vector<1x16xf32>,
        %get3A_1278 = vector.shape_cast %get3A_1277 : vector<1x16xf32> to vector<16xf32>
        %add3A_1279 = arith.addf %get3A_1278, %sub3A_1273 : vector<16xf32>
        %swap3A_1280 = arith.constant 9 : i32
        %swap3A_1281 = arith.index_cast %swap3A_1280 : i32 to index
        %swap3A_1282 = arith.constant 0 : index
        %swap3A_1283 = tpu.vector_load %arg12[%swap3A_1281, %swap3A_1282] {strides = array<i32>} : memref<10x128xf32, #tpu.memory_space<vmem>>, vector<1x16xf32>,
        %swap3A_1284 = vector.shape_cast %swap3A_1283 : vector<1x16xf32> to vector<16xf32>
        %swap3A_1285 = vector.shape_cast %add3A_1279 : vector<16xf32> to vector<1x16xf32>
        tpu.vector_store %arg12[%swap3A_1281, %swap3A_1282], %swap3A_1285 {strides = array<i32>} : memref<10x128xf32, #tpu.memory_space<vmem>>, vector<1x16xf32>,
        %add3A_1286 = arith.addf %add3A_1264, %add3A_1279 : vector<16xf32>
        %mul3A_1287 = arith.mulf %add3A_1279, %add3A_1279 : vector<16xf32>
        %add3A_1288 = arith.addf %add3A_1266, %mul3A_1287 : vector<16xf32>
        %get3A_1289 = arith.constant 73 : i32
        %get3A_1290 = arith.index_cast %get3A_1289 : i32 to index
        %get3A_1291 = arith.constant 0 : index
        %get3A_1292 = tpu.vector_load %arg11[%get3A_1290, %get3A_1291] {strides = array<i32>} : memref<80x16xf32, #tpu.memory_space<vmem>>, vector<1x16xf32>,
        %get3A_1293 = vector.shape_cast %get3A_1292 : vector<1x16xf32> to vector<16xf32>
        %add3A_1294 = arith.addf %get3A_1293, %sub3A_1273 : vector<16xf32>
        %swap3A_1295 = arith.constant 9 : i32
        %swap3A_1296 = arith.index_cast %swap3A_1295 : i32 to index
        %swap3A_1297 = arith.constant 16 : index
        %swap3A_1298 = tpu.vector_load %arg12[%swap3A_1296, %swap3A_1297] {strides = array<i32>} : memref<10x128xf32, #tpu.memory_space<vmem>>, vector<1x16xf32>,
        %swap3A_1299 = vector.shape_cast %swap3A_1298 : vector<1x16xf32> to vector<16xf32>
        %swap3A_1300 = vector.shape_cast %add3A_1294 : vector<16xf32> to vector<1x16xf32>
        tpu.vector_store %arg12[%swap3A_1296, %swap3A_1297], %swap3A_1300 {strides = array<i32>} : memref<10x128xf32, #tpu.memory_space<vmem>>, vector<1x16xf32>,
        %add3A_1301 = arith.addf %add3A_1286, %add3A_1294 : vector<16xf32>
        %mul3A_1302 = arith.mulf %add3A_1294, %add3A_1294 : vector<16xf32>
        %add3A_1303 = arith.addf %add3A_1288, %mul3A_1302 : vector<16xf32>
        %get3A_1304 = arith.constant 74 : i32
        %get3A_1305 = arith.index_cast %get3A_1304 : i32 to index
        %get3A_1306 = arith.constant 0 : index
        %get3A_1307 = tpu.vector_load %arg11[%get3A_1305, %get3A_1306] {strides = array<i32>} : memref<80x16xf32, #tpu.memory_space<vmem>>, vector<1x16xf32>,
        %get3A_1308 = vector.shape_cast %get3A_1307 : vector<1x16xf32> to vector<16xf32>
        %add3A_1309 = arith.addf %get3A_1308, %sub3A_1273 : vector<16xf32>
        %swap3A_1310 = arith.constant 9 : i32
        %swap3A_1311 = arith.index_cast %swap3A_1310 : i32 to index
        %swap3A_1312 = arith.constant 32 : index
        %swap3A_1313 = tpu.vector_load %arg12[%swap3A_1311, %swap3A_1312] {strides = array<i32>} : memref<10x128xf32, #tpu.memory_space<vmem>>, vector<1x16xf32>,
        %swap3A_1314 = vector.shape_cast %swap3A_1313 : vector<1x16xf32> to vector<16xf32>
        %swap3A_1315 = vector.shape_cast %add3A_1309 : vector<16xf32> to vector<1x16xf32>
        tpu.vector_store %arg12[%swap3A_1311, %swap3A_1312], %swap3A_1315 {strides = array<i32>} : memref<10x128xf32, #tpu.memory_space<vmem>>, vector<1x16xf32>,
        %add3A_1316 = arith.addf %add3A_1301, %add3A_1309 : vector<16xf32>
        %mul3A_1317 = arith.mulf %add3A_1309, %add3A_1309 : vector<16xf32>
        %add3A_1318 = arith.addf %add3A_1303, %mul3A_1317 : vector<16xf32>
        %get3A_1319 = arith.constant 75 : i32
        %get3A_1320 = arith.index_cast %get3A_1319 : i32 to index
        %get3A_1321 = arith.constant 0 : index
        %get3A_1322 = tpu.vector_load %arg11[%get3A_1320, %get3A_1321] {strides = array<i32>} : memref<80x16xf32, #tpu.memory_space<vmem>>, vector<1x16xf32>,
        %get3A_1323 = vector.shape_cast %get3A_1322 : vector<1x16xf32> to vector<16xf32>
        %add3A_1324 = arith.addf %get3A_1323, %sub3A_1273 : vector<16xf32>
        %swap3A_1325 = arith.constant 9 : i32
        %swap3A_1326 = arith.index_cast %swap3A_1325 : i32 to index
        %swap3A_1327 = arith.constant 48 : index
        %swap3A_1328 = tpu.vector_load %arg12[%swap3A_1326, %swap3A_1327] {strides = array<i32>} : memref<10x128xf32, #tpu.memory_space<vmem>>, vector<1x16xf32>,
        %swap3A_1329 = vector.shape_cast %swap3A_1328 : vector<1x16xf32> to vector<16xf32>
        %swap3A_1330 = vector.shape_cast %add3A_1324 : vector<16xf32> to vector<1x16xf32>
        tpu.vector_store %arg12[%swap3A_1326, %swap3A_1327], %swap3A_1330 {strides = array<i32>} : memref<10x128xf32, #tpu.memory_space<vmem>>, vector<1x16xf32>,
        %add3A_1331 = arith.addf %add3A_1316, %add3A_1324 : vector<16xf32>
        %mul3A_1332 = arith.mulf %add3A_1324, %add3A_1324 : vector<16xf32>
        %add3A_1333 = arith.addf %add3A_1318, %mul3A_1332 : vector<16xf32>
        %get3A_1334 = arith.constant 76 : i32
        %get3A_1335 = arith.index_cast %get3A_1334 : i32 to index
        %get3A_1336 = arith.constant 0 : index
        %get3A_1337 = tpu.vector_load %arg11[%get3A_1335, %get3A_1336] {strides = array<i32>} : memref<80x16xf32, #tpu.memory_space<vmem>>, vector<1x16xf32>,
        %get3A_1338 = vector.shape_cast %get3A_1337 : vector<1x16xf32> to vector<16xf32>
        %add3A_1339 = arith.addf %get3A_1338, %sub3A_1273 : vector<16xf32>
        %swap3A_1340 = arith.constant 9 : i32
        %swap3A_1341 = arith.index_cast %swap3A_1340 : i32 to index
        %swap3A_1342 = arith.constant 64 : index
        %swap3A_1343 = tpu.vector_load %arg12[%swap3A_1341, %swap3A_1342] {strides = array<i32>} : memref<10x128xf32, #tpu.memory_space<vmem>>, vector<1x16xf32>,
        %swap3A_1344 = vector.shape_cast %swap3A_1343 : vector<1x16xf32> to vector<16xf32>
        %swap3A_1345 = vector.shape_cast %add3A_1339 : vector<16xf32> to vector<1x16xf32>
        tpu.vector_store %arg12[%swap3A_1341, %swap3A_1342], %swap3A_1345 {strides = array<i32>} : memref<10x128xf32, #tpu.memory_space<vmem>>, vector<1x16xf32>,
        %add3A_1346 = arith.addf %add3A_1331, %add3A_1339 : vector<16xf32>
        %mul3A_1347 = arith.mulf %add3A_1339, %add3A_1339 : vector<16xf32>
        %add3A_1348 = arith.addf %add3A_1333, %mul3A_1347 : vector<16xf32>
        %get3A_1349 = arith.constant 77 : i32
        %get3A_1350 = arith.index_cast %get3A_1349 : i32 to index
        %get3A_1351 = arith.constant 0 : index
        %get3A_1352 = tpu.vector_load %arg11[%get3A_1350, %get3A_1351] {strides = array<i32>} : memref<80x16xf32, #tpu.memory_space<vmem>>, vector<1x16xf32>,
        %get3A_1353 = vector.shape_cast %get3A_1352 : vector<1x16xf32> to vector<16xf32>
        %add3A_1354 = arith.addf %get3A_1353, %sub3A_1273 : vector<16xf32>
        %swap3A_1355 = arith.constant 9 : i32
        %swap3A_1356 = arith.index_cast %swap3A_1355 : i32 to index
        %swap3A_1357 = arith.constant 80 : index
        %swap3A_1358 = tpu.vector_load %arg12[%swap3A_1356, %swap3A_1357] {strides = array<i32>} : memref<10x128xf32, #tpu.memory_space<vmem>>, vector<1x16xf32>,
        %swap3A_1359 = vector.shape_cast %swap3A_1358 : vector<1x16xf32> to vector<16xf32>
        %swap3A_1360 = vector.shape_cast %add3A_1354 : vector<16xf32> to vector<1x16xf32>
        tpu.vector_store %arg12[%swap3A_1356, %swap3A_1357], %swap3A_1360 {strides = array<i32>} : memref<10x128xf32, #tpu.memory_space<vmem>>, vector<1x16xf32>,
        %add3A_1361 = arith.addf %add3A_1346, %add3A_1354 : vector<16xf32>
        %mul3A_1362 = arith.mulf %add3A_1354, %add3A_1354 : vector<16xf32>
        %add3A_1363 = arith.addf %add3A_1348, %mul3A_1362 : vector<16xf32>
        %get3A_1364 = arith.constant 78 : i32
        %get3A_1365 = arith.index_cast %get3A_1364 : i32 to index
        %get3A_1366 = arith.constant 0 : index
        %get3A_1367 = tpu.vector_load %arg11[%get3A_1365, %get3A_1366] {strides = array<i32>} : memref<80x16xf32, #tpu.memory_space<vmem>>, vector<1x16xf32>,
        %get3A_1368 = vector.shape_cast %get3A_1367 : vector<1x16xf32> to vector<16xf32>
        %add3A_1369 = arith.addf %get3A_1368, %sub3A_1273 : vector<16xf32>
        %swap3A_1370 = arith.constant 9 : i32
        %swap3A_1371 = arith.index_cast %swap3A_1370 : i32 to index
        %swap3A_1372 = arith.constant 96 : index
        %swap3A_1373 = tpu.vector_load %arg12[%swap3A_1371, %swap3A_1372] {strides = array<i32>} : memref<10x128xf32, #tpu.memory_space<vmem>>, vector<1x16xf32>,
        %swap3A_1374 = vector.shape_cast %swap3A_1373 : vector<1x16xf32> to vector<16xf32>
        %swap3A_1375 = vector.shape_cast %add3A_1369 : vector<16xf32> to vector<1x16xf32>
        tpu.vector_store %arg12[%swap3A_1371, %swap3A_1372], %swap3A_1375 {strides = array<i32>} : memref<10x128xf32, #tpu.memory_space<vmem>>, vector<1x16xf32>,
        %add3A_1376 = arith.addf %add3A_1361, %add3A_1369 : vector<16xf32>
        %mul3A_1377 = arith.mulf %add3A_1369, %add3A_1369 : vector<16xf32>
        %add3A_1378 = arith.addf %add3A_1363, %mul3A_1377 : vector<16xf32>
        %get3A_1379 = arith.constant 79 : i32
        %get3A_1380 = arith.index_cast %get3A_1379 : i32 to index
        %get3A_1381 = arith.constant 0 : index
        %get3A_1382 = tpu.vector_load %arg11[%get3A_1380, %get3A_1381] {strides = array<i32>} : memref<80x16xf32, #tpu.memory_space<vmem>>, vector<1x16xf32>,
        %get3A_1383 = vector.shape_cast %get3A_1382 : vector<1x16xf32> to vector<16xf32>
        %add3A_1384 = arith.addf %get3A_1383, %sub3A_1273 : vector<16xf32>
        %swap3A_1385 = arith.constant 9 : i32
        %swap3A_1386 = arith.index_cast %swap3A_1385 : i32 to index
        %swap3A_1387 = arith.constant 112 : index
        %swap3A_1388 = tpu.vector_load %arg12[%swap3A_1386, %swap3A_1387] {strides = array<i32>} : memref<10x128xf32, #tpu.memory_space<vmem>>, vector<1x16xf32>,
        %swap3A_1389 = vector.shape_cast %swap3A_1388 : vector<1x16xf32> to vector<16xf32>
        %swap3A_1390 = vector.shape_cast %add3A_1384 : vector<16xf32> to vector<1x16xf32>
        tpu.vector_store %arg12[%swap3A_1386, %swap3A_1387], %swap3A_1390 {strides = array<i32>} : memref<10x128xf32, #tpu.memory_space<vmem>>, vector<1x16xf32>,
        %add3A_1391 = arith.addf %add3A_1376, %add3A_1384 : vector<16xf32>
        %mul3A_1392 = arith.mulf %add3A_1384, %add3A_1384 : vector<16xf32>
        %add3A_1393 = arith.addf %add3A_1378, %mul3A_1392 : vector<16xf32>
        %get3A_1394 = arith.constant 0 : i32
        %get3A_1395 = arith.index_cast %get3A_1394 : i32 to index
        %get3A_1396 = arith.constant 0 : index
        %get3A_1397 = tpu.vector_load %arg13[%get3A_1395, %get3A_1396] {strides = array<i32>} : memref<2x16xf32, #tpu.memory_space<vmem>>, vector<1x16xf32>,
        %get3A_1398 = vector.shape_cast %get3A_1397 : vector<1x16xf32> to vector<16xf32>
        %add3A_1399 = arith.addf %get3A_1398, %add3A_1391 : vector<16xf32>
        %swap3A_1400 = arith.constant 0 : i32
        %swap3A_1401 = arith.index_cast %swap3A_1400 : i32 to index
        %swap3A_1402 = arith.constant 0 : index
        %swap3A_1403 = tpu.vector_load %arg13[%swap3A_1401, %swap3A_1402] {strides = array<i32>} : memref<2x16xf32, #tpu.memory_space<vmem>>, vector<1x16xf32>,
        %swap3A_1404 = vector.shape_cast %swap3A_1403 : vector<1x16xf32> to vector<16xf32>
        %swap3A_1405 = vector.shape_cast %add3A_1399 : vector<16xf32> to vector<1x16xf32>
        tpu.vector_store %arg13[%swap3A_1401, %swap3A_1402], %swap3A_1405 {strides = array<i32>} : memref<2x16xf32, #tpu.memory_space<vmem>>, vector<1x16xf32>,
        %get3A_1406 = arith.constant 1 : i32
        %get3A_1407 = arith.index_cast %get3A_1406 : i32 to index
        %get3A_1408 = arith.constant 0 : index
        %get3A_1409 = tpu.vector_load %arg13[%get3A_1407, %get3A_1408] {strides = array<i32>} : memref<2x16xf32, #tpu.memory_space<vmem>>, vector<1x16xf32>,
        %get3A_1410 = vector.shape_cast %get3A_1409 : vector<1x16xf32> to vector<16xf32>
        %add3A_1411 = arith.addf %get3A_1410, %add3A_1393 : vector<16xf32>
        %swap3A_1412 = arith.constant 1 : i32
        %swap3A_1413 = arith.index_cast %swap3A_1412 : i32 to index
        %swap3A_1414 = arith.constant 0 : index
        %swap3A_1415 = tpu.vector_load %arg13[%swap3A_1413, %swap3A_1414] {strides = array<i32>} : memref<2x16xf32, #tpu.memory_space<vmem>>, vector<1x16xf32>,
        %swap3A_1416 = vector.shape_cast %swap3A_1415 : vector<1x16xf32> to vector<16xf32>
        %swap3A_1417 = vector.shape_cast %add3A_1411 : vector<16xf32> to vector<1x16xf32>
        tpu.vector_store %arg13[%swap3A_1413, %swap3A_1414], %swap3A_1417 {strides = array<i32>} : memref<2x16xf32, #tpu.memory_space<vmem>>, vector<1x16xf32>,
        "tpu.region"() ({
          %run_scoped3A = tpu.sem_alloc : memref<!tpu.dma_semaphore, #tpu.memory_space<semaphore_mem>>
          %dma_start3A_1418 = arith.constant 0 : i32
          %dma_start3A_1419 = tpu.memref_slice %arg5[%add3A_75, %dma_start3A_1418] : memref<40000x128xf32, #tpu.memory_space<hbm>> -> memref<10x128xf32, #tpu.memory_space<hbm>>
          %dma_start3A_1420 = arith.constant 0 : i32
          %dma_start3A_1421 = tpu.memref_slice %arg5[%add3A_75, %dma_start3A_1420] : memref<40000x128xf32, #tpu.memory_space<hbm>> -> memref<10x128xf32, #tpu.memory_space<hbm>>
          tpu.enqueue_dma source(%arg12 : memref<10x128xf32, #tpu.memory_space<vmem>>) target(%dma_start3A_1421 : memref<10x128xf32, #tpu.memory_space<hbm>>) target_semaphore(%run_scoped3A : memref<!tpu.dma_semaphore, #tpu.memory_space<semaphore_mem>>)
          %dma_wait3A_1422 = arith.constant 0 : i32
          %dma_wait3A_1423 = tpu.memref_slice %arg5[%add3A_75, %dma_wait3A_1422] : memref<40000x128xf32, #tpu.memory_space<hbm>> -> memref<10x128xf32, #tpu.memory_space<hbm>>
          %dma_wait3A_1424 = arith.constant 0 : i32
          %dma_wait3A_1425 = tpu.memref_slice %arg5[%add3A_75, %dma_wait3A_1424] : memref<40000x128xf32, #tpu.memory_space<hbm>> -> memref<10x128xf32, #tpu.memory_space<hbm>>
          tpu.wait_dma2 semaphore(%run_scoped3A : memref<!tpu.dma_semaphore, #tpu.memory_space<semaphore_mem>>) src(%arg12 : memref<10x128xf32, #tpu.memory_space<vmem>>) dst(%dma_wait3A_1425 : memref<10x128xf32, #tpu.memory_space<hbm>>)
          tpu.yield
        }) : () -> ()
      } else {
      }
    }
    %scan3A_65 = arith.constant 125 : i32
    %mul3A_66 = arith.constant 2 : i32
    %mul3A_67 = arith.muli %mul3A_66, %add3A : i32
    "tpu.region"() ({
      %run_scoped3A = tpu.sem_alloc : memref<!tpu.dma_semaphore, #tpu.memory_space<semaphore_mem>>
      %dma_start3A_68 = arith.constant 0 : i32
      %dma_start3A_69 = tpu.memref_slice %arg6[%mul3A_67, %dma_start3A_68] : memref<64x16xf32, #tpu.memory_space<hbm>> -> memref<2x16xf32, #tpu.memory_space<hbm>>
      %dma_start3A_70 = arith.constant 0 : i32
      %dma_start3A_71 = tpu.memref_slice %arg6[%mul3A_67, %dma_start3A_70] : memref<64x16xf32, #tpu.memory_space<hbm>> -> memref<2x16xf32, #tpu.memory_space<hbm>>
      tpu.enqueue_dma source(%arg13 : memref<2x16xf32, #tpu.memory_space<vmem>>) target(%dma_start3A_71 : memref<2x16xf32, #tpu.memory_space<hbm>>) target_semaphore(%run_scoped3A : memref<!tpu.dma_semaphore, #tpu.memory_space<semaphore_mem>>)
      %dma_wait3A = arith.constant 0 : i32
      %dma_wait3A_72 = tpu.memref_slice %arg6[%mul3A_67, %dma_wait3A] : memref<64x16xf32, #tpu.memory_space<hbm>> -> memref<2x16xf32, #tpu.memory_space<hbm>>
      %dma_wait3A_73 = arith.constant 0 : i32
      %dma_wait3A_74 = tpu.memref_slice %arg6[%mul3A_67, %dma_wait3A_73] : memref<64x16xf32, #tpu.memory_space<hbm>> -> memref<2x16xf32, #tpu.memory_space<hbm>>
      tpu.wait_dma2 semaphore(%run_scoped3A : memref<!tpu.dma_semaphore, #tpu.memory_space<semaphore_mem>>) src(%arg13 : memref<2x16xf32, #tpu.memory_space<vmem>>) dst(%dma_wait3A_74 : memref<2x16xf32, #tpu.memory_space<hbm>>)
      tpu.yield
    }) : () -> ()
    return
  }
}

module attributes {stable_mosaic.version = 14 : i64} {
  func.func @_proj1_body(%arg0: i32, %arg1: memref<1000x128xf32, #tpu.memory_space<vmem>>, %arg2: memref<1000x8xf32, #tpu.memory_space<vmem>>, %arg3: memref<128x16xf32, #tpu.memory_space<vmem>>, %arg4: memref<8x16xf32, #tpu.memory_space<vmem>>, %arg5: memref<1000x16xf32, #tpu.memory_space<vmem>>) attributes {dimension_semantics = [#tpu.dimension_semantics<arbitrary>], iteration_bounds = array<i64: 20>, scalar_prefetch = 0 : i64, scratch_operands = 0 : i64, tpu.core_type = #tpu.core_type<tc>, window_params = [{transform_indices = @transform_0, window_bounds = array<i64: 1000, 128>}, {transform_indices = @transform_1, window_bounds = array<i64: 1000, 8>}, {pipeline_mode = #tpu.pipeline_mode<synchronous>, transform_indices = @transform_2, window_bounds = array<i64: 128, 16>}, {pipeline_mode = #tpu.pipeline_mode<synchronous>, transform_indices = @transform_3, window_bounds = array<i64: 8, 16>}, {transform_indices = @transform_4, window_bounds = array<i64: 1000, 16>}]} {
    %get3A = arith.constant 0 : index
    %get3A_0 = arith.constant 0 : index
    %get3A_1 = vector.load %arg1[%get3A, %get3A_0] : memref<1000x128xf32, #tpu.memory_space<vmem>>, vector<1000x128xf32>
    %get3A_2 = arith.constant 0 : index
    %get3A_3 = arith.constant 0 : index
    %get3A_4 = vector.load %arg3[%get3A_2, %get3A_3] : memref<128x16xf32, #tpu.memory_space<vmem>>, vector<128x16xf32>
    %dot_general3A = arith.constant dense<0.000000e+00> : vector<1000x16xf32>
    %dot_general3A_5 = tpu.matmul %get3A_1, %get3A_4, %dot_general3A {dimension_numbers = #tpu.dot_dimension_numbers<[1], [0], [0], [1], [0, 0, 1, 1], [], []>, transpose_lhs_hint = false} : vector<1000x128xf32>, vector<128x16xf32>, vector<1000x16xf32> -> vector<1000x16xf32>
    %get3A_6 = arith.constant 0 : index
    %get3A_7 = arith.constant 0 : index
    %get3A_8 = vector.load %arg2[%get3A_6, %get3A_7] : memref<1000x8xf32, #tpu.memory_space<vmem>>, vector<1000x8xf32>
    %get3A_9 = arith.constant 0 : index
    %get3A_10 = arith.constant 0 : index
    %get3A_11 = vector.load %arg4[%get3A_9, %get3A_10] : memref<8x16xf32, #tpu.memory_space<vmem>>, vector<8x16xf32>
    %dot_general3A_12 = arith.constant dense<0.000000e+00> : vector<1000x16xf32>
    %dot_general3A_13 = tpu.matmul %get3A_8, %get3A_11, %dot_general3A_12 {dimension_numbers = #tpu.dot_dimension_numbers<[1], [0], [0], [1], [0, 0, 1, 1], [], []>, transpose_lhs_hint = false} : vector<1000x8xf32>, vector<8x16xf32>, vector<1000x16xf32> -> vector<1000x16xf32>
    %add3A = arith.addf %dot_general3A_5, %dot_general3A_13 : vector<1000x16xf32>
    %swap3A = arith.constant 0 : index
    %swap3A_14 = arith.constant 0 : index
    %swap3A_15 = vector.load %arg5[%swap3A, %swap3A_14] : memref<1000x16xf32, #tpu.memory_space<vmem>>, vector<1000x16xf32>
    tpu.vector_store %arg5[%swap3A, %swap3A_14], %add3A {strides = array<i32>} : memref<1000x16xf32, #tpu.memory_space<vmem>>, vector<1000x16xf32>,
    return
  }
  func.func @transform_0(%arg0: i32) -> (i32, i32) {
    %c0_i32 = arith.constant 0 : i32
    %c0_i32_0 = arith.constant 0 : i32
    return %arg0, %c0_i32 : i32, i32
  }
  func.func @transform_1(%arg0: i32) -> (i32, i32) {
    %c0_i32 = arith.constant 0 : i32
    %c0_i32_0 = arith.constant 0 : i32
    return %arg0, %c0_i32 : i32, i32
  }
  func.func @transform_2(%arg0: i32) -> (i32, i32) {
    %c0_i32 = arith.constant 0 : i32
    %c0_i32_0 = arith.constant 0 : i32
    %c0_i32_1 = arith.constant 0 : i32
    return %c0_i32, %c0_i32_0 : i32, i32
  }
  func.func @transform_3(%arg0: i32) -> (i32, i32) {
    %c0_i32 = arith.constant 0 : i32
    %c0_i32_0 = arith.constant 0 : i32
    %c0_i32_1 = arith.constant 0 : i32
    return %c0_i32, %c0_i32_0 : i32, i32
  }
  func.func @transform_4(%arg0: i32) -> (i32, i32) {
    %c0_i32 = arith.constant 0 : i32
    %c0_i32_0 = arith.constant 0 : i32
    return %arg0, %c0_i32 : i32, i32
  }
}

module attributes {stable_mosaic.version = 14 : i64} {
  func.func @_proj2_body(%arg0: i32, %arg1: memref<1000x128xf32, #tpu.memory_space<vmem>>, %arg2: memref<128x32xf32, #tpu.memory_space<vmem>>, %arg3: memref<128x176xf32, #tpu.memory_space<vmem>>, %arg4: memref<8x176xf32, #tpu.memory_space<vmem>>, %arg5: memref<1000x32xf32, #tpu.memory_space<vmem>>, %arg6: memref<1000x176xf32, #tpu.memory_space<vmem>>) attributes {dimension_semantics = [#tpu.dimension_semantics<arbitrary>], iteration_bounds = array<i64: 20>, scalar_prefetch = 0 : i64, scratch_operands = 0 : i64, tpu.core_type = #tpu.core_type<tc>, window_params = [{transform_indices = @transform_0, window_bounds = array<i64: 1000, 128>}, {pipeline_mode = #tpu.pipeline_mode<synchronous>, transform_indices = @transform_1, window_bounds = array<i64: 128, 32>}, {pipeline_mode = #tpu.pipeline_mode<synchronous>, transform_indices = @transform_2, window_bounds = array<i64: 128, 176>}, {pipeline_mode = #tpu.pipeline_mode<synchronous>, transform_indices = @transform_3, window_bounds = array<i64: 8, 176>}, {transform_indices = @transform_4, window_bounds = array<i64: 1000, 32>}, {transform_indices = @transform_5, window_bounds = array<i64: 1000, 176>}]} {
    %get3A = arith.constant 0 : index
    %get3A_0 = arith.constant 0 : index
    %get3A_1 = vector.load %arg1[%get3A, %get3A_0] : memref<1000x128xf32, #tpu.memory_space<vmem>>, vector<1000x128xf32>
    %get3A_2 = arith.constant 0 : index
    %get3A_3 = arith.constant 0 : index
    %get3A_4 = vector.load %arg2[%get3A_2, %get3A_3] : memref<128x32xf32, #tpu.memory_space<vmem>>, vector<128x32xf32>
    %dot_general3A = arith.constant dense<0.000000e+00> : vector<1000x32xf32>
    %dot_general3A_5 = tpu.matmul %get3A_1, %get3A_4, %dot_general3A {dimension_numbers = #tpu.dot_dimension_numbers<[1], [0], [0], [1], [0, 0, 1, 1], [], []>, transpose_lhs_hint = false} : vector<1000x128xf32>, vector<128x32xf32>, vector<1000x32xf32> -> vector<1000x32xf32>
    %get3A_6 = arith.constant 0 : index
    %get3A_7 = arith.constant 0 : index
    %get3A_8 = vector.load %arg4[%get3A_6, %get3A_7] : memref<8x176xf32, #tpu.memory_space<vmem>>, vector<1x32xf32>
    %add3A = vector.broadcast %get3A_8 : vector<1x32xf32> to vector<1000x32xf32>
    %add3A_9 = arith.addf %dot_general3A_5, %add3A : vector<1000x32xf32>
    %swap3A = arith.constant 0 : index
    %swap3A_10 = arith.constant 0 : index
    %swap3A_11 = vector.load %arg5[%swap3A, %swap3A_10] : memref<1000x32xf32, #tpu.memory_space<vmem>>, vector<1000x32xf32>
    tpu.vector_store %arg5[%swap3A, %swap3A_10], %add3A_9 {strides = array<i32>} : memref<1000x32xf32, #tpu.memory_space<vmem>>, vector<1000x32xf32>,
    %get3A_12 = arith.constant 0 : index
    %get3A_13 = arith.constant 0 : index
    %get3A_14 = vector.load %arg3[%get3A_12, %get3A_13] : memref<128x176xf32, #tpu.memory_space<vmem>>, vector<128x176xf32>
    %dot_general3A_15 = arith.constant dense<0.000000e+00> : vector<1000x176xf32>
    %dot_general3A_16 = tpu.matmul %get3A_1, %get3A_14, %dot_general3A_15 {dimension_numbers = #tpu.dot_dimension_numbers<[1], [0], [0], [1], [0, 0, 1, 1], [], []>, transpose_lhs_hint = false} : vector<1000x128xf32>, vector<128x176xf32>, vector<1000x176xf32> -> vector<1000x176xf32>
    %get3A_17 = arith.constant 1 : index
    %get3A_18 = arith.constant 0 : index
    %get3A_19 = vector.load %arg4[%get3A_17, %get3A_18] : memref<8x176xf32, #tpu.memory_space<vmem>>, vector<1x176xf32>
    %add3A_20 = vector.broadcast %get3A_19 : vector<1x176xf32> to vector<1000x176xf32>
    %add3A_21 = arith.addf %dot_general3A_16, %add3A_20 : vector<1000x176xf32>
    %swap3A_22 = arith.constant 0 : index
    %swap3A_23 = arith.constant 0 : index
    %swap3A_24 = vector.load %arg6[%swap3A_22, %swap3A_23] : memref<1000x176xf32, #tpu.memory_space<vmem>>, vector<1000x176xf32>
    tpu.vector_store %arg6[%swap3A_22, %swap3A_23], %add3A_21 {strides = array<i32>} : memref<1000x176xf32, #tpu.memory_space<vmem>>, vector<1000x176xf32>,
    return
  }
  func.func @transform_0(%arg0: i32) -> (i32, i32) {
    %c0_i32 = arith.constant 0 : i32
    %c0_i32_0 = arith.constant 0 : i32
    return %arg0, %c0_i32 : i32, i32
  }
  func.func @transform_1(%arg0: i32) -> (i32, i32) {
    %c0_i32 = arith.constant 0 : i32
    %c0_i32_0 = arith.constant 0 : i32
    %c0_i32_1 = arith.constant 0 : i32
    return %c0_i32, %c0_i32_0 : i32, i32
  }
  func.func @transform_2(%arg0: i32) -> (i32, i32) {
    %c0_i32 = arith.constant 0 : i32
    %c0_i32_0 = arith.constant 0 : i32
    %c0_i32_1 = arith.constant 0 : i32
    return %c0_i32, %c0_i32_0 : i32, i32
  }
  func.func @transform_3(%arg0: i32) -> (i32, i32) {
    %c0_i32 = arith.constant 0 : i32
    %c0_i32_0 = arith.constant 0 : i32
    %c0_i32_1 = arith.constant 0 : i32
    return %c0_i32, %c0_i32_0 : i32, i32
  }
  func.func @transform_4(%arg0: i32) -> (i32, i32) {
    %c0_i32 = arith.constant 0 : i32
    %c0_i32_0 = arith.constant 0 : i32
    return %arg0, %c0_i32 : i32, i32
  }
  func.func @transform_5(%arg0: i32) -> (i32, i32) {
    %c0_i32 = arith.constant 0 : i32
    %c0_i32_0 = arith.constant 0 : i32
    return %arg0, %c0_i32 : i32, i32
  }
}

module attributes {stable_mosaic.version = 14 : i64} {
  func.func @_stats2_body(%arg0: i32, %arg1: memref<800x128xf32, #tpu.memory_space<vmem>>, %arg2: memref<400x32xf32, #tpu.memory_space<vmem>>, %arg3: memref<128x128xf32, #tpu.memory_space<vmem>>, %arg4: memref<16x128xf32, #tpu.memory_space<vmem>>, %arg5: memref<8x128xf32, #tpu.memory_space<vmem>>, %arg6: memref<8x128xf32, #tpu.memory_space<vmem>>) attributes {dimension_semantics = [#tpu.dimension_semantics<arbitrary>], iteration_bounds = array<i64: 50>, scalar_prefetch = 0 : i64, scratch_operands = 0 : i64, tpu.core_type = #tpu.core_type<tc>, window_params = [{transform_indices = @transform_0, window_bounds = array<i64: 800, 128>}, {transform_indices = @transform_1, window_bounds = array<i64: 400, 32>}, {pipeline_mode = #tpu.pipeline_mode<synchronous>, transform_indices = @transform_2, window_bounds = array<i64: 128, 128>}, {pipeline_mode = #tpu.pipeline_mode<synchronous>, transform_indices = @transform_3, window_bounds = array<i64: 16, 128>}, {pipeline_mode = #tpu.pipeline_mode<synchronous>, transform_indices = @transform_4, window_bounds = array<i64: 8, 128>}, {pipeline_mode = #tpu.pipeline_mode<synchronous>, transform_indices = @transform_5, window_bounds = array<i64: 8, 128>}]} {
    %get3A = arith.constant 0 : index
    %get3A_0 = arith.constant 0 : index
    %get3A_1 = vector.load %arg4[%get3A, %get3A_0] : memref<16x128xf32, #tpu.memory_space<vmem>>, vector<16x128xf32>
    %get3A_2 = arith.constant 1 : index
    %get3A_3 = arith.constant 0 : index
    %get3A_4 = vector.load %arg5[%get3A_2, %get3A_3] : memref<8x128xf32, #tpu.memory_space<vmem>>, vector<1x128xf32>
    %get3A_5 = arith.constant 0 : index
    %get3A_6 = arith.constant 0 : index
    %get3A_7 = vector.load %arg1[%get3A_5, %get3A_6] : memref<800x128xf32, #tpu.memory_space<vmem>>, vector<800x128xf32>
    %mul3A = vector.broadcast %get3A_4 : vector<1x128xf32> to vector<800x128xf32>
    %mul3A_8 = arith.mulf %mul3A, %get3A_7 : vector<800x128xf32>
    %get3A_9 = arith.constant 2 : index
    %get3A_10 = arith.constant 0 : index
    %get3A_11 = vector.load %arg5[%get3A_9, %get3A_10] : memref<8x128xf32, #tpu.memory_space<vmem>>, vector<1x128xf32>
    %add3A = vector.broadcast %get3A_11 : vector<1x128xf32> to vector<800x128xf32>
    %add3A_12 = arith.addf %mul3A_8, %add3A : vector<800x128xf32>
    %max3A = arith.constant 0.000000e+00 : f32
    %max3A_13 = vector.broadcast %max3A : f32 to vector<800x128xf32>
    %max3A_14 = arith.maximumf %add3A_12, %max3A_13 : vector<800x128xf32>
    %convert_element_type3A = arith.truncf %max3A_14 : vector<800x128xf32> to vector<800x128xbf16>
    %get3A_15 = arith.constant 0 : index
    %get3A_16 = arith.constant 0 : index
    %get3A_17 = vector.load %arg3[%get3A_15, %get3A_16] : memref<128x128xf32, #tpu.memory_space<vmem>>, vector<128x128xf32>
    %convert_element_type3A_18 = arith.truncf %get3A_17 : vector<128x128xf32> to vector<128x128xbf16>
    %dot_general3A = arith.constant dense<0.000000e+00> : vector<800x128xf32>
    %dot_general3A_19 = tpu.matmul %convert_element_type3A, %convert_element_type3A_18, %dot_general3A {dimension_numbers = #tpu.dot_dimension_numbers<[1], [0], [0], [1], [0, 0, 1, 1], [], []>, transpose_lhs_hint = false} : vector<800x128xbf16>, vector<128x128xbf16>, vector<800x128xf32> -> vector<800x128xf32>
    %get3A_20 = arith.constant 0 : index
    %get3A_21 = arith.constant 0 : index
    %get3A_22 = vector.load %arg2[%get3A_20, %get3A_21] : memref<400x32xf32, #tpu.memory_space<vmem>>, vector<400x32xf32>
    %slice3A = vector.extract_strided_slice %get3A_22 {offsets = [0, 0], sizes = [400, 16], strides = [1, 1]} : vector<400x32xf32> to vector<400x16xf32>
    %dot_general3A_23 = arith.constant dense<0.000000e+00> : vector<400x128xf32>
    %dot_general3A_24 = tpu.matmul %slice3A, %get3A_1, %dot_general3A_23 {dimension_numbers = #tpu.dot_dimension_numbers<[1], [0], [0], [1], [0, 0, 1, 1], [], []>, transpose_lhs_hint = false} : vector<400x16xf32>, vector<16x128xf32>, vector<400x128xf32> -> vector<400x128xf32>
    %broadcast_in_dim3A = vector.shape_cast %dot_general3A_24 : vector<400x128xf32> to vector<400x1x128xf32>
    %broadcast_in_dim3A_25 = vector.shape_cast %broadcast_in_dim3A : vector<400x1x128xf32> to vector<400x1x128xf32>
    %broadcast_in_dim3A_26 = vector.broadcast %broadcast_in_dim3A_25 : vector<400x1x128xf32> to vector<400x2x128xf32>
    %reshape3A = vector.shape_cast %broadcast_in_dim3A_26 : vector<400x2x128xf32> to vector<800x128xf32>
    %add3A_27 = arith.addf %dot_general3A_19, %reshape3A : vector<800x128xf32>
    %eq3A = arith.constant 0 : i32
    %eq3A_28 = arith.cmpi eq, %arg0, %eq3A : i32
    %convert_element_type3A_29 = arith.extui %eq3A_28 : i1 to i32
    %cond3A = arith.constant 0 : i32
    %cond3A_30 = arith.cmpi ne, %convert_element_type3A_29, %cond3A : i32
    scf.if %cond3A_30 {
      %broadcast_in_dim3A_50 = arith.constant 0.000000e+00 : f32
      %broadcast_in_dim3A_51 = vector.broadcast %broadcast_in_dim3A_50 : f32 to vector<8x128xf32>
      %swap3A_52 = arith.constant 0 : index
      %swap3A_53 = arith.constant 0 : index
      %swap3A_54 = vector.load %arg6[%swap3A_52, %swap3A_53] : memref<8x128xf32, #tpu.memory_space<vmem>>, vector<8x128xf32>
      tpu.vector_store %arg6[%swap3A_52, %swap3A_53], %broadcast_in_dim3A_51 {strides = array<i32>} : memref<8x128xf32, #tpu.memory_space<vmem>>, vector<8x128xf32>,
    } else {
    }
    %get3A_31 = arith.constant 0 : index
    %get3A_32 = arith.constant 0 : index
    %get3A_33 = vector.load %arg6[%get3A_31, %get3A_32] : memref<8x128xf32, #tpu.memory_space<vmem>>, vector<1x128xf32>
    %reduce_sum3A = arith.constant dense<0.000000e+00> : vector<128xf32>
    %reduce_sum3A_34 = vector.multi_reduction <add>, %add3A_27, %reduce_sum3A [0] : vector<800x128xf32> to vector<128xf32>
    %broadcast_in_dim3A_35 = vector.shape_cast %reduce_sum3A_34 : vector<128xf32> to vector<1x128xf32>
    %add3A_36 = arith.addf %get3A_33, %broadcast_in_dim3A_35 : vector<1x128xf32>
    %swap3A = arith.constant 0 : index
    %swap3A_37 = arith.constant 0 : index
    %swap3A_38 = vector.load %arg6[%swap3A, %swap3A_37] : memref<8x128xf32, #tpu.memory_space<vmem>>, vector<1x128xf32>
    tpu.vector_store %arg6[%swap3A, %swap3A_37], %add3A_36 {strides = array<i32>} : memref<8x128xf32, #tpu.memory_space<vmem>>, vector<1x128xf32>,
    %get3A_39 = arith.constant 1 : index
    %get3A_40 = arith.constant 0 : index
    %get3A_41 = vector.load %arg6[%get3A_39, %get3A_40] : memref<8x128xf32, #tpu.memory_space<vmem>>, vector<1x128xf32>
    %mul3A_42 = arith.mulf %add3A_27, %add3A_27 : vector<800x128xf32>
    %reduce_sum3A_43 = arith.constant dense<0.000000e+00> : vector<128xf32>
    %reduce_sum3A_44 = vector.multi_reduction <add>, %mul3A_42, %reduce_sum3A_43 [0] : vector<800x128xf32> to vector<128xf32>
    %broadcast_in_dim3A_45 = vector.shape_cast %reduce_sum3A_44 : vector<128xf32> to vector<1x128xf32>
    %add3A_46 = arith.addf %get3A_41, %broadcast_in_dim3A_45 : vector<1x128xf32>
    %swap3A_47 = arith.constant 1 : index
    %swap3A_48 = arith.constant 0 : index
    %swap3A_49 = vector.load %arg6[%swap3A_47, %swap3A_48] : memref<8x128xf32, #tpu.memory_space<vmem>>, vector<1x128xf32>
    tpu.vector_store %arg6[%swap3A_47, %swap3A_48], %add3A_46 {strides = array<i32>} : memref<8x128xf32, #tpu.memory_space<vmem>>, vector<1x128xf32>,
    return
  }
  func.func @transform_0(%arg0: i32) -> (i32, i32) {
    %c0_i32 = arith.constant 0 : i32
    %c0_i32_0 = arith.constant 0 : i32
    return %arg0, %c0_i32 : i32, i32
  }
  func.func @transform_1(%arg0: i32) -> (i32, i32) {
    %c0_i32 = arith.constant 0 : i32
    %c0_i32_0 = arith.constant 0 : i32
    return %arg0, %c0_i32 : i32, i32
  }
  func.func @transform_2(%arg0: i32) -> (i32, i32) {
    %c0_i32 = arith.constant 0 : i32
    %c0_i32_0 = arith.constant 0 : i32
    %c0_i32_1 = arith.constant 0 : i32
    return %c0_i32, %c0_i32_0 : i32, i32
  }
  func.func @transform_3(%arg0: i32) -> (i32, i32) {
    %c0_i32 = arith.constant 0 : i32
    %c0_i32_0 = arith.constant 0 : i32
    %c0_i32_1 = arith.constant 0 : i32
    return %c0_i32, %c0_i32_0 : i32, i32
  }
  func.func @transform_4(%arg0: i32) -> (i32, i32) {
    %c0_i32 = arith.constant 0 : i32
    %c0_i32_0 = arith.constant 0 : i32
    %c0_i32_1 = arith.constant 0 : i32
    return %c0_i32, %c0_i32_0 : i32, i32
  }
  func.func @transform_5(%arg0: i32) -> (i32, i32) {
    %c0_i32 = arith.constant 0 : i32
    %c0_i32_0 = arith.constant 0 : i32
    %c0_i32_1 = arith.constant 0 : i32
    return %c0_i32, %c0_i32_0 : i32, i32
  }
}

module attributes {stable_mosaic.version = 14 : i64} {
  func.func @_stats3_body(%arg0: i32, %arg1: memref<800x128xf32, #tpu.memory_space<vmem>>, %arg2: memref<400x32xf32, #tpu.memory_space<vmem>>, %arg3: memref<128x128xf32, #tpu.memory_space<vmem>>, %arg4: memref<128x128xf32, #tpu.memory_space<vmem>>, %arg5: memref<128x128xf32, #tpu.memory_space<vmem>>, %arg6: memref<16x128xf32, #tpu.memory_space<vmem>>, %arg7: memref<8x128xf32, #tpu.memory_space<vmem>>, %arg8: memref<8x128xf32, #tpu.memory_space<vmem>>) attributes {dimension_semantics = [#tpu.dimension_semantics<arbitrary>], iteration_bounds = array<i64: 50>, scalar_prefetch = 0 : i64, scratch_operands = 0 : i64, tpu.core_type = #tpu.core_type<tc>, window_params = [{transform_indices = @transform_0, window_bounds = array<i64: 800, 128>}, {transform_indices = @transform_1, window_bounds = array<i64: 400, 32>}, {pipeline_mode = #tpu.pipeline_mode<synchronous>, transform_indices = @transform_2, window_bounds = array<i64: 128, 128>}, {pipeline_mode = #tpu.pipeline_mode<synchronous>, transform_indices = @transform_3, window_bounds = array<i64: 128, 128>}, {pipeline_mode = #tpu.pipeline_mode<synchronous>, transform_indices = @transform_4, window_bounds = array<i64: 128, 128>}, {pipeline_mode = #tpu.pipeline_mode<synchronous>, transform_indices = @transform_5, window_bounds = array<i64: 16, 128>}, {pipeline_mode = #tpu.pipeline_mode<synchronous>, transform_indices = @transform_6, window_bounds = array<i64: 8, 128>}, {pipeline_mode = #tpu.pipeline_mode<synchronous>, transform_indices = @transform_7, window_bounds = array<i64: 8, 128>}]} {
    %get3A = arith.constant 0 : index
    %get3A_0 = arith.constant 0 : index
    %get3A_1 = vector.load %arg6[%get3A, %get3A_0] : memref<16x128xf32, #tpu.memory_space<vmem>>, vector<16x128xf32>
    %get3A_2 = arith.constant 0 : index
    %get3A_3 = arith.constant 0 : index
    %get3A_4 = vector.load %arg2[%get3A_2, %get3A_3] : memref<400x32xf32, #tpu.memory_space<vmem>>, vector<400x32xf32>
    %get3A_5 = arith.constant 1 : index
    %get3A_6 = arith.constant 0 : index
    %get3A_7 = vector.load %arg7[%get3A_5, %get3A_6] : memref<8x128xf32, #tpu.memory_space<vmem>>, vector<1x128xf32>
    %get3A_8 = arith.constant 0 : index
    %get3A_9 = arith.constant 0 : index
    %get3A_10 = vector.load %arg1[%get3A_8, %get3A_9] : memref<800x128xf32, #tpu.memory_space<vmem>>, vector<800x128xf32>
    %mul3A = vector.broadcast %get3A_7 : vector<1x128xf32> to vector<800x128xf32>
    %mul3A_11 = arith.mulf %mul3A, %get3A_10 : vector<800x128xf32>
    %get3A_12 = arith.constant 2 : index
    %get3A_13 = arith.constant 0 : index
    %get3A_14 = vector.load %arg7[%get3A_12, %get3A_13] : memref<8x128xf32, #tpu.memory_space<vmem>>, vector<1x128xf32>
    %add3A = vector.broadcast %get3A_14 : vector<1x128xf32> to vector<800x128xf32>
    %add3A_15 = arith.addf %mul3A_11, %add3A : vector<800x128xf32>
    %max3A = arith.constant 0.000000e+00 : f32
    %max3A_16 = vector.broadcast %max3A : f32 to vector<800x128xf32>
    %max3A_17 = arith.maximumf %add3A_15, %max3A_16 : vector<800x128xf32>
    %convert_element_type3A = arith.truncf %max3A_17 : vector<800x128xf32> to vector<800x128xbf16>
    %get3A_18 = arith.constant 0 : index
    %get3A_19 = arith.constant 0 : index
    %get3A_20 = vector.load %arg3[%get3A_18, %get3A_19] : memref<128x128xf32, #tpu.memory_space<vmem>>, vector<128x128xf32>
    %convert_element_type3A_21 = arith.truncf %get3A_20 : vector<128x128xf32> to vector<128x128xbf16>
    %dot_general3A = arith.constant dense<0.000000e+00> : vector<800x128xf32>
    %dot_general3A_22 = tpu.matmul %convert_element_type3A, %convert_element_type3A_21, %dot_general3A {dimension_numbers = #tpu.dot_dimension_numbers<[1], [0], [0], [1], [0, 0, 1, 1], [], []>, transpose_lhs_hint = false} : vector<800x128xbf16>, vector<128x128xbf16>, vector<800x128xf32> -> vector<800x128xf32>
    %slice3A = vector.extract_strided_slice %get3A_4 {offsets = [0, 0], sizes = [400, 16], strides = [1, 1]} : vector<400x32xf32> to vector<400x16xf32>
    %dot_general3A_23 = arith.constant dense<0.000000e+00> : vector<400x128xf32>
    %dot_general3A_24 = tpu.matmul %slice3A, %get3A_1, %dot_general3A_23 {dimension_numbers = #tpu.dot_dimension_numbers<[1], [0], [0], [1], [0, 0, 1, 1], [], []>, transpose_lhs_hint = false} : vector<400x16xf32>, vector<16x128xf32>, vector<400x128xf32> -> vector<400x128xf32>
    %broadcast_in_dim3A = vector.shape_cast %dot_general3A_24 : vector<400x128xf32> to vector<400x1x128xf32>
    %broadcast_in_dim3A_25 = vector.shape_cast %broadcast_in_dim3A : vector<400x1x128xf32> to vector<400x1x128xf32>
    %broadcast_in_dim3A_26 = vector.broadcast %broadcast_in_dim3A_25 : vector<400x1x128xf32> to vector<400x2x128xf32>
    %reshape3A = vector.shape_cast %broadcast_in_dim3A_26 : vector<400x2x128xf32> to vector<800x128xf32>
    %add3A_27 = arith.addf %dot_general3A_22, %reshape3A : vector<800x128xf32>
    %get3A_28 = arith.constant 3 : index
    %get3A_29 = arith.constant 0 : index
    %get3A_30 = vector.load %arg7[%get3A_28, %get3A_29] : memref<8x128xf32, #tpu.memory_space<vmem>>, vector<1x128xf32>
    %mul3A_31 = vector.broadcast %get3A_30 : vector<1x128xf32> to vector<800x128xf32>
    %mul3A_32 = arith.mulf %mul3A_31, %add3A_27 : vector<800x128xf32>
    %get3A_33 = arith.constant 4 : index
    %get3A_34 = arith.constant 0 : index
    %get3A_35 = vector.load %arg7[%get3A_33, %get3A_34] : memref<8x128xf32, #tpu.memory_space<vmem>>, vector<1x128xf32>
    %add3A_36 = vector.broadcast %get3A_35 : vector<1x128xf32> to vector<800x128xf32>
    %add3A_37 = arith.addf %mul3A_32, %add3A_36 : vector<800x128xf32>
    %max3A_38 = arith.constant 0.000000e+00 : f32
    %max3A_39 = vector.broadcast %max3A_38 : f32 to vector<800x128xf32>
    %max3A_40 = arith.maximumf %add3A_37, %max3A_39 : vector<800x128xf32>
    %convert_element_type3A_41 = arith.truncf %max3A_40 : vector<800x128xf32> to vector<800x128xbf16>
    %get3A_42 = arith.constant 0 : index
    %get3A_43 = arith.constant 0 : index
    %get3A_44 = vector.load %arg4[%get3A_42, %get3A_43] : memref<128x128xf32, #tpu.memory_space<vmem>>, vector<128x128xf32>
    %convert_element_type3A_45 = arith.truncf %get3A_44 : vector<128x128xf32> to vector<128x128xbf16>
    %dot_general3A_46 = arith.constant dense<0.000000e+00> : vector<800x128xf32>
    %dot_general3A_47 = tpu.matmul %convert_element_type3A_41, %convert_element_type3A_45, %dot_general3A_46 {dimension_numbers = #tpu.dot_dimension_numbers<[1], [0], [0], [1], [0, 0, 1, 1], [], []>, transpose_lhs_hint = false} : vector<800x128xbf16>, vector<128x128xbf16>, vector<800x128xf32> -> vector<800x128xf32>
    %convert_element_type3A_48 = arith.truncf %max3A_17 : vector<800x128xf32> to vector<800x128xbf16>
    %get3A_49 = arith.constant 0 : index
    %get3A_50 = arith.constant 0 : index
    %get3A_51 = vector.load %arg5[%get3A_49, %get3A_50] : memref<128x128xf32, #tpu.memory_space<vmem>>, vector<128x128xf32>
    %convert_element_type3A_52 = arith.truncf %get3A_51 : vector<128x128xf32> to vector<128x128xbf16>
    %dot_general3A_53 = arith.constant dense<0.000000e+00> : vector<800x128xf32>
    %dot_general3A_54 = tpu.matmul %convert_element_type3A_48, %convert_element_type3A_52, %dot_general3A_53 {dimension_numbers = #tpu.dot_dimension_numbers<[1], [0], [0], [1], [0, 0, 1, 1], [], []>, transpose_lhs_hint = false} : vector<800x128xbf16>, vector<128x128xbf16>, vector<800x128xf32> -> vector<800x128xf32>
    %add3A_55 = arith.addf %dot_general3A_47, %dot_general3A_54 : vector<800x128xf32>
    %slice3A_56 = vector.extract_strided_slice %get3A_4 {offsets = [0, 16], sizes = [400, 16], strides = [1, 1]} : vector<400x32xf32> to vector<400x16xf32>
    %dot_general3A_57 = arith.constant dense<0.000000e+00> : vector<400x128xf32>
    %dot_general3A_58 = tpu.matmul %slice3A_56, %get3A_1, %dot_general3A_57 {dimension_numbers = #tpu.dot_dimension_numbers<[1], [0], [0], [1], [0, 0, 1, 1], [], []>, transpose_lhs_hint = false} : vector<400x16xf32>, vector<16x128xf32>, vector<400x128xf32> -> vector<400x128xf32>
    %broadcast_in_dim3A_59 = vector.shape_cast %dot_general3A_58 : vector<400x128xf32> to vector<400x1x128xf32>
    %broadcast_in_dim3A_60 = vector.shape_cast %broadcast_in_dim3A_59 : vector<400x1x128xf32> to vector<400x1x128xf32>
    %broadcast_in_dim3A_61 = vector.broadcast %broadcast_in_dim3A_60 : vector<400x1x128xf32> to vector<400x2x128xf32>
    %reshape3A_62 = vector.shape_cast %broadcast_in_dim3A_61 : vector<400x2x128xf32> to vector<800x128xf32>
    %add3A_63 = arith.addf %add3A_55, %reshape3A_62 : vector<800x128xf32>
    %eq3A = arith.constant 0 : i32
    %eq3A_64 = arith.cmpi eq, %arg0, %eq3A : i32
    %convert_element_type3A_65 = arith.extui %eq3A_64 : i1 to i32
    %cond3A = arith.constant 0 : i32
    %cond3A_66 = arith.cmpi ne, %convert_element_type3A_65, %cond3A : i32
    scf.if %cond3A_66 {
      %broadcast_in_dim3A_86 = arith.constant 0.000000e+00 : f32
      %broadcast_in_dim3A_87 = vector.broadcast %broadcast_in_dim3A_86 : f32 to vector<8x128xf32>
      %swap3A_88 = arith.constant 0 : index
      %swap3A_89 = arith.constant 0 : index
      %swap3A_90 = vector.load %arg8[%swap3A_88, %swap3A_89] : memref<8x128xf32, #tpu.memory_space<vmem>>, vector<8x128xf32>
      tpu.vector_store %arg8[%swap3A_88, %swap3A_89], %broadcast_in_dim3A_87 {strides = array<i32>} : memref<8x128xf32, #tpu.memory_space<vmem>>, vector<8x128xf32>,
    } else {
    }
    %get3A_67 = arith.constant 0 : index
    %get3A_68 = arith.constant 0 : index
    %get3A_69 = vector.load %arg8[%get3A_67, %get3A_68] : memref<8x128xf32, #tpu.memory_space<vmem>>, vector<1x128xf32>
    %reduce_sum3A = arith.constant dense<0.000000e+00> : vector<128xf32>
    %reduce_sum3A_70 = vector.multi_reduction <add>, %add3A_63, %reduce_sum3A [0] : vector<800x128xf32> to vector<128xf32>
    %broadcast_in_dim3A_71 = vector.shape_cast %reduce_sum3A_70 : vector<128xf32> to vector<1x128xf32>
    %add3A_72 = arith.addf %get3A_69, %broadcast_in_dim3A_71 : vector<1x128xf32>
    %swap3A = arith.constant 0 : index
    %swap3A_73 = arith.constant 0 : index
    %swap3A_74 = vector.load %arg8[%swap3A, %swap3A_73] : memref<8x128xf32, #tpu.memory_space<vmem>>, vector<1x128xf32>
    tpu.vector_store %arg8[%swap3A, %swap3A_73], %add3A_72 {strides = array<i32>} : memref<8x128xf32, #tpu.memory_space<vmem>>, vector<1x128xf32>,
    %get3A_75 = arith.constant 1 : index
    %get3A_76 = arith.constant 0 : index
    %get3A_77 = vector.load %arg8[%get3A_75, %get3A_76] : memref<8x128xf32, #tpu.memory_space<vmem>>, vector<1x128xf32>
    %mul3A_78 = arith.mulf %add3A_63, %add3A_63 : vector<800x128xf32>
    %reduce_sum3A_79 = arith.constant dense<0.000000e+00> : vector<128xf32>
    %reduce_sum3A_80 = vector.multi_reduction <add>, %mul3A_78, %reduce_sum3A_79 [0] : vector<800x128xf32> to vector<128xf32>
    %broadcast_in_dim3A_81 = vector.shape_cast %reduce_sum3A_80 : vector<128xf32> to vector<1x128xf32>
    %add3A_82 = arith.addf %get3A_77, %broadcast_in_dim3A_81 : vector<1x128xf32>
    %swap3A_83 = arith.constant 1 : index
    %swap3A_84 = arith.constant 0 : index
    %swap3A_85 = vector.load %arg8[%swap3A_83, %swap3A_84] : memref<8x128xf32, #tpu.memory_space<vmem>>, vector<1x128xf32>
    tpu.vector_store %arg8[%swap3A_83, %swap3A_84], %add3A_82 {strides = array<i32>} : memref<8x128xf32, #tpu.memory_space<vmem>>, vector<1x128xf32>,
    return
  }
  func.func @transform_0(%arg0: i32) -> (i32, i32) {
    %c0_i32 = arith.constant 0 : i32
    %c0_i32_0 = arith.constant 0 : i32
    return %arg0, %c0_i32 : i32, i32
  }
  func.func @transform_1(%arg0: i32) -> (i32, i32) {
    %c0_i32 = arith.constant 0 : i32
    %c0_i32_0 = arith.constant 0 : i32
    return %arg0, %c0_i32 : i32, i32
  }
  func.func @transform_2(%arg0: i32) -> (i32, i32) {
    %c0_i32 = arith.constant 0 : i32
    %c0_i32_0 = arith.constant 0 : i32
    %c0_i32_1 = arith.constant 0 : i32
    return %c0_i32, %c0_i32_0 : i32, i32
  }
  func.func @transform_3(%arg0: i32) -> (i32, i32) {
    %c0_i32 = arith.constant 0 : i32
    %c0_i32_0 = arith.constant 0 : i32
    %c0_i32_1 = arith.constant 0 : i32
    return %c0_i32, %c0_i32_0 : i32, i32
  }
  func.func @transform_4(%arg0: i32) -> (i32, i32) {
    %c0_i32 = arith.constant 0 : i32
    %c0_i32_0 = arith.constant 0 : i32
    %c0_i32_1 = arith.constant 0 : i32
    return %c0_i32, %c0_i32_0 : i32, i32
  }
  func.func @transform_5(%arg0: i32) -> (i32, i32) {
    %c0_i32 = arith.constant 0 : i32
    %c0_i32_0 = arith.constant 0 : i32
    %c0_i32_1 = arith.constant 0 : i32
    return %c0_i32, %c0_i32_0 : i32, i32
  }
  func.func @transform_6(%arg0: i32) -> (i32, i32) {
    %c0_i32 = arith.constant 0 : i32
    %c0_i32_0 = arith.constant 0 : i32
    %c0_i32_1 = arith.constant 0 : i32
    return %c0_i32, %c0_i32_0 : i32, i32
  }
  func.func @transform_7(%arg0: i32) -> (i32, i32) {
    %c0_i32 = arith.constant 0 : i32
    %c0_i32_0 = arith.constant 0 : i32
    %c0_i32_1 = arith.constant 0 : i32
    return %c0_i32, %c0_i32_0 : i32, i32
  }
}

module attributes {stable_mosaic.version = 14 : i64} {
  func.func @_final_body(%arg0: i32, %arg1: i32, %arg2: memref<1x1024x128xf32, #tpu.memory_space<vmem>>, %arg3: memref<1x512x32xf32, #tpu.memory_space<vmem>>, %arg4: memref<1x512x176xf32, #tpu.memory_space<vmem>>, %arg5: memref<128x128xf32, #tpu.memory_space<vmem>>, %arg6: memref<128x128xf32, #tpu.memory_space<vmem>>, %arg7: memref<128x128xf32, #tpu.memory_space<vmem>>, %arg8: memref<48x176xf32, #tpu.memory_space<vmem>>, %arg9: memref<16x128xf32, #tpu.memory_space<vmem>>, %arg10: memref<8x128xf32, #tpu.memory_space<vmem>>, %arg11: memref<1x176x512xf32, #tpu.memory_space<vmem>>) attributes {dimension_semantics = [#tpu.dimension_semantics<arbitrary>, #tpu.dimension_semantics<arbitrary>], iteration_bounds = array<i64: 2, 20>, scalar_prefetch = 0 : i64, scratch_operands = 0 : i64, tpu.core_type = #tpu.core_type<tc>, window_params = [{transform_indices = @transform_0, window_bounds = array<i64: 1, 1024, 128>}, {transform_indices = @transform_1, window_bounds = array<i64: 1, 512, 32>}, {transform_indices = @transform_2, window_bounds = array<i64: 1, 512, 176>}, {pipeline_mode = #tpu.pipeline_mode<synchronous>, transform_indices = @transform_3, window_bounds = array<i64: 128, 128>}, {pipeline_mode = #tpu.pipeline_mode<synchronous>, transform_indices = @transform_4, window_bounds = array<i64: 128, 128>}, {pipeline_mode = #tpu.pipeline_mode<synchronous>, transform_indices = @transform_5, window_bounds = array<i64: 128, 128>}, {pipeline_mode = #tpu.pipeline_mode<synchronous>, transform_indices = @transform_6, window_bounds = array<i64: 48, 176>}, {pipeline_mode = #tpu.pipeline_mode<synchronous>, transform_indices = @transform_7, window_bounds = array<i64: 16, 128>}, {pipeline_mode = #tpu.pipeline_mode<synchronous>, transform_indices = @transform_8, window_bounds = array<i64: 8, 128>}, {transform_indices = @transform_9, window_bounds = array<i64: 1, 176, 512>}]} {
    %get3A = arith.constant 0 : index
    %get3A_0 = arith.constant 0 : index
    %get3A_1 = vector.load %arg9[%get3A, %get3A_0] : memref<16x128xf32, #tpu.memory_space<vmem>>, vector<16x128xf32>
    %get3A_2 = arith.constant 0 : index
    %get3A_3 = arith.constant 0 : index
    %get3A_4 = arith.constant 0 : index
    %get3A_5 = vector.load %arg3[%get3A_2, %get3A_3, %get3A_4] : memref<1x512x32xf32, #tpu.memory_space<vmem>>, vector<1x512x32xf32>
    %get3A_6 = vector.shape_cast %get3A_5 : vector<1x512x32xf32> to vector<512x32xf32>
    %get3A_7 = arith.constant 1 : index
    %get3A_8 = arith.constant 0 : index
    %get3A_9 = vector.load %arg10[%get3A_7, %get3A_8] : memref<8x128xf32, #tpu.memory_space<vmem>>, vector<1x128xf32>
    %get3A_10 = arith.constant 0 : index
    %get3A_11 = arith.constant 0 : index
    %get3A_12 = arith.constant 0 : index
    %get3A_13 = vector.load %arg2[%get3A_10, %get3A_11, %get3A_12] : memref<1x1024x128xf32, #tpu.memory_space<vmem>>, vector<1x1024x128xf32>
    %get3A_14 = vector.shape_cast %get3A_13 : vector<1x1024x128xf32> to vector<1024x128xf32>
    %mul3A = vector.broadcast %get3A_9 : vector<1x128xf32> to vector<1024x128xf32>
    %mul3A_15 = arith.mulf %mul3A, %get3A_14 : vector<1024x128xf32>
    %get3A_16 = arith.constant 2 : index
    %get3A_17 = arith.constant 0 : index
    %get3A_18 = vector.load %arg10[%get3A_16, %get3A_17] : memref<8x128xf32, #tpu.memory_space<vmem>>, vector<1x128xf32>
    %add3A = vector.broadcast %get3A_18 : vector<1x128xf32> to vector<1024x128xf32>
    %add3A_19 = arith.addf %mul3A_15, %add3A : vector<1024x128xf32>
    %max3A = arith.constant 0.000000e+00 : f32
    %max3A_20 = vector.broadcast %max3A : f32 to vector<1024x128xf32>
    %max3A_21 = arith.maximumf %add3A_19, %max3A_20 : vector<1024x128xf32>
    %convert_element_type3A = arith.truncf %max3A_21 : vector<1024x128xf32> to vector<1024x128xbf16>
    %get3A_22 = arith.constant 0 : index
    %get3A_23 = arith.constant 0 : index
    %get3A_24 = vector.load %arg5[%get3A_22, %get3A_23] : memref<128x128xf32, #tpu.memory_space<vmem>>, vector<128x128xf32>
    %convert_element_type3A_25 = arith.truncf %get3A_24 : vector<128x128xf32> to vector<128x128xbf16>
    %dot_general3A = arith.constant dense<0.000000e+00> : vector<1024x128xf32>
    %dot_general3A_26 = tpu.matmul %convert_element_type3A, %convert_element_type3A_25, %dot_general3A {dimension_numbers = #tpu.dot_dimension_numbers<[1], [0], [0], [1], [0, 0, 1, 1], [], []>, transpose_lhs_hint = false} : vector<1024x128xbf16>, vector<128x128xbf16>, vector<1024x128xf32> -> vector<1024x128xf32>
    %slice3A = vector.extract_strided_slice %get3A_6 {offsets = [0, 0], sizes = [512, 16], strides = [1, 1]} : vector<512x32xf32> to vector<512x16xf32>
    %dot_general3A_27 = arith.constant dense<0.000000e+00> : vector<512x128xf32>
    %dot_general3A_28 = tpu.matmul %slice3A, %get3A_1, %dot_general3A_27 {dimension_numbers = #tpu.dot_dimension_numbers<[1], [0], [0], [1], [0, 0, 1, 1], [], []>, transpose_lhs_hint = false} : vector<512x16xf32>, vector<16x128xf32>, vector<512x128xf32> -> vector<512x128xf32>
    %broadcast_in_dim3A = vector.shape_cast %dot_general3A_28 : vector<512x128xf32> to vector<512x1x128xf32>
    %broadcast_in_dim3A_29 = vector.shape_cast %broadcast_in_dim3A : vector<512x1x128xf32> to vector<512x1x128xf32>
    %broadcast_in_dim3A_30 = vector.broadcast %broadcast_in_dim3A_29 : vector<512x1x128xf32> to vector<512x2x128xf32>
    %reshape3A = vector.shape_cast %broadcast_in_dim3A_30 : vector<512x2x128xf32> to vector<1024x128xf32>
    %add3A_31 = arith.addf %dot_general3A_26, %reshape3A : vector<1024x128xf32>
    %get3A_32 = arith.constant 3 : index
    %get3A_33 = arith.constant 0 : index
    %get3A_34 = vector.load %arg10[%get3A_32, %get3A_33] : memref<8x128xf32, #tpu.memory_space<vmem>>, vector<1x128xf32>
    %mul3A_35 = vector.broadcast %get3A_34 : vector<1x128xf32> to vector<1024x128xf32>
    %mul3A_36 = arith.mulf %mul3A_35, %add3A_31 : vector<1024x128xf32>
    %get3A_37 = arith.constant 4 : index
    %get3A_38 = arith.constant 0 : index
    %get3A_39 = vector.load %arg10[%get3A_37, %get3A_38] : memref<8x128xf32, #tpu.memory_space<vmem>>, vector<1x128xf32>
    %add3A_40 = vector.broadcast %get3A_39 : vector<1x128xf32> to vector<1024x128xf32>
    %add3A_41 = arith.addf %mul3A_36, %add3A_40 : vector<1024x128xf32>
    %max3A_42 = arith.constant 0.000000e+00 : f32
    %max3A_43 = vector.broadcast %max3A_42 : f32 to vector<1024x128xf32>
    %max3A_44 = arith.maximumf %add3A_41, %max3A_43 : vector<1024x128xf32>
    %convert_element_type3A_45 = arith.truncf %max3A_44 : vector<1024x128xf32> to vector<1024x128xbf16>
    %get3A_46 = arith.constant 0 : index
    %get3A_47 = arith.constant 0 : index
    %get3A_48 = vector.load %arg6[%get3A_46, %get3A_47] : memref<128x128xf32, #tpu.memory_space<vmem>>, vector<128x128xf32>
    %convert_element_type3A_49 = arith.truncf %get3A_48 : vector<128x128xf32> to vector<128x128xbf16>
    %dot_general3A_50 = arith.constant dense<0.000000e+00> : vector<1024x128xf32>
    %dot_general3A_51 = tpu.matmul %convert_element_type3A_45, %convert_element_type3A_49, %dot_general3A_50 {dimension_numbers = #tpu.dot_dimension_numbers<[1], [0], [0], [1], [0, 0, 1, 1], [], []>, transpose_lhs_hint = false} : vector<1024x128xbf16>, vector<128x128xbf16>, vector<1024x128xf32> -> vector<1024x128xf32>
    %convert_element_type3A_52 = arith.truncf %max3A_21 : vector<1024x128xf32> to vector<1024x128xbf16>
    %get3A_53 = arith.constant 0 : index
    %get3A_54 = arith.constant 0 : index
    %get3A_55 = vector.load %arg7[%get3A_53, %get3A_54] : memref<128x128xf32, #tpu.memory_space<vmem>>, vector<128x128xf32>
    %convert_element_type3A_56 = arith.truncf %get3A_55 : vector<128x128xf32> to vector<128x128xbf16>
    %dot_general3A_57 = arith.constant dense<0.000000e+00> : vector<1024x128xf32>
    %dot_general3A_58 = tpu.matmul %convert_element_type3A_52, %convert_element_type3A_56, %dot_general3A_57 {dimension_numbers = #tpu.dot_dimension_numbers<[1], [0], [0], [1], [0, 0, 1, 1], [], []>, transpose_lhs_hint = false} : vector<1024x128xbf16>, vector<128x128xbf16>, vector<1024x128xf32> -> vector<1024x128xf32>
    %add3A_59 = arith.addf %dot_general3A_51, %dot_general3A_58 : vector<1024x128xf32>
    %slice3A_60 = vector.extract_strided_slice %get3A_6 {offsets = [0, 16], sizes = [512, 16], strides = [1, 1]} : vector<512x32xf32> to vector<512x16xf32>
    %dot_general3A_61 = arith.constant dense<0.000000e+00> : vector<512x128xf32>
    %dot_general3A_62 = tpu.matmul %slice3A_60, %get3A_1, %dot_general3A_61 {dimension_numbers = #tpu.dot_dimension_numbers<[1], [0], [0], [1], [0, 0, 1, 1], [], []>, transpose_lhs_hint = false} : vector<512x16xf32>, vector<16x128xf32>, vector<512x128xf32> -> vector<512x128xf32>
    %broadcast_in_dim3A_63 = vector.shape_cast %dot_general3A_62 : vector<512x128xf32> to vector<512x1x128xf32>
    %broadcast_in_dim3A_64 = vector.shape_cast %broadcast_in_dim3A_63 : vector<512x1x128xf32> to vector<512x1x128xf32>
    %broadcast_in_dim3A_65 = vector.broadcast %broadcast_in_dim3A_64 : vector<512x1x128xf32> to vector<512x2x128xf32>
    %reshape3A_66 = vector.shape_cast %broadcast_in_dim3A_65 : vector<512x2x128xf32> to vector<1024x128xf32>
    %add3A_67 = arith.addf %add3A_59, %reshape3A_66 : vector<1024x128xf32>
    %get3A_68 = arith.constant 5 : index
    %get3A_69 = arith.constant 0 : index
    %get3A_70 = vector.load %arg10[%get3A_68, %get3A_69] : memref<8x128xf32, #tpu.memory_space<vmem>>, vector<1x128xf32>
    %mul3A_71 = vector.broadcast %get3A_70 : vector<1x128xf32> to vector<1024x128xf32>
    %mul3A_72 = arith.mulf %mul3A_71, %add3A_67 : vector<1024x128xf32>
    %get3A_73 = arith.constant 6 : index
    %get3A_74 = arith.constant 0 : index
    %get3A_75 = vector.load %arg10[%get3A_73, %get3A_74] : memref<8x128xf32, #tpu.memory_space<vmem>>, vector<1x128xf32>
    %add3A_76 = vector.broadcast %get3A_75 : vector<1x128xf32> to vector<1024x128xf32>
    %add3A_77 = arith.addf %mul3A_72, %add3A_76 : vector<1024x128xf32>
    %max3A_78 = arith.constant 0.000000e+00 : f32
    %max3A_79 = vector.broadcast %max3A_78 : f32 to vector<1024x128xf32>
    %max3A_80 = arith.maximumf %add3A_77, %max3A_79 : vector<1024x128xf32>
    %get3A_81 = arith.constant 0 : index
    %get3A_82 = arith.constant 0 : index
    %get3A_83 = vector.load %arg8[%get3A_81, %get3A_82] : memref<48x176xf32, #tpu.memory_space<vmem>>, vector<48x176xf32>
    %convert_element_type3A_84 = arith.truncf %get3A_83 : vector<48x176xf32> to vector<48x176xbf16>
    %slice3A_85 = vector.extract_strided_slice %max3A_80 {offsets = [0, 0], sizes = [1024, 16], strides = [1, 1]} : vector<1024x128xf32> to vector<1024x16xf32>
    %slice3A_86 = vector.extract_strided_slice %max3A_44 {offsets = [0, 0], sizes = [1024, 16], strides = [1, 1]} : vector<1024x128xf32> to vector<1024x16xf32>
    %slice3A_87 = vector.extract_strided_slice %max3A_21 {offsets = [0, 0], sizes = [1024, 16], strides = [1, 1]} : vector<1024x128xf32> to vector<1024x16xf32>
    %concatenate3A = tpu.concatenate %slice3A_85, %slice3A_86, %slice3A_87 in 1 : vector<1024x16xf32>, vector<1024x16xf32>, vector<1024x16xf32> -> vector<1024x48xf32>
    %convert_element_type3A_88 = arith.truncf %concatenate3A : vector<1024x48xf32> to vector<1024x48xbf16>
    %dot_general3A_89 = arith.constant dense<0.000000e+00> : vector<1024x176xf32>
    %dot_general3A_90 = tpu.matmul %convert_element_type3A_88, %convert_element_type3A_84, %dot_general3A_89 {dimension_numbers = #tpu.dot_dimension_numbers<[1], [0], [0], [1], [0, 0, 1, 1], [], []>, transpose_lhs_hint = false} : vector<1024x48xbf16>, vector<48x176xbf16>, vector<1024x176xf32> -> vector<1024x176xf32>
    %slice3A_91 = vector.extract_strided_slice %max3A_80 {offsets = [0, 16], sizes = [1024, 16], strides = [1, 1]} : vector<1024x128xf32> to vector<1024x16xf32>
    %slice3A_92 = vector.extract_strided_slice %max3A_44 {offsets = [0, 16], sizes = [1024, 16], strides = [1, 1]} : vector<1024x128xf32> to vector<1024x16xf32>
    %slice3A_93 = vector.extract_strided_slice %max3A_21 {offsets = [0, 16], sizes = [1024, 16], strides = [1, 1]} : vector<1024x128xf32> to vector<1024x16xf32>
    %concatenate3A_94 = tpu.concatenate %slice3A_91, %slice3A_92, %slice3A_93 in 1 : vector<1024x16xf32>, vector<1024x16xf32>, vector<1024x16xf32> -> vector<1024x48xf32>
    %convert_element_type3A_95 = arith.truncf %concatenate3A_94 : vector<1024x48xf32> to vector<1024x48xbf16>
    %dot_general3A_96 = arith.constant dense<0.000000e+00> : vector<1024x176xf32>
    %dot_general3A_97 = tpu.matmul %convert_element_type3A_95, %convert_element_type3A_84, %dot_general3A_96 {dimension_numbers = #tpu.dot_dimension_numbers<[1], [0], [0], [1], [0, 0, 1, 1], [], []>, transpose_lhs_hint = false} : vector<1024x48xbf16>, vector<48x176xbf16>, vector<1024x176xf32> -> vector<1024x176xf32>
    %max3A_98 = arith.maximumf %dot_general3A_90, %dot_general3A_97 : vector<1024x176xf32>
    %slice3A_99 = vector.extract_strided_slice %max3A_80 {offsets = [0, 32], sizes = [1024, 16], strides = [1, 1]} : vector<1024x128xf32> to vector<1024x16xf32>
    %slice3A_100 = vector.extract_strided_slice %max3A_44 {offsets = [0, 32], sizes = [1024, 16], strides = [1, 1]} : vector<1024x128xf32> to vector<1024x16xf32>
    %slice3A_101 = vector.extract_strided_slice %max3A_21 {offsets = [0, 32], sizes = [1024, 16], strides = [1, 1]} : vector<1024x128xf32> to vector<1024x16xf32>
    %concatenate3A_102 = tpu.concatenate %slice3A_99, %slice3A_100, %slice3A_101 in 1 : vector<1024x16xf32>, vector<1024x16xf32>, vector<1024x16xf32> -> vector<1024x48xf32>
    %convert_element_type3A_103 = arith.truncf %concatenate3A_102 : vector<1024x48xf32> to vector<1024x48xbf16>
    %dot_general3A_104 = arith.constant dense<0.000000e+00> : vector<1024x176xf32>
    %dot_general3A_105 = tpu.matmul %convert_element_type3A_103, %convert_element_type3A_84, %dot_general3A_104 {dimension_numbers = #tpu.dot_dimension_numbers<[1], [0], [0], [1], [0, 0, 1, 1], [], []>, transpose_lhs_hint = false} : vector<1024x48xbf16>, vector<48x176xbf16>, vector<1024x176xf32> -> vector<1024x176xf32>
    %max3A_106 = arith.maximumf %max3A_98, %dot_general3A_105 : vector<1024x176xf32>
    %slice3A_107 = vector.extract_strided_slice %max3A_80 {offsets = [0, 48], sizes = [1024, 16], strides = [1, 1]} : vector<1024x128xf32> to vector<1024x16xf32>
    %slice3A_108 = vector.extract_strided_slice %max3A_44 {offsets = [0, 48], sizes = [1024, 16], strides = [1, 1]} : vector<1024x128xf32> to vector<1024x16xf32>
    %slice3A_109 = vector.extract_strided_slice %max3A_21 {offsets = [0, 48], sizes = [1024, 16], strides = [1, 1]} : vector<1024x128xf32> to vector<1024x16xf32>
    %concatenate3A_110 = tpu.concatenate %slice3A_107, %slice3A_108, %slice3A_109 in 1 : vector<1024x16xf32>, vector<1024x16xf32>, vector<1024x16xf32> -> vector<1024x48xf32>
    %convert_element_type3A_111 = arith.truncf %concatenate3A_110 : vector<1024x48xf32> to vector<1024x48xbf16>
    %dot_general3A_112 = arith.constant dense<0.000000e+00> : vector<1024x176xf32>
    %dot_general3A_113 = tpu.matmul %convert_element_type3A_111, %convert_element_type3A_84, %dot_general3A_112 {dimension_numbers = #tpu.dot_dimension_numbers<[1], [0], [0], [1], [0, 0, 1, 1], [], []>, transpose_lhs_hint = false} : vector<1024x48xbf16>, vector<48x176xbf16>, vector<1024x176xf32> -> vector<1024x176xf32>
    %max3A_114 = arith.maximumf %max3A_106, %dot_general3A_113 : vector<1024x176xf32>
    %slice3A_115 = vector.extract_strided_slice %max3A_80 {offsets = [0, 64], sizes = [1024, 16], strides = [1, 1]} : vector<1024x128xf32> to vector<1024x16xf32>
    %slice3A_116 = vector.extract_strided_slice %max3A_44 {offsets = [0, 64], sizes = [1024, 16], strides = [1, 1]} : vector<1024x128xf32> to vector<1024x16xf32>
    %slice3A_117 = vector.extract_strided_slice %max3A_21 {offsets = [0, 64], sizes = [1024, 16], strides = [1, 1]} : vector<1024x128xf32> to vector<1024x16xf32>
    %concatenate3A_118 = tpu.concatenate %slice3A_115, %slice3A_116, %slice3A_117 in 1 : vector<1024x16xf32>, vector<1024x16xf32>, vector<1024x16xf32> -> vector<1024x48xf32>
    %convert_element_type3A_119 = arith.truncf %concatenate3A_118 : vector<1024x48xf32> to vector<1024x48xbf16>
    %dot_general3A_120 = arith.constant dense<0.000000e+00> : vector<1024x176xf32>
    %dot_general3A_121 = tpu.matmul %convert_element_type3A_119, %convert_element_type3A_84, %dot_general3A_120 {dimension_numbers = #tpu.dot_dimension_numbers<[1], [0], [0], [1], [0, 0, 1, 1], [], []>, transpose_lhs_hint = false} : vector<1024x48xbf16>, vector<48x176xbf16>, vector<1024x176xf32> -> vector<1024x176xf32>
    %max3A_122 = arith.maximumf %max3A_114, %dot_general3A_121 : vector<1024x176xf32>
    %slice3A_123 = vector.extract_strided_slice %max3A_80 {offsets = [0, 80], sizes = [1024, 16], strides = [1, 1]} : vector<1024x128xf32> to vector<1024x16xf32>
    %slice3A_124 = vector.extract_strided_slice %max3A_44 {offsets = [0, 80], sizes = [1024, 16], strides = [1, 1]} : vector<1024x128xf32> to vector<1024x16xf32>
    %slice3A_125 = vector.extract_strided_slice %max3A_21 {offsets = [0, 80], sizes = [1024, 16], strides = [1, 1]} : vector<1024x128xf32> to vector<1024x16xf32>
    %concatenate3A_126 = tpu.concatenate %slice3A_123, %slice3A_124, %slice3A_125 in 1 : vector<1024x16xf32>, vector<1024x16xf32>, vector<1024x16xf32> -> vector<1024x48xf32>
    %convert_element_type3A_127 = arith.truncf %concatenate3A_126 : vector<1024x48xf32> to vector<1024x48xbf16>
    %dot_general3A_128 = arith.constant dense<0.000000e+00> : vector<1024x176xf32>
    %dot_general3A_129 = tpu.matmul %convert_element_type3A_127, %convert_element_type3A_84, %dot_general3A_128 {dimension_numbers = #tpu.dot_dimension_numbers<[1], [0], [0], [1], [0, 0, 1, 1], [], []>, transpose_lhs_hint = false} : vector<1024x48xbf16>, vector<48x176xbf16>, vector<1024x176xf32> -> vector<1024x176xf32>
    %max3A_130 = arith.maximumf %max3A_122, %dot_general3A_129 : vector<1024x176xf32>
    %slice3A_131 = vector.extract_strided_slice %max3A_80 {offsets = [0, 96], sizes = [1024, 16], strides = [1, 1]} : vector<1024x128xf32> to vector<1024x16xf32>
    %slice3A_132 = vector.extract_strided_slice %max3A_44 {offsets = [0, 96], sizes = [1024, 16], strides = [1, 1]} : vector<1024x128xf32> to vector<1024x16xf32>
    %slice3A_133 = vector.extract_strided_slice %max3A_21 {offsets = [0, 96], sizes = [1024, 16], strides = [1, 1]} : vector<1024x128xf32> to vector<1024x16xf32>
    %concatenate3A_134 = tpu.concatenate %slice3A_131, %slice3A_132, %slice3A_133 in 1 : vector<1024x16xf32>, vector<1024x16xf32>, vector<1024x16xf32> -> vector<1024x48xf32>
    %convert_element_type3A_135 = arith.truncf %concatenate3A_134 : vector<1024x48xf32> to vector<1024x48xbf16>
    %dot_general3A_136 = arith.constant dense<0.000000e+00> : vector<1024x176xf32>
    %dot_general3A_137 = tpu.matmul %convert_element_type3A_135, %convert_element_type3A_84, %dot_general3A_136 {dimension_numbers = #tpu.dot_dimension_numbers<[1], [0], [0], [1], [0, 0, 1, 1], [], []>, transpose_lhs_hint = false} : vector<1024x48xbf16>, vector<48x176xbf16>, vector<1024x176xf32> -> vector<1024x176xf32>
    %max3A_138 = arith.maximumf %max3A_130, %dot_general3A_137 : vector<1024x176xf32>
    %slice3A_139 = vector.extract_strided_slice %max3A_80 {offsets = [0, 112], sizes = [1024, 16], strides = [1, 1]} : vector<1024x128xf32> to vector<1024x16xf32>
    %slice3A_140 = vector.extract_strided_slice %max3A_44 {offsets = [0, 112], sizes = [1024, 16], strides = [1, 1]} : vector<1024x128xf32> to vector<1024x16xf32>
    %slice3A_141 = vector.extract_strided_slice %max3A_21 {offsets = [0, 112], sizes = [1024, 16], strides = [1, 1]} : vector<1024x128xf32> to vector<1024x16xf32>
    %concatenate3A_142 = tpu.concatenate %slice3A_139, %slice3A_140, %slice3A_141 in 1 : vector<1024x16xf32>, vector<1024x16xf32>, vector<1024x16xf32> -> vector<1024x48xf32>
    %convert_element_type3A_143 = arith.truncf %concatenate3A_142 : vector<1024x48xf32> to vector<1024x48xbf16>
    %dot_general3A_144 = arith.constant dense<0.000000e+00> : vector<1024x176xf32>
    %dot_general3A_145 = tpu.matmul %convert_element_type3A_143, %convert_element_type3A_84, %dot_general3A_144 {dimension_numbers = #tpu.dot_dimension_numbers<[1], [0], [0], [1], [0, 0, 1, 1], [], []>, transpose_lhs_hint = false} : vector<1024x48xbf16>, vector<48x176xbf16>, vector<1024x176xf32> -> vector<1024x176xf32>
    %max3A_146 = arith.maximumf %max3A_138, %dot_general3A_145 : vector<1024x176xf32>
    %reshape3A_147 = vector.shape_cast %max3A_146 : vector<1024x176xf32> to vector<512x2x176xf32>
    %slice3A_148 = vector.extract_strided_slice %reshape3A_147 {offsets = [0, 0, 0], sizes = [512, 1, 176], strides = [1, 1, 1]} : vector<512x2x176xf32> to vector<512x1x176xf32>
    %squeeze3A = vector.shape_cast %slice3A_148 : vector<512x1x176xf32> to vector<512x176xf32>
    %slice3A_149 = vector.extract_strided_slice %reshape3A_147 {offsets = [0, 1, 0], sizes = [512, 1, 176], strides = [1, 1, 1]} : vector<512x2x176xf32> to vector<512x1x176xf32>
    %squeeze3A_150 = vector.shape_cast %slice3A_149 : vector<512x1x176xf32> to vector<512x176xf32>
    %max3A_151 = arith.maximumf %squeeze3A, %squeeze3A_150 : vector<512x176xf32>
    %get3A_152 = arith.constant 0 : index
    %get3A_153 = arith.constant 0 : index
    %get3A_154 = arith.constant 0 : index
    %get3A_155 = vector.load %arg4[%get3A_152, %get3A_153, %get3A_154] : memref<1x512x176xf32, #tpu.memory_space<vmem>>, vector<1x512x176xf32>
    %get3A_156 = vector.shape_cast %get3A_155 : vector<1x512x176xf32> to vector<512x176xf32>
    %add3A_157 = arith.addf %max3A_151, %get3A_156 : vector<512x176xf32>
    %transpose3A = tpu.transpose %add3A_157, [1, 0] : vector<512x176xf32> -> vector<176x512xf32>
    %broadcast_in_dim3A_158 = vector.shape_cast %transpose3A : vector<176x512xf32> to vector<1x176x512xf32>
    %swap3A = arith.constant 0 : index
    %swap3A_159 = arith.constant 0 : index
    %swap3A_160 = arith.constant 0 : index
    %swap3A_161 = vector.load %arg11[%swap3A, %swap3A_159, %swap3A_160] : memref<1x176x512xf32, #tpu.memory_space<vmem>>, vector<1x176x512xf32>
    tpu.vector_store %arg11[%swap3A, %swap3A_159, %swap3A_160], %broadcast_in_dim3A_158 {strides = array<i32>} : memref<1x176x512xf32, #tpu.memory_space<vmem>>, vector<1x176x512xf32>,
    return
  }
  func.func @transform_0(%arg0: i32, %arg1: i32) -> (i32, i32, i32) {
    %c0_i32 = arith.constant 0 : i32
    %c0_i32_0 = arith.constant 0 : i32
    return %arg0, %arg1, %c0_i32 : i32, i32, i32
  }
  func.func @transform_1(%arg0: i32, %arg1: i32) -> (i32, i32, i32) {
    %c0_i32 = arith.constant 0 : i32
    %c0_i32_0 = arith.constant 0 : i32
    return %arg0, %arg1, %c0_i32 : i32, i32, i32
  }
  func.func @transform_2(%arg0: i32, %arg1: i32) -> (i32, i32, i32) {
    %c0_i32 = arith.constant 0 : i32
    %c0_i32_0 = arith.constant 0 : i32
    return %arg0, %arg1, %c0_i32 : i32, i32, i32
  }
  func.func @transform_3(%arg0: i32, %arg1: i32) -> (i32, i32) {
    %c0_i32 = arith.constant 0 : i32
    %c0_i32_0 = arith.constant 0 : i32
    %c0_i32_1 = arith.constant 0 : i32
    return %c0_i32, %c0_i32_0 : i32, i32
  }
  func.func @transform_4(%arg0: i32, %arg1: i32) -> (i32, i32) {
    %c0_i32 = arith.constant 0 : i32
    %c0_i32_0 = arith.constant 0 : i32
    %c0_i32_1 = arith.constant 0 : i32
    return %c0_i32, %c0_i32_0 : i32, i32
  }
  func.func @transform_5(%arg0: i32, %arg1: i32) -> (i32, i32) {
    %c0_i32 = arith.constant 0 : i32
    %c0_i32_0 = arith.constant 0 : i32
    %c0_i32_1 = arith.constant 0 : i32
    return %c0_i32, %c0_i32_0 : i32, i32
  }
  func.func @transform_6(%arg0: i32, %arg1: i32) -> (i32, i32) {
    %c0_i32 = arith.constant 0 : i32
    %c0_i32_0 = arith.constant 0 : i32
    %c0_i32_1 = arith.constant 0 : i32
    return %c0_i32, %c0_i32_0 : i32, i32
  }
  func.func @transform_7(%arg0: i32, %arg1: i32) -> (i32, i32) {
    %c0_i32 = arith.constant 0 : i32
    %c0_i32_0 = arith.constant 0 : i32
    %c0_i32_1 = arith.constant 0 : i32
    return %c0_i32, %c0_i32_0 : i32, i32
  }
  func.func @transform_8(%arg0: i32, %arg1: i32) -> (i32, i32) {
    %c0_i32 = arith.constant 0 : i32
    %c0_i32_0 = arith.constant 0 : i32
    %c0_i32_1 = arith.constant 0 : i32
    return %c0_i32, %c0_i32_0 : i32, i32
  }
  func.func @transform_9(%arg0: i32, %arg1: i32) -> (i32, i32, i32) {
    %c0_i32 = arith.constant 0 : i32
    %c0_i32_0 = arith.constant 0 : i32
    return %arg0, %c0_i32, %arg1 : i32, i32, i32
  }
}

</mosaic_0001>

<sc_bundles>
// kernel: kernel.8.cloned.1.call-start
scs
__scs_entry_jumppad:
0x0: {  	(pc) =	sbr.rel $0x88, $3  }
0x1: {  	(tag) =	ssettag $0x0;
	lr =	simm.s32 $0x1  }
0x2: {  	[smem:$0x3F90] =	sst lr;
	_ =	strace $0xD0000000  }
0x3: {  	_ = 	snop  }
0x4: {  	_ = 	snop  }
0x5: {  	_ = 	snop  }
0x6: {  	_ = 	snop  }
0x7: {  	_ = 	snop  }
__scs_overlays_trampoline_lowered:
0x8: {  	[smem:$0x3F9F] =	sst s0  }
0x9: {  	[smem:$0x3FA0] =	sst s1  }
0xa: {  	[smem:$0x3FA1] =	sst s2  }
0xb: {  	[smem:$0x3FA2] =	sst s3  }
0xc: {  	[smem:$0x3FA3] =	sst s4  }
0xd: {  	[smem:$0x3FA4] =	sst s5  }
0xe: {  	[smem:$0x3FA5] =	sst s6  }
0xf: {  	[smem:$0x3FA6] =	sst s7  }
0x10: {  	[smem:$0x3FA7] =	sst s8  }
0x11: {  	[smem:$0x3FA8] =	sst s9;
	s0 =	simm.s32 @!p0 $0x0  }
0x12: {  	s1 =	sld [smem:$0x3F8E];
	s0 =	simm.s32 @p0 $0x1  }
0x13: {  	[smem:$0x3FA9] =	sst s0;
	s0 =	simm.s32 @!p1 $0x0  }
0x14: {  	s2 =	sld [smem:$0x3F8D];
	s0 =	simm.s32 @p1 $0x1  }
0x15: {  	[smem:$0x3FAA] =	sst s0;
	s0 =	simm.s32 @!p2 $0x0  }
0x16: {  	s3 =	sld [smem:$0x3FDB];
	s0 =	simm.s32 @p2 $0x1  }
0x17: {  	s4 =	simm.s32 $0x1BF5;
	[smem:$0x3FAC] =	sst s0  }
0x18: {  	s0 =	sld [smem:$0x3F8F];
	_ =	swait.ge [sflag:s4], $0x0  }
0x19: {  	s7 =	sld [smem:$0x3F90]  }
0x1a: {  	s8 =	sadd.s32 $0xFFFFE003, lr  }
0x1b: {  	s9 =	sadd.s32 $0xFFFFFEF7, lr;
	s5 =	simm.s32 $0xFFFFFFFF;
	p2 =	slt.u32 s8, $0xFFFFF086  }
0x1c: {  	p1 =	slt.u32 s9, $0xF7A;
	s5 =	simm.s32 @!p2 $0x0  }
0x1d: {  	s5 =	simm.s32 @p1 $0x1;
	p0 =	seq.s32 s7, s2  }
0x1e: {  	s7 =	smul.u32 @!p0 $0xF7A, s2;
	p2 =	seq.s32 @!p0 s5, $0x0  }
0x1f: {  	s9 =	smul.u32 $0xF7A, s1;
	s8 =	simm.s32 @!p0 $0x1BF5;
	p2 =	por !p2, p0  }
0x20: {  	[sflag:s8] =	ssyncset.s32 @!p0 $0xFFFFF086;
	s6 =	sadd.s32 @!p0 s3, s7;
	s7 =	simm.s32 @!p0 $0x108  }
0x21: {  	s3 =	sadd.s32 s3, s9;
	s6 =	sadd.s32 @!p0 $0x88, s6;
	s7 =	simm.s32 @p2 $0x1082  }
0x22: {  	[simem:s7], [sflag:s8] =	dma.local @!p0 [hbm:s6], $0xF7A  }
0x23: {  	s9 =	sor.u32 $0xD0000000, s2;
	s6 =	simm.s32 $0x108;
	_ =	swait.ge @!p0 [sflag:s8], $0x0  }
0x24: {  	s3 =	sadd.s32 $0x88, s3;
	s6 =	simm.s32 @!p1 $0x1082;
	[sflag:s4] =	ssyncset.s32 $0xFFFFF086  }
0x25: {  	[simem:s6], [sflag:s4] =	dma.local [hbm:s3], $0xF7A  }
0x26: {  	[smem:$0x3F90] =	sst s1;
	(tag) =	ssettag s2;
	_ =	strace s9  }
0x27: {  	s1 =	sld [smem:$0x3FA0]  }
0x28: {  	s2 =	sld [smem:$0x3FA1]  }
0x29: {  	s4 =	sld [smem:$0x3FA3]  }
0x2a: {  	p0 =	seq.s32 s5, $0x0;
	s5 =	sld [smem:$0x3FA4]  }
0x2b: {  	s6 =	sld [smem:$0x3FA5]  }
0x2c: {  	s7 =	sld [smem:$0x3FA6]  }
0x2d: {  	s3 =	simm.s32 $0x108;
	s8 =	sld [smem:$0x3FA7]  }
0x2e: {  	s3 =	simm.s32 @!p0 $0x1082;
	s9 =	sld [smem:$0x3FA8]  }
0x2f: {  	lr =	sadd.s32 s0, s3;
	s0 =	sld [smem:$0x3F9F]  }
0x30: {  	s3 =	sld [smem:$0x3FA2]  }
0x31: {  	[smem:$0x3FAB] =	sst s10  }
0x32: {  	s10 =	sld [smem:$0x3FA9];
	_ =	sdelay $0x3  }
0x33: {  	p0 =	seq.s32 s10, $0x1;
	s10 =	sld [smem:$0x3FAB];
	_ =	sdelay $0x3  }
0x34: {  	[smem:$0x3FAB] =	sst s10  }
0x35: {  	s10 =	sld [smem:$0x3FAA];
	_ =	sdelay $0x3  }
0x36: {  	p1 =	seq.s32 s10, $0x1;
	s10 =	sld [smem:$0x3FAB];
	_ =	sdelay $0x3  }
0x37: {  	[smem:$0x3FAB] =	sst s10  }
0x38: {  	s10 =	sld [smem:$0x3FAC]  }
0x39: {  	_ = 	snop;
	(pc) =	sbr.ind lr, $3  }
0x3a: {  	_ = 	snop  }
0x3b: {  	_ = 	snop  }
0x3c: {  	p2 =	seq.s32 s10, $0x1;
	s10 =	sld [smem:$0x3FAB]  }
0x3d: {  	_ =	shalt  }
0x3e: {  	_ =	shalt  }
0x3f: {  	_ =	shalt  }
0x40: {  	_ =	shalt  }
0x41: {  	_ =	shalt  }
0x42: {  	_ =	shalt  }
0x43: {  	_ =	shalt  }
0x44: {  	_ =	shalt  }
0x45: {  	_ =	shalt  }
0x46: {  	_ =	shalt  }
0x47: {  	_ =	shalt  }
0x48: {  	_ =	shalt  }
0x49: {  	_ =	shalt  }
0x4a: {  	_ =	shalt  }
0x4b: {  	_ =	shalt  }
0x4c: {  	_ =	shalt  }
0x4d: {  	_ =	shalt  }
0x4e: {  	_ =	shalt  }
0x4f: {  	_ =	shalt  }
0x50: {  	_ =	shalt  }
0x51: {  	_ =	shalt  }
0x52: {  	_ =	shalt  }
0x53: {  	_ =	shalt  }
0x54: {  	_ =	shalt  }
0x55: {  	_ =	shalt  }
0x56: {  	_ =	shalt  }
0x57: {  	_ =	shalt  }
0x58: {  	_ =	shalt  }
0x59: {  	_ =	shalt  }
0x5a: {  	_ =	shalt  }
0x5b: {  	_ =	shalt  }
0x5c: {  	_ =	shalt  }
0x5d: {  	_ =	shalt  }
0x5e: {  	_ =	shalt  }
0x5f: {  	_ =	shalt  }
0x60: {  	_ =	shalt  }
0x61: {  	_ =	shalt  }
0x62: {  	_ =	shalt  }
0x63: {  	_ =	shalt  }
0x64: {  	_ =	shalt  }
0x65: {  	_ =	shalt  }
0x66: {  	_ =	shalt  }
0x67: {  	_ =	shalt  }
0x68: {  	_ =	shalt  }
0x69: {  	_ =	shalt  }
0x6a: {  	_ =	shalt  }
0x6b: {  	_ =	shalt  }
0x6c: {  	_ =	shalt  }
0x6d: {  	_ =	shalt  }
0x6e: {  	_ =	shalt  }
0x6f: {  	_ =	shalt  }
0x70: {  	_ =	shalt  }
0x71: {  	_ =	shalt  }
0x72: {  	_ =	shalt  }
0x73: {  	_ =	shalt  }
0x74: {  	_ =	shalt  }
0x75: {  	_ =	shalt  }
0x76: {  	_ =	shalt  }
0x77: {  	_ =	shalt  }
0x78: {  	_ =	shalt  }
0x79: {  	_ =	shalt  }
0x7a: {  	_ =	shalt  }
0x7b: {  	_ =	shalt  }
0x7c: {  	_ =	shalt  }
0x7d: {  	_ =	shalt  }
0x7e: {  	_ =	shalt  }
0x7f: {  	_ =	shalt  }
0x80: {  	_ =	shalt  }
0x81: {  	_ =	shalt  }
0x82: {  	_ =	shalt  }
0x83: {  	_ =	shalt  }
0x84: {  	_ =	shalt  }
0x85: {  	_ =	shalt  }
0x86: {  	_ =	shalt  }
0x87: {  	_ =	shalt  }
.Lfunc_end0:
.L_simem_size_0:
called_computation_lowered:
.L_overlay_start_0:
0x88: {  	s2 =	sld [smem:$0x3FD9]  }
0x89: {  	s3 =	sld [smem:$0x3FFE];
	_ =	sdelay $0x1  }
0x8a: {  	s1 =	srdreg.scid  }
0x8b: {  	s0 =	sand.u32 $0x1, s1  }
0x8c: {  	s14 =	sshll.u32 s0, $0xA;
	s2 =	sadd.s32 s3, s2  }
0x8d: {  	s2 =	sadd.s32 s2, s14  }
0x8e: {  	[smem:$0x3FB7] =	sst s2  }
0x8f: {  	_ = 	snop  }
0x90: {  	s2 =	sld [smem:$0x3FD0];
	_ =	sdelay $0x2  }
0x91: {  	s4 =	simm.s32 $0xA;
	s5 =	simm.s32 $0x10;
	s15 =	sld [smem:$0x3FC5]  }
0x92: {  	[smem:s5], [sflag:s4] =	dma.local [hbm:s2], $0x1  }
0x93: {  	_ =	swait.eq [sflag:s4], $0x1  }
0x94: {  	[sflag:s4] =	ssyncset.done $0x0  }
0x95: {  	s16 =	sld [smem:$0x10];
	[sflag:s4] =	ssyncadd.s32 $0xFFFFFFFF  }
0x96: {  	s17 =	sld [smem:$0x11];
	(tm) =	ssettm $0x1  }
0x97: {  	s18 =	sld [smem:$0x3FFB];
	_ =	sdelay $0x3  }
0x98: {  	_ =	strace s18  }
0x99: {  	s5 =	sld [smem:$0x3FFC];
	_ =	sdelay $0x3  }
0x9a: {  	_ =	strace s5  }
0x9b: {  	s5 =	sld [smem:$0x3FFD];
	_ =	sdelay $0x3  }
0x9c: {  	_ =	strace s5  }
0x9d: {  	_ =	strace $0x8FFFFFFF  }
0x9e: {  	s19 =	sld [smem:$0x3FDB];
	_ =	sdelay $0x1  }
0x9f: {  	s6 =	simm.s32 $_scs_section_size  }
0xa0: {  	s7 =	simm.s32 $_size__tile_overlayer_lowered;
	s8 =	simm.s32 $_tile_overlayer_lowered  }
0xa1: {  	s22 =	simm.s32 $0x1BFF;
	s21 =	sshll.u32 s8, $0x1;
	s5 =	sadd.s32 s6, s19  }
0xa2: {  	s9 =	simm.s32 $0x0;
	s20 =	sshll.u32 s7, $0x1;
	s7 =	sadd.s32 s21, s5  }
0xa3: {  	[timem:s9], [sflag:s22] =	dma.local [hbm:s7], s20  }
0xa4: {  	_ =	swait.ge [sflag:s22], s20  }
0xa5: {  	s6 =	ssub.s32 $0x0, s20;
	[sflag:s22] =	ssyncset.done $0x0  }
0xa6: {  	[sflag:s22] =	ssyncadd.s32 s6;
	_ =	sdelay $0x1  }
0xa7: {  	s23 =	simm.s32 $0x1B8B  }
0xa8: {  	_ =	swait.ge [sflag:s23], $0x1  }
0xa9: {  	[sflag:s23] =	ssyncset.done $0x0  }
0xaa: {  	s25 =	simm.s32 $0x1B8E;
	s24 =	sld [smem:$0x3FFE];
	[sflag:s23] =	ssyncadd.s32 $0xFFFFFFFF  }
0xab: {  	s26 =	simm.s32 $execute0_lowered;
	[smem:$0x3FD2] =	sst s25  }
0xac: {  	s7 =	sshll.u32 s26, $0x1;
	_ =	strace $0x80000046;
	[dreg:$0x1] =	wrdreg $0xFFFFFFFF  }
0xad: {  	s28 =	simm.s32 $_size_execute0_lowered;
	s5 =	sadd.s32 s5, s7;
	[dreg:$0x0] =	wrdreg $0x0  }
0xae: {  	s7 =	sshll.u32 s28, $0x1;
	[dreg:$0x2] =	wrdreg s5  }
0xaf: {  	[dreg:$0x3] =	wrdreg s7  }
0xb0: {  	[dreg:$0x4] =	wrdreg $0xC0  }
0xb1: {  	_ =	task [dreg:s9], $0x5FFFF  }
0xb2: {  	[dreg:$0x1] =	wrdreg $0xFFFFFFFF  }
0xb3: {  	[dreg:$0x0] =	wrdreg $0x60  }
0xb4: {  	[dreg:$0x2] =	wrdreg s17  }
0xb5: {  	[dreg:$0x3] =	wrdreg s16  }
0xb6: {  	[dreg:$0x4] =	wrdreg s15  }
0xb7: {  	[dreg:$0x5] =	wrdreg s24  }
0xb8: {  	[dreg:$0x6] =	wrdreg $0x9  }
0xb9: {  	_ =	task.clear_ibuf [dreg:s9], $0x7FFFF;
	_ =	strace $0x90000046  }
0xba: {  	s29 =	simm.s32 $0x9;
	_ =	strace $0x80000048  }
0xbb: {  	_ =	swait.ge [sflag:s29], $0x1  }
0xbc: {  	[sflag:s29] =	ssyncadd.s32 $0xFFFFFFFF  }
0xbd: {  	_ =	strace $0x90000048  }
0xbe: {  	_ =	sfence  }
0xbf: {  	s30 =	sld [smem:$0x0];
	_ =	sdelay $0x2  }
0xc0: {  	s31 =	sshll.u32 s1, $0xD;
	s1 =	sshrl.u32 s1, $0x2  }
0xc1: {  	s3 =	sand.u32 $0x4000, s31;
	s1 =	sadd.s32 s1, s30  }
0xc2: {  	s0 =	sor.u32 s3, s0;
	s1 =	sshll.u32 s1, $0x11  }
0xc3: {  	s0 =	sor.u32 s1, s0  }
0xc4: {  	s0 =	sadd.s32 $0x8F2B, s0  }
0xc5: {  	[sflag:s0] =	ssyncadd.remote.s32 $0x1  }
0xc6: {  	_ =	sfence.sel $0xFFFF  }
0xc7: {  	[dreg:$0x0] =	wrdreg $0xFFFFFFFF;
	(pc) =	sbr.abs _section_cstart, $3  }
0xc8: {  	[dreg:$0x1] =	wrdreg $0xFFFFFFFF  }
0xc9: {  	_ =	task.clear_ibuf [dreg:s9], $0x2FFFF;
	_ =	strace $0x9FFFFFFF  }
0xca: {  	(tm) =	ssettm $0x7FFFFFFF  }
0xcb: {  	_ =	shalt  }
tec
execute0_lowered:
.L_overlay_start_1:
0x0: {  	(tag) =	ssettag $0x1  }
0x1: {  	s1 =	rddreg [dreg:$0x0]  }
0x2: {  	s6 =	rddreg [dreg:$0x1]  }
0x3: {  	s3 =	rddreg [dreg:$0x2]  }
0x4: {  	s2 =	srdreg.scid;
	s0 =	stileid.u32  }
0x5: {  	s7 =	rddreg [dreg:$0x3];
	s4 =	simm.s32 $0x0;
	s16 =	simm.s32 $0x4E30  }
0x6: {  	s17 =	simm.s32 $0x1;
	s18 =	simm.s32 $0x5830;
	s19 =	simm.s32 $0x5D30  }
0x7: {  	s20 =	simm.s32 $0x2;
	s21 =	simm.s32 $0x0;
	s11 =	smul.u32 $0x9C4, s0  }
0x8: {  	s8 =	sand.u32 $0x1, s2;
	s2 =	rddreg [dreg:$0x4];
	s14 =	smul.u32 $0x9C40, s0  }
0x9: {  	s5 =	sshll.u32 s0, $0x1;
	[smem:$0x7FF] =	sst s4;
	s13 =	smul.u32 $0x4E2, s8  }
0xa: {  	s9 =	sor.u32 s8, s5;
	_ =	strace $0x80000047;
	s15 =	smul.u32 $0x4E20, s8  }
0xb: {  	s5 =	sadd.s32 $0x1600, s7;
	s12 =	ssub.s32 $0x2, s8;
	s10 =	smul.u32 $0x4E2, s9  }
.Ltmp0:
0xc: {  	s9 =	sshll.u32 s9, $0x2;
	s31 =	sshrl.u32 s12, $0x1;
	(pc) =	sbr.rel .LBB2_1-.Ltmp0, $4  }
0xd: {  	s9 =	sadd.s32 s9, s7;
	s12 =	ssub.s32 s12, s31;
	s11 =	sadd.s32 s13, s11  }
0xe: {  	s13 =	simm.s32 $0x3;
	s6 =	sadd.s32 s6, s10;
	s7 =	sadd.s32 s1, s10  }
0xf: {  	s8 =	sadd.s32 $0x1400, s9;
	s9 =	smax.u32 s12, $0x1;
	s10 =	sadd.s32 $0x4D8, s10  }
0x10: {  	s12 =	sadd.s32 s15, s14;
	s14 =	simm.s32 $0x2710;
	s15 =	simm.s32 $0x4E20  }
.LBB2_6:
0x11: {  	s21 =	sadd.s32 $0x1, s21  }
0x12: {  	p0 =	sne.s32 s21, s9  }
.Ltmp1:
0x13: {  	_ = 	snop;
	(pc) =	sbr.rel @!p0 .LBB2_7-.Ltmp1, $4  }
0x14: {  	[hbm4b:s8+s4] =	stream.linear.scatter [tilespmem:s19], [sflag:$0x3], $0x20, $0x38;
	[tilespmem:$0x5D50] =	vst v63  }
0x15: {  	_ =	swait.ge [sflag:s13], $0x20  }
0x16: {  	[sflag:s13] =	ssyncset.done $0x0  }
0x17: {  	[sflag:s13] =	ssyncadd.s32 $0xFFFFFFE0  }
.LBB2_1:
0x18: {  	[tilespmem:s4], [sflag:$0x3] =	stream.linear.gather [hbm4b:s6+s4], $0x2710, $0x38;
	[tilespmem:$0x5D50] =	vst v63  }
0x19: {  	_ =	swait.ge [sflag:s13], $0x2710  }
0x1a: {  	[sflag:s13] =	ssyncset.done $0x0  }
0x1b: {  	[sflag:s13] =	ssyncadd.s32 $0xFFFFD8F0  }
0x1c: {  	[tilespmem:s14], [sflag:$0x3] =	stream.linear.gather [hbm4b:s7+s4], $0x2710, $0x38;
	[tilespmem:$0x5D50] =	vst v63  }
0x1d: {  	_ =	swait.ge [sflag:s13], $0x2710  }
0x1e: {  	[sflag:s13] =	ssyncset.done $0x0  }
0x1f: {  	[sflag:s13] =	ssyncadd.s32 $0xFFFFD8F0  }
0x20: {  	[tilespmem:s15], [sflag:$0x3] =	stream.linear.gather [hbm4b:s3+s4], $0x10, $0x38;
	[tilespmem:$0x5D50] =	vst v63  }
0x21: {  	_ =	swait.ge [sflag:s13], $0x10  }
0x22: {  	[sflag:s13] =	ssyncset.done $0x0  }
0x23: {  	[sflag:s13] =	ssyncadd.s32 $0xFFFFFFF0  }
0x24: {  	v0 =	vld [tilespmem:$0x4E20];
	_ =	sdelay $0x4  }
.Ltmp2:
0x25: {  	v1 =	vsub.f32 v0, v0;
	(pc) =	sbr.rel .LBB2_2-.Ltmp2, $4  }
0x26: {  	_ = 	snop  }
0x27: {  	s22 =	simm.s32 $0x50;
	s23 =	simm.s32 $0x2730;
	[tilespmem:$0x5D30] =	vst v1  }
0x28: {  	s24 =	smov.u32 s12;
	s25 =	smov.u32 s11;
	s26 =	simm.s32 $0x0;
	[tilespmem:$0x5D40] =	vst v1  }
0x29: {  	[tilespmem:s16], [sflag:$0x1] =	stream.indirect.gather [hbm4b:s1+s22], $0x10, s4, s22, $0xb8;
	[tilespmem:$0x5D50] =	vst v63  }
.LBB2_4:
0x2a: {  	_ =	swait.ge [sflag:s20], $0x500  }
0x2b: {  	[sflag:s20] =	ssyncset.done $0x0  }
0x2c: {  	[sflag:s20] =	ssyncadd.s32 $0xFFFFFB00  }
0x2d: {  	v2 =	vld [tilespmem:s23+$0xFFFFFFE0];
	_ =	sdelay $0x1  }
0x2e: {  	v3 =	vld [tilespmem:$0x5330]  }
0x2f: {  	v4 =	vld [tilespmem:$0x5340]  }
0x30: {  	v5 =	vld [tilespmem:$0x5350]  }
0x31: {  	v6 =	vld [tilespmem:$0x5360];
	v2 =	vsub.f32 v0, v2  }
0x32: {  	v7 =	vld [tilespmem:$0x5370]  }
0x33: {  	v8 =	vld [tilespmem:$0x5380];
	v3 =	vadd.f32 v2, v3  }
0x34: {  	v9 =	vld [tilespmem:$0x5390];
	v4 =	vadd.f32 v4, v2  }
0x35: {  	v10 =	vld [tilespmem:$0x53A0];
	v5 =	vadd.f32 v5, v2;
	[tilespmem:$0x5830] =	vst v3  }
0x36: {  	v6 =	vadd.f32 v6, v2;
	[tilespmem:$0x5840] =	vst v4  }
0x37: {  	v7 =	vadd.f32 v7, v2;
	[tilespmem:$0x5850] =	vst v5  }
0x38: {  	v8 =	vadd.f32 v8, v2;
	[tilespmem:$0x5860] =	vst v6  }
0x39: {  	v9 =	vadd.f32 v9, v2;
	[tilespmem:$0x5870] =	vst v7  }
0x3a: {  	v2 =	vadd.f32 v10, v2;
	[tilespmem:$0x5880] =	vst v8  }
0x3b: {  	[tilespmem:$0x5890] =	vst v9  }
0x3c: {  	[tilespmem:$0x58A0] =	vst v2  }
0x3d: {  	v26 =	vld [tilespmem:s23+$0xFFFFFFE0];
	_ =	sdelay $0x1  }
0x3e: {  	v12 =	vld [tilespmem:$0x53B0];
	v11 =	vmul.f32 v3, v3  }
0x3f: {  	v14 =	vld [tilespmem:$0x53C0];
	v3 =	vadd.f32 v3, v1  }
0x40: {  	v27 =	vld [tilespmem:$0x53D0];
	v13 =	vmul.f32 v4, v4;
	v11 =	vadd.f32 v11, v1  }
0x41: {  	v15 =	vld [tilespmem:$0x53E0];
	v3 =	vadd.f32 v4, v3;
	v10 =	vsub.f32 v0, v26  }
0x42: {  	v29 =	vld [tilespmem:$0x53F0];
	v28 =	vmul.f32 v5, v5;
	v11 =	vadd.f32 v13, v11  }
0x43: {  	v16 =	vld [tilespmem:$0x5400];
	v3 =	vadd.f32 v5, v3;
	v12 =	vadd.f32 v10, v12  }
0x44: {  	v32 =	vld [tilespmem:$0x5410];
	v30 =	vmul.f32 v6, v6;
	v11 =	vadd.f32 v28, v11;
	v31 =	vadd.f32 v14, v10  }
0x45: {  	v17 =	vld [tilespmem:$0x5420];
	v3 =	vadd.f32 v6, v3;
	v4 =	vadd.f32 v27, v10;
	[tilespmem:$0x58B0] =	vst v12  }
0x46: {  	v33 =	vmul.f32 v7, v7;
	v11 =	vadd.f32 v30, v11;
	v34 =	vadd.f32 v15, v10;
	[tilespmem:$0x58C0] =	vst v31  }
0x47: {  	v3 =	vadd.f32 v7, v3;
	v5 =	vadd.f32 v29, v10;
	[tilespmem:$0x58D0] =	vst v4  }
0x48: {  	v35 =	vmul.f32 v8, v8;
	v36 =	vadd.f32 v16, v10;
	v11 =	vadd.f32 v33, v11;
	[tilespmem:$0x58E0] =	vst v34  }
0x49: {  	v14 =	vadd.f32 v32, v10;
	v3 =	vadd.f32 v8, v3;
	[tilespmem:$0x58F0] =	vst v5  }
0x4a: {  	v37 =	vmul.f32 v9, v9;
	v38 =	vadd.f32 v17, v10;
	[tilespmem:$0x5900] =	vst v36;
	v11 =	vadd.f32 v35, v11  }
0x4b: {  	[tilespmem:$0x5910] =	vst v14;
	v3 =	vadd.f32 v9, v3  }
0x4c: {  	v40 =	vmul.f32 v2, v2;
	[tilespmem:$0x5920] =	vst v38;
	v39 =	vadd.f32 v37, v11  }
0x4d: {  	v42 =	vld [tilespmem:s23+$0xFFFFFFF0];
	v2 =	vadd.f32 v2, v3  }
0x4e: {  	v41 =	vmul.f32 v12, v12;
	v3 =	vadd.f32 v40, v39  }
0x4f: {  	v44 =	vld [tilespmem:$0x5430];
	v2 =	vadd.f32 v12, v2  }
0x50: {  	v45 =	vld [tilespmem:$0x5440];
	v43 =	vmul.f32 v31, v31;
	v3 =	vadd.f32 v41, v3  }
0x51: {  	v47 =	vld [tilespmem:$0x5450];
	v2 =	vadd.f32 v31, v2  }
0x52: {  	v49 =	vld [tilespmem:$0x5460];
	v46 =	vmul.f32 v4, v4;
	v48 =	vsub.f32 v0, v42;
	v3 =	vadd.f32 v43, v3  }
0x53: {  	v51 =	vld [tilespmem:$0x5470];
	v2 =	vadd.f32 v4, v2  }
0x54: {  	v53 =	vld [tilespmem:$0x5480];
	v50 =	vmul.f32 v34, v34;
	v52 =	vadd.f32 v48, v44;
	v3 =	vadd.f32 v46, v3  }
0x55: {  	v55 =	vld [tilespmem:$0x5490];
	v6 =	vadd.f32 v45, v48;
	v2 =	vadd.f32 v34, v2  }
0x56: {  	v57 =	vld [tilespmem:$0x54A0];
	v54 =	vmul.f32 v5, v5;
	v56 =	vadd.f32 v47, v48;
	[tilespmem:$0x5930] =	vst v52;
	v3 =	vadd.f32 v50, v3  }
0x57: {  	v11 =	vadd.f32 v49, v48;
	[tilespmem:$0x5940] =	vst v6;
	v2 =	vadd.f32 v5, v2  }
0x58: {  	v58 =	vmul.f32 v36, v36;
	v59 =	vadd.f32 v51, v48;
	[tilespmem:$0x5950] =	vst v56;
	v3 =	vadd.f32 v54, v3  }
0x59: {  	v12 =	vadd.f32 v53, v48;
	[tilespmem:$0x5960] =	vst v11;
	v2 =	vadd.f32 v36, v2  }
0x5a: {  	v60 =	vmul.f32 v14, v14;
	v61 =	vadd.f32 v55, v48;
	[tilespmem:$0x5970] =	vst v59;
	v3 =	vadd.f32 v58, v3  }
0x5b: {  	[tilespmem:$0x5980] =	vst v12;
	v4 =	vadd.f32 v57, v48;
	v2 =	vadd.f32 v14, v2  }
0x5c: {  	v62 =	vmul.f32 v38, v38;
	[tilespmem:$0x5990] =	vst v61;
	v3 =	vadd.f32 v60, v3  }
0x5d: {  	[tilespmem:$0x59A0] =	vst v4;
	v2 =	vadd.f32 v38, v2  }
0x5e: {  	v63 =	vmul.f32 v52, v52;
	v13 =	vld [tilespmem:s23+$0xFFFFFFF0];
	v3 =	vadd.f32 v62, v3  }
0x5f: {  	v2 =	vadd.f32 v52, v2  }
0x60: {  	v18 =	vld [tilespmem:$0x54C0];
	v15 =	vmul.f32 v6, v6;
	v3 =	vadd.f32 v63, v3  }
0x61: {  	v19 =	vld [tilespmem:$0x54D0];
	v2 =	vadd.f32 v6, v2  }
0x62: {  	v21 =	vld [tilespmem:$0x54E0];
	v17 =	vmul.f32 v56, v56;
	v3 =	vadd.f32 v15, v3  }
0x63: {  	v24 =	vld [tilespmem:$0x5500];
	v7 =	vsub.f32 v0, v13;
	v2 =	vadd.f32 v56, v2  }
0x64: {  	v26 =	vld [tilespmem:$0x5510];
	v20 =	vmul.f32 v11, v11;
	v3 =	vadd.f32 v17, v3  }
0x65: {  	v28 =	vld [tilespmem:$0x5520];
	v25 =	vadd.f32 v18, v7;
	v2 =	vadd.f32 v11, v2  }
0x66: {  	v16 =	vld [tilespmem:$0x54B0];
	v23 =	vmul.f32 v59, v59;
	v5 =	vadd.f32 v19, v7;
	v3 =	vadd.f32 v20, v3  }
0x67: {  	v22 =	vld [tilespmem:$0x54F0];
	v29 =	vadd.f32 v21, v7;
	[tilespmem:$0x59C0] =	vst v25;
	v2 =	vadd.f32 v59, v2  }
0x68: {  	v27 =	vmul.f32 v12, v12;
	v31 =	vadd.f32 v24, v7;
	[tilespmem:$0x59D0] =	vst v5;
	v3 =	vadd.f32 v23, v3  }
0x69: {  	v10 =	vadd.f32 v26, v7;
	[tilespmem:$0x59E0] =	vst v29;
	v2 =	vadd.f32 v12, v2  }
0x6a: {  	v30 =	vmul.f32 v61, v61;
	v33 =	vadd.f32 v28, v7;
	[tilespmem:$0x5A00] =	vst v31;
	v3 =	vadd.f32 v27, v3  }
0x6b: {  	[tilespmem:$0x5A10] =	vst v10;
	v6 =	vadd.f32 v7, v16;
	v2 =	vadd.f32 v61, v2  }
0x6c: {  	v32 =	vmul.f32 v4, v4;
	[tilespmem:$0x5A20] =	vst v33;
	v11 =	vadd.f32 v22, v7;
	v3 =	vadd.f32 v30, v3  }
0x6d: {  	[tilespmem:$0x59B0] =	vst v6;
	v2 =	vadd.f32 v4, v2  }
0x6e: {  	v34 =	vmul.f32 v6, v6;
	[tilespmem:$0x59F0] =	vst v11;
	v3 =	vadd.f32 v32, v3  }
0x6f: {  	v36 =	vld [tilespmem:s23+$0x0];
	v2 =	vadd.f32 v6, v2  }
0x70: {  	v35 =	vmul.f32 v25, v25;
	v3 =	vadd.f32 v34, v3  }
0x71: {  	v38 =	vld [tilespmem:$0x5530];
	v2 =	vadd.f32 v25, v2  }
0x72: {  	v41 =	vld [tilespmem:$0x5550];
	v37 =	vmul.f32 v5, v5;
	v3 =	vadd.f32 v35, v3  }
0x73: {  	v42 =	vld [tilespmem:$0x5560];
	v2 =	vadd.f32 v5, v2  }
0x74: {  	v44 =	vld [tilespmem:$0x5570];
	v40 =	vmul.f32 v29, v29;
	v7 =	vsub.f32 v0, v36;
	v3 =	vadd.f32 v37, v3  }
0x75: {  	v47 =	vld [tilespmem:$0x5590];
	v2 =	vadd.f32 v29, v2  }
0x76: {  	v39 =	vld [tilespmem:$0x5540];
	v43 =	vmul.f32 v11, v11;
	v8 =	vadd.f32 v7, v38;
	v3 =	vadd.f32 v40, v3  }
0x77: {  	v45 =	vld [tilespmem:$0x5580];
	v9 =	vadd.f32 v41, v7;
	v2 =	vadd.f32 v11, v2  }
0x78: {  	v48 =	vld [tilespmem:$0x55A0];
	v46 =	vmul.f32 v31, v31;
	v12 =	vadd.f32 v42, v7;
	[tilespmem:$0x5A30] =	vst v8;
	v3 =	vadd.f32 v43, v3  }
0x79: {  	v50 =	vadd.f32 v44, v7;
	[tilespmem:$0x5A50] =	vst v9;
	v2 =	vadd.f32 v31, v2  }
0x7a: {  	v49 =	vmul.f32 v10, v10;
	v52 =	vadd.f32 v47, v7;
	[tilespmem:$0x5A60] =	vst v12;
	v3 =	vadd.f32 v46, v3  }
0x7b: {  	[tilespmem:$0x5A70] =	vst v50;
	v5 =	vadd.f32 v39, v7;
	v2 =	vadd.f32 v10, v2  }
0x7c: {  	v51 =	vmul.f32 v33, v33;
	[tilespmem:$0x5A90] =	vst v52;
	v11 =	vadd.f32 v45, v7;
	v3 =	vadd.f32 v49, v3  }
0x7d: {  	[tilespmem:$0x5A40] =	vst v5;
	v7 =	vadd.f32 v48, v7;
	v2 =	vadd.f32 v33, v2  }
0x7e: {  	v53 =	vmul.f32 v8, v8;
	[tilespmem:$0x5A80] =	vst v11;
	v3 =	vadd.f32 v51, v3  }
0x7f: {  	[tilespmem:$0x5AA0] =	vst v7;
	v2 =	vadd.f32 v8, v2  }
0x80: {  	v54 =	vmul.f32 v5, v5;
	v55 =	vld [tilespmem:s23+$0x0];
	v3 =	vadd.f32 v53, v3  }
0x81: {  	v2 =	vadd.f32 v5, v2  }
0x82: {  	v57 =	vld [tilespmem:$0x55B0];
	v56 =	vmul.f32 v9, v9;
	v3 =	vadd.f32 v54, v3  }
0x83: {  	v59 =	vld [tilespmem:$0x55C0];
	v2 =	vadd.f32 v9, v2  }
0x84: {  	v62 =	vld [tilespmem:$0x55E0];
	v58 =	vmul.f32 v12, v12;
	v3 =	vadd.f32 v56, v3  }
0x85: {  	v63 =	vld [tilespmem:$0x55F0];
	v5 =	vsub.f32 v0, v55;
	v2 =	vadd.f32 v12, v2  }
0x86: {  	v18 =	vld [tilespmem:$0x5600];
	v61 =	vmul.f32 v50, v50;
	v3 =	vadd.f32 v58, v3  }
0x87: {  	v60 =	vld [tilespmem:$0x55D0];
	v8 =	vadd.f32 v5, v57;
	v2 =	vadd.f32 v50, v2  }
0x88: {  	v19 =	vld [tilespmem:$0x5610];
	v17 =	vmul.f32 v11, v11;
	v9 =	vadd.f32 v59, v5;
	v3 =	vadd.f32 v61, v3  }
0x89: {  	v21 =	vld [tilespmem:$0x5620];
	v22 =	vadd.f32 v62, v5;
	[tilespmem:$0x5AB0] =	vst v8;
	v2 =	vadd.f32 v11, v2  }
0x8a: {  	v20 =	vmul.f32 v52, v52;
	v10 =	vadd.f32 v63, v5;
	[tilespmem:$0x5AC0] =	vst v9;
	v3 =	vadd.f32 v17, v3  }
0x8b: {  	v24 =	vadd.f32 v18, v5;
	[tilespmem:$0x5AE0] =	vst v22;
	v2 =	vadd.f32 v52, v2  }
0x8c: {  	v23 =	vmul.f32 v7, v7;
	v12 =	vadd.f32 v60, v5;
	[tilespmem:$0x5AF0] =	vst v10;
	v3 =	vadd.f32 v20, v3  }
0x8d: {  	[tilespmem:$0x5B00] =	vst v24;
	v11 =	vadd.f32 v19, v5;
	v2 =	vadd.f32 v7, v2  }
0x8e: {  	v25 =	vmul.f32 v8, v8;
	[tilespmem:$0x5AD0] =	vst v12;
	v5 =	vadd.f32 v21, v5;
	v3 =	vadd.f32 v23, v3  }
0x8f: {  	[tilespmem:$0x5B10] =	vst v11;
	v2 =	vadd.f32 v8, v2  }
0x90: {  	v26 =	vmul.f32 v9, v9;
	[tilespmem:$0x5B20] =	vst v5;
	v3 =	vadd.f32 v25, v3  }
0x91: {  	v28 =	vld [tilespmem:s23+$0x10];
	v2 =	vadd.f32 v9, v2  }
0x92: {  	v27 =	vmul.f32 v12, v12;
	v3 =	vadd.f32 v26, v3  }
0x93: {  	v30 =	vld [tilespmem:$0x5630];
	v2 =	vadd.f32 v12, v2  }
0x94: {  	v31 =	vld [tilespmem:$0x5640];
	v29 =	vmul.f32 v22, v22;
	v3 =	vadd.f32 v27, v3  }
0x95: {  	v33 =	vld [tilespmem:$0x5650];
	v2 =	vadd.f32 v22, v2  }
0x96: {  	v36 =	vld [tilespmem:$0x5670];
	v32 =	vmul.f32 v10, v10;
	v8 =	vsub.f32 v0, v28;
	v3 =	vadd.f32 v29, v3  }
0x97: {  	v38 =	vld [tilespmem:$0x5680];
	v2 =	vadd.f32 v10, v2  }
0x98: {  	v40 =	vld [tilespmem:$0x5690];
	v35 =	vmul.f32 v24, v24;
	v37 =	vadd.f32 v8, v30;
	v3 =	vadd.f32 v32, v3  }
0x99: {  	v34 =	vld [tilespmem:$0x5660];
	v4 =	vadd.f32 v31, v8;
	v2 =	vadd.f32 v24, v2  }
0x9a: {  	v42 =	vld [tilespmem:$0x56A0];
	v39 =	vmul.f32 v11, v11;
	v41 =	vadd.f32 v33, v8;
	[tilespmem:$0x5B30] =	vst v37;
	v3 =	vadd.f32 v35, v3  }
0x9b: {  	v44 =	vadd.f32 v36, v8;
	[tilespmem:$0x5B40] =	vst v4;
	v2 =	vadd.f32 v11, v2  }
0x9c: {  	v43 =	vmul.f32 v5, v5;
	v9 =	vadd.f32 v38, v8;
	[tilespmem:$0x5B50] =	vst v41;
	v3 =	vadd.f32 v39, v3  }
0x9d: {  	v46 =	vadd.f32 v40, v8;
	[tilespmem:$0x5B70] =	vst v44;
	v2 =	vadd.f32 v5, v2  }
0x9e: {  	v45 =	vmul.f32 v37, v37;
	[tilespmem:$0x5B80] =	vst v9;
	v10 =	vadd.f32 v34, v8;
	v3 =	vadd.f32 v43, v3  }
0x9f: {  	[tilespmem:$0x5B90] =	vst v46;
	v8 =	vadd.f32 v42, v8;
	v2 =	vadd.f32 v37, v2  }
0xa0: {  	v47 =	vmul.f32 v4, v4;
	[tilespmem:$0x5B60] =	vst v10;
	v3 =	vadd.f32 v45, v3  }
0xa1: {  	[tilespmem:$0x5BA0] =	vst v8;
	v2 =	vadd.f32 v4, v2  }
0xa2: {  	v48 =	vmul.f32 v41, v41;
	v49 =	vld [tilespmem:s23+$0x10];
	v3 =	vadd.f32 v47, v3  }
0xa3: {  	v2 =	vadd.f32 v41, v2  }
0xa4: {  	v53 =	vld [tilespmem:$0x56C0];
	v50 =	vmul.f32 v10, v10;
	v3 =	vadd.f32 v48, v3  }
0xa5: {  	v54 =	vld [tilespmem:$0x56D0];
	v2 =	vadd.f32 v10, v2  }
0xa6: {  	v56 =	vld [tilespmem:$0x56E0];
	v52 =	vmul.f32 v44, v44;
	v3 =	vadd.f32 v50, v3  }
0xa7: {  	v51 =	vld [tilespmem:$0x56B0];
	v6 =	vsub.f32 v0, v49;
	v2 =	vadd.f32 v44, v2  }
0xa8: {  	v59 =	vld [tilespmem:$0x5700];
	v55 =	vmul.f32 v9, v9;
	v3 =	vadd.f32 v52, v3  }
0xa9: {  	v61 =	vld [tilespmem:$0x5710];
	v60 =	vadd.f32 v53, v6;
	v2 =	vadd.f32 v9, v2  }
0xaa: {  	v58 =	vmul.f32 v46, v46;
	v5 =	vadd.f32 v54, v6;
	v3 =	vadd.f32 v55, v3  }
0xab: {  	v57 =	vld [tilespmem:$0x56F0];
	v15 =	vadd.f32 v56, v6;
	v2 =	vadd.f32 v46, v2  }
0xac: {  	v63 =	vld [tilespmem:$0x5720];
	v62 =	vmul.f32 v8, v8;
	[tilespmem:$0x5BC0] =	vst v60;
	v10 =	vadd.f32 v6, v51;
	v3 =	vadd.f32 v58, v3  }
0xad: {  	v17 =	vadd.f32 v59, v6;
	[tilespmem:$0x5BD0] =	vst v5;
	v2 =	vadd.f32 v8, v2  }
0xae: {  	v11 =	vadd.f32 v61, v6;
	[tilespmem:$0x5BE0] =	vst v15;
	v16 =	vmul.f32 v10, v10;
	v3 =	vadd.f32 v62, v3  }
0xaf: {  	[tilespmem:$0x5C00] =	vst v17;
	v2 =	vadd.f32 v10, v2  }
0xb0: {  	v18 =	vmul.f32 v60, v60;
	[tilespmem:$0x5C10] =	vst v11;
	v9 =	vadd.f32 v57, v6;
	v3 =	vadd.f32 v16, v3  }
0xb1: {  	[tilespmem:$0x5BB0] =	vst v10;
	v6 =	vadd.f32 v63, v6;
	v2 =	vadd.f32 v60, v2  }
0xb2: {  	v19 =	vmul.f32 v5, v5;
	[tilespmem:$0x5BF0] =	vst v9;
	v3 =	vadd.f32 v18, v3  }
0xb3: {  	[tilespmem:$0x5C20] =	vst v6;
	v2 =	vadd.f32 v5, v2  }
0xb4: {  	v20 =	vmul.f32 v15, v15;
	v21 =	vld [tilespmem:s23+$0x20];
	v3 =	vadd.f32 v19, v3  }
0xb5: {  	v2 =	vadd.f32 v15, v2  }
0xb6: {  	v23 =	vld [tilespmem:$0x5730];
	v22 =	vmul.f32 v9, v9;
	v3 =	vadd.f32 v20, v3  }
0xb7: {  	v24 =	vld [tilespmem:$0x5740];
	v2 =	vadd.f32 v9, v2  }
0xb8: {  	v26 =	vld [tilespmem:$0x5750];
	v25 =	vmul.f32 v17, v17;
	v3 =	vadd.f32 v22, v3  }
0xb9: {  	v27 =	vld [tilespmem:$0x5760];
	v5 =	vsub.f32 v0, v21;
	v2 =	vadd.f32 v17, v2  }
0xba: {  	v29 =	vld [tilespmem:$0x5770];
	v28 =	vmul.f32 v11, v11;
	v3 =	vadd.f32 v25, v3  }
0xbb: {  	v32 =	vld [tilespmem:$0x5790];
	v7 =	vadd.f32 v5, v23;
	v2 =	vadd.f32 v11, v2  }
0xbc: {  	v30 =	vld [tilespmem:$0x5780];
	v31 =	vmul.f32 v6, v6;
	v8 =	vadd.f32 v24, v5;
	v3 =	vadd.f32 v28, v3  }
0xbd: {  	v34 =	vld [tilespmem:$0x57A0];
	v33 =	vadd.f32 v26, v5;
	[tilespmem:$0x5C30] =	vst v7;
	v2 =	vadd.f32 v6, v2  }
0xbe: {  	v10 =	vadd.f32 v27, v5;
	v35 =	vmul.f32 v7, v7;
	[tilespmem:$0x5C40] =	vst v8;
	v3 =	vadd.f32 v31, v3  }
0xbf: {  	v36 =	vadd.f32 v29, v5;
	[tilespmem:$0x5C50] =	vst v33;
	v2 =	vadd.f32 v7, v2  }
0xc0: {  	v38 =	vadd.f32 v32, v5;
	v37 =	vmul.f32 v8, v8;
	[tilespmem:$0x5C60] =	vst v10;
	v3 =	vadd.f32 v35, v3  }
0xc1: {  	[tilespmem:$0x5C70] =	vst v36;
	v11 =	vadd.f32 v30, v5;
	v2 =	vadd.f32 v8, v2  }
0xc2: {  	v39 =	vmul.f32 v33, v33;
	[tilespmem:$0x5C90] =	vst v38;
	v5 =	vadd.f32 v34, v5;
	v3 =	vadd.f32 v37, v3  }
0xc3: {  	[tilespmem:$0x5C80] =	vst v11;
	v2 =	vadd.f32 v33, v2  }
0xc4: {  	v40 =	vmul.f32 v10, v10;
	[tilespmem:$0x5CA0] =	vst v5;
	v3 =	vadd.f32 v39, v3  }
0xc5: {  	v41 =	vld [tilespmem:s23+$0x20];
	v2 =	vadd.f32 v10, v2  }
0xc6: {  	v42 =	vmul.f32 v36, v36;
	v3 =	vadd.f32 v40, v3  }
0xc7: {  	v43 =	vld [tilespmem:$0x57B0];
	v2 =	vadd.f32 v36, v2  }
0xc8: {  	v44 =	vmul.f32 v11, v11;
	v3 =	vadd.f32 v42, v3  }
0xc9: {  	v45 =	vld [tilespmem:$0x57C0];
	v2 =	vadd.f32 v11, v2  }
0xca: {  	v46 =	vmul.f32 v38, v38;
	v6 =	vsub.f32 v0, v41;
	v3 =	vadd.f32 v44, v3  }
0xcb: {  	v47 =	vld [tilespmem:$0x57D0];
	v2 =	vadd.f32 v38, v2  }
0xcc: {  	v48 =	vmul.f32 v5, v5;
	v7 =	vadd.f32 v6, v43;
	v3 =	vadd.f32 v46, v3  }
0xcd: {  	v49 =	vld [tilespmem:$0x57E0];
	v2 =	vadd.f32 v5, v2  }
0xce: {  	v9 =	vadd.f32 v45, v6;
	v50 =	vmul.f32 v7, v7;
	v3 =	vadd.f32 v48, v3  }
0xcf: {  	v51 =	vld [tilespmem:$0x57F0];
	v2 =	vadd.f32 v7, v2  }
0xd0: {  	v8 =	vadd.f32 v47, v6;
	v52 =	vmul.f32 v9, v9;
	v3 =	vadd.f32 v50, v3  }
0xd1: {  	v53 =	vld [tilespmem:$0x5800];
	v2 =	vadd.f32 v9, v2  }
0xd2: {  	v54 =	vmul.f32 v8, v8;
	v5 =	vadd.f32 v49, v6;
	v3 =	vadd.f32 v52, v3  }
0xd3: {  	v55 =	vld [tilespmem:$0x5810];
	v2 =	vadd.f32 v8, v2  }
0xd4: {  	v10 =	vadd.f32 v51, v6;
	v56 =	vmul.f32 v5, v5;
	v3 =	vadd.f32 v54, v3  }
0xd5: {  	v57 =	vld [tilespmem:$0x5820];
	v2 =	vadd.f32 v5, v2  }
0xd6: {  	v58 =	vmul.f32 v10, v10;
	v11 =	vadd.f32 v53, v6;
	v3 =	vadd.f32 v56, v3  }
0xd7: {  	v2 =	vadd.f32 v10, v2  }
0xd8: {  	v12 =	vadd.f32 v55, v6;
	v59 =	vmul.f32 v11, v11;
	v3 =	vadd.f32 v58, v3  }
0xd9: {  	[tilespmem:$0x5CB0] =	vst v7;
	v2 =	vadd.f32 v11, v2  }
0xda: {  	v61 =	vld [tilespmem:$0x5D30];
	[tilespmem:$0x5CC0] =	vst v9;
	v60 =	vmul.f32 v12, v12;
	v6 =	vadd.f32 v57, v6;
	v3 =	vadd.f32 v59, v3  }
0xdb: {  	v62 =	vld [tilespmem:$0x5D40];
	[tilespmem:$0x5CD0] =	vst v8;
	v2 =	vadd.f32 v12, v2  }
0xdc: {  	[tilespmem:$0x5CF0] =	vst v10;
	v63 =	vmul.f32 v6, v6;
	v3 =	vadd.f32 v60, v3  }
0xdd: {  	[tilespmem:$0x5D10] =	vst v12;
	v2 =	vadd.f32 v6, v2  }
0xde: {  	[tilespmem:$0x5D00] =	vst v11;
	v3 =	vadd.f32 v63, v3  }
0xdf: {  	[tilespmem:$0x5CE0] =	vst v5;
	v2 =	vadd.f32 v2, v61  }
0xe0: {  	[tilespmem:$0x5D20] =	vst v6;
	v3 =	vadd.f32 v62, v3  }
0xe1: {  	[tilespmem:$0x5D30] =	vst v2  }
0xe2: {  	s28 =	simm.s32 $0x3;
	s29 =	smov.u32 s24;
	[tilespmem:$0x5D40] =	vst v3  }
.LBB2_5:
0xe3: {  	p0 =	sne.s32 s26, $0x7D  }
.Ltmp3:
0xe4: {  	s29 =	sadd.s32 s5, s29;
	(pc) =	sbr.rel @!p0 .LBB2_6-.Ltmp3, $4  }
0xe5: {  	[hbm4b:s29+s4] =	stream.linear.scatter [tilespmem:s18], [sflag:s28], $0x500, $0x38;
	[tilespmem:$0x5D50] =	vst v63  }
0xe6: {  	_ =	swait.ge [sflag:s28], $0x500  }
0xe7: {  	s25 =	sadd.s32 $0xA, s25;
	s24 =	sadd.s32 $0xA0, s24;
	[sflag:s28] =	ssyncset.done $0x0  }
0xe8: {  	s22 =	sadd.s32 $0x50, s22;
	s23 =	sadd.s32 $0x50, s23;
	[sflag:s28] =	ssyncadd.s32 $0xFFFFFB00  }
.LBB2_2:
0xe9: {  	s28 =	smov.u32 s26  }
0xea: {  	s26 =	sadd.s32 $0x1, s26;
	p0 =	seq.s32 s28, $0x7C  }
0xeb: {  	s29 =	sand.u32 @!p0 $0x1, s26  }
0xec: {  	p1 =	seq.s32 @!p0 s29, $0x1  }
0xed: {  	p2 =	por !p1, p0  }
0xee: {  	p1 =	por p1, p0;
	s29 =	simm.s32 @!p2 $0x50;
	s30 =	simm.s32 @!p2 $0x5330  }
0xef: {  	[tilespmem:s30], [sflag:$0x2] =	stream.indirect.gather @!p2 [hbm4b:s1+s29], $0x10, s22, s29, $0xb8;
	[tilespmem:$0x5D50] =	vst v63  }
0xf0: {  	s28 =	sand.u32 @!p0 $0x1, s28;
	s29 =	simm.s32 @!p1 $0x50;
	s30 =	simm.s32 @!p1 $0x4E30  }
0xf1: {  	[tilespmem:s30], [sflag:$0x1] =	stream.indirect.gather @!p1 [hbm4b:s1+s29], $0x10, s22, s29, $0xb8;
	[tilespmem:$0x5D50] =	vst v63  }
0xf2: {  	p1 =	seq.s32 @!p0 s28, $0x1  }
0xf3: {  	p1 =	por p0, !p1  }
.Ltmp4:
0xf4: {  	_ = 	snop;
	(pc) =	sbr.rel @!p1 .LBB2_4-.Ltmp4, $1  }
0xf5: {  	_ =	sdelay $0x3  }
0xf6: {  	_ =	swait.ge [sflag:s17], $0x500  }
0xf7: {  	[sflag:s17] =	ssyncset.done $0x0  }
0xf8: {  	[sflag:s17] =	ssyncadd.s32 $0xFFFFFB00  }
0xf9: {  	v2 =	vld [tilespmem:s23+$0xFFFFFFE0];
	_ =	sdelay $0x1  }
0xfa: {  	v3 =	vld [tilespmem:$0x4E30]  }
0xfb: {  	v4 =	vld [tilespmem:$0x4E40]  }
0xfc: {  	v5 =	vld [tilespmem:$0x4E50]  }
0xfd: {  	v6 =	vld [tilespmem:$0x4E60];
	v2 =	vsub.f32 v0, v2  }
0xfe: {  	v7 =	vld [tilespmem:$0x4E70]  }
0xff: {  	v8 =	vld [tilespmem:$0x4E80];
	v3 =	vadd.f32 v2, v3  }
0x100: {  	v9 =	vld [tilespmem:$0x4E90];
	v4 =	vadd.f32 v4, v2  }
0x101: {  	v10 =	vld [tilespmem:$0x4EA0];
	v5 =	vadd.f32 v5, v2;
	[tilespmem:$0x5830] =	vst v3  }
0x102: {  	v6 =	vadd.f32 v6, v2;
	[tilespmem:$0x5840] =	vst v4  }
0x103: {  	v7 =	vadd.f32 v7, v2;
	[tilespmem:$0x5850] =	vst v5  }
0x104: {  	v8 =	vadd.f32 v8, v2;
	[tilespmem:$0x5860] =	vst v6  }
0x105: {  	v9 =	vadd.f32 v9, v2;
	[tilespmem:$0x5870] =	vst v7  }
0x106: {  	v2 =	vadd.f32 v10, v2;
	[tilespmem:$0x5880] =	vst v8  }
0x107: {  	[tilespmem:$0x5890] =	vst v9  }
0x108: {  	[tilespmem:$0x58A0] =	vst v2  }
0x109: {  	v26 =	vld [tilespmem:s23+$0xFFFFFFE0];
	_ =	sdelay $0x1  }
0x10a: {  	v12 =	vld [tilespmem:$0x4EB0];
	v11 =	vmul.f32 v3, v3  }
0x10b: {  	v14 =	vld [tilespmem:$0x4EC0];
	v3 =	vadd.f32 v3, v1  }
0x10c: {  	v27 =	vld [tilespmem:$0x4ED0];
	v13 =	vmul.f32 v4, v4;
	v11 =	vadd.f32 v11, v1  }
0x10d: {  	v15 =	vld [tilespmem:$0x4EE0];
	v3 =	vadd.f32 v4, v3;
	v10 =	vsub.f32 v0, v26  }
0x10e: {  	v29 =	vld [tilespmem:$0x4EF0];
	v28 =	vmul.f32 v5, v5;
	v11 =	vadd.f32 v13, v11  }
0x10f: {  	v16 =	vld [tilespmem:$0x4F00];
	v3 =	vadd.f32 v5, v3;
	v12 =	vadd.f32 v10, v12  }
0x110: {  	v32 =	vld [tilespmem:$0x4F10];
	v30 =	vmul.f32 v6, v6;
	v11 =	vadd.f32 v28, v11;
	v31 =	vadd.f32 v14, v10  }
0x111: {  	v17 =	vld [tilespmem:$0x4F20];
	v3 =	vadd.f32 v6, v3;
	v4 =	vadd.f32 v27, v10;
	[tilespmem:$0x58B0] =	vst v12  }
0x112: {  	v33 =	vmul.f32 v7, v7;
	v11 =	vadd.f32 v30, v11;
	v34 =	vadd.f32 v15, v10;
	[tilespmem:$0x58C0] =	vst v31  }
0x113: {  	v3 =	vadd.f32 v7, v3;
	v5 =	vadd.f32 v29, v10;
	[tilespmem:$0x58D0] =	vst v4  }
0x114: {  	v35 =	vmul.f32 v8, v8;
	v36 =	vadd.f32 v16, v10;
	v11 =	vadd.f32 v33, v11;
	[tilespmem:$0x58E0] =	vst v34  }
0x115: {  	v14 =	vadd.f32 v32, v10;
	v3 =	vadd.f32 v8, v3;
	[tilespmem:$0x58F0] =	vst v5  }
0x116: {  	v37 =	vmul.f32 v9, v9;
	v38 =	vadd.f32 v17, v10;
	[tilespmem:$0x5900] =	vst v36;
	v11 =	vadd.f32 v35, v11  }
0x117: {  	[tilespmem:$0x5910] =	vst v14;
	v3 =	vadd.f32 v9, v3  }
0x118: {  	v40 =	vmul.f32 v2, v2;
	[tilespmem:$0x5920] =	vst v38;
	v39 =	vadd.f32 v37, v11  }
0x119: {  	v42 =	vld [tilespmem:s23+$0xFFFFFFF0];
	v2 =	vadd.f32 v2, v3  }
0x11a: {  	v41 =	vmul.f32 v12, v12;
	v3 =	vadd.f32 v40, v39  }
0x11b: {  	v44 =	vld [tilespmem:$0x4F30];
	v2 =	vadd.f32 v12, v2  }
0x11c: {  	v45 =	vld [tilespmem:$0x4F40];
	v43 =	vmul.f32 v31, v31;
	v3 =	vadd.f32 v41, v3  }
0x11d: {  	v47 =	vld [tilespmem:$0x4F50];
	v2 =	vadd.f32 v31, v2  }
0x11e: {  	v49 =	vld [tilespmem:$0x4F60];
	v46 =	vmul.f32 v4, v4;
	v48 =	vsub.f32 v0, v42;
	v3 =	vadd.f32 v43, v3  }
0x11f: {  	v51 =	vld [tilespmem:$0x4F70];
	v2 =	vadd.f32 v4, v2  }
0x120: {  	v53 =	vld [tilespmem:$0x4F80];
	v50 =	vmul.f32 v34, v34;
	v52 =	vadd.f32 v48, v44;
	v3 =	vadd.f32 v46, v3  }
0x121: {  	v55 =	vld [tilespmem:$0x4F90];
	v6 =	vadd.f32 v45, v48;
	v2 =	vadd.f32 v34, v2  }
0x122: {  	v57 =	vld [tilespmem:$0x4FA0];
	v54 =	vmul.f32 v5, v5;
	v56 =	vadd.f32 v47, v48;
	[tilespmem:$0x5930] =	vst v52;
	v3 =	vadd.f32 v50, v3  }
0x123: {  	v11 =	vadd.f32 v49, v48;
	[tilespmem:$0x5940] =	vst v6;
	v2 =	vadd.f32 v5, v2  }
0x124: {  	v58 =	vmul.f32 v36, v36;
	v59 =	vadd.f32 v51, v48;
	[tilespmem:$0x5950] =	vst v56;
	v3 =	vadd.f32 v54, v3  }
0x125: {  	v12 =	vadd.f32 v53, v48;
	[tilespmem:$0x5960] =	vst v11;
	v2 =	vadd.f32 v36, v2  }
0x126: {  	v60 =	vmul.f32 v14, v14;
	v61 =	vadd.f32 v55, v48;
	[tilespmem:$0x5970] =	vst v59;
	v3 =	vadd.f32 v58, v3  }
0x127: {  	[tilespmem:$0x5980] =	vst v12;
	v4 =	vadd.f32 v57, v48;
	v2 =	vadd.f32 v14, v2  }
0x128: {  	v62 =	vmul.f32 v38, v38;
	[tilespmem:$0x5990] =	vst v61;
	v3 =	vadd.f32 v60, v3  }
0x129: {  	[tilespmem:$0x59A0] =	vst v4;
	v2 =	vadd.f32 v38, v2  }
0x12a: {  	v63 =	vmul.f32 v52, v52;
	v13 =	vld [tilespmem:s23+$0xFFFFFFF0];
	v3 =	vadd.f32 v62, v3  }
0x12b: {  	v2 =	vadd.f32 v52, v2  }
0x12c: {  	v18 =	vld [tilespmem:$0x4FC0];
	v15 =	vmul.f32 v6, v6;
	v3 =	vadd.f32 v63, v3  }
0x12d: {  	v19 =	vld [tilespmem:$0x4FD0];
	v2 =	vadd.f32 v6, v2  }
0x12e: {  	v21 =	vld [tilespmem:$0x4FE0];
	v17 =	vmul.f32 v56, v56;
	v3 =	vadd.f32 v15, v3  }
0x12f: {  	v24 =	vld [tilespmem:$0x5000];
	v7 =	vsub.f32 v0, v13;
	v2 =	vadd.f32 v56, v2  }
0x130: {  	v26 =	vld [tilespmem:$0x5010];
	v20 =	vmul.f32 v11, v11;
	v3 =	vadd.f32 v17, v3  }
0x131: {  	v28 =	vld [tilespmem:$0x5020];
	v25 =	vadd.f32 v18, v7;
	v2 =	vadd.f32 v11, v2  }
0x132: {  	v16 =	vld [tilespmem:$0x4FB0];
	v23 =	vmul.f32 v59, v59;
	v5 =	vadd.f32 v19, v7;
	v3 =	vadd.f32 v20, v3  }
0x133: {  	v22 =	vld [tilespmem:$0x4FF0];
	v29 =	vadd.f32 v21, v7;
	[tilespmem:$0x59C0] =	vst v25;
	v2 =	vadd.f32 v59, v2  }
0x134: {  	v27 =	vmul.f32 v12, v12;
	v31 =	vadd.f32 v24, v7;
	[tilespmem:$0x59D0] =	vst v5;
	v3 =	vadd.f32 v23, v3  }
0x135: {  	v10 =	vadd.f32 v26, v7;
	[tilespmem:$0x59E0] =	vst v29;
	v2 =	vadd.f32 v12, v2  }
0x136: {  	v30 =	vmul.f32 v61, v61;
	v33 =	vadd.f32 v28, v7;
	[tilespmem:$0x5A00] =	vst v31;
	v3 =	vadd.f32 v27, v3  }
0x137: {  	[tilespmem:$0x5A10] =	vst v10;
	v6 =	vadd.f32 v7, v16;
	v2 =	vadd.f32 v61, v2  }
0x138: {  	v32 =	vmul.f32 v4, v4;
	[tilespmem:$0x5A20] =	vst v33;
	v11 =	vadd.f32 v22, v7;
	v3 =	vadd.f32 v30, v3  }
0x139: {  	[tilespmem:$0x59B0] =	vst v6;
	v2 =	vadd.f32 v4, v2  }
0x13a: {  	v34 =	vmul.f32 v6, v6;
	[tilespmem:$0x59F0] =	vst v11;
	v3 =	vadd.f32 v32, v3  }
0x13b: {  	v36 =	vld [tilespmem:s23+$0x0];
	v2 =	vadd.f32 v6, v2  }
0x13c: {  	v35 =	vmul.f32 v25, v25;
	v3 =	vadd.f32 v34, v3  }
0x13d: {  	v38 =	vld [tilespmem:$0x5030];
	v2 =	vadd.f32 v25, v2  }
0x13e: {  	v41 =	vld [tilespmem:$0x5050];
	v37 =	vmul.f32 v5, v5;
	v3 =	vadd.f32 v35, v3  }
0x13f: {  	v42 =	vld [tilespmem:$0x5060];
	v2 =	vadd.f32 v5, v2  }
0x140: {  	v44 =	vld [tilespmem:$0x5070];
	v40 =	vmul.f32 v29, v29;
	v7 =	vsub.f32 v0, v36;
	v3 =	vadd.f32 v37, v3  }
0x141: {  	v47 =	vld [tilespmem:$0x5090];
	v2 =	vadd.f32 v29, v2  }
0x142: {  	v39 =	vld [tilespmem:$0x5040];
	v43 =	vmul.f32 v11, v11;
	v8 =	vadd.f32 v7, v38;
	v3 =	vadd.f32 v40, v3  }
0x143: {  	v45 =	vld [tilespmem:$0x5080];
	v9 =	vadd.f32 v41, v7;
	v2 =	vadd.f32 v11, v2  }
0x144: {  	v48 =	vld [tilespmem:$0x50A0];
	v46 =	vmul.f32 v31, v31;
	v12 =	vadd.f32 v42, v7;
	[tilespmem:$0x5A30] =	vst v8;
	v3 =	vadd.f32 v43, v3  }
0x145: {  	v50 =	vadd.f32 v44, v7;
	[tilespmem:$0x5A50] =	vst v9;
	v2 =	vadd.f32 v31, v2  }
0x146: {  	v49 =	vmul.f32 v10, v10;
	v52 =	vadd.f32 v47, v7;
	[tilespmem:$0x5A60] =	vst v12;
	v3 =	vadd.f32 v46, v3  }
0x147: {  	[tilespmem:$0x5A70] =	vst v50;
	v5 =	vadd.f32 v39, v7;
	v2 =	vadd.f32 v10, v2  }
0x148: {  	v51 =	vmul.f32 v33, v33;
	[tilespmem:$0x5A90] =	vst v52;
	v11 =	vadd.f32 v45, v7;
	v3 =	vadd.f32 v49, v3  }
0x149: {  	[tilespmem:$0x5A40] =	vst v5;
	v7 =	vadd.f32 v48, v7;
	v2 =	vadd.f32 v33, v2  }
0x14a: {  	v53 =	vmul.f32 v8, v8;
	[tilespmem:$0x5A80] =	vst v11;
	v3 =	vadd.f32 v51, v3  }
0x14b: {  	[tilespmem:$0x5AA0] =	vst v7;
	v2 =	vadd.f32 v8, v2  }
0x14c: {  	v54 =	vmul.f32 v5, v5;
	v55 =	vld [tilespmem:s23+$0x0];
	v3 =	vadd.f32 v53, v3  }
0x14d: {  	v2 =	vadd.f32 v5, v2  }
0x14e: {  	v57 =	vld [tilespmem:$0x50B0];
	v56 =	vmul.f32 v9, v9;
	v3 =	vadd.f32 v54, v3  }
0x14f: {  	v59 =	vld [tilespmem:$0x50C0];
	v2 =	vadd.f32 v9, v2  }
0x150: {  	v62 =	vld [tilespmem:$0x50E0];
	v58 =	vmul.f32 v12, v12;
	v3 =	vadd.f32 v56, v3  }
0x151: {  	v63 =	vld [tilespmem:$0x50F0];
	v5 =	vsub.f32 v0, v55;
	v2 =	vadd.f32 v12, v2  }
0x152: {  	v18 =	vld [tilespmem:$0x5100];
	v61 =	vmul.f32 v50, v50;
	v3 =	vadd.f32 v58, v3  }
0x153: {  	v60 =	vld [tilespmem:$0x50D0];
	v8 =	vadd.f32 v5, v57;
	v2 =	vadd.f32 v50, v2  }
0x154: {  	v19 =	vld [tilespmem:$0x5110];
	v17 =	vmul.f32 v11, v11;
	v9 =	vadd.f32 v59, v5;
	v3 =	vadd.f32 v61, v3  }
0x155: {  	v21 =	vld [tilespmem:$0x5120];
	v22 =	vadd.f32 v62, v5;
	[tilespmem:$0x5AB0] =	vst v8;
	v2 =	vadd.f32 v11, v2  }
0x156: {  	v20 =	vmul.f32 v52, v52;
	v10 =	vadd.f32 v63, v5;
	[tilespmem:$0x5AC0] =	vst v9;
	v3 =	vadd.f32 v17, v3  }
0x157: {  	v24 =	vadd.f32 v18, v5;
	[tilespmem:$0x5AE0] =	vst v22;
	v2 =	vadd.f32 v52, v2  }
0x158: {  	v23 =	vmul.f32 v7, v7;
	v12 =	vadd.f32 v60, v5;
	[tilespmem:$0x5AF0] =	vst v10;
	v3 =	vadd.f32 v20, v3  }
0x159: {  	[tilespmem:$0x5B00] =	vst v24;
	v11 =	vadd.f32 v19, v5;
	v2 =	vadd.f32 v7, v2  }
0x15a: {  	v25 =	vmul.f32 v8, v8;
	[tilespmem:$0x5AD0] =	vst v12;
	v5 =	vadd.f32 v21, v5;
	v3 =	vadd.f32 v23, v3  }
0x15b: {  	[tilespmem:$0x5B10] =	vst v11;
	v2 =	vadd.f32 v8, v2  }
0x15c: {  	v26 =	vmul.f32 v9, v9;
	[tilespmem:$0x5B20] =	vst v5;
	v3 =	vadd.f32 v25, v3  }
0x15d: {  	v28 =	vld [tilespmem:s23+$0x10];
	v2 =	vadd.f32 v9, v2  }
0x15e: {  	v27 =	vmul.f32 v12, v12;
	v3 =	vadd.f32 v26, v3  }
0x15f: {  	v30 =	vld [tilespmem:$0x5130];
	v2 =	vadd.f32 v12, v2  }
0x160: {  	v31 =	vld [tilespmem:$0x5140];
	v29 =	vmul.f32 v22, v22;
	v3 =	vadd.f32 v27, v3  }
0x161: {  	v33 =	vld [tilespmem:$0x5150];
	v2 =	vadd.f32 v22, v2  }
0x162: {  	v36 =	vld [tilespmem:$0x5170];
	v32 =	vmul.f32 v10, v10;
	v8 =	vsub.f32 v0, v28;
	v3 =	vadd.f32 v29, v3  }
0x163: {  	v38 =	vld [tilespmem:$0x5180];
	v2 =	vadd.f32 v10, v2  }
0x164: {  	v40 =	vld [tilespmem:$0x5190];
	v35 =	vmul.f32 v24, v24;
	v37 =	vadd.f32 v8, v30;
	v3 =	vadd.f32 v32, v3  }
0x165: {  	v34 =	vld [tilespmem:$0x5160];
	v4 =	vadd.f32 v31, v8;
	v2 =	vadd.f32 v24, v2  }
0x166: {  	v42 =	vld [tilespmem:$0x51A0];
	v39 =	vmul.f32 v11, v11;
	v41 =	vadd.f32 v33, v8;
	[tilespmem:$0x5B30] =	vst v37;
	v3 =	vadd.f32 v35, v3  }
0x167: {  	v44 =	vadd.f32 v36, v8;
	[tilespmem:$0x5B40] =	vst v4;
	v2 =	vadd.f32 v11, v2  }
0x168: {  	v43 =	vmul.f32 v5, v5;
	v9 =	vadd.f32 v38, v8;
	[tilespmem:$0x5B50] =	vst v41;
	v3 =	vadd.f32 v39, v3  }
0x169: {  	v46 =	vadd.f32 v40, v8;
	[tilespmem:$0x5B70] =	vst v44;
	v2 =	vadd.f32 v5, v2  }
0x16a: {  	v45 =	vmul.f32 v37, v37;
	[tilespmem:$0x5B80] =	vst v9;
	v10 =	vadd.f32 v34, v8;
	v3 =	vadd.f32 v43, v3  }
0x16b: {  	[tilespmem:$0x5B90] =	vst v46;
	v8 =	vadd.f32 v42, v8;
	v2 =	vadd.f32 v37, v2  }
0x16c: {  	v47 =	vmul.f32 v4, v4;
	[tilespmem:$0x5B60] =	vst v10;
	v3 =	vadd.f32 v45, v3  }
0x16d: {  	[tilespmem:$0x5BA0] =	vst v8;
	v2 =	vadd.f32 v4, v2  }
0x16e: {  	v48 =	vmul.f32 v41, v41;
	v49 =	vld [tilespmem:s23+$0x10];
	v3 =	vadd.f32 v47, v3  }
0x16f: {  	v2 =	vadd.f32 v41, v2  }
0x170: {  	v53 =	vld [tilespmem:$0x51C0];
	v50 =	vmul.f32 v10, v10;
	v3 =	vadd.f32 v48, v3  }
0x171: {  	v54 =	vld [tilespmem:$0x51D0];
	v2 =	vadd.f32 v10, v2  }
0x172: {  	v56 =	vld [tilespmem:$0x51E0];
	v52 =	vmul.f32 v44, v44;
	v3 =	vadd.f32 v50, v3  }
0x173: {  	v51 =	vld [tilespmem:$0x51B0];
	v6 =	vsub.f32 v0, v49;
	v2 =	vadd.f32 v44, v2  }
0x174: {  	v59 =	vld [tilespmem:$0x5200];
	v55 =	vmul.f32 v9, v9;
	v3 =	vadd.f32 v52, v3  }
0x175: {  	v61 =	vld [tilespmem:$0x5210];
	v60 =	vadd.f32 v53, v6;
	v2 =	vadd.f32 v9, v2  }
0x176: {  	v58 =	vmul.f32 v46, v46;
	v5 =	vadd.f32 v54, v6;
	v3 =	vadd.f32 v55, v3  }
0x177: {  	v57 =	vld [tilespmem:$0x51F0];
	v15 =	vadd.f32 v56, v6;
	v2 =	vadd.f32 v46, v2  }
0x178: {  	v63 =	vld [tilespmem:$0x5220];
	v62 =	vmul.f32 v8, v8;
	[tilespmem:$0x5BC0] =	vst v60;
	v10 =	vadd.f32 v6, v51;
	v3 =	vadd.f32 v58, v3  }
0x179: {  	v17 =	vadd.f32 v59, v6;
	[tilespmem:$0x5BD0] =	vst v5;
	v2 =	vadd.f32 v8, v2  }
0x17a: {  	v11 =	vadd.f32 v61, v6;
	[tilespmem:$0x5BE0] =	vst v15;
	v16 =	vmul.f32 v10, v10;
	v3 =	vadd.f32 v62, v3  }
0x17b: {  	[tilespmem:$0x5C00] =	vst v17;
	v2 =	vadd.f32 v10, v2  }
0x17c: {  	v18 =	vmul.f32 v60, v60;
	[tilespmem:$0x5C10] =	vst v11;
	v9 =	vadd.f32 v57, v6;
	v3 =	vadd.f32 v16, v3  }
0x17d: {  	[tilespmem:$0x5BB0] =	vst v10;
	v6 =	vadd.f32 v63, v6;
	v2 =	vadd.f32 v60, v2  }
0x17e: {  	v19 =	vmul.f32 v5, v5;
	[tilespmem:$0x5BF0] =	vst v9;
	v3 =	vadd.f32 v18, v3  }
0x17f: {  	[tilespmem:$0x5C20] =	vst v6;
	v2 =	vadd.f32 v5, v2  }
0x180: {  	v20 =	vmul.f32 v15, v15;
	v21 =	vld [tilespmem:s23+$0x20];
	v3 =	vadd.f32 v19, v3  }
0x181: {  	v2 =	vadd.f32 v15, v2  }
0x182: {  	v23 =	vld [tilespmem:$0x5230];
	v22 =	vmul.f32 v9, v9;
	v3 =	vadd.f32 v20, v3  }
0x183: {  	v24 =	vld [tilespmem:$0x5240];
	v2 =	vadd.f32 v9, v2  }
0x184: {  	v26 =	vld [tilespmem:$0x5250];
	v25 =	vmul.f32 v17, v17;
	v3 =	vadd.f32 v22, v3  }
0x185: {  	v27 =	vld [tilespmem:$0x5260];
	v5 =	vsub.f32 v0, v21;
	v2 =	vadd.f32 v17, v2  }
0x186: {  	v29 =	vld [tilespmem:$0x5270];
	v28 =	vmul.f32 v11, v11;
	v3 =	vadd.f32 v25, v3  }
0x187: {  	v32 =	vld [tilespmem:$0x5290];
	v7 =	vadd.f32 v5, v23;
	v2 =	vadd.f32 v11, v2  }
0x188: {  	v30 =	vld [tilespmem:$0x5280];
	v31 =	vmul.f32 v6, v6;
	v8 =	vadd.f32 v24, v5;
	v3 =	vadd.f32 v28, v3  }
0x189: {  	v34 =	vld [tilespmem:$0x52A0];
	v33 =	vadd.f32 v26, v5;
	[tilespmem:$0x5C30] =	vst v7;
	v2 =	vadd.f32 v6, v2  }
0x18a: {  	v10 =	vadd.f32 v27, v5;
	v35 =	vmul.f32 v7, v7;
	[tilespmem:$0x5C40] =	vst v8;
	v3 =	vadd.f32 v31, v3  }
0x18b: {  	v36 =	vadd.f32 v29, v5;
	[tilespmem:$0x5C50] =	vst v33;
	v2 =	vadd.f32 v7, v2  }
0x18c: {  	v38 =	vadd.f32 v32, v5;
	v37 =	vmul.f32 v8, v8;
	[tilespmem:$0x5C60] =	vst v10;
	v3 =	vadd.f32 v35, v3  }
0x18d: {  	[tilespmem:$0x5C70] =	vst v36;
	v11 =	vadd.f32 v30, v5;
	v2 =	vadd.f32 v8, v2  }
0x18e: {  	v39 =	vmul.f32 v33, v33;
	[tilespmem:$0x5C90] =	vst v38;
	v5 =	vadd.f32 v34, v5;
	v3 =	vadd.f32 v37, v3  }
0x18f: {  	[tilespmem:$0x5C80] =	vst v11;
	v2 =	vadd.f32 v33, v2  }
0x190: {  	v40 =	vmul.f32 v10, v10;
	[tilespmem:$0x5CA0] =	vst v5;
	v3 =	vadd.f32 v39, v3  }
0x191: {  	v41 =	vld [tilespmem:s23+$0x20];
	v2 =	vadd.f32 v10, v2  }
0x192: {  	v42 =	vmul.f32 v36, v36;
	v3 =	vadd.f32 v40, v3  }
0x193: {  	v43 =	vld [tilespmem:$0x52B0];
	v2 =	vadd.f32 v36, v2  }
0x194: {  	v44 =	vmul.f32 v11, v11;
	v3 =	vadd.f32 v42, v3  }
0x195: {  	v45 =	vld [tilespmem:$0x52C0];
	v2 =	vadd.f32 v11, v2  }
0x196: {  	v46 =	vmul.f32 v38, v38;
	v6 =	vsub.f32 v0, v41;
	v3 =	vadd.f32 v44, v3  }
0x197: {  	v47 =	vld [tilespmem:$0x52D0];
	v2 =	vadd.f32 v38, v2  }
0x198: {  	v48 =	vmul.f32 v5, v5;
	v7 =	vadd.f32 v6, v43;
	v3 =	vadd.f32 v46, v3  }
0x199: {  	v49 =	vld [tilespmem:$0x52E0];
	v2 =	vadd.f32 v5, v2  }
0x19a: {  	v9 =	vadd.f32 v45, v6;
	v50 =	vmul.f32 v7, v7;
	v3 =	vadd.f32 v48, v3  }
0x19b: {  	v51 =	vld [tilespmem:$0x52F0];
	v2 =	vadd.f32 v7, v2  }
0x19c: {  	v8 =	vadd.f32 v47, v6;
	v52 =	vmul.f32 v9, v9;
	v3 =	vadd.f32 v50, v3  }
0x19d: {  	v53 =	vld [tilespmem:$0x5300];
	v2 =	vadd.f32 v9, v2  }
0x19e: {  	v54 =	vmul.f32 v8, v8;
	v5 =	vadd.f32 v49, v6;
	v3 =	vadd.f32 v52, v3  }
0x19f: {  	v55 =	vld [tilespmem:$0x5310];
	v2 =	vadd.f32 v8, v2  }
0x1a0: {  	v10 =	vadd.f32 v51, v6;
	v56 =	vmul.f32 v5, v5;
	v3 =	vadd.f32 v54, v3  }
0x1a1: {  	v57 =	vld [tilespmem:$0x5320];
	v2 =	vadd.f32 v5, v2  }
0x1a2: {  	v58 =	vmul.f32 v10, v10;
	v11 =	vadd.f32 v53, v6;
	v3 =	vadd.f32 v56, v3  }
0x1a3: {  	v2 =	vadd.f32 v10, v2  }
0x1a4: {  	v12 =	vadd.f32 v55, v6;
	v59 =	vmul.f32 v11, v11;
	v3 =	vadd.f32 v58, v3  }
0x1a5: {  	[tilespmem:$0x5CB0] =	vst v7;
	v2 =	vadd.f32 v11, v2  }
0x1a6: {  	v61 =	vld [tilespmem:$0x5D30];
	[tilespmem:$0x5CC0] =	vst v9;
	v60 =	vmul.f32 v12, v12;
	v6 =	vadd.f32 v57, v6;
	v3 =	vadd.f32 v59, v3  }
0x1a7: {  	v62 =	vld [tilespmem:$0x5D40];
	[tilespmem:$0x5CD0] =	vst v8;
	v2 =	vadd.f32 v12, v2  }
0x1a8: {  	[tilespmem:$0x5CF0] =	vst v10;
	v63 =	vmul.f32 v6, v6;
	v3 =	vadd.f32 v60, v3  }
0x1a9: {  	[tilespmem:$0x5D10] =	vst v12;
	v2 =	vadd.f32 v6, v2  }
.Ltmp5:
0x1aa: {  	[tilespmem:$0x5D00] =	vst v11;
	v3 =	vadd.f32 v63, v3;
	(pc) =	sbr.rel .LBB2_5-.Ltmp5, $4  }
0x1ab: {  	s28 =	smov.u32 s25;
	[tilespmem:$0x5CE0] =	vst v5;
	v2 =	vadd.f32 v2, v61  }
0x1ac: {  	s28 =	smov.u32 @p0 s10;
	[tilespmem:$0x5D20] =	vst v6;
	v3 =	vadd.f32 v62, v3  }
0x1ad: {  	s28 =	sshll.u32 s28, $0x4;
	[tilespmem:$0x5D30] =	vst v2  }
0x1ae: {  	s29 =	sand.u32 $0x1FFFFFE0, s28;
	s28 =	simm.s32 $0x4;
	[tilespmem:$0x5D40] =	vst v3  }
.LBB2_7:
0x1af: {  	_ =	sfence.sel $0x180000  }
0x1b0: {  	[bflag:$0x0] =	sbarrier.arrive $0xFFFF  }
0x1b1: {  	p0 =	sne.s32 s0, $0x0;
	_ =	strace $0x90000047  }
0x1b2: {  	s0 =	sadd.s32 @!p0 $0x100000, s2;
	[bflag:$0x2] =	sbarrier.arrive $0xFFFF  }
0x1b3: {  	[sflag:s0] =	ssyncadd.tile.s32 @!p0 $0x1;
	_ =	shalt  }
.Lfunc_end2:
_tile_overlayer_lowered:
.L_overlay_start_2:
0x1b4: {  	(tag) =	ssettag $0x2  }
0x1b5: {  	s0 =	rddreg [dreg:$0x0];
	s2 =	stileid.u32  }
0x1b6: {  	s1 =	rddreg [dreg:$0x1];
	p0 =	sne.s32 s2, $0x0  }
0x1b7: {  	s3 =	rddreg [dreg:$0x2];
	[bflag:$0x3] =	sbarrier.arrive $0xFFFF;
	s2 =	simm.s32 @!p0 $0x1C03  }
0x1b8: {  	[timem:s3], [sflag:s2] =	dma.local @!p0 [hbm:s0], s1  }
0x1b9: {  	s0 =	simm.s32 @!p0 $0x3  }
0x1ba: {  	_ =	swait.ge @!p0 [sflag:s0], s1  }
0x1bb: {  	s1 =	ssub.s32 @!p0 $0x0, s1;
	[sflag:s0] =	ssyncset.done @!p0 $0x0  }
0x1bc: {  	[sflag:s0] =	ssyncadd.s32 @!p0 s1  }
0x1bd: {  	[bflag:$0x3] =	sbarrier.arrive $0xFFFF  }
0x1be: {  	_ =	shalt  }

</sc_bundles>
